<compile_context>
chip_gen: v7x
topology: tpu7x:2x2x1
jax: 0.10.2.dev20260603
libtpu: 0.0.44.dev20260713+nightly
codegen_flags: <defaults>
</compile_context>

<pallas_src>
import functools

import jax
import jax.numpy as jnp
from jax import lax
from jax.experimental import pallas as pl
from jax.experimental.pallas import tpu as pltpu
from jax.experimental.pallas import tpu_sc as plsc

N_VAR, N_CON, N_SOC = 100000, 50000, 10000
E_VC, E_SC = 3200000, 160000
H = 16
NC, NS = 2, 16
NW = NC * NS


def _padded(n):
    per = -(-n // NS)
    per = -(-per // 8) * 8
    return per * NS, per


NVP, VPER = _padded(N_VAR)
NCP, CPER = _padded(N_CON)
NSP, SPER = _padded(N_SOC)

EVW = E_VC // NW
ESW = E_SC // NW
KV = 2000
KB = 800
KS = 2500
KD = 10000

_MESH = plsc.VectorSubcoreMesh(core_axis_name="c", subcore_axis_name="s")
_SC_PARAMS = pltpu.CompilerParams(use_tc_tiling_on_sc=False)
_f32 = jnp.float32


@functools.partial(
    pl.kernel,
    out_type=(jax.ShapeDtypeStruct((NC * NVP,), _f32),
              jax.ShapeDtypeStruct((NC * NSP,), _f32)),
    mesh=_MESH,
    compiler_params=_SC_PARAMS,
    scratch_types=[
        pltpu.VMEM_SHARED((NVP,), _f32),
        pltpu.VMEM_SHARED((NSP,), _f32),
        pltpu.VMEM((KD,), jnp.int32),
        pltpu.VMEM((KD,), jnp.int32),
        pltpu.VMEM((KS,), jnp.int32),
        pltpu.VMEM((KD,), _f32),
        pltpu.VMEM((KS,), _f32),
        pltpu.VMEM((VPER,), _f32),
        pltpu.SemaphoreType.DMA,
        pltpu.SemaphoreType.DMA,
    ],
)
def _sc_deg_src(vsrc_hbm, ssrc_hbm, zeros1_hbm, ones_hbm,
                dv_out, ds_out, dv_acc, ds_acc, idxv0, idxv1, idxs,
                onev, ones, stg1, sem_i, sem_s):
    c = lax.axis_index("c")
    s = lax.axis_index("s")
    wid = c * NS + s
    pltpu.sync_copy(zeros1_hbm.at[pl.ds(0, VPER)], stg1)
    pltpu.sync_copy(stg1, dv_acc.at[pl.ds(s * VPER, VPER)])
    pltpu.sync_copy(stg1.at[pl.ds(0, SPER)], ds_acc.at[pl.ds(s * SPER, SPER)])
    pltpu.sync_copy(ones_hbm, onev)
    pltpu.sync_copy(ones_hbm.at[pl.ds(0, KS)], ones)
    plsc.subcore_barrier()

    def _start_idx(i, buf):
        base = pl.multiple_of(wid * EVW + i * KD, 8)
        pltpu.make_async_copy(vsrc_hbm.at[pl.ds(base, KD)], buf, sem_i).start()

    def _wait_idx(buf):
        pltpu.make_async_copy(vsrc_hbm.at[pl.ds(0, KD)], buf, sem_i).wait()

    def _start_scat(buf):
        pltpu.make_async_copy(onev, dv_acc.at[buf], sem_s).start(add=True)

    def _wait_scat(buf):
        pltpu.make_async_copy(onev, dv_acc.at[buf], sem_s).wait()

    _start_idx(0, idxv0)
    njv = (EVW // KD) // 2

    def bodyv(j, carry):
        i0 = 2 * j
        _wait_idx(idxv0)
        _start_scat(idxv0)

        @pl.when(j > 0)
        def _():
            _wait_scat(idxv1)

        _start_idx(i0 + 1, idxv1)
        _wait_idx(idxv1)
        _start_scat(idxv1)
        _wait_scat(idxv0)

        @pl.when(j < njv - 1)
        def _():
            _start_idx(i0 + 2, idxv0)

        return carry

    lax.fori_loop(0, njv, bodyv, 0)
    _wait_scat(idxv1)

    def bodys(i, carry):
        base = pl.multiple_of(wid * ESW + i * KS, 8)
        pltpu.sync_copy(ssrc_hbm.at[pl.ds(base, KS)], idxs)
        pltpu.sync_copy(ones, ds_acc.at[idxs], add=True)
        return carry

    lax.fori_loop(0, ESW // KS, bodys, 0)
    plsc.subcore_barrier()
    pltpu.sync_copy(dv_acc.at[pl.ds(s * VPER, VPER)], stg1)
    pltpu.sync_copy(stg1, dv_out.at[pl.ds(c * NVP + s * VPER, VPER)])
    pltpu.sync_copy(ds_acc.at[pl.ds(s * SPER, SPER)], stg1.at[pl.ds(0, SPER)])
    pltpu.sync_copy(stg1.at[pl.ds(0, SPER)],
                    ds_out.at[pl.ds(c * NSP + s * SPER, SPER)])


@functools.partial(
    pl.kernel,
    out_type=(jax.ShapeDtypeStruct((NC * NCP, H), _f32),
              jax.ShapeDtypeStruct((NC * NCP,), _f32)),
    mesh=_MESH,
    compiler_params=_SC_PARAMS,
    scratch_types=[
        pltpu.VMEM_SHARED((NCP, H), _f32),
        pltpu.VMEM_SHARED((NCP,), _f32),
        pltpu.VMEM((KV,), jnp.int32),
        pltpu.VMEM((KV,), jnp.int32),
        pltpu.VMEM((KV,), jnp.int32),
        pltpu.VMEM((KV,), jnp.int32),
        pltpu.VMEM((KV, H), _f32),
        pltpu.VMEM((KV, H), _f32),
        pltpu.VMEM((KV,), _f32),
        pltpu.VMEM((CPER,), _f32),
        pltpu.SemaphoreType.DMA,
        pltpu.SemaphoreType.DMA,
        pltpu.SemaphoreType.DMA,
    ],
)
def _sc_fwd_v(src_hbm, dst_hbm, tab_hbm, zeros2_hbm, zeros1_hbm, ones_hbm,
              agg_out, deg_out, agg_acc, deg_acc,
              sidx0, didx0, sidx1, didx1, rows0, rows1, onev, stg1,
              sem_i, sem_g, sem_s):
    c = lax.axis_index("c")
    s = lax.axis_index("s")
    wid = c * NS + s
    pltpu.sync_copy(zeros2_hbm.at[pl.ds(0, KV)], rows0)
    pltpu.sync_copy(rows0, agg_acc.at[pl.ds(s * CPER, KV)])
    pltpu.sync_copy(rows0.at[pl.ds(0, CPER - KV)],
                    agg_acc.at[pl.ds(s * CPER + KV, CPER - KV)])
    pltpu.sync_copy(zeros1_hbm.at[pl.ds(0, CPER)], stg1)
    pltpu.sync_copy(stg1, deg_acc.at[pl.ds(s * CPER, CPER)])
    pltpu.sync_copy(ones_hbm.at[pl.ds(0, KV)], onev)
    plsc.subcore_barrier()

    def _start_idx(i, bs, bd):
        base = pl.multiple_of(wid * EVW + i * KV, 8)
        pltpu.make_async_copy(src_hbm.at[pl.ds(base, KV)], bs, sem_i).start()
        pltpu.make_async_copy(dst_hbm.at[pl.ds(base, KV)], bd, sem_i).start()

    def _wait_idx(bs, bd):
        pltpu.make_async_copy(src_hbm.at[pl.ds(0, KV)], bs, sem_i).wait()
        pltpu.make_async_copy(dst_hbm.at[pl.ds(0, KV)], bd, sem_i).wait()

    def _start_gather(bs, rows):
        pltpu.make_async_copy(tab_hbm.at[bs], rows, sem_g).start()

    def _wait_gather(bs, rows):
        pltpu.make_async_copy(tab_hbm.at[bs], rows, sem_g).wait()

    def _start_scat(rows, bd):
        pltpu.make_async_copy(rows, agg_acc.at[bd], sem_s).start(add=True)
        pltpu.make_async_copy(onev, deg_acc.at[bd], sem_s).start(add=True)

    def _wait_scat(rows, bd):
        pltpu.make_async_copy(rows, agg_acc.at[bd], sem_s).wait()
        pltpu.make_async_copy(onev, deg_acc.at[bd], sem_s).wait()

    nj = (EVW // KV) // 2
    _start_idx(0, sidx0, didx0)

    def body(j, carry):
        i0 = 2 * j
        _wait_idx(sidx0, didx0)
        _start_gather(sidx0, rows0)

        @pl.when(j > 0)
        def _():
            _wait_scat(rows1, didx1)

        _start_idx(i0 + 1, sidx1, didx1)
        _wait_gather(sidx0, rows0)
        _start_scat(rows0, didx0)
        _wait_idx(sidx1, didx1)
        _start_gather(sidx1, rows1)
        _wait_scat(rows0, didx0)

        @pl.when(j < nj - 1)
        def _():
            _start_idx(i0 + 2, sidx0, didx0)

        _wait_gather(sidx1, rows1)
        _start_scat(rows1, didx1)
        return carry

    lax.fori_loop(0, nj, body, 0)
    _wait_scat(rows1, didx1)
    plsc.subcore_barrier()
    pltpu.sync_copy(agg_acc.at[pl.ds(s * CPER, KV)], rows0)
    pltpu.sync_copy(rows0, agg_out.at[pl.ds(c * NCP + s * CPER, KV)])
    pltpu.sync_copy(agg_acc.at[pl.ds(s * CPER + KV, CPER - KV)],
                    rows0.at[pl.ds(0, CPER - KV)])
    pltpu.sync_copy(rows0.at[pl.ds(0, CPER - KV)],
                    agg_out.at[pl.ds(c * NCP + s * CPER + KV, CPER - KV)])
    pltpu.sync_copy(deg_acc.at[pl.ds(s * CPER, CPER)], stg1)
    pltpu.sync_copy(stg1, deg_out.at[pl.ds(c * NCP + s * CPER, CPER)])


@functools.partial(
    pl.kernel,
    out_type=(jax.ShapeDtypeStruct((NC * NCP, H), _f32),
              jax.ShapeDtypeStruct((NC * NCP,), _f32)),
    mesh=_MESH,
    compiler_params=_SC_PARAMS,
    scratch_types=[
        pltpu.VMEM_SHARED((NCP, H), _f32),
        pltpu.VMEM_SHARED((NCP,), _f32),
        pltpu.VMEM((KS,), jnp.int32),
        pltpu.VMEM((KS,), jnp.int32),
        pltpu.VMEM((KS, H), _f32),
        pltpu.VMEM((KS,), _f32),
        pltpu.VMEM((CPER,), _f32),
        pltpu.SemaphoreType.DMA,
    ],
)
def _sc_fwd_s(src_hbm, dst_hbm, tab_hbm, zeros2_hbm, zeros1_hbm, ones_hbm,
              agg_out, deg_out, agg_acc, deg_acc,
              sidx, didx, rows, onev, stg1, sem):
    c = lax.axis_index("c")
    s = lax.axis_index("s")
    wid = c * NS + s
    nz = CPER // KS
    rz = CPER - nz * KS
    pltpu.sync_copy(zeros2_hbm.at[pl.ds(0, KS)], rows)

    def zbody(k, carry):
        off = pl.multiple_of(s * CPER + k * KS, 8)
        pltpu.sync_copy(rows, agg_acc.at[pl.ds(off, KS)])
        return carry

    lax.fori_loop(0, nz, zbody, 0)
    pltpu.sync_copy(rows.at[pl.ds(0, rz)],
                    agg_acc.at[pl.ds(s * CPER + nz * KS, rz)])
    pltpu.sync_copy(zeros1_hbm.at[pl.ds(0, CPER)], stg1)
    pltpu.sync_copy(stg1, deg_acc.at[pl.ds(s * CPER, CPER)])
    pltpu.sync_copy(ones_hbm.at[pl.ds(0, KS)], onev)
    plsc.subcore_barrier()

    def body(i, carry):
        base = pl.multiple_of(wid * ESW + i * KS, 8)
        pltpu.sync_copy(src_hbm.at[pl.ds(base, KS)], sidx)
        pltpu.sync_copy(dst_hbm.at[pl.ds(base, KS)], didx)
        pltpu.async_copy(tab_hbm.at[sidx], rows, sem).wait()
        pltpu.sync_copy(rows, agg_acc.at[didx], add=True)
        pltpu.sync_copy(onev, deg_acc.at[didx], add=True)
        return carry

    lax.fori_loop(0, ESW // KS, body, 0)
    plsc.subcore_barrier()

    def obody(k, carry):
        off = pl.multiple_of(s * CPER + k * KS, 8)
        off2 = pl.multiple_of(c * NCP + s * CPER + k * KS, 8)
        pltpu.sync_copy(agg_acc.at[pl.ds(off, KS)], rows)
        pltpu.sync_copy(rows, agg_out.at[pl.ds(off2, KS)])
        return carry

    lax.fori_loop(0, nz, obody, 0)
    pltpu.sync_copy(agg_acc.at[pl.ds(s * CPER + nz * KS, rz)],
                    rows.at[pl.ds(0, rz)])
    pltpu.sync_copy(rows.at[pl.ds(0, rz)],
                    agg_out.at[pl.ds(c * NCP + s * CPER + nz * KS, rz)])
    pltpu.sync_copy(deg_acc.at[pl.ds(s * CPER, CPER)], stg1)
    pltpu.sync_copy(stg1, deg_out.at[pl.ds(c * NCP + s * CPER, CPER)])


@functools.partial(
    pl.kernel,
    out_type=jax.ShapeDtypeStruct((NC * NVP, H), _f32),
    mesh=_MESH,
    compiler_params=_SC_PARAMS,
    scratch_types=[
        pltpu.VMEM_SHARED((NVP, H), _f32),
        pltpu.VMEM((KB,), jnp.int32),
        pltpu.VMEM((KB,), jnp.int32),
        pltpu.VMEM((KB,), jnp.int32),
        pltpu.VMEM((KB,), jnp.int32),
        pltpu.VMEM((KB, H), _f32),
        pltpu.VMEM((KB, H), _f32),
        pltpu.SemaphoreType.DMA,
        pltpu.SemaphoreType.DMA,
        pltpu.SemaphoreType.DMA,
    ],
)
def _sc_bwd(gidx_hbm, sidx_hbm, tab_hbm, zeros2_hbm,
            u_out, u_acc, gidx0, sidx0, gidx1, sidx1, rows0, rows1,
            sem_i, sem_g, sem_s):
    c = lax.axis_index("c")
    s = lax.axis_index("s")
    wid = c * NS + s
    nz = VPER // KB
    rz = VPER - nz * KB
    pltpu.sync_copy(zeros2_hbm.at[pl.ds(0, KB)], rows0)

    def zbody(k, carry):
        off = pl.multiple_of(s * VPER + k * KB, 8)
        pltpu.sync_copy(rows0, u_acc.at[pl.ds(off, KB)])
        return carry

    lax.fori_loop(0, nz, zbody, 0)
    pltpu.sync_copy(rows0.at[pl.ds(0, rz)],
                    u_acc.at[pl.ds(s * VPER + nz * KB, rz)])
    plsc.subcore_barrier()

    def _start_idx(i, bg, bs):
        base = pl.multiple_of(wid * EVW + i * KB, 8)
        pltpu.make_async_copy(gidx_hbm.at[pl.ds(base, KB)], bg, sem_i).start()
        pltpu.make_async_copy(sidx_hbm.at[pl.ds(base, KB)], bs, sem_i).start()

    def _wait_idx(bg, bs):
        pltpu.make_async_copy(gidx_hbm.at[pl.ds(0, KB)], bg, sem_i).wait()
        pltpu.make_async_copy(sidx_hbm.at[pl.ds(0, KB)], bs, sem_i).wait()

    def _start_gather(bg, rows):
        pltpu.make_async_copy(tab_hbm.at[bg], rows, sem_g).start()

    def _wait_gather(bg, rows):
        pltpu.make_async_copy(tab_hbm.at[bg], rows, sem_g).wait()

    def _start_scat(rows, bs):
        pltpu.make_async_copy(rows, u_acc.at[bs], sem_s).start(add=True)

    def _wait_scat(rows, bs):
        pltpu.make_async_copy(rows, u_acc.at[bs], sem_s).wait()

    ni = EVW // KB
    nj = ni // 2
    _start_idx(0, gidx0, sidx0)

    def body(j, carry):
        i0 = 2 * j
        _wait_idx(gidx0, sidx0)
        _start_gather(gidx0, rows0)

        @pl.when(j > 0)
        def _():
            _wait_scat(rows1, sidx1)

        _start_idx(i0 + 1, gidx1, sidx1)
        _wait_gather(gidx0, rows0)
        _start_scat(rows0, sidx0)
        _wait_idx(gidx1, sidx1)
        _start_gather(gidx1, rows1)
        _wait_scat(rows0, sidx0)
        _start_idx(i0 + 2, gidx0, sidx0)
        _wait_gather(gidx1, rows1)
        _start_scat(rows1, sidx1)
        return carry

    lax.fori_loop(0, nj, body, 0)
    _wait_idx(gidx0, sidx0)
    _start_gather(gidx0, rows0)
    _wait_scat(rows1, sidx1)
    _wait_gather(gidx0, rows0)
    _start_scat(rows0, sidx0)
    _wait_scat(rows0, sidx0)
    plsc.subcore_barrier()

    def obody(k, carry):
        off = pl.multiple_of(s * VPER + k * KB, 8)
        off2 = pl.multiple_of(c * NVP + s * VPER + k * KB, 8)
        pltpu.sync_copy(u_acc.at[pl.ds(off, KB)], rows0)
        pltpu.sync_copy(rows0, u_out.at[pl.ds(off2, KB)])
        return carry

    lax.fori_loop(0, nz, obody, 0)
    pltpu.sync_copy(u_acc.at[pl.ds(s * VPER + nz * KB, rz)],
                    rows0.at[pl.ds(0, rz)])
    pltpu.sync_copy(rows0.at[pl.ds(0, rz)],
                    u_out.at[pl.ds(c * NVP + s * VPER + nz * KB, rz)])



NV8 = NVP // 8
NC8 = NCP // 8
NVR8 = N_VAR // 8
NSR8 = N_SOC // 8


def _emat():
    return jnp.kron(jnp.eye(8, dtype=_f32), jnp.ones((1, 16), _f32))


def _scale_map(d0, d1, e):
    inv = lax.rsqrt(jnp.maximum(d0 + d1, 1.0))
    return jnp.dot(inv, e, preferred_element_type=_f32)


def _tc_embed_body(x_ref, w_ref, b_ref, o_ref):
    h = jnp.dot(x_ref[...], w_ref[...], preferred_element_type=_f32)
    o_ref[...] = jnp.maximum(h + b_ref[...], 0.0)


def _tc_embed_var(x128, w, b):
    wbd = jnp.kron(jnp.eye(8, dtype=_f32), w)
    bt = jnp.tile(b, 8).reshape(1, 128)
    return pl.pallas_call(
        _tc_embed_body,
        grid=(1,),
        in_specs=[
            pl.BlockSpec((NVR8, 72), lambda i: (0, 0)),
            pl.BlockSpec((72, 128), lambda i: (0, 0)),
            pl.BlockSpec((1, 128), lambda i: (0, 0)),
        ],
        out_specs=pl.BlockSpec((NVR8, 128), lambda i: (0, 0)),
        out_shape=jax.ShapeDtypeStruct((NVR8, 128), _f32),
    )(x128, wbd, bt)


def _tc_scale_body(t_ref, d0_ref, d1_ref, e_ref, o_ref):
    o_ref[...] = t_ref[...] * _scale_map(d0_ref[...], d1_ref[...], e_ref[...])


def _tc_scale_var(t128, dv_flat):
    dva = dv_flat[:N_VAR].reshape(NVR8, 8)
    dvb = dv_flat[NVP:NVP + N_VAR].reshape(NVR8, 8)
    return pl.pallas_call(
        _tc_scale_body,
        grid=(1,),
        in_specs=[
            pl.BlockSpec((NVR8, 128), lambda i: (0, 0)),
            pl.BlockSpec((NVR8, 8), lambda i: (0, 0)),
            pl.BlockSpec((NVR8, 8), lambda i: (0, 0)),
            pl.BlockSpec((8, 128), lambda i: (0, 0)),
        ],
        out_specs=pl.BlockSpec((NVR8, 128), lambda i: (0, 0)),
        out_shape=jax.ShapeDtypeStruct((NVR8, 128), _f32),
    )(t128, dva, dvb, _emat())


def _tc_table_soc_body(x_ref, d0_ref, d1_ref, w_ref, b_ref, e_ref, o_ref):
    m = _scale_map(d0_ref[...], d1_ref[...], e_ref[...])
    h = jnp.dot(x_ref[...], w_ref[...], preferred_element_type=_f32)
    o_ref[...] = jnp.maximum(h + b_ref[...], 0.0) * m


def _tc_table_soc(x128, ds_flat, w, b):
    wbd = jnp.kron(jnp.eye(8, dtype=_f32), w)
    bt = jnp.tile(b, 8).reshape(1, 128)
    dsa = ds_flat[:N_SOC].reshape(NSR8, 8)
    dsb = ds_flat[NSP:NSP + N_SOC].reshape(NSR8, 8)
    return pl.pallas_call(
        _tc_table_soc_body,
        grid=(1,),
        in_specs=[
            pl.BlockSpec((NSR8, 8), lambda i: (0, 0)),
            pl.BlockSpec((NSR8, 8), lambda i: (0, 0)),
            pl.BlockSpec((NSR8, 8), lambda i: (0, 0)),
            pl.BlockSpec((8, 128), lambda i: (0, 0)),
            pl.BlockSpec((1, 128), lambda i: (0, 0)),
            pl.BlockSpec((8, 128), lambda i: (0, 0)),
        ],
        out_specs=pl.BlockSpec((NSR8, 128), lambda i: (0, 0)),
        out_shape=jax.ShapeDtypeStruct((NSR8, 128), _f32),
    )(x128, dsa, dsb, wbd, bt, _emat())


def _tc_con_body(sv0_ref, sv1_ref, ss0_ref, ss1_ref,
                 dcv0_ref, dcv1_ref, dcs0_ref, dcs1_ref,
                 w_ref, b_ref, e_ref, o_ref):
    e = e_ref[...]
    a = _scale_map(dcv0_ref[...], dcv1_ref[...], e)
    bsc = _scale_map(dcs0_ref[...], dcs1_ref[...], e)
    t = a * (sv0_ref[...] + sv1_ref[...]) + bsc * (ss0_ref[...] + ss1_ref[...])
    h = jnp.dot(t, w_ref[...], preferred_element_type=_f32)
    o_ref[...] = jnp.maximum(h + 2.0 * b_ref[...], 0.0) * a


def _tc_con(sv_p, ss_p, dcv_p, dcs_p, w2f, b2f):
    wbd = jnp.kron(jnp.eye(8, dtype=_f32), w2f)
    bt = jnp.tile(b2f, 8).reshape(1, 128)
    sv2 = sv_p.reshape(2 * NC8, 128)
    ss2 = ss_p.reshape(2 * NC8, 128)
    dcv2 = dcv_p.reshape(2 * NC8, 8)
    dcs2 = dcs_p.reshape(2 * NC8, 8)
    return pl.pallas_call(
        _tc_con_body,
        grid=(1,),
        in_specs=[
            pl.BlockSpec((NC8, 128), lambda i: (0, 0)),
            pl.BlockSpec((NC8, 128), lambda i: (1, 0)),
            pl.BlockSpec((NC8, 128), lambda i: (0, 0)),
            pl.BlockSpec((NC8, 128), lambda i: (1, 0)),
            pl.BlockSpec((NC8, 8), lambda i: (0, 0)),
            pl.BlockSpec((NC8, 8), lambda i: (1, 0)),
            pl.BlockSpec((NC8, 8), lambda i: (0, 0)),
            pl.BlockSpec((NC8, 8), lambda i: (1, 0)),
            pl.BlockSpec((128, 128), lambda i: (0, 0)),
            pl.BlockSpec((1, 128), lambda i: (0, 0)),
            pl.BlockSpec((8, 128), lambda i: (0, 0)),
        ],
        out_specs=pl.BlockSpec((NC8, 128), lambda i: (0, 0)),
        out_shape=jax.ShapeDtypeStruct((NC8, 128), _f32),
    )(sv2, sv2, ss2, ss2, dcv2, dcv2, dcs2, dcs2, wbd, bt, _emat())


BLR = NV8 // 2


def _tc_readout_body(u0_ref, u1_ref, d0_ref, d1_ref, w2b_ref, b2b_ref,
                     w1_ref, b1_ref, w2_ref, b2_ref, w3_ref, b3_ref,
                     e_ref, o_ref):
    i = pl.program_id(0)

    @pl.when(i == 0)
    def _():
        o_ref[...] = jnp.zeros_like(o_ref)

    m = _scale_map(d0_ref[...], d1_ref[...], e_ref[...])
    u = (u0_ref[...] + u1_ref[...]) * m
    h = jnp.maximum(jnp.dot(u, w2b_ref[...], preferred_element_type=_f32)
                    + b2b_ref[...], 0.0)
    l1 = jnp.maximum(jnp.dot(h, w1_ref[...], preferred_element_type=_f32)
                     + b1_ref[...], 0.0)
    l2 = jnp.maximum(jnp.dot(l1, w2_ref[...], preferred_element_type=_f32)
                     + b2_ref[...], 0.0)
    lo = jnp.dot(l2, w3_ref[...], preferred_element_type=_f32) + b3_ref[...]
    r_ids = (8 * (BLR * i + lax.broadcasted_iota(jnp.int32, (BLR, 8), 0))
             + lax.broadcasted_iota(jnp.int32, (BLR, 8), 1))
    lo = jnp.where(r_ids < N_VAR, lo, 0.0)
    o_ref[...] = o_ref[...] + jnp.sum(lo) * (1.0 / N_VAR)


def _tc_readout(u_p, dv_flat, w2b, b2b, wo1, bo1, wo2, bo2, wo3, bo3):
    eye8 = jnp.eye(8, dtype=_f32)
    u2 = u_p.reshape(2 * NV8, 128)
    dv2 = dv_flat.reshape(2 * NV8, 8)
    return pl.pallas_call(
        _tc_readout_body,
        grid=(2,),
        in_specs=[
            pl.BlockSpec((BLR, 128), lambda i: (i, 0)),
            pl.BlockSpec((BLR, 128), lambda i: (2 + i, 0)),
            pl.BlockSpec((BLR, 8), lambda i: (i, 0)),
            pl.BlockSpec((BLR, 8), lambda i: (2 + i, 0)),
            pl.BlockSpec((128, 128), lambda i: (0, 0)),
            pl.BlockSpec((1, 128), lambda i: (0, 0)),
            pl.BlockSpec((128, 128), lambda i: (0, 0)),
            pl.BlockSpec((1, 128), lambda i: (0, 0)),
            pl.BlockSpec((128, 128), lambda i: (0, 0)),
            pl.BlockSpec((1, 128), lambda i: (0, 0)),
            pl.BlockSpec((128, 8), lambda i: (0, 0)),
            pl.BlockSpec((1, 8), lambda i: (0, 0)),
            pl.BlockSpec((8, 128), lambda i: (0, 0)),
        ],
        out_specs=pl.BlockSpec((1, 1), lambda i: (0, 0)),
        out_shape=jax.ShapeDtypeStruct((1, 1), _f32),
    )(u2, u2, dv2, dv2,
      jnp.kron(eye8, w2b), jnp.tile(b2b, 8).reshape(1, 128),
      jnp.kron(eye8, wo1), jnp.tile(bo1, 8).reshape(1, 128),
      jnp.kron(eye8, wo2), jnp.tile(bo2, 8).reshape(1, 128),
      jnp.kron(eye8, wo3), jnp.tile(bo3, 8).reshape(1, 8), _emat())


def kernel(x_var, x_con, x_soc, v2c_src, v2c_dst, s2c_src, s2c_dst,
           Wv, bv, Wc, bc, Ws, bs,
           W1f, b1f, W1b, b1b, W2f, b2f, W2b, b2b,
           Wo1, bo1, Wo2, bo2, Wo3, bo3):
    del x_con, Wc, bc, W1f, b1f, W1b, b1b
    zeros1 = jnp.zeros((NVP,), _f32)
    zeros2 = jnp.zeros((KS, H), _f32)
    onesv = jnp.ones((KD,), _f32)
    xv128 = x_var.reshape(NVR8, 72)
    xs128 = x_soc.reshape(NSR8, 8)

    tv0 = _tc_embed_var(xv128, Wv, bv)
    dv_p, ds_p = _sc_deg_src(v2c_src, s2c_src, zeros1, onesv)
    tv = _tc_scale_var(tv0, dv_p).reshape(N_VAR, H)
    ts = _tc_table_soc(xs128, ds_p, Ws, bs).reshape(N_SOC, H)
    sv_p, dcv_p = _sc_fwd_v(v2c_src, v2c_dst, tv, zeros2, zeros1, onesv)
    ss_p, dcs_p = _sc_fwd_s(s2c_src, s2c_dst, ts, zeros2, zeros1, onesv)
    tc = _tc_con(sv_p, ss_p, dcv_p, dcs_p, W2f, b2f).reshape(NCP, H)
    u_p = _sc_bwd(v2c_dst, v2c_src, tc, zeros2)
    out = _tc_readout(u_p, dv_p, W2b, b2b, Wo1, bo1, Wo2, bo2, Wo3, bo3)
    return out

# --- scband reference (transcript-rebuilt; emitter-appended) ---
"""Pipeline reference for scband-instance-gcn-42125039239198 (READ-ONLY COPY).

The authoritative reference and input builder live on the scoring server;
editing this copy changes nothing except your own understanding.
"""

import jax, jax.numpy as jnp
import numpy as np

N_VAR = 100000
N_CON = 50000
N_SOC = 10000
E_VC = 3200000
E_SC = 160000
N_VAR_FEATS = 9
N_CON_FEATS = 2
N_SOC_FEATS = 1
H = 16


def setup_inputs(seed: int = 0) -> dict:
    key = jax.random.key(seed)
    ks = jax.random.split(key, 20)
    inp = {}
    inp['x_var'] = jax.random.normal(ks[0], (N_VAR, N_VAR_FEATS), dtype=jnp.float32)
    inp['x_con'] = jax.random.normal(ks[1], (N_CON, N_CON_FEATS), dtype=jnp.float32)
    inp['x_soc'] = jax.random.normal(ks[2], (N_SOC, N_SOC_FEATS), dtype=jnp.float32)
    inp['v2c_src'] = jax.random.randint(ks[3], (E_VC,), 0, N_VAR, dtype=jnp.int32)
    inp['v2c_dst'] = jax.random.randint(ks[4], (E_VC,), 0, N_CON, dtype=jnp.int32)
    inp['s2c_src'] = jax.random.randint(ks[5], (E_SC,), 0, N_SOC, dtype=jnp.int32)
    inp['s2c_dst'] = jax.random.randint(ks[6], (E_SC,), 0, N_CON, dtype=jnp.int32)

    def lin(k, fi, fo):
        return jax.random.normal(k, (fi, fo), dtype=jnp.float32) / np.sqrt(fi)

    inp['Wv'] = lin(ks[7], N_VAR_FEATS, H); inp['bv'] = jnp.zeros((H,), jnp.float32)
    inp['Wc'] = lin(ks[8], N_CON_FEATS, H); inp['bc'] = jnp.zeros((H,), jnp.float32)
    inp['Ws'] = lin(ks[9], N_SOC_FEATS, H); inp['bs'] = jnp.zeros((H,), jnp.float32)
    inp['W1f'] = lin(ks[10], H, H); inp['b1f'] = jnp.zeros((H,), jnp.float32)
    inp['W1b'] = lin(ks[11], H, H); inp['b1b'] = jnp.zeros((H,), jnp.float32)
    inp['W2f'] = lin(ks[12], H, H); inp['b2f'] = jnp.zeros((H,), jnp.float32)
    inp['W2b'] = lin(ks[13], H, H); inp['b2b'] = jnp.zeros((H,), jnp.float32)
    inp['Wo1'] = lin(ks[14], H, H); inp['bo1'] = jnp.zeros((H,), jnp.float32)
    inp['Wo2'] = lin(ks[15], H, H); inp['bo2'] = jnp.zeros((H,), jnp.float32)
    inp['Wo3'] = lin(ks[16], H, 1); inp['bo3'] = jnp.zeros((1,), jnp.float32)
    return inp


def _graph_conv(feat_src, src, dst, n_src, n_dst, W, b):
    # DGL GraphConv, norm='both', in_feats == out_feats so weight applied pre-aggregation
    deg_out = jnp.clip(jnp.bincount(src, length=n_src), 1).astype(feat_src.dtype)
    h = feat_src * (deg_out ** -0.5)[:, None]
    h = h @ W
    agg = jax.ops.segment_sum(h[src], dst, num_segments=n_dst)
    deg_in = jnp.clip(jnp.bincount(dst, length=n_dst), 1).astype(agg.dtype)
    agg = agg * (deg_in ** -0.5)[:, None]
    return agg + b


def reference(x_var, x_con, x_soc, v2c_src, v2c_dst, s2c_src, s2c_dst,
              Wv, bv, Wc, bc, Ws, bs,
              W1f, b1f, W1b, b1b, W2f, b2f, W2b, b2b,
              Wo1, bo1, Wo2, bo2, Wo3, bo3):
    h_var = jax.nn.relu(x_var @ Wv + bv)
    h_con = jax.nn.relu(x_con @ Wc + bc)
    h_soc = jax.nn.relu(x_soc @ Ws + bs)
    # n_passes = 1
    # first inner loop: update h_con through conv layer 1 then layer 2;
    # HeteroGraphConv sum-aggregates the v2c and s2c relation outputs (shared forward module per layer)
    for (Wf, bf) in ((W1f, b1f), (W2f, b2f)):
        m_v = _graph_conv(h_var, v2c_src, v2c_dst, N_VAR, N_CON, Wf, bf)
        m_s = _graph_conv(h_soc, s2c_src, s2c_dst, N_SOC, N_CON, Wf, bf)
        h_con = jax.nn.relu(m_v + m_s)
    # second inner loop: update h_var / h_soc from h_con via reverse edges (shared backward module per layer)
    for (Wb, bb) in ((W1b, b1b), (W2b, b2b)):
        h_var = jax.nn.relu(_graph_conv(h_con, v2c_dst, v2c_src, N_CON, N_VAR, Wb, bb))
        h_soc = jax.nn.relu(_graph_conv(h_con, s2c_dst, s2c_src, N_CON, N_SOC, Wb, bb))
    logit = jax.nn.relu(h_var @ Wo1 + bo1)
    logit = jax.nn.relu(logit @ Wo2 + bo2)
    logit = logit @ Wo3 + bo3
    # dgl.readout_nodes(op='mean', ntype='var') on a single (batch-of-1) graph -> [1, 1]
    return jnp.mean(logit, axis=0, keepdims=True)

if __name__ == "__main__":
    import jax
    _d = setup_inputs()
    print(jax.jit(kernel)(*tuple(_d.values())))

</pallas_src>

<mosaic_0001>
#map = affine_map<(d0, d1) -> (0)>
#map1 = affine_map<(d0, d1) -> (0, 0)>
module attributes {stable_mosaic.version = 14 : i64} {
  func.func @_sc_bwd(%arg0: i32, %arg1: i32, %arg2: memref<3200000xi32, #tpu.memory_space<hbm>>, %arg3: memref<3200000xi32, #tpu.memory_space<hbm>>, %arg4: memref<50048x16xf32, #tpu.memory_space<hbm>>, %arg5: memref<2500x16xf32, #tpu.memory_space<hbm>>, %arg6: memref<200192x16xf32, #tpu.memory_space<hbm>>, %arg7: memref<100096x16xf32, #tpu.memory_space<vmem_shared>>, %arg8: memref<800xi32, #tpu.memory_space<vmem>>, %arg9: memref<800xi32, #tpu.memory_space<vmem>>, %arg10: memref<800xi32, #tpu.memory_space<vmem>>, %arg11: memref<800xi32, #tpu.memory_space<vmem>>, %arg12: memref<800x16xf32, #tpu.memory_space<vmem>>, %arg13: memref<800x16xf32, #tpu.memory_space<vmem>>, %arg14: memref<!tpu.dma_semaphore, #tpu.memory_space<semaphore_mem>>, %arg15: memref<!tpu.dma_semaphore, #tpu.memory_space<semaphore_mem>>, %arg16: memref<!tpu.dma_semaphore, #tpu.memory_space<semaphore_mem>>) attributes {dimension_semantics = [#tpu.dimension_semantics<core_parallel>, #tpu.dimension_semantics<subcore_parallel>], iteration_bounds = array<i64: 2, 16>, scalar_prefetch = 0 : i64, scratch_operands = 10 : i64, tpu.core_type = #tpu.core_type<sc_vector_subcore>, window_params = [{transform_indices = #map}, {transform_indices = #map}, {transform_indices = #map1}, {transform_indices = #map1}, {transform_indices = #map1}]} {
    %mul3A = arith.constant 16 : i32
    %mul3A_0 = arith.muli %arg0, %mul3A : i32
    %add3A = arith.addi %mul3A_0, %arg1 : i32
    "tpu.region"() ({
      %run_scoped3A = tpu.sem_alloc : memref<!tpu.dma_semaphore, #tpu.memory_space<semaphore_mem>>
      %dma_start3A_63 = arith.constant 0 : i32
      %dma_start3A_64 = arith.constant 0 : i32
      %dma_start3A_65 = tpu.memref_slice %arg5[%dma_start3A_63, %dma_start3A_64] : memref<2500x16xf32, #tpu.memory_space<hbm>> -> memref<800x16xf32, #tpu.memory_space<hbm>>
      %dma_start3A_66 = arith.constant 0 : i32
      %dma_start3A_67 = arith.constant 0 : i32
      %dma_start3A_68 = tpu.memref_slice %arg5[%dma_start3A_66, %dma_start3A_67] : memref<2500x16xf32, #tpu.memory_space<hbm>> -> memref<800x16xf32, #tpu.memory_space<hbm>>
      tpu.enqueue_dma source(%dma_start3A_68 : memref<800x16xf32, #tpu.memory_space<hbm>>) target(%arg12 : memref<800x16xf32, #tpu.memory_space<vmem>>) target_semaphore(%run_scoped3A : memref<!tpu.dma_semaphore, #tpu.memory_space<semaphore_mem>>)
      %dma_wait3A_69 = arith.constant 0 : i32
      %dma_wait3A_70 = arith.constant 0 : i32
      %dma_wait3A_71 = tpu.memref_slice %arg5[%dma_wait3A_69, %dma_wait3A_70] : memref<2500x16xf32, #tpu.memory_space<hbm>> -> memref<800x16xf32, #tpu.memory_space<hbm>>
      %dma_wait3A_72 = arith.constant 0 : i32
      %dma_wait3A_73 = arith.constant 0 : i32
      %dma_wait3A_74 = tpu.memref_slice %arg5[%dma_wait3A_72, %dma_wait3A_73] : memref<2500x16xf32, #tpu.memory_space<hbm>> -> memref<800x16xf32, #tpu.memory_space<hbm>>
      tpu.wait_dma2 semaphore(%run_scoped3A : memref<!tpu.dma_semaphore, #tpu.memory_space<semaphore_mem>>) src(%dma_wait3A_74 : memref<800x16xf32, #tpu.memory_space<hbm>>) dst(%arg12 : memref<800x16xf32, #tpu.memory_space<vmem>>)
      tpu.yield
    }) : () -> ()
    %scan3A = arith.constant 0 : i32
    %scan3A_1 = arith.constant 0 : i32
    %scan3A_2 = arith.constant 7 : i32
    %scan3A_3 = arith.addi %scan3A_1, %scan3A_2 : i32
    %scan3A_4 = arith.constant 1 : i32
    scf.for %scan3A_63 = %scan3A_1 to %scan3A_3 step %scan3A_4  : i32 {
      %mul3A_64 = arith.constant 6256 : i32
      %mul3A_65 = arith.muli %arg1, %mul3A_64 : i32
      %mul3A_66 = arith.constant 800 : i32
      %mul3A_67 = arith.muli %scan3A_63, %mul3A_66 : i32
      %add3A_68 = arith.addi %mul3A_65, %mul3A_67 : i32
      %multiple_of3A_69 = tpu.assume_multiple %add3A_68, 8 : i32
      "tpu.region"() ({
        %run_scoped3A = tpu.sem_alloc : memref<!tpu.dma_semaphore, #tpu.memory_space<semaphore_mem>>
        %dma_start3A_70 = arith.constant 0 : i32
        %dma_start3A_71 = tpu.memref_slice %arg7[%multiple_of3A_69, %dma_start3A_70] : memref<100096x16xf32, #tpu.memory_space<vmem_shared>> -> memref<800x16xf32, #tpu.memory_space<vmem_shared>>
        %dma_start3A_72 = arith.constant 0 : i32
        %dma_start3A_73 = tpu.memref_slice %arg7[%multiple_of3A_69, %dma_start3A_72] : memref<100096x16xf32, #tpu.memory_space<vmem_shared>> -> memref<800x16xf32, #tpu.memory_space<vmem_shared>>
        tpu.enqueue_dma source(%arg12 : memref<800x16xf32, #tpu.memory_space<vmem>>) target(%dma_start3A_73 : memref<800x16xf32, #tpu.memory_space<vmem_shared>>) target_semaphore(%run_scoped3A : memref<!tpu.dma_semaphore, #tpu.memory_space<semaphore_mem>>)
        %dma_wait3A_74 = arith.constant 0 : i32
        %dma_wait3A_75 = tpu.memref_slice %arg7[%multiple_of3A_69, %dma_wait3A_74] : memref<100096x16xf32, #tpu.memory_space<vmem_shared>> -> memref<800x16xf32, #tpu.memory_space<vmem_shared>>
        %dma_wait3A_76 = arith.constant 0 : i32
        %dma_wait3A_77 = tpu.memref_slice %arg7[%multiple_of3A_69, %dma_wait3A_76] : memref<100096x16xf32, #tpu.memory_space<vmem_shared>> -> memref<800x16xf32, #tpu.memory_space<vmem_shared>>
        tpu.wait_dma2 semaphore(%run_scoped3A : memref<!tpu.dma_semaphore, #tpu.memory_space<semaphore_mem>>) src(%arg12 : memref<800x16xf32, #tpu.memory_space<vmem>>) dst(%dma_wait3A_77 : memref<800x16xf32, #tpu.memory_space<vmem_shared>>)
        tpu.yield
      }) : () -> ()
    }
    %scan3A_5 = arith.constant 7 : i32
    %mul3A_6 = arith.constant 6256 : i32
    %mul3A_7 = arith.muli %arg1, %mul3A_6 : i32
    %add3A_8 = arith.constant 5600 : i32
    %add3A_9 = arith.addi %mul3A_7, %add3A_8 : i32
    "tpu.region"() ({
      %run_scoped3A = tpu.sem_alloc : memref<!tpu.dma_semaphore, #tpu.memory_space<semaphore_mem>>
      %dma_start3A_63 = arith.constant 0 : i32
      %dma_start3A_64 = arith.constant 0 : i32
      %dma_start3A_65 = tpu.memref_slice %arg12[%dma_start3A_63, %dma_start3A_64] : memref<800x16xf32, #tpu.memory_space<vmem>> -> memref<656x16xf32, #tpu.memory_space<vmem>>
      %dma_start3A_66 = arith.constant 0 : i32
      %dma_start3A_67 = tpu.memref_slice %arg7[%add3A_9, %dma_start3A_66] : memref<100096x16xf32, #tpu.memory_space<vmem_shared>> -> memref<656x16xf32, #tpu.memory_space<vmem_shared>>
      %dma_start3A_68 = arith.constant 0 : i32
      %dma_start3A_69 = tpu.memref_slice %arg7[%add3A_9, %dma_start3A_68] : memref<100096x16xf32, #tpu.memory_space<vmem_shared>> -> memref<656x16xf32, #tpu.memory_space<vmem_shared>>
      %dma_start3A_70 = arith.constant 0 : i32
      %dma_start3A_71 = arith.constant 0 : i32
      %dma_start3A_72 = tpu.memref_slice %arg12[%dma_start3A_70, %dma_start3A_71] : memref<800x16xf32, #tpu.memory_space<vmem>> -> memref<656x16xf32, #tpu.memory_space<vmem>>
      tpu.enqueue_dma source(%dma_start3A_72 : memref<656x16xf32, #tpu.memory_space<vmem>>) target(%dma_start3A_69 : memref<656x16xf32, #tpu.memory_space<vmem_shared>>) target_semaphore(%run_scoped3A : memref<!tpu.dma_semaphore, #tpu.memory_space<semaphore_mem>>)
      %dma_wait3A_73 = arith.constant 0 : i32
      %dma_wait3A_74 = arith.constant 0 : i32
      %dma_wait3A_75 = tpu.memref_slice %arg12[%dma_wait3A_73, %dma_wait3A_74] : memref<800x16xf32, #tpu.memory_space<vmem>> -> memref<656x16xf32, #tpu.memory_space<vmem>>
      %dma_wait3A_76 = arith.constant 0 : i32
      %dma_wait3A_77 = tpu.memref_slice %arg7[%add3A_9, %dma_wait3A_76] : memref<100096x16xf32, #tpu.memory_space<vmem_shared>> -> memref<656x16xf32, #tpu.memory_space<vmem_shared>>
      %dma_wait3A_78 = arith.constant 0 : i32
      %dma_wait3A_79 = tpu.memref_slice %arg7[%add3A_9, %dma_wait3A_78] : memref<100096x16xf32, #tpu.memory_space<vmem_shared>> -> memref<656x16xf32, #tpu.memory_space<vmem_shared>>
      %dma_wait3A_80 = arith.constant 0 : i32
      %dma_wait3A_81 = arith.constant 0 : i32
      %dma_wait3A_82 = tpu.memref_slice %arg12[%dma_wait3A_80, %dma_wait3A_81] : memref<800x16xf32, #tpu.memory_space<vmem>> -> memref<656x16xf32, #tpu.memory_space<vmem>>
      tpu.wait_dma2 semaphore(%run_scoped3A : memref<!tpu.dma_semaphore, #tpu.memory_space<semaphore_mem>>) src(%dma_wait3A_82 : memref<656x16xf32, #tpu.memory_space<vmem>>) dst(%dma_wait3A_79 : memref<656x16xf32, #tpu.memory_space<vmem_shared>>)
      tpu.yield
    }) : () -> ()
    %barrier3A = arith.constant 0 : index
    tpu.barrier barrier_id(%barrier3A)
    %mul3A_10 = arith.constant 100000 : i32
    %mul3A_11 = arith.muli %add3A, %mul3A_10 : i32
    %add3A_12 = arith.constant 0 : i32
    %add3A_13 = arith.addi %mul3A_11, %add3A_12 : i32
    %multiple_of3A = tpu.assume_multiple %add3A_13, 8 : i32
    %dma_start3A = tpu.memref_slice %arg2[%multiple_of3A] : memref<3200000xi32, #tpu.memory_space<hbm>> -> memref<800xi32, #tpu.memory_space<hbm>>
    %dma_start3A_14 = tpu.memref_slice %arg2[%multiple_of3A] : memref<3200000xi32, #tpu.memory_space<hbm>> -> memref<800xi32, #tpu.memory_space<hbm>>
    tpu.enqueue_dma source(%dma_start3A_14 : memref<800xi32, #tpu.memory_space<hbm>>) target(%arg8 : memref<800xi32, #tpu.memory_space<vmem>>) target_semaphore(%arg14 : memref<!tpu.dma_semaphore, #tpu.memory_space<semaphore_mem>>)
    %dma_start3A_15 = tpu.memref_slice %arg3[%multiple_of3A] : memref<3200000xi32, #tpu.memory_space<hbm>> -> memref<800xi32, #tpu.memory_space<hbm>>
    %dma_start3A_16 = tpu.memref_slice %arg3[%multiple_of3A] : memref<3200000xi32, #tpu.memory_space<hbm>> -> memref<800xi32, #tpu.memory_space<hbm>>
    tpu.enqueue_dma source(%dma_start3A_16 : memref<800xi32, #tpu.memory_space<hbm>>) target(%arg9 : memref<800xi32, #tpu.memory_space<vmem>>) target_semaphore(%arg14 : memref<!tpu.dma_semaphore, #tpu.memory_space<semaphore_mem>>)
    %scan3A_17 = arith.constant 0 : i32
    %scan3A_18 = arith.constant 0 : i32
    %scan3A_19 = arith.constant 62 : i32
    %scan3A_20 = arith.addi %scan3A_18, %scan3A_19 : i32
    %scan3A_21 = arith.constant 1 : i32
    scf.for %scan3A_63 = %scan3A_18 to %scan3A_20 step %scan3A_21  : i32 {
      %mul3A_64 = arith.constant 2 : i32
      %mul3A_65 = arith.muli %mul3A_64, %scan3A_63 : i32
      %dma_wait3A_66 = arith.constant 0 : i32
      %dma_wait3A_67 = tpu.memref_slice %arg2[%dma_wait3A_66] : memref<3200000xi32, #tpu.memory_space<hbm>> -> memref<800xi32, #tpu.memory_space<hbm>>
      %dma_wait3A_68 = arith.constant 0 : i32
      %dma_wait3A_69 = tpu.memref_slice %arg2[%dma_wait3A_68] : memref<3200000xi32, #tpu.memory_space<hbm>> -> memref<800xi32, #tpu.memory_space<hbm>>
      tpu.wait_dma2 semaphore(%arg14 : memref<!tpu.dma_semaphore, #tpu.memory_space<semaphore_mem>>) src(%dma_wait3A_69 : memref<800xi32, #tpu.memory_space<hbm>>) dst(%arg8 : memref<800xi32, #tpu.memory_space<vmem>>)
      %dma_wait3A_70 = arith.constant 0 : i32
      %dma_wait3A_71 = tpu.memref_slice %arg3[%dma_wait3A_70] : memref<3200000xi32, #tpu.memory_space<hbm>> -> memref<800xi32, #tpu.memory_space<hbm>>
      %dma_wait3A_72 = arith.constant 0 : i32
      %dma_wait3A_73 = tpu.memref_slice %arg3[%dma_wait3A_72] : memref<3200000xi32, #tpu.memory_space<hbm>> -> memref<800xi32, #tpu.memory_space<hbm>>
      tpu.wait_dma2 semaphore(%arg14 : memref<!tpu.dma_semaphore, #tpu.memory_space<semaphore_mem>>) src(%dma_wait3A_73 : memref<800xi32, #tpu.memory_space<hbm>>) dst(%arg9 : memref<800xi32, #tpu.memory_space<vmem>>)
      %dma_start3A_74 = arith.constant 0 : i32
      %dma_start3A_75 = arith.constant 0 : i32
      %dma_start3A_76 = tpu.memref_slice %arg4[%dma_start3A_74, %dma_start3A_75] : memref<50048x16xf32, #tpu.memory_space<hbm>> -> memref<50048x16xf32, #tpu.memory_space<hbm>>
      tpu.enqueue_indirect_dma source(%dma_start3A_76 : memref<50048x16xf32, #tpu.memory_space<hbm>>) target(%arg12 : memref<800x16xf32, #tpu.memory_space<vmem>>) offsets(%arg8 : memref<800xi32, #tpu.memory_space<vmem>>) semaphore(%arg15 : memref<!tpu.dma_semaphore, #tpu.memory_space<semaphore_mem>>)
      %gt3A = arith.constant 0 : i32
      %gt3A_77 = arith.cmpi sgt, %scan3A_63, %gt3A : i32
      %convert_element_type3A = arith.extui %gt3A_77 : i1 to i32
      %cond3A = arith.constant 0 : i32
      %cond3A_78 = arith.cmpi ne, %convert_element_type3A, %cond3A : i32
      scf.if %cond3A_78 {
        %dma_wait3A_129 = arith.constant 0 : i32
        %dma_wait3A_130 = arith.constant 0 : i32
        %dma_wait3A_131 = tpu.memref_slice %arg7[%dma_wait3A_129, %dma_wait3A_130] : memref<100096x16xf32, #tpu.memory_space<vmem_shared>> -> memref<100096x16xf32, #tpu.memory_space<vmem_shared>>
        tpu.wait_indirect_dma semaphore(%arg16 : memref<!tpu.dma_semaphore, #tpu.memory_space<semaphore_mem>>) src(%arg13 : memref<800x16xf32, #tpu.memory_space<vmem>>) dst(%dma_wait3A_131 : memref<100096x16xf32, #tpu.memory_space<vmem_shared>>)
      } else {
      }
      %add3A_79 = arith.constant 1 : i32
      %add3A_80 = arith.addi %mul3A_65, %add3A_79 : i32
      %mul3A_81 = arith.constant 100000 : i32
      %mul3A_82 = arith.muli %add3A, %mul3A_81 : i32
      %mul3A_83 = arith.constant 800 : i32
      %mul3A_84 = arith.muli %add3A_80, %mul3A_83 : i32
      %add3A_85 = arith.addi %mul3A_82, %mul3A_84 : i32
      %multiple_of3A_86 = tpu.assume_multiple %add3A_85, 8 : i32
      %dma_start3A_87 = tpu.memref_slice %arg2[%multiple_of3A_86] : memref<3200000xi32, #tpu.memory_space<hbm>> -> memref<800xi32, #tpu.memory_space<hbm>>
      %dma_start3A_88 = tpu.memref_slice %arg2[%multiple_of3A_86] : memref<3200000xi32, #tpu.memory_space<hbm>> -> memref<800xi32, #tpu.memory_space<hbm>>
      tpu.enqueue_dma source(%dma_start3A_88 : memref<800xi32, #tpu.memory_space<hbm>>) target(%arg10 : memref<800xi32, #tpu.memory_space<vmem>>) target_semaphore(%arg14 : memref<!tpu.dma_semaphore, #tpu.memory_space<semaphore_mem>>)
      %dma_start3A_89 = tpu.memref_slice %arg3[%multiple_of3A_86] : memref<3200000xi32, #tpu.memory_space<hbm>> -> memref<800xi32, #tpu.memory_space<hbm>>
      %dma_start3A_90 = tpu.memref_slice %arg3[%multiple_of3A_86] : memref<3200000xi32, #tpu.memory_space<hbm>> -> memref<800xi32, #tpu.memory_space<hbm>>
      tpu.enqueue_dma source(%dma_start3A_90 : memref<800xi32, #tpu.memory_space<hbm>>) target(%arg11 : memref<800xi32, #tpu.memory_space<vmem>>) target_semaphore(%arg14 : memref<!tpu.dma_semaphore, #tpu.memory_space<semaphore_mem>>)
      %dma_wait3A_91 = arith.constant 0 : i32
      %dma_wait3A_92 = arith.constant 0 : i32
      %dma_wait3A_93 = tpu.memref_slice %arg4[%dma_wait3A_91, %dma_wait3A_92] : memref<50048x16xf32, #tpu.memory_space<hbm>> -> memref<50048x16xf32, #tpu.memory_space<hbm>>
      tpu.wait_indirect_dma semaphore(%arg15 : memref<!tpu.dma_semaphore, #tpu.memory_space<semaphore_mem>>) src(%dma_wait3A_93 : memref<50048x16xf32, #tpu.memory_space<hbm>>) dst(%arg12 : memref<800x16xf32, #tpu.memory_space<vmem>>)
      %dma_start3A_94 = arith.constant 0 : i32
      %dma_start3A_95 = arith.constant 0 : i32
      %dma_start3A_96 = tpu.memref_slice %arg7[%dma_start3A_94, %dma_start3A_95] : memref<100096x16xf32, #tpu.memory_space<vmem_shared>> -> memref<100096x16xf32, #tpu.memory_space<vmem_shared>>
      tpu.enqueue_indirect_dma source(%arg12 : memref<800x16xf32, #tpu.memory_space<vmem>>) target(%dma_start3A_96 : memref<100096x16xf32, #tpu.memory_space<vmem_shared>>) offsets(%arg9 : memref<800xi32, #tpu.memory_space<vmem>>) semaphore(%arg16 : memref<!tpu.dma_semaphore, #tpu.memory_space<semaphore_mem>>) {add = true}
      %dma_wait3A_97 = arith.constant 0 : i32
      %dma_wait3A_98 = tpu.memref_slice %arg2[%dma_wait3A_97] : memref<3200000xi32, #tpu.memory_space<hbm>> -> memref<800xi32, #tpu.memory_space<hbm>>
      %dma_wait3A_99 = arith.constant 0 : i32
      %dma_wait3A_100 = tpu.memref_slice %arg2[%dma_wait3A_99] : memref<3200000xi32, #tpu.memory_space<hbm>> -> memref<800xi32, #tpu.memory_space<hbm>>
      tpu.wait_dma2 semaphore(%arg14 : memref<!tpu.dma_semaphore, #tpu.memory_space<semaphore_mem>>) src(%dma_wait3A_100 : memref<800xi32, #tpu.memory_space<hbm>>) dst(%arg10 : memref<800xi32, #tpu.memory_space<vmem>>)
      %dma_wait3A_101 = arith.constant 0 : i32
      %dma_wait3A_102 = tpu.memref_slice %arg3[%dma_wait3A_101] : memref<3200000xi32, #tpu.memory_space<hbm>> -> memref<800xi32, #tpu.memory_space<hbm>>
      %dma_wait3A_103 = arith.constant 0 : i32
      %dma_wait3A_104 = tpu.memref_slice %arg3[%dma_wait3A_103] : memref<3200000xi32, #tpu.memory_space<hbm>> -> memref<800xi32, #tpu.memory_space<hbm>>
      tpu.wait_dma2 semaphore(%arg14 : memref<!tpu.dma_semaphore, #tpu.memory_space<semaphore_mem>>) src(%dma_wait3A_104 : memref<800xi32, #tpu.memory_space<hbm>>) dst(%arg11 : memref<800xi32, #tpu.memory_space<vmem>>)
      %dma_start3A_105 = arith.constant 0 : i32
      %dma_start3A_106 = arith.constant 0 : i32
      %dma_start3A_107 = tpu.memref_slice %arg4[%dma_start3A_105, %dma_start3A_106] : memref<50048x16xf32, #tpu.memory_space<hbm>> -> memref<50048x16xf32, #tpu.memory_space<hbm>>
      tpu.enqueue_indirect_dma source(%dma_start3A_107 : memref<50048x16xf32, #tpu.memory_space<hbm>>) target(%arg13 : memref<800x16xf32, #tpu.memory_space<vmem>>) offsets(%arg10 : memref<800xi32, #tpu.memory_space<vmem>>) semaphore(%arg15 : memref<!tpu.dma_semaphore, #tpu.memory_space<semaphore_mem>>)
      %dma_wait3A_108 = arith.constant 0 : i32
      %dma_wait3A_109 = arith.constant 0 : i32
      %dma_wait3A_110 = tpu.memref_slice %arg7[%dma_wait3A_108, %dma_wait3A_109] : memref<100096x16xf32, #tpu.memory_space<vmem_shared>> -> memref<100096x16xf32, #tpu.memory_space<vmem_shared>>
      tpu.wait_indirect_dma semaphore(%arg16 : memref<!tpu.dma_semaphore, #tpu.memory_space<semaphore_mem>>) src(%arg12 : memref<800x16xf32, #tpu.memory_space<vmem>>) dst(%dma_wait3A_110 : memref<100096x16xf32, #tpu.memory_space<vmem_shared>>)
      %add3A_111 = arith.constant 2 : i32
      %add3A_112 = arith.addi %mul3A_65, %add3A_111 : i32
      %mul3A_113 = arith.constant 100000 : i32
      %mul3A_114 = arith.muli %add3A, %mul3A_113 : i32
      %mul3A_115 = arith.constant 800 : i32
      %mul3A_116 = arith.muli %add3A_112, %mul3A_115 : i32
      %add3A_117 = arith.addi %mul3A_114, %mul3A_116 : i32
      %multiple_of3A_118 = tpu.assume_multiple %add3A_117, 8 : i32
      %dma_start3A_119 = tpu.memref_slice %arg2[%multiple_of3A_118] : memref<3200000xi32, #tpu.memory_space<hbm>> -> memref<800xi32, #tpu.memory_space<hbm>>
      %dma_start3A_120 = tpu.memref_slice %arg2[%multiple_of3A_118] : memref<3200000xi32, #tpu.memory_space<hbm>> -> memref<800xi32, #tpu.memory_space<hbm>>
      tpu.enqueue_dma source(%dma_start3A_120 : memref<800xi32, #tpu.memory_space<hbm>>) target(%arg8 : memref<800xi32, #tpu.memory_space<vmem>>) target_semaphore(%arg14 : memref<!tpu.dma_semaphore, #tpu.memory_space<semaphore_mem>>)
      %dma_start3A_121 = tpu.memref_slice %arg3[%multiple_of3A_118] : memref<3200000xi32, #tpu.memory_space<hbm>> -> memref<800xi32, #tpu.memory_space<hbm>>
      %dma_start3A_122 = tpu.memref_slice %arg3[%multiple_of3A_118] : memref<3200000xi32, #tpu.memory_space<hbm>> -> memref<800xi32, #tpu.memory_space<hbm>>
      tpu.enqueue_dma source(%dma_start3A_122 : memref<800xi32, #tpu.memory_space<hbm>>) target(%arg9 : memref<800xi32, #tpu.memory_space<vmem>>) target_semaphore(%arg14 : memref<!tpu.dma_semaphore, #tpu.memory_space<semaphore_mem>>)
      %dma_wait3A_123 = arith.constant 0 : i32
      %dma_wait3A_124 = arith.constant 0 : i32
      %dma_wait3A_125 = tpu.memref_slice %arg4[%dma_wait3A_123, %dma_wait3A_124] : memref<50048x16xf32, #tpu.memory_space<hbm>> -> memref<50048x16xf32, #tpu.memory_space<hbm>>
      tpu.wait_indirect_dma semaphore(%arg15 : memref<!tpu.dma_semaphore, #tpu.memory_space<semaphore_mem>>) src(%dma_wait3A_125 : memref<50048x16xf32, #tpu.memory_space<hbm>>) dst(%arg13 : memref<800x16xf32, #tpu.memory_space<vmem>>)
      %dma_start3A_126 = arith.constant 0 : i32
      %dma_start3A_127 = arith.constant 0 : i32
      %dma_start3A_128 = tpu.memref_slice %arg7[%dma_start3A_126, %dma_start3A_127] : memref<100096x16xf32, #tpu.memory_space<vmem_shared>> -> memref<100096x16xf32, #tpu.memory_space<vmem_shared>>
      tpu.enqueue_indirect_dma source(%arg13 : memref<800x16xf32, #tpu.memory_space<vmem>>) target(%dma_start3A_128 : memref<100096x16xf32, #tpu.memory_space<vmem_shared>>) offsets(%arg11 : memref<800xi32, #tpu.memory_space<vmem>>) semaphore(%arg16 : memref<!tpu.dma_semaphore, #tpu.memory_space<semaphore_mem>>) {add = true}
    }
    %scan3A_22 = arith.constant 62 : i32
    %dma_wait3A = arith.constant 0 : i32
    %dma_wait3A_23 = tpu.memref_slice %arg2[%dma_wait3A] : memref<3200000xi32, #tpu.memory_space<hbm>> -> memref<800xi32, #tpu.memory_space<hbm>>
    %dma_wait3A_24 = arith.constant 0 : i32
    %dma_wait3A_25 = tpu.memref_slice %arg2[%dma_wait3A_24] : memref<3200000xi32, #tpu.memory_space<hbm>> -> memref<800xi32, #tpu.memory_space<hbm>>
    tpu.wait_dma2 semaphore(%arg14 : memref<!tpu.dma_semaphore, #tpu.memory_space<semaphore_mem>>) src(%dma_wait3A_25 : memref<800xi32, #tpu.memory_space<hbm>>) dst(%arg8 : memref<800xi32, #tpu.memory_space<vmem>>)
    %dma_wait3A_26 = arith.constant 0 : i32
    %dma_wait3A_27 = tpu.memref_slice %arg3[%dma_wait3A_26] : memref<3200000xi32, #tpu.memory_space<hbm>> -> memref<800xi32, #tpu.memory_space<hbm>>
    %dma_wait3A_28 = arith.constant 0 : i32
    %dma_wait3A_29 = tpu.memref_slice %arg3[%dma_wait3A_28] : memref<3200000xi32, #tpu.memory_space<hbm>> -> memref<800xi32, #tpu.memory_space<hbm>>
    tpu.wait_dma2 semaphore(%arg14 : memref<!tpu.dma_semaphore, #tpu.memory_space<semaphore_mem>>) src(%dma_wait3A_29 : memref<800xi32, #tpu.memory_space<hbm>>) dst(%arg9 : memref<800xi32, #tpu.memory_space<vmem>>)
    %dma_start3A_30 = arith.constant 0 : i32
    %dma_start3A_31 = arith.constant 0 : i32
    %dma_start3A_32 = tpu.memref_slice %arg4[%dma_start3A_30, %dma_start3A_31] : memref<50048x16xf32, #tpu.memory_space<hbm>> -> memref<50048x16xf32, #tpu.memory_space<hbm>>
    tpu.enqueue_indirect_dma source(%dma_start3A_32 : memref<50048x16xf32, #tpu.memory_space<hbm>>) target(%arg12 : memref<800x16xf32, #tpu.memory_space<vmem>>) offsets(%arg8 : memref<800xi32, #tpu.memory_space<vmem>>) semaphore(%arg15 : memref<!tpu.dma_semaphore, #tpu.memory_space<semaphore_mem>>)
    %dma_wait3A_33 = arith.constant 0 : i32
    %dma_wait3A_34 = arith.constant 0 : i32
    %dma_wait3A_35 = tpu.memref_slice %arg7[%dma_wait3A_33, %dma_wait3A_34] : memref<100096x16xf32, #tpu.memory_space<vmem_shared>> -> memref<100096x16xf32, #tpu.memory_space<vmem_shared>>
    tpu.wait_indirect_dma semaphore(%arg16 : memref<!tpu.dma_semaphore, #tpu.memory_space<semaphore_mem>>) src(%arg13 : memref<800x16xf32, #tpu.memory_space<vmem>>) dst(%dma_wait3A_35 : memref<100096x16xf32, #tpu.memory_space<vmem_shared>>)
    %dma_wait3A_36 = arith.constant 0 : i32
    %dma_wait3A_37 = arith.constant 0 : i32
    %dma_wait3A_38 = tpu.memref_slice %arg4[%dma_wait3A_36, %dma_wait3A_37] : memref<50048x16xf32, #tpu.memory_space<hbm>> -> memref<50048x16xf32, #tpu.memory_space<hbm>>
    tpu.wait_indirect_dma semaphore(%arg15 : memref<!tpu.dma_semaphore, #tpu.memory_space<semaphore_mem>>) src(%dma_wait3A_38 : memref<50048x16xf32, #tpu.memory_space<hbm>>) dst(%arg12 : memref<800x16xf32, #tpu.memory_space<vmem>>)
    %dma_start3A_39 = arith.constant 0 : i32
    %dma_start3A_40 = arith.constant 0 : i32
    %dma_start3A_41 = tpu.memref_slice %arg7[%dma_start3A_39, %dma_start3A_40] : memref<100096x16xf32, #tpu.memory_space<vmem_shared>> -> memref<100096x16xf32, #tpu.memory_space<vmem_shared>>
    tpu.enqueue_indirect_dma source(%arg12 : memref<800x16xf32, #tpu.memory_space<vmem>>) target(%dma_start3A_41 : memref<100096x16xf32, #tpu.memory_space<vmem_shared>>) offsets(%arg9 : memref<800xi32, #tpu.memory_space<vmem>>) semaphore(%arg16 : memref<!tpu.dma_semaphore, #tpu.memory_space<semaphore_mem>>) {add = true}
    %dma_wait3A_42 = arith.constant 0 : i32
    %dma_wait3A_43 = arith.constant 0 : i32
    %dma_wait3A_44 = tpu.memref_slice %arg7[%dma_wait3A_42, %dma_wait3A_43] : memref<100096x16xf32, #tpu.memory_space<vmem_shared>> -> memref<100096x16xf32, #tpu.memory_space<vmem_shared>>
    tpu.wait_indirect_dma semaphore(%arg16 : memref<!tpu.dma_semaphore, #tpu.memory_space<semaphore_mem>>) src(%arg12 : memref<800x16xf32, #tpu.memory_space<vmem>>) dst(%dma_wait3A_44 : memref<100096x16xf32, #tpu.memory_space<vmem_shared>>)
    %barrier3A_45 = arith.constant 0 : index
    tpu.barrier barrier_id(%barrier3A_45)
    %scan3A_46 = arith.constant 0 : i32
    %scan3A_47 = arith.constant 0 : i32
    %scan3A_48 = arith.constant 7 : i32
    %scan3A_49 = arith.addi %scan3A_47, %scan3A_48 : i32
    %scan3A_50 = arith.constant 1 : i32
    scf.for %scan3A_63 = %scan3A_47 to %scan3A_49 step %scan3A_50  : i32 {
      %mul3A_64 = arith.constant 6256 : i32
      %mul3A_65 = arith.muli %arg1, %mul3A_64 : i32
      %mul3A_66 = arith.constant 800 : i32
      %mul3A_67 = arith.muli %scan3A_63, %mul3A_66 : i32
      %add3A_68 = arith.addi %mul3A_65, %mul3A_67 : i32
      %multiple_of3A_69 = tpu.assume_multiple %add3A_68, 8 : i32
      %mul3A_70 = arith.constant 100096 : i32
      %mul3A_71 = arith.muli %arg0, %mul3A_70 : i32
      %mul3A_72 = arith.constant 6256 : i32
      %mul3A_73 = arith.muli %arg1, %mul3A_72 : i32
      %add3A_74 = arith.addi %mul3A_71, %mul3A_73 : i32
      %mul3A_75 = arith.constant 800 : i32
      %mul3A_76 = arith.muli %scan3A_63, %mul3A_75 : i32
      %add3A_77 = arith.addi %add3A_74, %mul3A_76 : i32
      %multiple_of3A_78 = tpu.assume_multiple %add3A_77, 8 : i32
      "tpu.region"() ({
        %run_scoped3A = tpu.sem_alloc : memref<!tpu.dma_semaphore, #tpu.memory_space<semaphore_mem>>
        %dma_start3A_79 = arith.constant 0 : i32
        %dma_start3A_80 = tpu.memref_slice %arg7[%multiple_of3A_69, %dma_start3A_79] : memref<100096x16xf32, #tpu.memory_space<vmem_shared>> -> memref<800x16xf32, #tpu.memory_space<vmem_shared>>
        %dma_start3A_81 = arith.constant 0 : i32
        %dma_start3A_82 = tpu.memref_slice %arg7[%multiple_of3A_69, %dma_start3A_81] : memref<100096x16xf32, #tpu.memory_space<vmem_shared>> -> memref<800x16xf32, #tpu.memory_space<vmem_shared>>
        tpu.enqueue_dma source(%dma_start3A_82 : memref<800x16xf32, #tpu.memory_space<vmem_shared>>) target(%arg12 : memref<800x16xf32, #tpu.memory_space<vmem>>) target_semaphore(%run_scoped3A : memref<!tpu.dma_semaphore, #tpu.memory_space<semaphore_mem>>)
        %dma_wait3A_83 = arith.constant 0 : i32
        %dma_wait3A_84 = tpu.memref_slice %arg7[%multiple_of3A_69, %dma_wait3A_83] : memref<100096x16xf32, #tpu.memory_space<vmem_shared>> -> memref<800x16xf32, #tpu.memory_space<vmem_shared>>
        %dma_wait3A_85 = arith.constant 0 : i32
        %dma_wait3A_86 = tpu.memref_slice %arg7[%multiple_of3A_69, %dma_wait3A_85] : memref<100096x16xf32, #tpu.memory_space<vmem_shared>> -> memref<800x16xf32, #tpu.memory_space<vmem_shared>>
        tpu.wait_dma2 semaphore(%run_scoped3A : memref<!tpu.dma_semaphore, #tpu.memory_space<semaphore_mem>>) src(%dma_wait3A_86 : memref<800x16xf32, #tpu.memory_space<vmem_shared>>) dst(%arg12 : memref<800x16xf32, #tpu.memory_space<vmem>>)
        tpu.yield
      }) : () -> ()
      "tpu.region"() ({
        %run_scoped3A = tpu.sem_alloc : memref<!tpu.dma_semaphore, #tpu.memory_space<semaphore_mem>>
        %dma_start3A_79 = arith.constant 0 : i32
        %dma_start3A_80 = tpu.memref_slice %arg6[%multiple_of3A_78, %dma_start3A_79] : memref<200192x16xf32, #tpu.memory_space<hbm>> -> memref<800x16xf32, #tpu.memory_space<hbm>>
        %dma_start3A_81 = arith.constant 0 : i32
        %dma_start3A_82 = tpu.memref_slice %arg6[%multiple_of3A_78, %dma_start3A_81] : memref<200192x16xf32, #tpu.memory_space<hbm>> -> memref<800x16xf32, #tpu.memory_space<hbm>>
        tpu.enqueue_dma source(%arg12 : memref<800x16xf32, #tpu.memory_space<vmem>>) target(%dma_start3A_82 : memref<800x16xf32, #tpu.memory_space<hbm>>) target_semaphore(%run_scoped3A : memref<!tpu.dma_semaphore, #tpu.memory_space<semaphore_mem>>)
        %dma_wait3A_83 = arith.constant 0 : i32
        %dma_wait3A_84 = tpu.memref_slice %arg6[%multiple_of3A_78, %dma_wait3A_83] : memref<200192x16xf32, #tpu.memory_space<hbm>> -> memref<800x16xf32, #tpu.memory_space<hbm>>
        %dma_wait3A_85 = arith.constant 0 : i32
        %dma_wait3A_86 = tpu.memref_slice %arg6[%multiple_of3A_78, %dma_wait3A_85] : memref<200192x16xf32, #tpu.memory_space<hbm>> -> memref<800x16xf32, #tpu.memory_space<hbm>>
        tpu.wait_dma2 semaphore(%run_scoped3A : memref<!tpu.dma_semaphore, #tpu.memory_space<semaphore_mem>>) src(%arg12 : memref<800x16xf32, #tpu.memory_space<vmem>>) dst(%dma_wait3A_86 : memref<800x16xf32, #tpu.memory_space<hbm>>)
        tpu.yield
      }) : () -> ()
    }
    %scan3A_51 = arith.constant 7 : i32
    %mul3A_52 = arith.constant 6256 : i32
    %mul3A_53 = arith.muli %arg1, %mul3A_52 : i32
    %add3A_54 = arith.constant 5600 : i32
    %add3A_55 = arith.addi %mul3A_53, %add3A_54 : i32
    "tpu.region"() ({
      %run_scoped3A = tpu.sem_alloc : memref<!tpu.dma_semaphore, #tpu.memory_space<semaphore_mem>>
      %dma_start3A_63 = arith.constant 0 : i32
      %dma_start3A_64 = arith.constant 0 : i32
      %dma_start3A_65 = tpu.memref_slice %arg12[%dma_start3A_63, %dma_start3A_64] : memref<800x16xf32, #tpu.memory_space<vmem>> -> memref<656x16xf32, #tpu.memory_space<vmem>>
      %dma_start3A_66 = arith.constant 0 : i32
      %dma_start3A_67 = tpu.memref_slice %arg7[%add3A_55, %dma_start3A_66] : memref<100096x16xf32, #tpu.memory_space<vmem_shared>> -> memref<656x16xf32, #tpu.memory_space<vmem_shared>>
      %dma_start3A_68 = arith.constant 0 : i32
      %dma_start3A_69 = arith.constant 0 : i32
      %dma_start3A_70 = tpu.memref_slice %arg12[%dma_start3A_68, %dma_start3A_69] : memref<800x16xf32, #tpu.memory_space<vmem>> -> memref<656x16xf32, #tpu.memory_space<vmem>>
      %dma_start3A_71 = arith.constant 0 : i32
      %dma_start3A_72 = tpu.memref_slice %arg7[%add3A_55, %dma_start3A_71] : memref<100096x16xf32, #tpu.memory_space<vmem_shared>> -> memref<656x16xf32, #tpu.memory_space<vmem_shared>>
      tpu.enqueue_dma source(%dma_start3A_72 : memref<656x16xf32, #tpu.memory_space<vmem_shared>>) target(%dma_start3A_70 : memref<656x16xf32, #tpu.memory_space<vmem>>) target_semaphore(%run_scoped3A : memref<!tpu.dma_semaphore, #tpu.memory_space<semaphore_mem>>)
      %dma_wait3A_73 = arith.constant 0 : i32
      %dma_wait3A_74 = arith.constant 0 : i32
      %dma_wait3A_75 = tpu.memref_slice %arg12[%dma_wait3A_73, %dma_wait3A_74] : memref<800x16xf32, #tpu.memory_space<vmem>> -> memref<656x16xf32, #tpu.memory_space<vmem>>
      %dma_wait3A_76 = arith.constant 0 : i32
      %dma_wait3A_77 = tpu.memref_slice %arg7[%add3A_55, %dma_wait3A_76] : memref<100096x16xf32, #tpu.memory_space<vmem_shared>> -> memref<656x16xf32, #tpu.memory_space<vmem_shared>>
      %dma_wait3A_78 = arith.constant 0 : i32
      %dma_wait3A_79 = arith.constant 0 : i32
      %dma_wait3A_80 = tpu.memref_slice %arg12[%dma_wait3A_78, %dma_wait3A_79] : memref<800x16xf32, #tpu.memory_space<vmem>> -> memref<656x16xf32, #tpu.memory_space<vmem>>
      %dma_wait3A_81 = arith.constant 0 : i32
      %dma_wait3A_82 = tpu.memref_slice %arg7[%add3A_55, %dma_wait3A_81] : memref<100096x16xf32, #tpu.memory_space<vmem_shared>> -> memref<656x16xf32, #tpu.memory_space<vmem_shared>>
      tpu.wait_dma2 semaphore(%run_scoped3A : memref<!tpu.dma_semaphore, #tpu.memory_space<semaphore_mem>>) src(%dma_wait3A_82 : memref<656x16xf32, #tpu.memory_space<vmem_shared>>) dst(%dma_wait3A_80 : memref<656x16xf32, #tpu.memory_space<vmem>>)
      tpu.yield
    }) : () -> ()
    %mul3A_56 = arith.constant 100096 : i32
    %mul3A_57 = arith.muli %arg0, %mul3A_56 : i32
    %mul3A_58 = arith.constant 6256 : i32
    %mul3A_59 = arith.muli %arg1, %mul3A_58 : i32
    %add3A_60 = arith.addi %mul3A_57, %mul3A_59 : i32
    %add3A_61 = arith.constant 5600 : i32
    %add3A_62 = arith.addi %add3A_60, %add3A_61 : i32
    "tpu.region"() ({
      %run_scoped3A = tpu.sem_alloc : memref<!tpu.dma_semaphore, #tpu.memory_space<semaphore_mem>>
      %dma_start3A_63 = arith.constant 0 : i32
      %dma_start3A_64 = arith.constant 0 : i32
      %dma_start3A_65 = tpu.memref_slice %arg12[%dma_start3A_63, %dma_start3A_64] : memref<800x16xf32, #tpu.memory_space<vmem>> -> memref<656x16xf32, #tpu.memory_space<vmem>>
      %dma_start3A_66 = arith.constant 0 : i32
      %dma_start3A_67 = tpu.memref_slice %arg6[%add3A_62, %dma_start3A_66] : memref<200192x16xf32, #tpu.memory_space<hbm>> -> memref<656x16xf32, #tpu.memory_space<hbm>>
      %dma_start3A_68 = arith.constant 0 : i32
      %dma_start3A_69 = tpu.memref_slice %arg6[%add3A_62, %dma_start3A_68] : memref<200192x16xf32, #tpu.memory_space<hbm>> -> memref<656x16xf32, #tpu.memory_space<hbm>>
      %dma_start3A_70 = arith.constant 0 : i32
      %dma_start3A_71 = arith.constant 0 : i32
      %dma_start3A_72 = tpu.memref_slice %arg12[%dma_start3A_70, %dma_start3A_71] : memref<800x16xf32, #tpu.memory_space<vmem>> -> memref<656x16xf32, #tpu.memory_space<vmem>>
      tpu.enqueue_dma source(%dma_start3A_72 : memref<656x16xf32, #tpu.memory_space<vmem>>) target(%dma_start3A_69 : memref<656x16xf32, #tpu.memory_space<hbm>>) target_semaphore(%run_scoped3A : memref<!tpu.dma_semaphore, #tpu.memory_space<semaphore_mem>>)
      %dma_wait3A_73 = arith.constant 0 : i32
      %dma_wait3A_74 = arith.constant 0 : i32
      %dma_wait3A_75 = tpu.memref_slice %arg12[%dma_wait3A_73, %dma_wait3A_74] : memref<800x16xf32, #tpu.memory_space<vmem>> -> memref<656x16xf32, #tpu.memory_space<vmem>>
      %dma_wait3A_76 = arith.constant 0 : i32
      %dma_wait3A_77 = tpu.memref_slice %arg6[%add3A_62, %dma_wait3A_76] : memref<200192x16xf32, #tpu.memory_space<hbm>> -> memref<656x16xf32, #tpu.memory_space<hbm>>
      %dma_wait3A_78 = arith.constant 0 : i32
      %dma_wait3A_79 = tpu.memref_slice %arg6[%add3A_62, %dma_wait3A_78] : memref<200192x16xf32, #tpu.memory_space<hbm>> -> memref<656x16xf32, #tpu.memory_space<hbm>>
      %dma_wait3A_80 = arith.constant 0 : i32
      %dma_wait3A_81 = arith.constant 0 : i32
      %dma_wait3A_82 = tpu.memref_slice %arg12[%dma_wait3A_80, %dma_wait3A_81] : memref<800x16xf32, #tpu.memory_space<vmem>> -> memref<656x16xf32, #tpu.memory_space<vmem>>
      tpu.wait_dma2 semaphore(%run_scoped3A : memref<!tpu.dma_semaphore, #tpu.memory_space<semaphore_mem>>) src(%dma_wait3A_82 : memref<656x16xf32, #tpu.memory_space<vmem>>) dst(%dma_wait3A_79 : memref<656x16xf32, #tpu.memory_space<hbm>>)
      tpu.yield
    }) : () -> ()
    return
  }
}

#map = affine_map<(d0, d1) -> (0)>
#map1 = affine_map<(d0, d1) -> (0, 0)>
module attributes {stable_mosaic.version = 14 : i64} {
  func.func @_sc_fwd_v(%arg0: i32, %arg1: i32, %arg2: memref<3200000xi32, #tpu.memory_space<hbm>>, %arg3: memref<3200000xi32, #tpu.memory_space<hbm>>, %arg4: memref<100000x16xf32, #tpu.memory_space<hbm>>, %arg5: memref<2500x16xf32, #tpu.memory_space<hbm>>, %arg6: memref<100096xf32, #tpu.memory_space<hbm>>, %arg7: memref<10000xf32, #tpu.memory_space<hbm>>, %arg8: memref<100096x16xf32, #tpu.memory_space<hbm>>, %arg9: memref<100096xf32, #tpu.memory_space<hbm>>, %arg10: memref<50048x16xf32, #tpu.memory_space<vmem_shared>>, %arg11: memref<50048xf32, #tpu.memory_space<vmem_shared>>, %arg12: memref<2000xi32, #tpu.memory_space<vmem>>, %arg13: memref<2000xi32, #tpu.memory_space<vmem>>, %arg14: memref<2000xi32, #tpu.memory_space<vmem>>, %arg15: memref<2000xi32, #tpu.memory_space<vmem>>, %arg16: memref<2000x16xf32, #tpu.memory_space<vmem>>, %arg17: memref<2000x16xf32, #tpu.memory_space<vmem>>, %arg18: memref<2000xf32, #tpu.memory_space<vmem>>, %arg19: memref<3128xf32, #tpu.memory_space<vmem>>, %arg20: memref<!tpu.dma_semaphore, #tpu.memory_space<semaphore_mem>>, %arg21: memref<!tpu.dma_semaphore, #tpu.memory_space<semaphore_mem>>, %arg22: memref<!tpu.dma_semaphore, #tpu.memory_space<semaphore_mem>>) attributes {dimension_semantics = [#tpu.dimension_semantics<core_parallel>, #tpu.dimension_semantics<subcore_parallel>], iteration_bounds = array<i64: 2, 16>, scalar_prefetch = 0 : i64, scratch_operands = 13 : i64, tpu.core_type = #tpu.core_type<sc_vector_subcore>, window_params = [{transform_indices = #map}, {transform_indices = #map}, {transform_indices = #map1}, {transform_indices = #map1}, {transform_indices = #map}, {transform_indices = #map}, {transform_indices = #map1}, {transform_indices = #map}]} {
    %mul3A = arith.constant 16 : i32
    %mul3A_0 = arith.muli %arg0, %mul3A : i32
    %add3A = arith.addi %mul3A_0, %arg1 : i32
    "tpu.region"() ({
      %run_scoped3A = tpu.sem_alloc : memref<!tpu.dma_semaphore, #tpu.memory_space<semaphore_mem>>
      %dma_start3A_51 = arith.constant 0 : i32
      %dma_start3A_52 = arith.constant 0 : i32
      %dma_start3A_53 = tpu.memref_slice %arg5[%dma_start3A_51, %dma_start3A_52] : memref<2500x16xf32, #tpu.memory_space<hbm>> -> memref<2000x16xf32, #tpu.memory_space<hbm>>
      %dma_start3A_54 = arith.constant 0 : i32
      %dma_start3A_55 = arith.constant 0 : i32
      %dma_start3A_56 = tpu.memref_slice %arg5[%dma_start3A_54, %dma_start3A_55] : memref<2500x16xf32, #tpu.memory_space<hbm>> -> memref<2000x16xf32, #tpu.memory_space<hbm>>
      tpu.enqueue_dma source(%dma_start3A_56 : memref<2000x16xf32, #tpu.memory_space<hbm>>) target(%arg16 : memref<2000x16xf32, #tpu.memory_space<vmem>>) target_semaphore(%run_scoped3A : memref<!tpu.dma_semaphore, #tpu.memory_space<semaphore_mem>>)
      %dma_wait3A_57 = arith.constant 0 : i32
      %dma_wait3A_58 = arith.constant 0 : i32
      %dma_wait3A_59 = tpu.memref_slice %arg5[%dma_wait3A_57, %dma_wait3A_58] : memref<2500x16xf32, #tpu.memory_space<hbm>> -> memref<2000x16xf32, #tpu.memory_space<hbm>>
      %dma_wait3A_60 = arith.constant 0 : i32
      %dma_wait3A_61 = arith.constant 0 : i32
      %dma_wait3A_62 = tpu.memref_slice %arg5[%dma_wait3A_60, %dma_wait3A_61] : memref<2500x16xf32, #tpu.memory_space<hbm>> -> memref<2000x16xf32, #tpu.memory_space<hbm>>
      tpu.wait_dma2 semaphore(%run_scoped3A : memref<!tpu.dma_semaphore, #tpu.memory_space<semaphore_mem>>) src(%dma_wait3A_62 : memref<2000x16xf32, #tpu.memory_space<hbm>>) dst(%arg16 : memref<2000x16xf32, #tpu.memory_space<vmem>>)
      tpu.yield
    }) : () -> ()
    %mul3A_1 = arith.constant 3128 : i32
    %mul3A_2 = arith.muli %arg1, %mul3A_1 : i32
    "tpu.region"() ({
      %run_scoped3A = tpu.sem_alloc : memref<!tpu.dma_semaphore, #tpu.memory_space<semaphore_mem>>
      %dma_start3A_51 = arith.constant 0 : i32
      %dma_start3A_52 = tpu.memref_slice %arg10[%mul3A_2, %dma_start3A_51] : memref<50048x16xf32, #tpu.memory_space<vmem_shared>> -> memref<2000x16xf32, #tpu.memory_space<vmem_shared>>
      %dma_start3A_53 = arith.constant 0 : i32
      %dma_start3A_54 = tpu.memref_slice %arg10[%mul3A_2, %dma_start3A_53] : memref<50048x16xf32, #tpu.memory_space<vmem_shared>> -> memref<2000x16xf32, #tpu.memory_space<vmem_shared>>
      tpu.enqueue_dma source(%arg16 : memref<2000x16xf32, #tpu.memory_space<vmem>>) target(%dma_start3A_54 : memref<2000x16xf32, #tpu.memory_space<vmem_shared>>) target_semaphore(%run_scoped3A : memref<!tpu.dma_semaphore, #tpu.memory_space<semaphore_mem>>)
      %dma_wait3A_55 = arith.constant 0 : i32
      %dma_wait3A_56 = tpu.memref_slice %arg10[%mul3A_2, %dma_wait3A_55] : memref<50048x16xf32, #tpu.memory_space<vmem_shared>> -> memref<2000x16xf32, #tpu.memory_space<vmem_shared>>
      %dma_wait3A_57 = arith.constant 0 : i32
      %dma_wait3A_58 = tpu.memref_slice %arg10[%mul3A_2, %dma_wait3A_57] : memref<50048x16xf32, #tpu.memory_space<vmem_shared>> -> memref<2000x16xf32, #tpu.memory_space<vmem_shared>>
      tpu.wait_dma2 semaphore(%run_scoped3A : memref<!tpu.dma_semaphore, #tpu.memory_space<semaphore_mem>>) src(%arg16 : memref<2000x16xf32, #tpu.memory_space<vmem>>) dst(%dma_wait3A_58 : memref<2000x16xf32, #tpu.memory_space<vmem_shared>>)
      tpu.yield
    }) : () -> ()
    %mul3A_3 = arith.constant 3128 : i32
    %mul3A_4 = arith.muli %arg1, %mul3A_3 : i32
    %add3A_5 = arith.constant 2000 : i32
    %add3A_6 = arith.addi %mul3A_4, %add3A_5 : i32
    "tpu.region"() ({
      %run_scoped3A = tpu.sem_alloc : memref<!tpu.dma_semaphore, #tpu.memory_space<semaphore_mem>>
      %dma_start3A_51 = arith.constant 0 : i32
      %dma_start3A_52 = arith.constant 0 : i32
      %dma_start3A_53 = tpu.memref_slice %arg16[%dma_start3A_51, %dma_start3A_52] : memref<2000x16xf32, #tpu.memory_space<vmem>> -> memref<1128x16xf32, #tpu.memory_space<vmem>>
      %dma_start3A_54 = arith.constant 0 : i32
      %dma_start3A_55 = tpu.memref_slice %arg10[%add3A_6, %dma_start3A_54] : memref<50048x16xf32, #tpu.memory_space<vmem_shared>> -> memref<1128x16xf32, #tpu.memory_space<vmem_shared>>
      %dma_start3A_56 = arith.constant 0 : i32
      %dma_start3A_57 = tpu.memref_slice %arg10[%add3A_6, %dma_start3A_56] : memref<50048x16xf32, #tpu.memory_space<vmem_shared>> -> memref<1128x16xf32, #tpu.memory_space<vmem_shared>>
      %dma_start3A_58 = arith.constant 0 : i32
      %dma_start3A_59 = arith.constant 0 : i32
      %dma_start3A_60 = tpu.memref_slice %arg16[%dma_start3A_58, %dma_start3A_59] : memref<2000x16xf32, #tpu.memory_space<vmem>> -> memref<1128x16xf32, #tpu.memory_space<vmem>>
      tpu.enqueue_dma source(%dma_start3A_60 : memref<1128x16xf32, #tpu.memory_space<vmem>>) target(%dma_start3A_57 : memref<1128x16xf32, #tpu.memory_space<vmem_shared>>) target_semaphore(%run_scoped3A : memref<!tpu.dma_semaphore, #tpu.memory_space<semaphore_mem>>)
      %dma_wait3A_61 = arith.constant 0 : i32
      %dma_wait3A_62 = arith.constant 0 : i32
      %dma_wait3A_63 = tpu.memref_slice %arg16[%dma_wait3A_61, %dma_wait3A_62] : memref<2000x16xf32, #tpu.memory_space<vmem>> -> memref<1128x16xf32, #tpu.memory_space<vmem>>
      %dma_wait3A_64 = arith.constant 0 : i32
      %dma_wait3A_65 = tpu.memref_slice %arg10[%add3A_6, %dma_wait3A_64] : memref<50048x16xf32, #tpu.memory_space<vmem_shared>> -> memref<1128x16xf32, #tpu.memory_space<vmem_shared>>
      %dma_wait3A_66 = arith.constant 0 : i32
      %dma_wait3A_67 = tpu.memref_slice %arg10[%add3A_6, %dma_wait3A_66] : memref<50048x16xf32, #tpu.memory_space<vmem_shared>> -> memref<1128x16xf32, #tpu.memory_space<vmem_shared>>
      %dma_wait3A_68 = arith.constant 0 : i32
      %dma_wait3A_69 = arith.constant 0 : i32
      %dma_wait3A_70 = tpu.memref_slice %arg16[%dma_wait3A_68, %dma_wait3A_69] : memref<2000x16xf32, #tpu.memory_space<vmem>> -> memref<1128x16xf32, #tpu.memory_space<vmem>>
      tpu.wait_dma2 semaphore(%run_scoped3A : memref<!tpu.dma_semaphore, #tpu.memory_space<semaphore_mem>>) src(%dma_wait3A_70 : memref<1128x16xf32, #tpu.memory_space<vmem>>) dst(%dma_wait3A_67 : memref<1128x16xf32, #tpu.memory_space<vmem_shared>>)
      tpu.yield
    }) : () -> ()
    "tpu.region"() ({
      %run_scoped3A = tpu.sem_alloc : memref<!tpu.dma_semaphore, #tpu.memory_space<semaphore_mem>>
      %dma_start3A_51 = arith.constant 0 : i32
      %dma_start3A_52 = tpu.memref_slice %arg6[%dma_start3A_51] : memref<100096xf32, #tpu.memory_space<hbm>> -> memref<3128xf32, #tpu.memory_space<hbm>>
      %dma_start3A_53 = arith.constant 0 : i32
      %dma_start3A_54 = tpu.memref_slice %arg6[%dma_start3A_53] : memref<100096xf32, #tpu.memory_space<hbm>> -> memref<3128xf32, #tpu.memory_space<hbm>>
      tpu.enqueue_dma source(%dma_start3A_54 : memref<3128xf32, #tpu.memory_space<hbm>>) target(%arg19 : memref<3128xf32, #tpu.memory_space<vmem>>) target_semaphore(%run_scoped3A : memref<!tpu.dma_semaphore, #tpu.memory_space<semaphore_mem>>)
      %dma_wait3A_55 = arith.constant 0 : i32
      %dma_wait3A_56 = tpu.memref_slice %arg6[%dma_wait3A_55] : memref<100096xf32, #tpu.memory_space<hbm>> -> memref<3128xf32, #tpu.memory_space<hbm>>
      %dma_wait3A_57 = arith.constant 0 : i32
      %dma_wait3A_58 = tpu.memref_slice %arg6[%dma_wait3A_57] : memref<100096xf32, #tpu.memory_space<hbm>> -> memref<3128xf32, #tpu.memory_space<hbm>>
      tpu.wait_dma2 semaphore(%run_scoped3A : memref<!tpu.dma_semaphore, #tpu.memory_space<semaphore_mem>>) src(%dma_wait3A_58 : memref<3128xf32, #tpu.memory_space<hbm>>) dst(%arg19 : memref<3128xf32, #tpu.memory_space<vmem>>)
      tpu.yield
    }) : () -> ()
    %mul3A_7 = arith.constant 3128 : i32
    %mul3A_8 = arith.muli %arg1, %mul3A_7 : i32
    "tpu.region"() ({
      %run_scoped3A = tpu.sem_alloc : memref<!tpu.dma_semaphore, #tpu.memory_space<semaphore_mem>>
      %dma_start3A_51 = tpu.memref_slice %arg11[%mul3A_8] : memref<50048xf32, #tpu.memory_space<vmem_shared>> -> memref<3128xf32, #tpu.memory_space<vmem_shared>>
      %dma_start3A_52 = tpu.memref_slice %arg11[%mul3A_8] : memref<50048xf32, #tpu.memory_space<vmem_shared>> -> memref<3128xf32, #tpu.memory_space<vmem_shared>>
      tpu.enqueue_dma source(%arg19 : memref<3128xf32, #tpu.memory_space<vmem>>) target(%dma_start3A_52 : memref<3128xf32, #tpu.memory_space<vmem_shared>>) target_semaphore(%run_scoped3A : memref<!tpu.dma_semaphore, #tpu.memory_space<semaphore_mem>>)
      %dma_wait3A_53 = tpu.memref_slice %arg11[%mul3A_8] : memref<50048xf32, #tpu.memory_space<vmem_shared>> -> memref<3128xf32, #tpu.memory_space<vmem_shared>>
      %dma_wait3A_54 = tpu.memref_slice %arg11[%mul3A_8] : memref<50048xf32, #tpu.memory_space<vmem_shared>> -> memref<3128xf32, #tpu.memory_space<vmem_shared>>
      tpu.wait_dma2 semaphore(%run_scoped3A : memref<!tpu.dma_semaphore, #tpu.memory_space<semaphore_mem>>) src(%arg19 : memref<3128xf32, #tpu.memory_space<vmem>>) dst(%dma_wait3A_54 : memref<3128xf32, #tpu.memory_space<vmem_shared>>)
      tpu.yield
    }) : () -> ()
    "tpu.region"() ({
      %run_scoped3A = tpu.sem_alloc : memref<!tpu.dma_semaphore, #tpu.memory_space<semaphore_mem>>
      %dma_start3A_51 = arith.constant 0 : i32
      %dma_start3A_52 = tpu.memref_slice %arg7[%dma_start3A_51] : memref<10000xf32, #tpu.memory_space<hbm>> -> memref<2000xf32, #tpu.memory_space<hbm>>
      %dma_start3A_53 = arith.constant 0 : i32
      %dma_start3A_54 = tpu.memref_slice %arg7[%dma_start3A_53] : memref<10000xf32, #tpu.memory_space<hbm>> -> memref<2000xf32, #tpu.memory_space<hbm>>
      tpu.enqueue_dma source(%dma_start3A_54 : memref<2000xf32, #tpu.memory_space<hbm>>) target(%arg18 : memref<2000xf32, #tpu.memory_space<vmem>>) target_semaphore(%run_scoped3A : memref<!tpu.dma_semaphore, #tpu.memory_space<semaphore_mem>>)
      %dma_wait3A_55 = arith.constant 0 : i32
      %dma_wait3A_56 = tpu.memref_slice %arg7[%dma_wait3A_55] : memref<10000xf32, #tpu.memory_space<hbm>> -> memref<2000xf32, #tpu.memory_space<hbm>>
      %dma_wait3A_57 = arith.constant 0 : i32
      %dma_wait3A_58 = tpu.memref_slice %arg7[%dma_wait3A_57] : memref<10000xf32, #tpu.memory_space<hbm>> -> memref<2000xf32, #tpu.memory_space<hbm>>
      tpu.wait_dma2 semaphore(%run_scoped3A : memref<!tpu.dma_semaphore, #tpu.memory_space<semaphore_mem>>) src(%dma_wait3A_58 : memref<2000xf32, #tpu.memory_space<hbm>>) dst(%arg18 : memref<2000xf32, #tpu.memory_space<vmem>>)
      tpu.yield
    }) : () -> ()
    %barrier3A = arith.constant 0 : index
    tpu.barrier barrier_id(%barrier3A)
    %mul3A_9 = arith.constant 100000 : i32
    %mul3A_10 = arith.muli %add3A, %mul3A_9 : i32
    %add3A_11 = arith.constant 0 : i32
    %add3A_12 = arith.addi %mul3A_10, %add3A_11 : i32
    %multiple_of3A = tpu.assume_multiple %add3A_12, 8 : i32
    %dma_start3A = tpu.memref_slice %arg2[%multiple_of3A] : memref<3200000xi32, #tpu.memory_space<hbm>> -> memref<2000xi32, #tpu.memory_space<hbm>>
    %dma_start3A_13 = tpu.memref_slice %arg2[%multiple_of3A] : memref<3200000xi32, #tpu.memory_space<hbm>> -> memref<2000xi32, #tpu.memory_space<hbm>>
    tpu.enqueue_dma source(%dma_start3A_13 : memref<2000xi32, #tpu.memory_space<hbm>>) target(%arg12 : memref<2000xi32, #tpu.memory_space<vmem>>) target_semaphore(%arg20 : memref<!tpu.dma_semaphore, #tpu.memory_space<semaphore_mem>>)
    %dma_start3A_14 = tpu.memref_slice %arg3[%multiple_of3A] : memref<3200000xi32, #tpu.memory_space<hbm>> -> memref<2000xi32, #tpu.memory_space<hbm>>
    %dma_start3A_15 = tpu.memref_slice %arg3[%multiple_of3A] : memref<3200000xi32, #tpu.memory_space<hbm>> -> memref<2000xi32, #tpu.memory_space<hbm>>
    tpu.enqueue_dma source(%dma_start3A_15 : memref<2000xi32, #tpu.memory_space<hbm>>) target(%arg13 : memref<2000xi32, #tpu.memory_space<vmem>>) target_semaphore(%arg20 : memref<!tpu.dma_semaphore, #tpu.memory_space<semaphore_mem>>)
    %scan3A = arith.constant 0 : i32
    %scan3A_16 = arith.constant 0 : i32
    %scan3A_17 = arith.constant 25 : i32
    %scan3A_18 = arith.addi %scan3A_16, %scan3A_17 : i32
    %scan3A_19 = arith.constant 1 : i32
    scf.for %scan3A_51 = %scan3A_16 to %scan3A_18 step %scan3A_19  : i32 {
      %mul3A_52 = arith.constant 2 : i32
      %mul3A_53 = arith.muli %mul3A_52, %scan3A_51 : i32
      %dma_wait3A_54 = arith.constant 0 : i32
      %dma_wait3A_55 = tpu.memref_slice %arg2[%dma_wait3A_54] : memref<3200000xi32, #tpu.memory_space<hbm>> -> memref<2000xi32, #tpu.memory_space<hbm>>
      %dma_wait3A_56 = arith.constant 0 : i32
      %dma_wait3A_57 = tpu.memref_slice %arg2[%dma_wait3A_56] : memref<3200000xi32, #tpu.memory_space<hbm>> -> memref<2000xi32, #tpu.memory_space<hbm>>
      tpu.wait_dma2 semaphore(%arg20 : memref<!tpu.dma_semaphore, #tpu.memory_space<semaphore_mem>>) src(%dma_wait3A_57 : memref<2000xi32, #tpu.memory_space<hbm>>) dst(%arg12 : memref<2000xi32, #tpu.memory_space<vmem>>)
      %dma_wait3A_58 = arith.constant 0 : i32
      %dma_wait3A_59 = tpu.memref_slice %arg3[%dma_wait3A_58] : memref<3200000xi32, #tpu.memory_space<hbm>> -> memref<2000xi32, #tpu.memory_space<hbm>>
      %dma_wait3A_60 = arith.constant 0 : i32
      %dma_wait3A_61 = tpu.memref_slice %arg3[%dma_wait3A_60] : memref<3200000xi32, #tpu.memory_space<hbm>> -> memref<2000xi32, #tpu.memory_space<hbm>>
      tpu.wait_dma2 semaphore(%arg20 : memref<!tpu.dma_semaphore, #tpu.memory_space<semaphore_mem>>) src(%dma_wait3A_61 : memref<2000xi32, #tpu.memory_space<hbm>>) dst(%arg13 : memref<2000xi32, #tpu.memory_space<vmem>>)
      %dma_start3A_62 = arith.constant 0 : i32
      %dma_start3A_63 = arith.constant 0 : i32
      %dma_start3A_64 = tpu.memref_slice %arg4[%dma_start3A_62, %dma_start3A_63] : memref<100000x16xf32, #tpu.memory_space<hbm>> -> memref<100000x16xf32, #tpu.memory_space<hbm>>
      tpu.enqueue_indirect_dma source(%dma_start3A_64 : memref<100000x16xf32, #tpu.memory_space<hbm>>) target(%arg16 : memref<2000x16xf32, #tpu.memory_space<vmem>>) offsets(%arg12 : memref<2000xi32, #tpu.memory_space<vmem>>) semaphore(%arg21 : memref<!tpu.dma_semaphore, #tpu.memory_space<semaphore_mem>>)
      %gt3A = arith.constant 0 : i32
      %gt3A_65 = arith.cmpi sgt, %scan3A_51, %gt3A : i32
      %convert_element_type3A = arith.extui %gt3A_65 : i1 to i32
      %cond3A = arith.constant 0 : i32
      %cond3A_66 = arith.cmpi ne, %convert_element_type3A, %cond3A : i32
      scf.if %cond3A_66 {
        %dma_wait3A_115 = arith.constant 0 : i32
        %dma_wait3A_116 = arith.constant 0 : i32
        %dma_wait3A_117 = tpu.memref_slice %arg10[%dma_wait3A_115, %dma_wait3A_116] : memref<50048x16xf32, #tpu.memory_space<vmem_shared>> -> memref<50048x16xf32, #tpu.memory_space<vmem_shared>>
        tpu.wait_indirect_dma semaphore(%arg22 : memref<!tpu.dma_semaphore, #tpu.memory_space<semaphore_mem>>) src(%arg17 : memref<2000x16xf32, #tpu.memory_space<vmem>>) dst(%dma_wait3A_117 : memref<50048x16xf32, #tpu.memory_space<vmem_shared>>)
        %dma_wait3A_118 = arith.constant 0 : i32
        %dma_wait3A_119 = tpu.memref_slice %arg11[%dma_wait3A_118] : memref<50048xf32, #tpu.memory_space<vmem_shared>> -> memref<50048xf32, #tpu.memory_space<vmem_shared>>
        tpu.wait_indirect_dma semaphore(%arg22 : memref<!tpu.dma_semaphore, #tpu.memory_space<semaphore_mem>>) src(%arg18 : memref<2000xf32, #tpu.memory_space<vmem>>) dst(%dma_wait3A_119 : memref<50048xf32, #tpu.memory_space<vmem_shared>>)
      } else {
      }
      %add3A_67 = arith.constant 1 : i32
      %add3A_68 = arith.addi %mul3A_53, %add3A_67 : i32
      %mul3A_69 = arith.constant 100000 : i32
      %mul3A_70 = arith.muli %add3A, %mul3A_69 : i32
      %mul3A_71 = arith.constant 2000 : i32
      %mul3A_72 = arith.muli %add3A_68, %mul3A_71 : i32
      %add3A_73 = arith.addi %mul3A_70, %mul3A_72 : i32
      %multiple_of3A_74 = tpu.assume_multiple %add3A_73, 8 : i32
      %dma_start3A_75 = tpu.memref_slice %arg2[%multiple_of3A_74] : memref<3200000xi32, #tpu.memory_space<hbm>> -> memref<2000xi32, #tpu.memory_space<hbm>>
      %dma_start3A_76 = tpu.memref_slice %arg2[%multiple_of3A_74] : memref<3200000xi32, #tpu.memory_space<hbm>> -> memref<2000xi32, #tpu.memory_space<hbm>>
      tpu.enqueue_dma source(%dma_start3A_76 : memref<2000xi32, #tpu.memory_space<hbm>>) target(%arg14 : memref<2000xi32, #tpu.memory_space<vmem>>) target_semaphore(%arg20 : memref<!tpu.dma_semaphore, #tpu.memory_space<semaphore_mem>>)
      %dma_start3A_77 = tpu.memref_slice %arg3[%multiple_of3A_74] : memref<3200000xi32, #tpu.memory_space<hbm>> -> memref<2000xi32, #tpu.memory_space<hbm>>
      %dma_start3A_78 = tpu.memref_slice %arg3[%multiple_of3A_74] : memref<3200000xi32, #tpu.memory_space<hbm>> -> memref<2000xi32, #tpu.memory_space<hbm>>
      tpu.enqueue_dma source(%dma_start3A_78 : memref<2000xi32, #tpu.memory_space<hbm>>) target(%arg15 : memref<2000xi32, #tpu.memory_space<vmem>>) target_semaphore(%arg20 : memref<!tpu.dma_semaphore, #tpu.memory_space<semaphore_mem>>)
      %dma_wait3A_79 = arith.constant 0 : i32
      %dma_wait3A_80 = arith.constant 0 : i32
      %dma_wait3A_81 = tpu.memref_slice %arg4[%dma_wait3A_79, %dma_wait3A_80] : memref<100000x16xf32, #tpu.memory_space<hbm>> -> memref<100000x16xf32, #tpu.memory_space<hbm>>
      tpu.wait_indirect_dma semaphore(%arg21 : memref<!tpu.dma_semaphore, #tpu.memory_space<semaphore_mem>>) src(%dma_wait3A_81 : memref<100000x16xf32, #tpu.memory_space<hbm>>) dst(%arg16 : memref<2000x16xf32, #tpu.memory_space<vmem>>)
      %dma_start3A_82 = arith.constant 0 : i32
      %dma_start3A_83 = arith.constant 0 : i32
      %dma_start3A_84 = tpu.memref_slice %arg10[%dma_start3A_82, %dma_start3A_83] : memref<50048x16xf32, #tpu.memory_space<vmem_shared>> -> memref<50048x16xf32, #tpu.memory_space<vmem_shared>>
      tpu.enqueue_indirect_dma source(%arg16 : memref<2000x16xf32, #tpu.memory_space<vmem>>) target(%dma_start3A_84 : memref<50048x16xf32, #tpu.memory_space<vmem_shared>>) offsets(%arg13 : memref<2000xi32, #tpu.memory_space<vmem>>) semaphore(%arg22 : memref<!tpu.dma_semaphore, #tpu.memory_space<semaphore_mem>>) {add = true}
      %dma_start3A_85 = arith.constant 0 : i32
      %dma_start3A_86 = tpu.memref_slice %arg11[%dma_start3A_85] : memref<50048xf32, #tpu.memory_space<vmem_shared>> -> memref<50048xf32, #tpu.memory_space<vmem_shared>>
      tpu.enqueue_indirect_dma source(%arg18 : memref<2000xf32, #tpu.memory_space<vmem>>) target(%dma_start3A_86 : memref<50048xf32, #tpu.memory_space<vmem_shared>>) offsets(%arg13 : memref<2000xi32, #tpu.memory_space<vmem>>) semaphore(%arg22 : memref<!tpu.dma_semaphore, #tpu.memory_space<semaphore_mem>>) {add = true}
      %dma_wait3A_87 = arith.constant 0 : i32
      %dma_wait3A_88 = tpu.memref_slice %arg2[%dma_wait3A_87] : memref<3200000xi32, #tpu.memory_space<hbm>> -> memref<2000xi32, #tpu.memory_space<hbm>>
      %dma_wait3A_89 = arith.constant 0 : i32
      %dma_wait3A_90 = tpu.memref_slice %arg2[%dma_wait3A_89] : memref<3200000xi32, #tpu.memory_space<hbm>> -> memref<2000xi32, #tpu.memory_space<hbm>>
      tpu.wait_dma2 semaphore(%arg20 : memref<!tpu.dma_semaphore, #tpu.memory_space<semaphore_mem>>) src(%dma_wait3A_90 : memref<2000xi32, #tpu.memory_space<hbm>>) dst(%arg14 : memref<2000xi32, #tpu.memory_space<vmem>>)
      %dma_wait3A_91 = arith.constant 0 : i32
      %dma_wait3A_92 = tpu.memref_slice %arg3[%dma_wait3A_91] : memref<3200000xi32, #tpu.memory_space<hbm>> -> memref<2000xi32, #tpu.memory_space<hbm>>
      %dma_wait3A_93 = arith.constant 0 : i32
      %dma_wait3A_94 = tpu.memref_slice %arg3[%dma_wait3A_93] : memref<3200000xi32, #tpu.memory_space<hbm>> -> memref<2000xi32, #tpu.memory_space<hbm>>
      tpu.wait_dma2 semaphore(%arg20 : memref<!tpu.dma_semaphore, #tpu.memory_space<semaphore_mem>>) src(%dma_wait3A_94 : memref<2000xi32, #tpu.memory_space<hbm>>) dst(%arg15 : memref<2000xi32, #tpu.memory_space<vmem>>)
      %dma_start3A_95 = arith.constant 0 : i32
      %dma_start3A_96 = arith.constant 0 : i32
      %dma_start3A_97 = tpu.memref_slice %arg4[%dma_start3A_95, %dma_start3A_96] : memref<100000x16xf32, #tpu.memory_space<hbm>> -> memref<100000x16xf32, #tpu.memory_space<hbm>>
      tpu.enqueue_indirect_dma source(%dma_start3A_97 : memref<100000x16xf32, #tpu.memory_space<hbm>>) target(%arg17 : memref<2000x16xf32, #tpu.memory_space<vmem>>) offsets(%arg14 : memref<2000xi32, #tpu.memory_space<vmem>>) semaphore(%arg21 : memref<!tpu.dma_semaphore, #tpu.memory_space<semaphore_mem>>)
      %dma_wait3A_98 = arith.constant 0 : i32
      %dma_wait3A_99 = arith.constant 0 : i32
      %dma_wait3A_100 = tpu.memref_slice %arg10[%dma_wait3A_98, %dma_wait3A_99] : memref<50048x16xf32, #tpu.memory_space<vmem_shared>> -> memref<50048x16xf32, #tpu.memory_space<vmem_shared>>
      tpu.wait_indirect_dma semaphore(%arg22 : memref<!tpu.dma_semaphore, #tpu.memory_space<semaphore_mem>>) src(%arg16 : memref<2000x16xf32, #tpu.memory_space<vmem>>) dst(%dma_wait3A_100 : memref<50048x16xf32, #tpu.memory_space<vmem_shared>>)
      %dma_wait3A_101 = arith.constant 0 : i32
      %dma_wait3A_102 = tpu.memref_slice %arg11[%dma_wait3A_101] : memref<50048xf32, #tpu.memory_space<vmem_shared>> -> memref<50048xf32, #tpu.memory_space<vmem_shared>>
      tpu.wait_indirect_dma semaphore(%arg22 : memref<!tpu.dma_semaphore, #tpu.memory_space<semaphore_mem>>) src(%arg18 : memref<2000xf32, #tpu.memory_space<vmem>>) dst(%dma_wait3A_102 : memref<50048xf32, #tpu.memory_space<vmem_shared>>)
      %lt3A = arith.constant 24 : i32
      %lt3A_103 = arith.cmpi slt, %scan3A_51, %lt3A : i32
      %convert_element_type3A_104 = arith.extui %lt3A_103 : i1 to i32
      %cond3A_105 = arith.constant 0 : i32
      %cond3A_106 = arith.cmpi ne, %convert_element_type3A_104, %cond3A_105 : i32
      scf.if %cond3A_106 {
        %add3A_115 = arith.constant 2 : i32
        %add3A_116 = arith.addi %mul3A_53, %add3A_115 : i32
        %mul3A_117 = arith.constant 100000 : i32
        %mul3A_118 = arith.muli %add3A, %mul3A_117 : i32
        %mul3A_119 = arith.constant 2000 : i32
        %mul3A_120 = arith.muli %add3A_116, %mul3A_119 : i32
        %add3A_121 = arith.addi %mul3A_118, %mul3A_120 : i32
        %multiple_of3A_122 = tpu.assume_multiple %add3A_121, 8 : i32
        %dma_start3A_123 = tpu.memref_slice %arg2[%multiple_of3A_122] : memref<3200000xi32, #tpu.memory_space<hbm>> -> memref<2000xi32, #tpu.memory_space<hbm>>
        %dma_start3A_124 = tpu.memref_slice %arg2[%multiple_of3A_122] : memref<3200000xi32, #tpu.memory_space<hbm>> -> memref<2000xi32, #tpu.memory_space<hbm>>
        tpu.enqueue_dma source(%dma_start3A_124 : memref<2000xi32, #tpu.memory_space<hbm>>) target(%arg12 : memref<2000xi32, #tpu.memory_space<vmem>>) target_semaphore(%arg20 : memref<!tpu.dma_semaphore, #tpu.memory_space<semaphore_mem>>)
        %dma_start3A_125 = tpu.memref_slice %arg3[%multiple_of3A_122] : memref<3200000xi32, #tpu.memory_space<hbm>> -> memref<2000xi32, #tpu.memory_space<hbm>>
        %dma_start3A_126 = tpu.memref_slice %arg3[%multiple_of3A_122] : memref<3200000xi32, #tpu.memory_space<hbm>> -> memref<2000xi32, #tpu.memory_space<hbm>>
        tpu.enqueue_dma source(%dma_start3A_126 : memref<2000xi32, #tpu.memory_space<hbm>>) target(%arg13 : memref<2000xi32, #tpu.memory_space<vmem>>) target_semaphore(%arg20 : memref<!tpu.dma_semaphore, #tpu.memory_space<semaphore_mem>>)
      } else {
      }
      %dma_wait3A_107 = arith.constant 0 : i32
      %dma_wait3A_108 = arith.constant 0 : i32
      %dma_wait3A_109 = tpu.memref_slice %arg4[%dma_wait3A_107, %dma_wait3A_108] : memref<100000x16xf32, #tpu.memory_space<hbm>> -> memref<100000x16xf32, #tpu.memory_space<hbm>>
      tpu.wait_indirect_dma semaphore(%arg21 : memref<!tpu.dma_semaphore, #tpu.memory_space<semaphore_mem>>) src(%dma_wait3A_109 : memref<100000x16xf32, #tpu.memory_space<hbm>>) dst(%arg17 : memref<2000x16xf32, #tpu.memory_space<vmem>>)
      %dma_start3A_110 = arith.constant 0 : i32
      %dma_start3A_111 = arith.constant 0 : i32
      %dma_start3A_112 = tpu.memref_slice %arg10[%dma_start3A_110, %dma_start3A_111] : memref<50048x16xf32, #tpu.memory_space<vmem_shared>> -> memref<50048x16xf32, #tpu.memory_space<vmem_shared>>
      tpu.enqueue_indirect_dma source(%arg17 : memref<2000x16xf32, #tpu.memory_space<vmem>>) target(%dma_start3A_112 : memref<50048x16xf32, #tpu.memory_space<vmem_shared>>) offsets(%arg15 : memref<2000xi32, #tpu.memory_space<vmem>>) semaphore(%arg22 : memref<!tpu.dma_semaphore, #tpu.memory_space<semaphore_mem>>) {add = true}
      %dma_start3A_113 = arith.constant 0 : i32
      %dma_start3A_114 = tpu.memref_slice %arg11[%dma_start3A_113] : memref<50048xf32, #tpu.memory_space<vmem_shared>> -> memref<50048xf32, #tpu.memory_space<vmem_shared>>
      tpu.enqueue_indirect_dma source(%arg18 : memref<2000xf32, #tpu.memory_space<vmem>>) target(%dma_start3A_114 : memref<50048xf32, #tpu.memory_space<vmem_shared>>) offsets(%arg15 : memref<2000xi32, #tpu.memory_space<vmem>>) semaphore(%arg22 : memref<!tpu.dma_semaphore, #tpu.memory_space<semaphore_mem>>) {add = true}
    }
    %scan3A_20 = arith.constant 25 : i32
    %dma_wait3A = arith.constant 0 : i32
    %dma_wait3A_21 = arith.constant 0 : i32
    %dma_wait3A_22 = tpu.memref_slice %arg10[%dma_wait3A, %dma_wait3A_21] : memref<50048x16xf32, #tpu.memory_space<vmem_shared>> -> memref<50048x16xf32, #tpu.memory_space<vmem_shared>>
    tpu.wait_indirect_dma semaphore(%arg22 : memref<!tpu.dma_semaphore, #tpu.memory_space<semaphore_mem>>) src(%arg17 : memref<2000x16xf32, #tpu.memory_space<vmem>>) dst(%dma_wait3A_22 : memref<50048x16xf32, #tpu.memory_space<vmem_shared>>)
    %dma_wait3A_23 = arith.constant 0 : i32
    %dma_wait3A_24 = tpu.memref_slice %arg11[%dma_wait3A_23] : memref<50048xf32, #tpu.memory_space<vmem_shared>> -> memref<50048xf32, #tpu.memory_space<vmem_shared>>
    tpu.wait_indirect_dma semaphore(%arg22 : memref<!tpu.dma_semaphore, #tpu.memory_space<semaphore_mem>>) src(%arg18 : memref<2000xf32, #tpu.memory_space<vmem>>) dst(%dma_wait3A_24 : memref<50048xf32, #tpu.memory_space<vmem_shared>>)
    %barrier3A_25 = arith.constant 0 : index
    tpu.barrier barrier_id(%barrier3A_25)
    %mul3A_26 = arith.constant 3128 : i32
    %mul3A_27 = arith.muli %arg1, %mul3A_26 : i32
    "tpu.region"() ({
      %run_scoped3A = tpu.sem_alloc : memref<!tpu.dma_semaphore, #tpu.memory_space<semaphore_mem>>
      %dma_start3A_51 = arith.constant 0 : i32
      %dma_start3A_52 = tpu.memref_slice %arg10[%mul3A_27, %dma_start3A_51] : memref<50048x16xf32, #tpu.memory_space<vmem_shared>> -> memref<2000x16xf32, #tpu.memory_space<vmem_shared>>
      %dma_start3A_53 = arith.constant 0 : i32
      %dma_start3A_54 = tpu.memref_slice %arg10[%mul3A_27, %dma_start3A_53] : memref<50048x16xf32, #tpu.memory_space<vmem_shared>> -> memref<2000x16xf32, #tpu.memory_space<vmem_shared>>
      tpu.enqueue_dma source(%dma_start3A_54 : memref<2000x16xf32, #tpu.memory_space<vmem_shared>>) target(%arg16 : memref<2000x16xf32, #tpu.memory_space<vmem>>) target_semaphore(%run_scoped3A : memref<!tpu.dma_semaphore, #tpu.memory_space<semaphore_mem>>)
      %dma_wait3A_55 = arith.constant 0 : i32
      %dma_wait3A_56 = tpu.memref_slice %arg10[%mul3A_27, %dma_wait3A_55] : memref<50048x16xf32, #tpu.memory_space<vmem_shared>> -> memref<2000x16xf32, #tpu.memory_space<vmem_shared>>
      %dma_wait3A_57 = arith.constant 0 : i32
      %dma_wait3A_58 = tpu.memref_slice %arg10[%mul3A_27, %dma_wait3A_57] : memref<50048x16xf32, #tpu.memory_space<vmem_shared>> -> memref<2000x16xf32, #tpu.memory_space<vmem_shared>>
      tpu.wait_dma2 semaphore(%run_scoped3A : memref<!tpu.dma_semaphore, #tpu.memory_space<semaphore_mem>>) src(%dma_wait3A_58 : memref<2000x16xf32, #tpu.memory_space<vmem_shared>>) dst(%arg16 : memref<2000x16xf32, #tpu.memory_space<vmem>>)
      tpu.yield
    }) : () -> ()
    %mul3A_28 = arith.constant 50048 : i32
    %mul3A_29 = arith.muli %arg0, %mul3A_28 : i32
    %mul3A_30 = arith.constant 3128 : i32
    %mul3A_31 = arith.muli %arg1, %mul3A_30 : i32
    %add3A_32 = arith.addi %mul3A_29, %mul3A_31 : i32
    "tpu.region"() ({
      %run_scoped3A = tpu.sem_alloc : memref<!tpu.dma_semaphore, #tpu.memory_space<semaphore_mem>>
      %dma_start3A_51 = arith.constant 0 : i32
      %dma_start3A_52 = tpu.memref_slice %arg8[%add3A_32, %dma_start3A_51] : memref<100096x16xf32, #tpu.memory_space<hbm>> -> memref<2000x16xf32, #tpu.memory_space<hbm>>
      %dma_start3A_53 = arith.constant 0 : i32
      %dma_start3A_54 = tpu.memref_slice %arg8[%add3A_32, %dma_start3A_53] : memref<100096x16xf32, #tpu.memory_space<hbm>> -> memref<2000x16xf32, #tpu.memory_space<hbm>>
      tpu.enqueue_dma source(%arg16 : memref<2000x16xf32, #tpu.memory_space<vmem>>) target(%dma_start3A_54 : memref<2000x16xf32, #tpu.memory_space<hbm>>) target_semaphore(%run_scoped3A : memref<!tpu.dma_semaphore, #tpu.memory_space<semaphore_mem>>)
      %dma_wait3A_55 = arith.constant 0 : i32
      %dma_wait3A_56 = tpu.memref_slice %arg8[%add3A_32, %dma_wait3A_55] : memref<100096x16xf32, #tpu.memory_space<hbm>> -> memref<2000x16xf32, #tpu.memory_space<hbm>>
      %dma_wait3A_57 = arith.constant 0 : i32
      %dma_wait3A_58 = tpu.memref_slice %arg8[%add3A_32, %dma_wait3A_57] : memref<100096x16xf32, #tpu.memory_space<hbm>> -> memref<2000x16xf32, #tpu.memory_space<hbm>>
      tpu.wait_dma2 semaphore(%run_scoped3A : memref<!tpu.dma_semaphore, #tpu.memory_space<semaphore_mem>>) src(%arg16 : memref<2000x16xf32, #tpu.memory_space<vmem>>) dst(%dma_wait3A_58 : memref<2000x16xf32, #tpu.memory_space<hbm>>)
      tpu.yield
    }) : () -> ()
    %mul3A_33 = arith.constant 3128 : i32
    %mul3A_34 = arith.muli %arg1, %mul3A_33 : i32
    %add3A_35 = arith.constant 2000 : i32
    %add3A_36 = arith.addi %mul3A_34, %add3A_35 : i32
    "tpu.region"() ({
      %run_scoped3A = tpu.sem_alloc : memref<!tpu.dma_semaphore, #tpu.memory_space<semaphore_mem>>
      %dma_start3A_51 = arith.constant 0 : i32
      %dma_start3A_52 = arith.constant 0 : i32
      %dma_start3A_53 = tpu.memref_slice %arg16[%dma_start3A_51, %dma_start3A_52] : memref<2000x16xf32, #tpu.memory_space<vmem>> -> memref<1128x16xf32, #tpu.memory_space<vmem>>
      %dma_start3A_54 = arith.constant 0 : i32
      %dma_start3A_55 = tpu.memref_slice %arg10[%add3A_36, %dma_start3A_54] : memref<50048x16xf32, #tpu.memory_space<vmem_shared>> -> memref<1128x16xf32, #tpu.memory_space<vmem_shared>>
      %dma_start3A_56 = arith.constant 0 : i32
      %dma_start3A_57 = arith.constant 0 : i32
      %dma_start3A_58 = tpu.memref_slice %arg16[%dma_start3A_56, %dma_start3A_57] : memref<2000x16xf32, #tpu.memory_space<vmem>> -> memref<1128x16xf32, #tpu.memory_space<vmem>>
      %dma_start3A_59 = arith.constant 0 : i32
      %dma_start3A_60 = tpu.memref_slice %arg10[%add3A_36, %dma_start3A_59] : memref<50048x16xf32, #tpu.memory_space<vmem_shared>> -> memref<1128x16xf32, #tpu.memory_space<vmem_shared>>
      tpu.enqueue_dma source(%dma_start3A_60 : memref<1128x16xf32, #tpu.memory_space<vmem_shared>>) target(%dma_start3A_58 : memref<1128x16xf32, #tpu.memory_space<vmem>>) target_semaphore(%run_scoped3A : memref<!tpu.dma_semaphore, #tpu.memory_space<semaphore_mem>>)
      %dma_wait3A_61 = arith.constant 0 : i32
      %dma_wait3A_62 = arith.constant 0 : i32
      %dma_wait3A_63 = tpu.memref_slice %arg16[%dma_wait3A_61, %dma_wait3A_62] : memref<2000x16xf32, #tpu.memory_space<vmem>> -> memref<1128x16xf32, #tpu.memory_space<vmem>>
      %dma_wait3A_64 = arith.constant 0 : i32
      %dma_wait3A_65 = tpu.memref_slice %arg10[%add3A_36, %dma_wait3A_64] : memref<50048x16xf32, #tpu.memory_space<vmem_shared>> -> memref<1128x16xf32, #tpu.memory_space<vmem_shared>>
      %dma_wait3A_66 = arith.constant 0 : i32
      %dma_wait3A_67 = arith.constant 0 : i32
      %dma_wait3A_68 = tpu.memref_slice %arg16[%dma_wait3A_66, %dma_wait3A_67] : memref<2000x16xf32, #tpu.memory_space<vmem>> -> memref<1128x16xf32, #tpu.memory_space<vmem>>
      %dma_wait3A_69 = arith.constant 0 : i32
      %dma_wait3A_70 = tpu.memref_slice %arg10[%add3A_36, %dma_wait3A_69] : memref<50048x16xf32, #tpu.memory_space<vmem_shared>> -> memref<1128x16xf32, #tpu.memory_space<vmem_shared>>
      tpu.wait_dma2 semaphore(%run_scoped3A : memref<!tpu.dma_semaphore, #tpu.memory_space<semaphore_mem>>) src(%dma_wait3A_70 : memref<1128x16xf32, #tpu.memory_space<vmem_shared>>) dst(%dma_wait3A_68 : memref<1128x16xf32, #tpu.memory_space<vmem>>)
      tpu.yield
    }) : () -> ()
    %mul3A_37 = arith.constant 50048 : i32
    %mul3A_38 = arith.muli %arg0, %mul3A_37 : i32
    %mul3A_39 = arith.constant 3128 : i32
    %mul3A_40 = arith.muli %arg1, %mul3A_39 : i32
    %add3A_41 = arith.addi %mul3A_38, %mul3A_40 : i32
    %add3A_42 = arith.constant 2000 : i32
    %add3A_43 = arith.addi %add3A_41, %add3A_42 : i32
    "tpu.region"() ({
      %run_scoped3A = tpu.sem_alloc : memref<!tpu.dma_semaphore, #tpu.memory_space<semaphore_mem>>
      %dma_start3A_51 = arith.constant 0 : i32
      %dma_start3A_52 = arith.constant 0 : i32
      %dma_start3A_53 = tpu.memref_slice %arg16[%dma_start3A_51, %dma_start3A_52] : memref<2000x16xf32, #tpu.memory_space<vmem>> -> memref<1128x16xf32, #tpu.memory_space<vmem>>
      %dma_start3A_54 = arith.constant 0 : i32
      %dma_start3A_55 = tpu.memref_slice %arg8[%add3A_43, %dma_start3A_54] : memref<100096x16xf32, #tpu.memory_space<hbm>> -> memref<1128x16xf32, #tpu.memory_space<hbm>>
      %dma_start3A_56 = arith.constant 0 : i32
      %dma_start3A_57 = tpu.memref_slice %arg8[%add3A_43, %dma_start3A_56] : memref<100096x16xf32, #tpu.memory_space<hbm>> -> memref<1128x16xf32, #tpu.memory_space<hbm>>
      %dma_start3A_58 = arith.constant 0 : i32
      %dma_start3A_59 = arith.constant 0 : i32
      %dma_start3A_60 = tpu.memref_slice %arg16[%dma_start3A_58, %dma_start3A_59] : memref<2000x16xf32, #tpu.memory_space<vmem>> -> memref<1128x16xf32, #tpu.memory_space<vmem>>
      tpu.enqueue_dma source(%dma_start3A_60 : memref<1128x16xf32, #tpu.memory_space<vmem>>) target(%dma_start3A_57 : memref<1128x16xf32, #tpu.memory_space<hbm>>) target_semaphore(%run_scoped3A : memref<!tpu.dma_semaphore, #tpu.memory_space<semaphore_mem>>)
      %dma_wait3A_61 = arith.constant 0 : i32
      %dma_wait3A_62 = arith.constant 0 : i32
      %dma_wait3A_63 = tpu.memref_slice %arg16[%dma_wait3A_61, %dma_wait3A_62] : memref<2000x16xf32, #tpu.memory_space<vmem>> -> memref<1128x16xf32, #tpu.memory_space<vmem>>
      %dma_wait3A_64 = arith.constant 0 : i32
      %dma_wait3A_65 = tpu.memref_slice %arg8[%add3A_43, %dma_wait3A_64] : memref<100096x16xf32, #tpu.memory_space<hbm>> -> memref<1128x16xf32, #tpu.memory_space<hbm>>
      %dma_wait3A_66 = arith.constant 0 : i32
      %dma_wait3A_67 = tpu.memref_slice %arg8[%add3A_43, %dma_wait3A_66] : memref<100096x16xf32, #tpu.memory_space<hbm>> -> memref<1128x16xf32, #tpu.memory_space<hbm>>
      %dma_wait3A_68 = arith.constant 0 : i32
      %dma_wait3A_69 = arith.constant 0 : i32
      %dma_wait3A_70 = tpu.memref_slice %arg16[%dma_wait3A_68, %dma_wait3A_69] : memref<2000x16xf32, #tpu.memory_space<vmem>> -> memref<1128x16xf32, #tpu.memory_space<vmem>>
      tpu.wait_dma2 semaphore(%run_scoped3A : memref<!tpu.dma_semaphore, #tpu.memory_space<semaphore_mem>>) src(%dma_wait3A_70 : memref<1128x16xf32, #tpu.memory_space<vmem>>) dst(%dma_wait3A_67 : memref<1128x16xf32, #tpu.memory_space<hbm>>)
      tpu.yield
    }) : () -> ()
    %mul3A_44 = arith.constant 3128 : i32
    %mul3A_45 = arith.muli %arg1, %mul3A_44 : i32
    "tpu.region"() ({
      %run_scoped3A = tpu.sem_alloc : memref<!tpu.dma_semaphore, #tpu.memory_space<semaphore_mem>>
      %dma_start3A_51 = tpu.memref_slice %arg11[%mul3A_45] : memref<50048xf32, #tpu.memory_space<vmem_shared>> -> memref<3128xf32, #tpu.memory_space<vmem_shared>>
      %dma_start3A_52 = tpu.memref_slice %arg11[%mul3A_45] : memref<50048xf32, #tpu.memory_space<vmem_shared>> -> memref<3128xf32, #tpu.memory_space<vmem_shared>>
      tpu.enqueue_dma source(%dma_start3A_52 : memref<3128xf32, #tpu.memory_space<vmem_shared>>) target(%arg19 : memref<3128xf32, #tpu.memory_space<vmem>>) target_semaphore(%run_scoped3A : memref<!tpu.dma_semaphore, #tpu.memory_space<semaphore_mem>>)
      %dma_wait3A_53 = tpu.memref_slice %arg11[%mul3A_45] : memref<50048xf32, #tpu.memory_space<vmem_shared>> -> memref<3128xf32, #tpu.memory_space<vmem_shared>>
      %dma_wait3A_54 = tpu.memref_slice %arg11[%mul3A_45] : memref<50048xf32, #tpu.memory_space<vmem_shared>> -> memref<3128xf32, #tpu.memory_space<vmem_shared>>
      tpu.wait_dma2 semaphore(%run_scoped3A : memref<!tpu.dma_semaphore, #tpu.memory_space<semaphore_mem>>) src(%dma_wait3A_54 : memref<3128xf32, #tpu.memory_space<vmem_shared>>) dst(%arg19 : memref<3128xf32, #tpu.memory_space<vmem>>)
      tpu.yield
    }) : () -> ()
    %mul3A_46 = arith.constant 50048 : i32
    %mul3A_47 = arith.muli %arg0, %mul3A_46 : i32
    %mul3A_48 = arith.constant 3128 : i32
    %mul3A_49 = arith.muli %arg1, %mul3A_48 : i32
    %add3A_50 = arith.addi %mul3A_47, %mul3A_49 : i32
    "tpu.region"() ({
      %run_scoped3A = tpu.sem_alloc : memref<!tpu.dma_semaphore, #tpu.memory_space<semaphore_mem>>
      %dma_start3A_51 = tpu.memref_slice %arg9[%add3A_50] : memref<100096xf32, #tpu.memory_space<hbm>> -> memref<3128xf32, #tpu.memory_space<hbm>>
      %dma_start3A_52 = tpu.memref_slice %arg9[%add3A_50] : memref<100096xf32, #tpu.memory_space<hbm>> -> memref<3128xf32, #tpu.memory_space<hbm>>
      tpu.enqueue_dma source(%arg19 : memref<3128xf32, #tpu.memory_space<vmem>>) target(%dma_start3A_52 : memref<3128xf32, #tpu.memory_space<hbm>>) target_semaphore(%run_scoped3A : memref<!tpu.dma_semaphore, #tpu.memory_space<semaphore_mem>>)
      %dma_wait3A_53 = tpu.memref_slice %arg9[%add3A_50] : memref<100096xf32, #tpu.memory_space<hbm>> -> memref<3128xf32, #tpu.memory_space<hbm>>
      %dma_wait3A_54 = tpu.memref_slice %arg9[%add3A_50] : memref<100096xf32, #tpu.memory_space<hbm>> -> memref<3128xf32, #tpu.memory_space<hbm>>
      tpu.wait_dma2 semaphore(%run_scoped3A : memref<!tpu.dma_semaphore, #tpu.memory_space<semaphore_mem>>) src(%arg19 : memref<3128xf32, #tpu.memory_space<vmem>>) dst(%dma_wait3A_54 : memref<3128xf32, #tpu.memory_space<hbm>>)
      tpu.yield
    }) : () -> ()
    return
  }
}

#map = affine_map<(d0, d1) -> (0)>
module attributes {stable_mosaic.version = 14 : i64} {
  func.func @_sc_deg_src(%arg0: i32, %arg1: i32, %arg2: memref<3200000xi32, #tpu.memory_space<hbm>>, %arg3: memref<160000xi32, #tpu.memory_space<hbm>>, %arg4: memref<100096xf32, #tpu.memory_space<hbm>>, %arg5: memref<10000xf32, #tpu.memory_space<hbm>>, %arg6: memref<200192xf32, #tpu.memory_space<hbm>>, %arg7: memref<20224xf32, #tpu.memory_space<hbm>>, %arg8: memref<100096xf32, #tpu.memory_space<vmem_shared>>, %arg9: memref<10112xf32, #tpu.memory_space<vmem_shared>>, %arg10: memref<10000xi32, #tpu.memory_space<vmem>>, %arg11: memref<10000xi32, #tpu.memory_space<vmem>>, %arg12: memref<2500xi32, #tpu.memory_space<vmem>>, %arg13: memref<10000xf32, #tpu.memory_space<vmem>>, %arg14: memref<2500xf32, #tpu.memory_space<vmem>>, %arg15: memref<6256xf32, #tpu.memory_space<vmem>>, %arg16: memref<!tpu.dma_semaphore, #tpu.memory_space<semaphore_mem>>, %arg17: memref<!tpu.dma_semaphore, #tpu.memory_space<semaphore_mem>>) attributes {dimension_semantics = [#tpu.dimension_semantics<core_parallel>, #tpu.dimension_semantics<subcore_parallel>], iteration_bounds = array<i64: 2, 16>, scalar_prefetch = 0 : i64, scratch_operands = 10 : i64, tpu.core_type = #tpu.core_type<sc_vector_subcore>, window_params = [{transform_indices = #map}, {transform_indices = #map}, {transform_indices = #map}, {transform_indices = #map}, {transform_indices = #map}, {transform_indices = #map}]} {
    %mul3A = arith.constant 16 : i32
    %mul3A_0 = arith.muli %arg0, %mul3A : i32
    %add3A = arith.addi %mul3A_0, %arg1 : i32
    "tpu.region"() ({
      %run_scoped3A = tpu.sem_alloc : memref<!tpu.dma_semaphore, #tpu.memory_space<semaphore_mem>>
      %dma_start3A_37 = arith.constant 0 : i32
      %dma_start3A_38 = tpu.memref_slice %arg4[%dma_start3A_37] : memref<100096xf32, #tpu.memory_space<hbm>> -> memref<6256xf32, #tpu.memory_space<hbm>>
      %dma_start3A_39 = arith.constant 0 : i32
      %dma_start3A_40 = tpu.memref_slice %arg4[%dma_start3A_39] : memref<100096xf32, #tpu.memory_space<hbm>> -> memref<6256xf32, #tpu.memory_space<hbm>>
      tpu.enqueue_dma source(%dma_start3A_40 : memref<6256xf32, #tpu.memory_space<hbm>>) target(%arg15 : memref<6256xf32, #tpu.memory_space<vmem>>) target_semaphore(%run_scoped3A : memref<!tpu.dma_semaphore, #tpu.memory_space<semaphore_mem>>)
      %dma_wait3A_41 = arith.constant 0 : i32
      %dma_wait3A_42 = tpu.memref_slice %arg4[%dma_wait3A_41] : memref<100096xf32, #tpu.memory_space<hbm>> -> memref<6256xf32, #tpu.memory_space<hbm>>
      %dma_wait3A_43 = arith.constant 0 : i32
      %dma_wait3A_44 = tpu.memref_slice %arg4[%dma_wait3A_43] : memref<100096xf32, #tpu.memory_space<hbm>> -> memref<6256xf32, #tpu.memory_space<hbm>>
      tpu.wait_dma2 semaphore(%run_scoped3A : memref<!tpu.dma_semaphore, #tpu.memory_space<semaphore_mem>>) src(%dma_wait3A_44 : memref<6256xf32, #tpu.memory_space<hbm>>) dst(%arg15 : memref<6256xf32, #tpu.memory_space<vmem>>)
      tpu.yield
    }) : () -> ()
    %mul3A_1 = arith.constant 6256 : i32
    %mul3A_2 = arith.muli %arg1, %mul3A_1 : i32
    "tpu.region"() ({
      %run_scoped3A = tpu.sem_alloc : memref<!tpu.dma_semaphore, #tpu.memory_space<semaphore_mem>>
      %dma_start3A_37 = tpu.memref_slice %arg8[%mul3A_2] : memref<100096xf32, #tpu.memory_space<vmem_shared>> -> memref<6256xf32, #tpu.memory_space<vmem_shared>>
      %dma_start3A_38 = tpu.memref_slice %arg8[%mul3A_2] : memref<100096xf32, #tpu.memory_space<vmem_shared>> -> memref<6256xf32, #tpu.memory_space<vmem_shared>>
      tpu.enqueue_dma source(%arg15 : memref<6256xf32, #tpu.memory_space<vmem>>) target(%dma_start3A_38 : memref<6256xf32, #tpu.memory_space<vmem_shared>>) target_semaphore(%run_scoped3A : memref<!tpu.dma_semaphore, #tpu.memory_space<semaphore_mem>>)
      %dma_wait3A_39 = tpu.memref_slice %arg8[%mul3A_2] : memref<100096xf32, #tpu.memory_space<vmem_shared>> -> memref<6256xf32, #tpu.memory_space<vmem_shared>>
      %dma_wait3A_40 = tpu.memref_slice %arg8[%mul3A_2] : memref<100096xf32, #tpu.memory_space<vmem_shared>> -> memref<6256xf32, #tpu.memory_space<vmem_shared>>
      tpu.wait_dma2 semaphore(%run_scoped3A : memref<!tpu.dma_semaphore, #tpu.memory_space<semaphore_mem>>) src(%arg15 : memref<6256xf32, #tpu.memory_space<vmem>>) dst(%dma_wait3A_40 : memref<6256xf32, #tpu.memory_space<vmem_shared>>)
      tpu.yield
    }) : () -> ()
    %mul3A_3 = arith.constant 632 : i32
    %mul3A_4 = arith.muli %arg1, %mul3A_3 : i32
    "tpu.region"() ({
      %run_scoped3A = tpu.sem_alloc : memref<!tpu.dma_semaphore, #tpu.memory_space<semaphore_mem>>
      %dma_start3A_37 = arith.constant 0 : i32
      %dma_start3A_38 = tpu.memref_slice %arg15[%dma_start3A_37] : memref<6256xf32, #tpu.memory_space<vmem>> -> memref<632xf32, #tpu.memory_space<vmem>>
      %dma_start3A_39 = tpu.memref_slice %arg9[%mul3A_4] : memref<10112xf32, #tpu.memory_space<vmem_shared>> -> memref<632xf32, #tpu.memory_space<vmem_shared>>
      %dma_start3A_40 = tpu.memref_slice %arg9[%mul3A_4] : memref<10112xf32, #tpu.memory_space<vmem_shared>> -> memref<632xf32, #tpu.memory_space<vmem_shared>>
      %dma_start3A_41 = arith.constant 0 : i32
      %dma_start3A_42 = tpu.memref_slice %arg15[%dma_start3A_41] : memref<6256xf32, #tpu.memory_space<vmem>> -> memref<632xf32, #tpu.memory_space<vmem>>
      tpu.enqueue_dma source(%dma_start3A_42 : memref<632xf32, #tpu.memory_space<vmem>>) target(%dma_start3A_40 : memref<632xf32, #tpu.memory_space<vmem_shared>>) target_semaphore(%run_scoped3A : memref<!tpu.dma_semaphore, #tpu.memory_space<semaphore_mem>>)
      %dma_wait3A_43 = arith.constant 0 : i32
      %dma_wait3A_44 = tpu.memref_slice %arg15[%dma_wait3A_43] : memref<6256xf32, #tpu.memory_space<vmem>> -> memref<632xf32, #tpu.memory_space<vmem>>
      %dma_wait3A_45 = tpu.memref_slice %arg9[%mul3A_4] : memref<10112xf32, #tpu.memory_space<vmem_shared>> -> memref<632xf32, #tpu.memory_space<vmem_shared>>
      %dma_wait3A_46 = tpu.memref_slice %arg9[%mul3A_4] : memref<10112xf32, #tpu.memory_space<vmem_shared>> -> memref<632xf32, #tpu.memory_space<vmem_shared>>
      %dma_wait3A_47 = arith.constant 0 : i32
      %dma_wait3A_48 = tpu.memref_slice %arg15[%dma_wait3A_47] : memref<6256xf32, #tpu.memory_space<vmem>> -> memref<632xf32, #tpu.memory_space<vmem>>
      tpu.wait_dma2 semaphore(%run_scoped3A : memref<!tpu.dma_semaphore, #tpu.memory_space<semaphore_mem>>) src(%dma_wait3A_48 : memref<632xf32, #tpu.memory_space<vmem>>) dst(%dma_wait3A_46 : memref<632xf32, #tpu.memory_space<vmem_shared>>)
      tpu.yield
    }) : () -> ()
    "tpu.region"() ({
      %run_scoped3A = tpu.sem_alloc : memref<!tpu.dma_semaphore, #tpu.memory_space<semaphore_mem>>
      tpu.enqueue_dma source(%arg5 : memref<10000xf32, #tpu.memory_space<hbm>>) target(%arg13 : memref<10000xf32, #tpu.memory_space<vmem>>) target_semaphore(%run_scoped3A : memref<!tpu.dma_semaphore, #tpu.memory_space<semaphore_mem>>)
      tpu.wait_dma2 semaphore(%run_scoped3A : memref<!tpu.dma_semaphore, #tpu.memory_space<semaphore_mem>>) src(%arg5 : memref<10000xf32, #tpu.memory_space<hbm>>) dst(%arg13 : memref<10000xf32, #tpu.memory_space<vmem>>)
      tpu.yield
    }) : () -> ()
    "tpu.region"() ({
      %run_scoped3A = tpu.sem_alloc : memref<!tpu.dma_semaphore, #tpu.memory_space<semaphore_mem>>
      %dma_start3A_37 = arith.constant 0 : i32
      %dma_start3A_38 = tpu.memref_slice %arg5[%dma_start3A_37] : memref<10000xf32, #tpu.memory_space<hbm>> -> memref<2500xf32, #tpu.memory_space<hbm>>
      %dma_start3A_39 = arith.constant 0 : i32
      %dma_start3A_40 = tpu.memref_slice %arg5[%dma_start3A_39] : memref<10000xf32, #tpu.memory_space<hbm>> -> memref<2500xf32, #tpu.memory_space<hbm>>
      tpu.enqueue_dma source(%dma_start3A_40 : memref<2500xf32, #tpu.memory_space<hbm>>) target(%arg14 : memref<2500xf32, #tpu.memory_space<vmem>>) target_semaphore(%run_scoped3A : memref<!tpu.dma_semaphore, #tpu.memory_space<semaphore_mem>>)
      %dma_wait3A_41 = arith.constant 0 : i32
      %dma_wait3A_42 = tpu.memref_slice %arg5[%dma_wait3A_41] : memref<10000xf32, #tpu.memory_space<hbm>> -> memref<2500xf32, #tpu.memory_space<hbm>>
      %dma_wait3A_43 = arith.constant 0 : i32
      %dma_wait3A_44 = tpu.memref_slice %arg5[%dma_wait3A_43] : memref<10000xf32, #tpu.memory_space<hbm>> -> memref<2500xf32, #tpu.memory_space<hbm>>
      tpu.wait_dma2 semaphore(%run_scoped3A : memref<!tpu.dma_semaphore, #tpu.memory_space<semaphore_mem>>) src(%dma_wait3A_44 : memref<2500xf32, #tpu.memory_space<hbm>>) dst(%arg14 : memref<2500xf32, #tpu.memory_space<vmem>>)
      tpu.yield
    }) : () -> ()
    %barrier3A = arith.constant 0 : index
    tpu.barrier barrier_id(%barrier3A)
    %mul3A_5 = arith.constant 100000 : i32
    %mul3A_6 = arith.muli %add3A, %mul3A_5 : i32
    %add3A_7 = arith.constant 0 : i32
    %add3A_8 = arith.addi %mul3A_6, %add3A_7 : i32
    %multiple_of3A = tpu.assume_multiple %add3A_8, 8 : i32
    %dma_start3A = tpu.memref_slice %arg2[%multiple_of3A] : memref<3200000xi32, #tpu.memory_space<hbm>> -> memref<10000xi32, #tpu.memory_space<hbm>>
    %dma_start3A_9 = tpu.memref_slice %arg2[%multiple_of3A] : memref<3200000xi32, #tpu.memory_space<hbm>> -> memref<10000xi32, #tpu.memory_space<hbm>>
    tpu.enqueue_dma source(%dma_start3A_9 : memref<10000xi32, #tpu.memory_space<hbm>>) target(%arg10 : memref<10000xi32, #tpu.memory_space<vmem>>) target_semaphore(%arg16 : memref<!tpu.dma_semaphore, #tpu.memory_space<semaphore_mem>>)
    %scan3A = arith.constant 0 : i32
    %scan3A_10 = arith.constant 0 : i32
    %scan3A_11 = arith.constant 5 : i32
    %scan3A_12 = arith.addi %scan3A_10, %scan3A_11 : i32
    %scan3A_13 = arith.constant 1 : i32
    scf.for %scan3A_37 = %scan3A_10 to %scan3A_12 step %scan3A_13  : i32 {
      %mul3A_38 = arith.constant 2 : i32
      %mul3A_39 = arith.muli %mul3A_38, %scan3A_37 : i32
      %dma_wait3A_40 = arith.constant 0 : i32
      %dma_wait3A_41 = tpu.memref_slice %arg2[%dma_wait3A_40] : memref<3200000xi32, #tpu.memory_space<hbm>> -> memref<10000xi32, #tpu.memory_space<hbm>>
      %dma_wait3A_42 = arith.constant 0 : i32
      %dma_wait3A_43 = tpu.memref_slice %arg2[%dma_wait3A_42] : memref<3200000xi32, #tpu.memory_space<hbm>> -> memref<10000xi32, #tpu.memory_space<hbm>>
      tpu.wait_dma2 semaphore(%arg16 : memref<!tpu.dma_semaphore, #tpu.memory_space<semaphore_mem>>) src(%dma_wait3A_43 : memref<10000xi32, #tpu.memory_space<hbm>>) dst(%arg10 : memref<10000xi32, #tpu.memory_space<vmem>>)
      %dma_start3A_44 = arith.constant 0 : i32
      %dma_start3A_45 = tpu.memref_slice %arg8[%dma_start3A_44] : memref<100096xf32, #tpu.memory_space<vmem_shared>> -> memref<100096xf32, #tpu.memory_space<vmem_shared>>
      tpu.enqueue_indirect_dma source(%arg13 : memref<10000xf32, #tpu.memory_space<vmem>>) target(%dma_start3A_45 : memref<100096xf32, #tpu.memory_space<vmem_shared>>) offsets(%arg10 : memref<10000xi32, #tpu.memory_space<vmem>>) semaphore(%arg17 : memref<!tpu.dma_semaphore, #tpu.memory_space<semaphore_mem>>) {add = true}
      %gt3A = arith.constant 0 : i32
      %gt3A_46 = arith.cmpi sgt, %scan3A_37, %gt3A : i32
      %convert_element_type3A = arith.extui %gt3A_46 : i1 to i32
      %cond3A = arith.constant 0 : i32
      %cond3A_47 = arith.cmpi ne, %convert_element_type3A, %cond3A : i32
      scf.if %cond3A_47 {
        %dma_wait3A_70 = arith.constant 0 : i32
        %dma_wait3A_71 = tpu.memref_slice %arg8[%dma_wait3A_70] : memref<100096xf32, #tpu.memory_space<vmem_shared>> -> memref<100096xf32, #tpu.memory_space<vmem_shared>>
        tpu.wait_indirect_dma semaphore(%arg17 : memref<!tpu.dma_semaphore, #tpu.memory_space<semaphore_mem>>) src(%arg13 : memref<10000xf32, #tpu.memory_space<vmem>>) dst(%dma_wait3A_71 : memref<100096xf32, #tpu.memory_space<vmem_shared>>)
      } else {
      }
      %add3A_48 = arith.constant 1 : i32
      %add3A_49 = arith.addi %mul3A_39, %add3A_48 : i32
      %mul3A_50 = arith.constant 100000 : i32
      %mul3A_51 = arith.muli %add3A, %mul3A_50 : i32
      %mul3A_52 = arith.constant 10000 : i32
      %mul3A_53 = arith.muli %add3A_49, %mul3A_52 : i32
      %add3A_54 = arith.addi %mul3A_51, %mul3A_53 : i32
      %multiple_of3A_55 = tpu.assume_multiple %add3A_54, 8 : i32
      %dma_start3A_56 = tpu.memref_slice %arg2[%multiple_of3A_55] : memref<3200000xi32, #tpu.memory_space<hbm>> -> memref<10000xi32, #tpu.memory_space<hbm>>
      %dma_start3A_57 = tpu.memref_slice %arg2[%multiple_of3A_55] : memref<3200000xi32, #tpu.memory_space<hbm>> -> memref<10000xi32, #tpu.memory_space<hbm>>
      tpu.enqueue_dma source(%dma_start3A_57 : memref<10000xi32, #tpu.memory_space<hbm>>) target(%arg11 : memref<10000xi32, #tpu.memory_space<vmem>>) target_semaphore(%arg16 : memref<!tpu.dma_semaphore, #tpu.memory_space<semaphore_mem>>)
      %dma_wait3A_58 = arith.constant 0 : i32
      %dma_wait3A_59 = tpu.memref_slice %arg2[%dma_wait3A_58] : memref<3200000xi32, #tpu.memory_space<hbm>> -> memref<10000xi32, #tpu.memory_space<hbm>>
      %dma_wait3A_60 = arith.constant 0 : i32
      %dma_wait3A_61 = tpu.memref_slice %arg2[%dma_wait3A_60] : memref<3200000xi32, #tpu.memory_space<hbm>> -> memref<10000xi32, #tpu.memory_space<hbm>>
      tpu.wait_dma2 semaphore(%arg16 : memref<!tpu.dma_semaphore, #tpu.memory_space<semaphore_mem>>) src(%dma_wait3A_61 : memref<10000xi32, #tpu.memory_space<hbm>>) dst(%arg11 : memref<10000xi32, #tpu.memory_space<vmem>>)
      %dma_start3A_62 = arith.constant 0 : i32
      %dma_start3A_63 = tpu.memref_slice %arg8[%dma_start3A_62] : memref<100096xf32, #tpu.memory_space<vmem_shared>> -> memref<100096xf32, #tpu.memory_space<vmem_shared>>
      tpu.enqueue_indirect_dma source(%arg13 : memref<10000xf32, #tpu.memory_space<vmem>>) target(%dma_start3A_63 : memref<100096xf32, #tpu.memory_space<vmem_shared>>) offsets(%arg11 : memref<10000xi32, #tpu.memory_space<vmem>>) semaphore(%arg17 : memref<!tpu.dma_semaphore, #tpu.memory_space<semaphore_mem>>) {add = true}
      %dma_wait3A_64 = arith.constant 0 : i32
      %dma_wait3A_65 = tpu.memref_slice %arg8[%dma_wait3A_64] : memref<100096xf32, #tpu.memory_space<vmem_shared>> -> memref<100096xf32, #tpu.memory_space<vmem_shared>>
      tpu.wait_indirect_dma semaphore(%arg17 : memref<!tpu.dma_semaphore, #tpu.memory_space<semaphore_mem>>) src(%arg13 : memref<10000xf32, #tpu.memory_space<vmem>>) dst(%dma_wait3A_65 : memref<100096xf32, #tpu.memory_space<vmem_shared>>)
      %lt3A = arith.constant 4 : i32
      %lt3A_66 = arith.cmpi slt, %scan3A_37, %lt3A : i32
      %convert_element_type3A_67 = arith.extui %lt3A_66 : i1 to i32
      %cond3A_68 = arith.constant 0 : i32
      %cond3A_69 = arith.cmpi ne, %convert_element_type3A_67, %cond3A_68 : i32
      scf.if %cond3A_69 {
        %add3A_70 = arith.constant 2 : i32
        %add3A_71 = arith.addi %mul3A_39, %add3A_70 : i32
        %mul3A_72 = arith.constant 100000 : i32
        %mul3A_73 = arith.muli %add3A, %mul3A_72 : i32
        %mul3A_74 = arith.constant 10000 : i32
        %mul3A_75 = arith.muli %add3A_71, %mul3A_74 : i32
        %add3A_76 = arith.addi %mul3A_73, %mul3A_75 : i32
        %multiple_of3A_77 = tpu.assume_multiple %add3A_76, 8 : i32
        %dma_start3A_78 = tpu.memref_slice %arg2[%multiple_of3A_77] : memref<3200000xi32, #tpu.memory_space<hbm>> -> memref<10000xi32, #tpu.memory_space<hbm>>
        %dma_start3A_79 = tpu.memref_slice %arg2[%multiple_of3A_77] : memref<3200000xi32, #tpu.memory_space<hbm>> -> memref<10000xi32, #tpu.memory_space<hbm>>
        tpu.enqueue_dma source(%dma_start3A_79 : memref<10000xi32, #tpu.memory_space<hbm>>) target(%arg10 : memref<10000xi32, #tpu.memory_space<vmem>>) target_semaphore(%arg16 : memref<!tpu.dma_semaphore, #tpu.memory_space<semaphore_mem>>)
      } else {
      }
    }
    %scan3A_14 = arith.constant 5 : i32
    %dma_wait3A = arith.constant 0 : i32
    %dma_wait3A_15 = tpu.memref_slice %arg8[%dma_wait3A] : memref<100096xf32, #tpu.memory_space<vmem_shared>> -> memref<100096xf32, #tpu.memory_space<vmem_shared>>
    tpu.wait_indirect_dma semaphore(%arg17 : memref<!tpu.dma_semaphore, #tpu.memory_space<semaphore_mem>>) src(%arg13 : memref<10000xf32, #tpu.memory_space<vmem>>) dst(%dma_wait3A_15 : memref<100096xf32, #tpu.memory_space<vmem_shared>>)
    %scan3A_16 = arith.constant 0 : i32
    %scan3A_17 = arith.constant 0 : i32
    %scan3A_18 = arith.constant 2 : i32
    %scan3A_19 = arith.addi %scan3A_17, %scan3A_18 : i32
    %scan3A_20 = arith.constant 1 : i32
    scf.for %scan3A_37 = %scan3A_17 to %scan3A_19 step %scan3A_20  : i32 {
      %mul3A_38 = arith.constant 5000 : i32
      %mul3A_39 = arith.muli %add3A, %mul3A_38 : i32
      %mul3A_40 = arith.constant 2500 : i32
      %mul3A_41 = arith.muli %scan3A_37, %mul3A_40 : i32
      %add3A_42 = arith.addi %mul3A_39, %mul3A_41 : i32
      %multiple_of3A_43 = tpu.assume_multiple %add3A_42, 8 : i32
      "tpu.region"() ({
        %run_scoped3A = tpu.sem_alloc : memref<!tpu.dma_semaphore, #tpu.memory_space<semaphore_mem>>
        %dma_start3A_44 = tpu.memref_slice %arg3[%multiple_of3A_43] : memref<160000xi32, #tpu.memory_space<hbm>> -> memref<2500xi32, #tpu.memory_space<hbm>>
        %dma_start3A_45 = tpu.memref_slice %arg3[%multiple_of3A_43] : memref<160000xi32, #tpu.memory_space<hbm>> -> memref<2500xi32, #tpu.memory_space<hbm>>
        tpu.enqueue_dma source(%dma_start3A_45 : memref<2500xi32, #tpu.memory_space<hbm>>) target(%arg12 : memref<2500xi32, #tpu.memory_space<vmem>>) target_semaphore(%run_scoped3A : memref<!tpu.dma_semaphore, #tpu.memory_space<semaphore_mem>>)
        %dma_wait3A_46 = tpu.memref_slice %arg3[%multiple_of3A_43] : memref<160000xi32, #tpu.memory_space<hbm>> -> memref<2500xi32, #tpu.memory_space<hbm>>
        %dma_wait3A_47 = tpu.memref_slice %arg3[%multiple_of3A_43] : memref<160000xi32, #tpu.memory_space<hbm>> -> memref<2500xi32, #tpu.memory_space<hbm>>
        tpu.wait_dma2 semaphore(%run_scoped3A : memref<!tpu.dma_semaphore, #tpu.memory_space<semaphore_mem>>) src(%dma_wait3A_47 : memref<2500xi32, #tpu.memory_space<hbm>>) dst(%arg12 : memref<2500xi32, #tpu.memory_space<vmem>>)
        tpu.yield
      }) : () -> ()
      "tpu.region"() ({
        %run_scoped3A = tpu.sem_alloc : memref<!tpu.dma_semaphore, #tpu.memory_space<semaphore_mem>>
        %dma_start3A_44 = arith.constant 0 : i32
        %dma_start3A_45 = tpu.memref_slice %arg9[%dma_start3A_44] : memref<10112xf32, #tpu.memory_space<vmem_shared>> -> memref<10112xf32, #tpu.memory_space<vmem_shared>>
        tpu.enqueue_indirect_dma source(%arg14 : memref<2500xf32, #tpu.memory_space<vmem>>) target(%dma_start3A_45 : memref<10112xf32, #tpu.memory_space<vmem_shared>>) offsets(%arg12 : memref<2500xi32, #tpu.memory_space<vmem>>) semaphore(%run_scoped3A : memref<!tpu.dma_semaphore, #tpu.memory_space<semaphore_mem>>) {add = true}
        %dma_wait3A_46 = arith.constant 0 : i32
        %dma_wait3A_47 = tpu.memref_slice %arg9[%dma_wait3A_46] : memref<10112xf32, #tpu.memory_space<vmem_shared>> -> memref<10112xf32, #tpu.memory_space<vmem_shared>>
        tpu.wait_indirect_dma semaphore(%run_scoped3A : memref<!tpu.dma_semaphore, #tpu.memory_space<semaphore_mem>>) src(%arg14 : memref<2500xf32, #tpu.memory_space<vmem>>) dst(%dma_wait3A_47 : memref<10112xf32, #tpu.memory_space<vmem_shared>>)
        tpu.yield
      }) : () -> ()
    }
    %scan3A_21 = arith.constant 2 : i32
    %barrier3A_22 = arith.constant 0 : index
    tpu.barrier barrier_id(%barrier3A_22)
    %mul3A_23 = arith.constant 6256 : i32
    %mul3A_24 = arith.muli %arg1, %mul3A_23 : i32
    "tpu.region"() ({
      %run_scoped3A = tpu.sem_alloc : memref<!tpu.dma_semaphore, #tpu.memory_space<semaphore_mem>>
      %dma_start3A_37 = tpu.memref_slice %arg8[%mul3A_24] : memref<100096xf32, #tpu.memory_space<vmem_shared>> -> memref<6256xf32, #tpu.memory_space<vmem_shared>>
      %dma_start3A_38 = tpu.memref_slice %arg8[%mul3A_24] : memref<100096xf32, #tpu.memory_space<vmem_shared>> -> memref<6256xf32, #tpu.memory_space<vmem_shared>>
      tpu.enqueue_dma source(%dma_start3A_38 : memref<6256xf32, #tpu.memory_space<vmem_shared>>) target(%arg15 : memref<6256xf32, #tpu.memory_space<vmem>>) target_semaphore(%run_scoped3A : memref<!tpu.dma_semaphore, #tpu.memory_space<semaphore_mem>>)
      %dma_wait3A_39 = tpu.memref_slice %arg8[%mul3A_24] : memref<100096xf32, #tpu.memory_space<vmem_shared>> -> memref<6256xf32, #tpu.memory_space<vmem_shared>>
      %dma_wait3A_40 = tpu.memref_slice %arg8[%mul3A_24] : memref<100096xf32, #tpu.memory_space<vmem_shared>> -> memref<6256xf32, #tpu.memory_space<vmem_shared>>
      tpu.wait_dma2 semaphore(%run_scoped3A : memref<!tpu.dma_semaphore, #tpu.memory_space<semaphore_mem>>) src(%dma_wait3A_40 : memref<6256xf32, #tpu.memory_space<vmem_shared>>) dst(%arg15 : memref<6256xf32, #tpu.memory_space<vmem>>)
      tpu.yield
    }) : () -> ()
    %mul3A_25 = arith.constant 100096 : i32
    %mul3A_26 = arith.muli %arg0, %mul3A_25 : i32
    %mul3A_27 = arith.constant 6256 : i32
    %mul3A_28 = arith.muli %arg1, %mul3A_27 : i32
    %add3A_29 = arith.addi %mul3A_26, %mul3A_28 : i32
    "tpu.region"() ({
      %run_scoped3A = tpu.sem_alloc : memref<!tpu.dma_semaphore, #tpu.memory_space<semaphore_mem>>
      %dma_start3A_37 = tpu.memref_slice %arg6[%add3A_29] : memref<200192xf32, #tpu.memory_space<hbm>> -> memref<6256xf32, #tpu.memory_space<hbm>>
      %dma_start3A_38 = tpu.memref_slice %arg6[%add3A_29] : memref<200192xf32, #tpu.memory_space<hbm>> -> memref<6256xf32, #tpu.memory_space<hbm>>
      tpu.enqueue_dma source(%arg15 : memref<6256xf32, #tpu.memory_space<vmem>>) target(%dma_start3A_38 : memref<6256xf32, #tpu.memory_space<hbm>>) target_semaphore(%run_scoped3A : memref<!tpu.dma_semaphore, #tpu.memory_space<semaphore_mem>>)
      %dma_wait3A_39 = tpu.memref_slice %arg6[%add3A_29] : memref<200192xf32, #tpu.memory_space<hbm>> -> memref<6256xf32, #tpu.memory_space<hbm>>
      %dma_wait3A_40 = tpu.memref_slice %arg6[%add3A_29] : memref<200192xf32, #tpu.memory_space<hbm>> -> memref<6256xf32, #tpu.memory_space<hbm>>
      tpu.wait_dma2 semaphore(%run_scoped3A : memref<!tpu.dma_semaphore, #tpu.memory_space<semaphore_mem>>) src(%arg15 : memref<6256xf32, #tpu.memory_space<vmem>>) dst(%dma_wait3A_40 : memref<6256xf32, #tpu.memory_space<hbm>>)
      tpu.yield
    }) : () -> ()
    %mul3A_30 = arith.constant 632 : i32
    %mul3A_31 = arith.muli %arg1, %mul3A_30 : i32
    "tpu.region"() ({
      %run_scoped3A = tpu.sem_alloc : memref<!tpu.dma_semaphore, #tpu.memory_space<semaphore_mem>>
      %dma_start3A_37 = arith.constant 0 : i32
      %dma_start3A_38 = tpu.memref_slice %arg15[%dma_start3A_37] : memref<6256xf32, #tpu.memory_space<vmem>> -> memref<632xf32, #tpu.memory_space<vmem>>
      %dma_start3A_39 = tpu.memref_slice %arg9[%mul3A_31] : memref<10112xf32, #tpu.memory_space<vmem_shared>> -> memref<632xf32, #tpu.memory_space<vmem_shared>>
      %dma_start3A_40 = arith.constant 0 : i32
      %dma_start3A_41 = tpu.memref_slice %arg15[%dma_start3A_40] : memref<6256xf32, #tpu.memory_space<vmem>> -> memref<632xf32, #tpu.memory_space<vmem>>
      %dma_start3A_42 = tpu.memref_slice %arg9[%mul3A_31] : memref<10112xf32, #tpu.memory_space<vmem_shared>> -> memref<632xf32, #tpu.memory_space<vmem_shared>>
      tpu.enqueue_dma source(%dma_start3A_42 : memref<632xf32, #tpu.memory_space<vmem_shared>>) target(%dma_start3A_41 : memref<632xf32, #tpu.memory_space<vmem>>) target_semaphore(%run_scoped3A : memref<!tpu.dma_semaphore, #tpu.memory_space<semaphore_mem>>)
      %dma_wait3A_43 = arith.constant 0 : i32
      %dma_wait3A_44 = tpu.memref_slice %arg15[%dma_wait3A_43] : memref<6256xf32, #tpu.memory_space<vmem>> -> memref<632xf32, #tpu.memory_space<vmem>>
      %dma_wait3A_45 = tpu.memref_slice %arg9[%mul3A_31] : memref<10112xf32, #tpu.memory_space<vmem_shared>> -> memref<632xf32, #tpu.memory_space<vmem_shared>>
      %dma_wait3A_46 = arith.constant 0 : i32
      %dma_wait3A_47 = tpu.memref_slice %arg15[%dma_wait3A_46] : memref<6256xf32, #tpu.memory_space<vmem>> -> memref<632xf32, #tpu.memory_space<vmem>>
      %dma_wait3A_48 = tpu.memref_slice %arg9[%mul3A_31] : memref<10112xf32, #tpu.memory_space<vmem_shared>> -> memref<632xf32, #tpu.memory_space<vmem_shared>>
      tpu.wait_dma2 semaphore(%run_scoped3A : memref<!tpu.dma_semaphore, #tpu.memory_space<semaphore_mem>>) src(%dma_wait3A_48 : memref<632xf32, #tpu.memory_space<vmem_shared>>) dst(%dma_wait3A_47 : memref<632xf32, #tpu.memory_space<vmem>>)
      tpu.yield
    }) : () -> ()
    %mul3A_32 = arith.constant 10112 : i32
    %mul3A_33 = arith.muli %arg0, %mul3A_32 : i32
    %mul3A_34 = arith.constant 632 : i32
    %mul3A_35 = arith.muli %arg1, %mul3A_34 : i32
    %add3A_36 = arith.addi %mul3A_33, %mul3A_35 : i32
    "tpu.region"() ({
      %run_scoped3A = tpu.sem_alloc : memref<!tpu.dma_semaphore, #tpu.memory_space<semaphore_mem>>
      %dma_start3A_37 = arith.constant 0 : i32
      %dma_start3A_38 = tpu.memref_slice %arg15[%dma_start3A_37] : memref<6256xf32, #tpu.memory_space<vmem>> -> memref<632xf32, #tpu.memory_space<vmem>>
      %dma_start3A_39 = tpu.memref_slice %arg7[%add3A_36] : memref<20224xf32, #tpu.memory_space<hbm>> -> memref<632xf32, #tpu.memory_space<hbm>>
      %dma_start3A_40 = tpu.memref_slice %arg7[%add3A_36] : memref<20224xf32, #tpu.memory_space<hbm>> -> memref<632xf32, #tpu.memory_space<hbm>>
      %dma_start3A_41 = arith.constant 0 : i32
      %dma_start3A_42 = tpu.memref_slice %arg15[%dma_start3A_41] : memref<6256xf32, #tpu.memory_space<vmem>> -> memref<632xf32, #tpu.memory_space<vmem>>
      tpu.enqueue_dma source(%dma_start3A_42 : memref<632xf32, #tpu.memory_space<vmem>>) target(%dma_start3A_40 : memref<632xf32, #tpu.memory_space<hbm>>) target_semaphore(%run_scoped3A : memref<!tpu.dma_semaphore, #tpu.memory_space<semaphore_mem>>)
      %dma_wait3A_43 = arith.constant 0 : i32
      %dma_wait3A_44 = tpu.memref_slice %arg15[%dma_wait3A_43] : memref<6256xf32, #tpu.memory_space<vmem>> -> memref<632xf32, #tpu.memory_space<vmem>>
      %dma_wait3A_45 = tpu.memref_slice %arg7[%add3A_36] : memref<20224xf32, #tpu.memory_space<hbm>> -> memref<632xf32, #tpu.memory_space<hbm>>
      %dma_wait3A_46 = tpu.memref_slice %arg7[%add3A_36] : memref<20224xf32, #tpu.memory_space<hbm>> -> memref<632xf32, #tpu.memory_space<hbm>>
      %dma_wait3A_47 = arith.constant 0 : i32
      %dma_wait3A_48 = tpu.memref_slice %arg15[%dma_wait3A_47] : memref<6256xf32, #tpu.memory_space<vmem>> -> memref<632xf32, #tpu.memory_space<vmem>>
      tpu.wait_dma2 semaphore(%run_scoped3A : memref<!tpu.dma_semaphore, #tpu.memory_space<semaphore_mem>>) src(%dma_wait3A_48 : memref<632xf32, #tpu.memory_space<vmem>>) dst(%dma_wait3A_46 : memref<632xf32, #tpu.memory_space<hbm>>)
      tpu.yield
    }) : () -> ()
    return
  }
}

#map = affine_map<(d0, d1) -> (0)>
#map1 = affine_map<(d0, d1) -> (0, 0)>
module attributes {stable_mosaic.version = 14 : i64} {
  func.func @_sc_fwd_s(%arg0: i32, %arg1: i32, %arg2: memref<160000xi32, #tpu.memory_space<hbm>>, %arg3: memref<160000xi32, #tpu.memory_space<hbm>>, %arg4: memref<10000x16xf32, #tpu.memory_space<hbm>>, %arg5: memref<2500x16xf32, #tpu.memory_space<hbm>>, %arg6: memref<100096xf32, #tpu.memory_space<hbm>>, %arg7: memref<10000xf32, #tpu.memory_space<hbm>>, %arg8: memref<100096x16xf32, #tpu.memory_space<hbm>>, %arg9: memref<100096xf32, #tpu.memory_space<hbm>>, %arg10: memref<50048x16xf32, #tpu.memory_space<vmem_shared>>, %arg11: memref<50048xf32, #tpu.memory_space<vmem_shared>>, %arg12: memref<2500xi32, #tpu.memory_space<vmem>>, %arg13: memref<2500xi32, #tpu.memory_space<vmem>>, %arg14: memref<2500x16xf32, #tpu.memory_space<vmem>>, %arg15: memref<2500xf32, #tpu.memory_space<vmem>>, %arg16: memref<3128xf32, #tpu.memory_space<vmem>>, %arg17: memref<!tpu.dma_semaphore, #tpu.memory_space<semaphore_mem>>) attributes {dimension_semantics = [#tpu.dimension_semantics<core_parallel>, #tpu.dimension_semantics<subcore_parallel>], iteration_bounds = array<i64: 2, 16>, scalar_prefetch = 0 : i64, scratch_operands = 8 : i64, tpu.core_type = #tpu.core_type<sc_vector_subcore>, window_params = [{transform_indices = #map}, {transform_indices = #map}, {transform_indices = #map1}, {transform_indices = #map1}, {transform_indices = #map}, {transform_indices = #map}, {transform_indices = #map1}, {transform_indices = #map}]} {
    %mul3A = arith.constant 16 : i32
    %mul3A_0 = arith.muli %arg0, %mul3A : i32
    %add3A = arith.addi %mul3A_0, %arg1 : i32
    "tpu.region"() ({
      %run_scoped3A = tpu.sem_alloc : memref<!tpu.dma_semaphore, #tpu.memory_space<semaphore_mem>>
      %dma_start3A = arith.constant 0 : i32
      %dma_start3A_57 = arith.constant 0 : i32
      %dma_start3A_58 = tpu.memref_slice %arg5[%dma_start3A, %dma_start3A_57] : memref<2500x16xf32, #tpu.memory_space<hbm>> -> memref<2500x16xf32, #tpu.memory_space<hbm>>
      %dma_start3A_59 = arith.constant 0 : i32
      %dma_start3A_60 = arith.constant 0 : i32
      %dma_start3A_61 = tpu.memref_slice %arg5[%dma_start3A_59, %dma_start3A_60] : memref<2500x16xf32, #tpu.memory_space<hbm>> -> memref<2500x16xf32, #tpu.memory_space<hbm>>
      tpu.enqueue_dma source(%dma_start3A_61 : memref<2500x16xf32, #tpu.memory_space<hbm>>) target(%arg14 : memref<2500x16xf32, #tpu.memory_space<vmem>>) target_semaphore(%run_scoped3A : memref<!tpu.dma_semaphore, #tpu.memory_space<semaphore_mem>>)
      %dma_wait3A = arith.constant 0 : i32
      %dma_wait3A_62 = arith.constant 0 : i32
      %dma_wait3A_63 = tpu.memref_slice %arg5[%dma_wait3A, %dma_wait3A_62] : memref<2500x16xf32, #tpu.memory_space<hbm>> -> memref<2500x16xf32, #tpu.memory_space<hbm>>
      %dma_wait3A_64 = arith.constant 0 : i32
      %dma_wait3A_65 = arith.constant 0 : i32
      %dma_wait3A_66 = tpu.memref_slice %arg5[%dma_wait3A_64, %dma_wait3A_65] : memref<2500x16xf32, #tpu.memory_space<hbm>> -> memref<2500x16xf32, #tpu.memory_space<hbm>>
      tpu.wait_dma2 semaphore(%run_scoped3A : memref<!tpu.dma_semaphore, #tpu.memory_space<semaphore_mem>>) src(%dma_wait3A_66 : memref<2500x16xf32, #tpu.memory_space<hbm>>) dst(%arg14 : memref<2500x16xf32, #tpu.memory_space<vmem>>)
      tpu.yield
    }) : () -> ()
    %scan3A = arith.constant 0 : i32
    %scan3A_1 = arith.constant 0 : i32
    %mul3A_2 = arith.constant 3128 : i32
    %mul3A_3 = arith.muli %arg1, %mul3A_2 : i32
    %mul3A_4 = arith.constant 2500 : i32
    %mul3A_5 = arith.muli %scan3A_1, %mul3A_4 : i32
    %add3A_6 = arith.addi %mul3A_3, %mul3A_5 : i32
    %multiple_of3A = tpu.assume_multiple %add3A_6, 8 : i32
    "tpu.region"() ({
      %run_scoped3A = tpu.sem_alloc : memref<!tpu.dma_semaphore, #tpu.memory_space<semaphore_mem>>
      %dma_start3A = arith.constant 0 : i32
      %dma_start3A_57 = tpu.memref_slice %arg10[%multiple_of3A, %dma_start3A] : memref<50048x16xf32, #tpu.memory_space<vmem_shared>> -> memref<2500x16xf32, #tpu.memory_space<vmem_shared>>
      %dma_start3A_58 = arith.constant 0 : i32
      %dma_start3A_59 = tpu.memref_slice %arg10[%multiple_of3A, %dma_start3A_58] : memref<50048x16xf32, #tpu.memory_space<vmem_shared>> -> memref<2500x16xf32, #tpu.memory_space<vmem_shared>>
      tpu.enqueue_dma source(%arg14 : memref<2500x16xf32, #tpu.memory_space<vmem>>) target(%dma_start3A_59 : memref<2500x16xf32, #tpu.memory_space<vmem_shared>>) target_semaphore(%run_scoped3A : memref<!tpu.dma_semaphore, #tpu.memory_space<semaphore_mem>>)
      %dma_wait3A = arith.constant 0 : i32
      %dma_wait3A_60 = tpu.memref_slice %arg10[%multiple_of3A, %dma_wait3A] : memref<50048x16xf32, #tpu.memory_space<vmem_shared>> -> memref<2500x16xf32, #tpu.memory_space<vmem_shared>>
      %dma_wait3A_61 = arith.constant 0 : i32
      %dma_wait3A_62 = tpu.memref_slice %arg10[%multiple_of3A, %dma_wait3A_61] : memref<50048x16xf32, #tpu.memory_space<vmem_shared>> -> memref<2500x16xf32, #tpu.memory_space<vmem_shared>>
      tpu.wait_dma2 semaphore(%run_scoped3A : memref<!tpu.dma_semaphore, #tpu.memory_space<semaphore_mem>>) src(%arg14 : memref<2500x16xf32, #tpu.memory_space<vmem>>) dst(%dma_wait3A_62 : memref<2500x16xf32, #tpu.memory_space<vmem_shared>>)
      tpu.yield
    }) : () -> ()
    %scan3A_7 = arith.constant 1 : i32
    %mul3A_8 = arith.constant 3128 : i32
    %mul3A_9 = arith.muli %arg1, %mul3A_8 : i32
    %add3A_10 = arith.constant 2500 : i32
    %add3A_11 = arith.addi %mul3A_9, %add3A_10 : i32
    "tpu.region"() ({
      %run_scoped3A = tpu.sem_alloc : memref<!tpu.dma_semaphore, #tpu.memory_space<semaphore_mem>>
      %dma_start3A = arith.constant 0 : i32
      %dma_start3A_57 = arith.constant 0 : i32
      %dma_start3A_58 = tpu.memref_slice %arg14[%dma_start3A, %dma_start3A_57] : memref<2500x16xf32, #tpu.memory_space<vmem>> -> memref<628x16xf32, #tpu.memory_space<vmem>>
      %dma_start3A_59 = arith.constant 0 : i32
      %dma_start3A_60 = tpu.memref_slice %arg10[%add3A_11, %dma_start3A_59] : memref<50048x16xf32, #tpu.memory_space<vmem_shared>> -> memref<628x16xf32, #tpu.memory_space<vmem_shared>>
      %dma_start3A_61 = arith.constant 0 : i32
      %dma_start3A_62 = tpu.memref_slice %arg10[%add3A_11, %dma_start3A_61] : memref<50048x16xf32, #tpu.memory_space<vmem_shared>> -> memref<628x16xf32, #tpu.memory_space<vmem_shared>>
      %dma_start3A_63 = arith.constant 0 : i32
      %dma_start3A_64 = arith.constant 0 : i32
      %dma_start3A_65 = tpu.memref_slice %arg14[%dma_start3A_63, %dma_start3A_64] : memref<2500x16xf32, #tpu.memory_space<vmem>> -> memref<628x16xf32, #tpu.memory_space<vmem>>
      tpu.enqueue_dma source(%dma_start3A_65 : memref<628x16xf32, #tpu.memory_space<vmem>>) target(%dma_start3A_62 : memref<628x16xf32, #tpu.memory_space<vmem_shared>>) target_semaphore(%run_scoped3A : memref<!tpu.dma_semaphore, #tpu.memory_space<semaphore_mem>>)
      %dma_wait3A = arith.constant 0 : i32
      %dma_wait3A_66 = arith.constant 0 : i32
      %dma_wait3A_67 = tpu.memref_slice %arg14[%dma_wait3A, %dma_wait3A_66] : memref<2500x16xf32, #tpu.memory_space<vmem>> -> memref<628x16xf32, #tpu.memory_space<vmem>>
      %dma_wait3A_68 = arith.constant 0 : i32
      %dma_wait3A_69 = tpu.memref_slice %arg10[%add3A_11, %dma_wait3A_68] : memref<50048x16xf32, #tpu.memory_space<vmem_shared>> -> memref<628x16xf32, #tpu.memory_space<vmem_shared>>
      %dma_wait3A_70 = arith.constant 0 : i32
      %dma_wait3A_71 = tpu.memref_slice %arg10[%add3A_11, %dma_wait3A_70] : memref<50048x16xf32, #tpu.memory_space<vmem_shared>> -> memref<628x16xf32, #tpu.memory_space<vmem_shared>>
      %dma_wait3A_72 = arith.constant 0 : i32
      %dma_wait3A_73 = arith.constant 0 : i32
      %dma_wait3A_74 = tpu.memref_slice %arg14[%dma_wait3A_72, %dma_wait3A_73] : memref<2500x16xf32, #tpu.memory_space<vmem>> -> memref<628x16xf32, #tpu.memory_space<vmem>>
      tpu.wait_dma2 semaphore(%run_scoped3A : memref<!tpu.dma_semaphore, #tpu.memory_space<semaphore_mem>>) src(%dma_wait3A_74 : memref<628x16xf32, #tpu.memory_space<vmem>>) dst(%dma_wait3A_71 : memref<628x16xf32, #tpu.memory_space<vmem_shared>>)
      tpu.yield
    }) : () -> ()
    "tpu.region"() ({
      %run_scoped3A = tpu.sem_alloc : memref<!tpu.dma_semaphore, #tpu.memory_space<semaphore_mem>>
      %dma_start3A = arith.constant 0 : i32
      %dma_start3A_57 = tpu.memref_slice %arg6[%dma_start3A] : memref<100096xf32, #tpu.memory_space<hbm>> -> memref<3128xf32, #tpu.memory_space<hbm>>
      %dma_start3A_58 = arith.constant 0 : i32
      %dma_start3A_59 = tpu.memref_slice %arg6[%dma_start3A_58] : memref<100096xf32, #tpu.memory_space<hbm>> -> memref<3128xf32, #tpu.memory_space<hbm>>
      tpu.enqueue_dma source(%dma_start3A_59 : memref<3128xf32, #tpu.memory_space<hbm>>) target(%arg16 : memref<3128xf32, #tpu.memory_space<vmem>>) target_semaphore(%run_scoped3A : memref<!tpu.dma_semaphore, #tpu.memory_space<semaphore_mem>>)
      %dma_wait3A = arith.constant 0 : i32
      %dma_wait3A_60 = tpu.memref_slice %arg6[%dma_wait3A] : memref<100096xf32, #tpu.memory_space<hbm>> -> memref<3128xf32, #tpu.memory_space<hbm>>
      %dma_wait3A_61 = arith.constant 0 : i32
      %dma_wait3A_62 = tpu.memref_slice %arg6[%dma_wait3A_61] : memref<100096xf32, #tpu.memory_space<hbm>> -> memref<3128xf32, #tpu.memory_space<hbm>>
      tpu.wait_dma2 semaphore(%run_scoped3A : memref<!tpu.dma_semaphore, #tpu.memory_space<semaphore_mem>>) src(%dma_wait3A_62 : memref<3128xf32, #tpu.memory_space<hbm>>) dst(%arg16 : memref<3128xf32, #tpu.memory_space<vmem>>)
      tpu.yield
    }) : () -> ()
    %mul3A_12 = arith.constant 3128 : i32
    %mul3A_13 = arith.muli %arg1, %mul3A_12 : i32
    "tpu.region"() ({
      %run_scoped3A = tpu.sem_alloc : memref<!tpu.dma_semaphore, #tpu.memory_space<semaphore_mem>>
      %dma_start3A = tpu.memref_slice %arg11[%mul3A_13] : memref<50048xf32, #tpu.memory_space<vmem_shared>> -> memref<3128xf32, #tpu.memory_space<vmem_shared>>
      %dma_start3A_57 = tpu.memref_slice %arg11[%mul3A_13] : memref<50048xf32, #tpu.memory_space<vmem_shared>> -> memref<3128xf32, #tpu.memory_space<vmem_shared>>
      tpu.enqueue_dma source(%arg16 : memref<3128xf32, #tpu.memory_space<vmem>>) target(%dma_start3A_57 : memref<3128xf32, #tpu.memory_space<vmem_shared>>) target_semaphore(%run_scoped3A : memref<!tpu.dma_semaphore, #tpu.memory_space<semaphore_mem>>)
      %dma_wait3A = tpu.memref_slice %arg11[%mul3A_13] : memref<50048xf32, #tpu.memory_space<vmem_shared>> -> memref<3128xf32, #tpu.memory_space<vmem_shared>>
      %dma_wait3A_58 = tpu.memref_slice %arg11[%mul3A_13] : memref<50048xf32, #tpu.memory_space<vmem_shared>> -> memref<3128xf32, #tpu.memory_space<vmem_shared>>
      tpu.wait_dma2 semaphore(%run_scoped3A : memref<!tpu.dma_semaphore, #tpu.memory_space<semaphore_mem>>) src(%arg16 : memref<3128xf32, #tpu.memory_space<vmem>>) dst(%dma_wait3A_58 : memref<3128xf32, #tpu.memory_space<vmem_shared>>)
      tpu.yield
    }) : () -> ()
    "tpu.region"() ({
      %run_scoped3A = tpu.sem_alloc : memref<!tpu.dma_semaphore, #tpu.memory_space<semaphore_mem>>
      %dma_start3A = arith.constant 0 : i32
      %dma_start3A_57 = tpu.memref_slice %arg7[%dma_start3A] : memref<10000xf32, #tpu.memory_space<hbm>> -> memref<2500xf32, #tpu.memory_space<hbm>>
      %dma_start3A_58 = arith.constant 0 : i32
      %dma_start3A_59 = tpu.memref_slice %arg7[%dma_start3A_58] : memref<10000xf32, #tpu.memory_space<hbm>> -> memref<2500xf32, #tpu.memory_space<hbm>>
      tpu.enqueue_dma source(%dma_start3A_59 : memref<2500xf32, #tpu.memory_space<hbm>>) target(%arg15 : memref<2500xf32, #tpu.memory_space<vmem>>) target_semaphore(%run_scoped3A : memref<!tpu.dma_semaphore, #tpu.memory_space<semaphore_mem>>)
      %dma_wait3A = arith.constant 0 : i32
      %dma_wait3A_60 = tpu.memref_slice %arg7[%dma_wait3A] : memref<10000xf32, #tpu.memory_space<hbm>> -> memref<2500xf32, #tpu.memory_space<hbm>>
      %dma_wait3A_61 = arith.constant 0 : i32
      %dma_wait3A_62 = tpu.memref_slice %arg7[%dma_wait3A_61] : memref<10000xf32, #tpu.memory_space<hbm>> -> memref<2500xf32, #tpu.memory_space<hbm>>
      tpu.wait_dma2 semaphore(%run_scoped3A : memref<!tpu.dma_semaphore, #tpu.memory_space<semaphore_mem>>) src(%dma_wait3A_62 : memref<2500xf32, #tpu.memory_space<hbm>>) dst(%arg15 : memref<2500xf32, #tpu.memory_space<vmem>>)
      tpu.yield
    }) : () -> ()
    %barrier3A = arith.constant 0 : index
    tpu.barrier barrier_id(%barrier3A)
    %scan3A_14 = arith.constant 0 : i32
    %scan3A_15 = arith.constant 0 : i32
    %scan3A_16 = arith.constant 2 : i32
    %scan3A_17 = arith.addi %scan3A_15, %scan3A_16 : i32
    %scan3A_18 = arith.constant 1 : i32
    scf.for %scan3A_57 = %scan3A_15 to %scan3A_17 step %scan3A_18  : i32 {
      %mul3A_58 = arith.constant 5000 : i32
      %mul3A_59 = arith.muli %add3A, %mul3A_58 : i32
      %mul3A_60 = arith.constant 2500 : i32
      %mul3A_61 = arith.muli %scan3A_57, %mul3A_60 : i32
      %add3A_62 = arith.addi %mul3A_59, %mul3A_61 : i32
      %multiple_of3A_63 = tpu.assume_multiple %add3A_62, 8 : i32
      "tpu.region"() ({
        %run_scoped3A = tpu.sem_alloc : memref<!tpu.dma_semaphore, #tpu.memory_space<semaphore_mem>>
        %dma_start3A_68 = tpu.memref_slice %arg2[%multiple_of3A_63] : memref<160000xi32, #tpu.memory_space<hbm>> -> memref<2500xi32, #tpu.memory_space<hbm>>
        %dma_start3A_69 = tpu.memref_slice %arg2[%multiple_of3A_63] : memref<160000xi32, #tpu.memory_space<hbm>> -> memref<2500xi32, #tpu.memory_space<hbm>>
        tpu.enqueue_dma source(%dma_start3A_69 : memref<2500xi32, #tpu.memory_space<hbm>>) target(%arg12 : memref<2500xi32, #tpu.memory_space<vmem>>) target_semaphore(%run_scoped3A : memref<!tpu.dma_semaphore, #tpu.memory_space<semaphore_mem>>)
        %dma_wait3A_70 = tpu.memref_slice %arg2[%multiple_of3A_63] : memref<160000xi32, #tpu.memory_space<hbm>> -> memref<2500xi32, #tpu.memory_space<hbm>>
        %dma_wait3A_71 = tpu.memref_slice %arg2[%multiple_of3A_63] : memref<160000xi32, #tpu.memory_space<hbm>> -> memref<2500xi32, #tpu.memory_space<hbm>>
        tpu.wait_dma2 semaphore(%run_scoped3A : memref<!tpu.dma_semaphore, #tpu.memory_space<semaphore_mem>>) src(%dma_wait3A_71 : memref<2500xi32, #tpu.memory_space<hbm>>) dst(%arg12 : memref<2500xi32, #tpu.memory_space<vmem>>)
        tpu.yield
      }) : () -> ()
      "tpu.region"() ({
        %run_scoped3A = tpu.sem_alloc : memref<!tpu.dma_semaphore, #tpu.memory_space<semaphore_mem>>
        %dma_start3A_68 = tpu.memref_slice %arg3[%multiple_of3A_63] : memref<160000xi32, #tpu.memory_space<hbm>> -> memref<2500xi32, #tpu.memory_space<hbm>>
        %dma_start3A_69 = tpu.memref_slice %arg3[%multiple_of3A_63] : memref<160000xi32, #tpu.memory_space<hbm>> -> memref<2500xi32, #tpu.memory_space<hbm>>
        tpu.enqueue_dma source(%dma_start3A_69 : memref<2500xi32, #tpu.memory_space<hbm>>) target(%arg13 : memref<2500xi32, #tpu.memory_space<vmem>>) target_semaphore(%run_scoped3A : memref<!tpu.dma_semaphore, #tpu.memory_space<semaphore_mem>>)
        %dma_wait3A_70 = tpu.memref_slice %arg3[%multiple_of3A_63] : memref<160000xi32, #tpu.memory_space<hbm>> -> memref<2500xi32, #tpu.memory_space<hbm>>
        %dma_wait3A_71 = tpu.memref_slice %arg3[%multiple_of3A_63] : memref<160000xi32, #tpu.memory_space<hbm>> -> memref<2500xi32, #tpu.memory_space<hbm>>
        tpu.wait_dma2 semaphore(%run_scoped3A : memref<!tpu.dma_semaphore, #tpu.memory_space<semaphore_mem>>) src(%dma_wait3A_71 : memref<2500xi32, #tpu.memory_space<hbm>>) dst(%arg13 : memref<2500xi32, #tpu.memory_space<vmem>>)
        tpu.yield
      }) : () -> ()
      %dma_start3A = arith.constant 0 : i32
      %dma_start3A_64 = arith.constant 0 : i32
      %dma_start3A_65 = tpu.memref_slice %arg4[%dma_start3A, %dma_start3A_64] : memref<10000x16xf32, #tpu.memory_space<hbm>> -> memref<10000x16xf32, #tpu.memory_space<hbm>>
      tpu.enqueue_indirect_dma source(%dma_start3A_65 : memref<10000x16xf32, #tpu.memory_space<hbm>>) target(%arg14 : memref<2500x16xf32, #tpu.memory_space<vmem>>) offsets(%arg12 : memref<2500xi32, #tpu.memory_space<vmem>>) semaphore(%arg17 : memref<!tpu.dma_semaphore, #tpu.memory_space<semaphore_mem>>)
      %dma_wait3A = arith.constant 0 : i32
      %dma_wait3A_66 = arith.constant 0 : i32
      %dma_wait3A_67 = tpu.memref_slice %arg4[%dma_wait3A, %dma_wait3A_66] : memref<10000x16xf32, #tpu.memory_space<hbm>> -> memref<10000x16xf32, #tpu.memory_space<hbm>>
      tpu.wait_indirect_dma semaphore(%arg17 : memref<!tpu.dma_semaphore, #tpu.memory_space<semaphore_mem>>) src(%dma_wait3A_67 : memref<10000x16xf32, #tpu.memory_space<hbm>>) dst(%arg14 : memref<2500x16xf32, #tpu.memory_space<vmem>>)
      "tpu.region"() ({
        %run_scoped3A = tpu.sem_alloc : memref<!tpu.dma_semaphore, #tpu.memory_space<semaphore_mem>>
        %dma_start3A_68 = arith.constant 0 : i32
        %dma_start3A_69 = arith.constant 0 : i32
        %dma_start3A_70 = tpu.memref_slice %arg10[%dma_start3A_68, %dma_start3A_69] : memref<50048x16xf32, #tpu.memory_space<vmem_shared>> -> memref<50048x16xf32, #tpu.memory_space<vmem_shared>>
        tpu.enqueue_indirect_dma source(%arg14 : memref<2500x16xf32, #tpu.memory_space<vmem>>) target(%dma_start3A_70 : memref<50048x16xf32, #tpu.memory_space<vmem_shared>>) offsets(%arg13 : memref<2500xi32, #tpu.memory_space<vmem>>) semaphore(%run_scoped3A : memref<!tpu.dma_semaphore, #tpu.memory_space<semaphore_mem>>) {add = true}
        %dma_wait3A_71 = arith.constant 0 : i32
        %dma_wait3A_72 = arith.constant 0 : i32
        %dma_wait3A_73 = tpu.memref_slice %arg10[%dma_wait3A_71, %dma_wait3A_72] : memref<50048x16xf32, #tpu.memory_space<vmem_shared>> -> memref<50048x16xf32, #tpu.memory_space<vmem_shared>>
        tpu.wait_indirect_dma semaphore(%run_scoped3A : memref<!tpu.dma_semaphore, #tpu.memory_space<semaphore_mem>>) src(%arg14 : memref<2500x16xf32, #tpu.memory_space<vmem>>) dst(%dma_wait3A_73 : memref<50048x16xf32, #tpu.memory_space<vmem_shared>>)
        tpu.yield
      }) : () -> ()
      "tpu.region"() ({
        %run_scoped3A = tpu.sem_alloc : memref<!tpu.dma_semaphore, #tpu.memory_space<semaphore_mem>>
        %dma_start3A_68 = arith.constant 0 : i32
        %dma_start3A_69 = tpu.memref_slice %arg11[%dma_start3A_68] : memref<50048xf32, #tpu.memory_space<vmem_shared>> -> memref<50048xf32, #tpu.memory_space<vmem_shared>>
        tpu.enqueue_indirect_dma source(%arg15 : memref<2500xf32, #tpu.memory_space<vmem>>) target(%dma_start3A_69 : memref<50048xf32, #tpu.memory_space<vmem_shared>>) offsets(%arg13 : memref<2500xi32, #tpu.memory_space<vmem>>) semaphore(%run_scoped3A : memref<!tpu.dma_semaphore, #tpu.memory_space<semaphore_mem>>) {add = true}
        %dma_wait3A_70 = arith.constant 0 : i32
        %dma_wait3A_71 = tpu.memref_slice %arg11[%dma_wait3A_70] : memref<50048xf32, #tpu.memory_space<vmem_shared>> -> memref<50048xf32, #tpu.memory_space<vmem_shared>>
        tpu.wait_indirect_dma semaphore(%run_scoped3A : memref<!tpu.dma_semaphore, #tpu.memory_space<semaphore_mem>>) src(%arg15 : memref<2500xf32, #tpu.memory_space<vmem>>) dst(%dma_wait3A_71 : memref<50048xf32, #tpu.memory_space<vmem_shared>>)
        tpu.yield
      }) : () -> ()
    }
    %scan3A_19 = arith.constant 2 : i32
    %barrier3A_20 = arith.constant 0 : index
    tpu.barrier barrier_id(%barrier3A_20)
    %scan3A_21 = arith.constant 0 : i32
    %scan3A_22 = arith.constant 0 : i32
    %mul3A_23 = arith.constant 3128 : i32
    %mul3A_24 = arith.muli %arg1, %mul3A_23 : i32
    %mul3A_25 = arith.constant 2500 : i32
    %mul3A_26 = arith.muli %scan3A_22, %mul3A_25 : i32
    %add3A_27 = arith.addi %mul3A_24, %mul3A_26 : i32
    %multiple_of3A_28 = tpu.assume_multiple %add3A_27, 8 : i32
    %mul3A_29 = arith.constant 50048 : i32
    %mul3A_30 = arith.muli %arg0, %mul3A_29 : i32
    %mul3A_31 = arith.constant 3128 : i32
    %mul3A_32 = arith.muli %arg1, %mul3A_31 : i32
    %add3A_33 = arith.addi %mul3A_30, %mul3A_32 : i32
    %mul3A_34 = arith.constant 2500 : i32
    %mul3A_35 = arith.muli %scan3A_22, %mul3A_34 : i32
    %add3A_36 = arith.addi %add3A_33, %mul3A_35 : i32
    %multiple_of3A_37 = tpu.assume_multiple %add3A_36, 8 : i32
    "tpu.region"() ({
      %run_scoped3A = tpu.sem_alloc : memref<!tpu.dma_semaphore, #tpu.memory_space<semaphore_mem>>
      %dma_start3A = arith.constant 0 : i32
      %dma_start3A_57 = tpu.memref_slice %arg10[%multiple_of3A_28, %dma_start3A] : memref<50048x16xf32, #tpu.memory_space<vmem_shared>> -> memref<2500x16xf32, #tpu.memory_space<vmem_shared>>
      %dma_start3A_58 = arith.constant 0 : i32
      %dma_start3A_59 = tpu.memref_slice %arg10[%multiple_of3A_28, %dma_start3A_58] : memref<50048x16xf32, #tpu.memory_space<vmem_shared>> -> memref<2500x16xf32, #tpu.memory_space<vmem_shared>>
      tpu.enqueue_dma source(%dma_start3A_59 : memref<2500x16xf32, #tpu.memory_space<vmem_shared>>) target(%arg14 : memref<2500x16xf32, #tpu.memory_space<vmem>>) target_semaphore(%run_scoped3A : memref<!tpu.dma_semaphore, #tpu.memory_space<semaphore_mem>>)
      %dma_wait3A = arith.constant 0 : i32
      %dma_wait3A_60 = tpu.memref_slice %arg10[%multiple_of3A_28, %dma_wait3A] : memref<50048x16xf32, #tpu.memory_space<vmem_shared>> -> memref<2500x16xf32, #tpu.memory_space<vmem_shared>>
      %dma_wait3A_61 = arith.constant 0 : i32
      %dma_wait3A_62 = tpu.memref_slice %arg10[%multiple_of3A_28, %dma_wait3A_61] : memref<50048x16xf32, #tpu.memory_space<vmem_shared>> -> memref<2500x16xf32, #tpu.memory_space<vmem_shared>>
      tpu.wait_dma2 semaphore(%run_scoped3A : memref<!tpu.dma_semaphore, #tpu.memory_space<semaphore_mem>>) src(%dma_wait3A_62 : memref<2500x16xf32, #tpu.memory_space<vmem_shared>>) dst(%arg14 : memref<2500x16xf32, #tpu.memory_space<vmem>>)
      tpu.yield
    }) : () -> ()
    "tpu.region"() ({
      %run_scoped3A = tpu.sem_alloc : memref<!tpu.dma_semaphore, #tpu.memory_space<semaphore_mem>>
      %dma_start3A = arith.constant 0 : i32
      %dma_start3A_57 = tpu.memref_slice %arg8[%multiple_of3A_37, %dma_start3A] : memref<100096x16xf32, #tpu.memory_space<hbm>> -> memref<2500x16xf32, #tpu.memory_space<hbm>>
      %dma_start3A_58 = arith.constant 0 : i32
      %dma_start3A_59 = tpu.memref_slice %arg8[%multiple_of3A_37, %dma_start3A_58] : memref<100096x16xf32, #tpu.memory_space<hbm>> -> memref<2500x16xf32, #tpu.memory_space<hbm>>
      tpu.enqueue_dma source(%arg14 : memref<2500x16xf32, #tpu.memory_space<vmem>>) target(%dma_start3A_59 : memref<2500x16xf32, #tpu.memory_space<hbm>>) target_semaphore(%run_scoped3A : memref<!tpu.dma_semaphore, #tpu.memory_space<semaphore_mem>>)
      %dma_wait3A = arith.constant 0 : i32
      %dma_wait3A_60 = tpu.memref_slice %arg8[%multiple_of3A_37, %dma_wait3A] : memref<100096x16xf32, #tpu.memory_space<hbm>> -> memref<2500x16xf32, #tpu.memory_space<hbm>>
      %dma_wait3A_61 = arith.constant 0 : i32
      %dma_wait3A_62 = tpu.memref_slice %arg8[%multiple_of3A_37, %dma_wait3A_61] : memref<100096x16xf32, #tpu.memory_space<hbm>> -> memref<2500x16xf32, #tpu.memory_space<hbm>>
      tpu.wait_dma2 semaphore(%run_scoped3A : memref<!tpu.dma_semaphore, #tpu.memory_space<semaphore_mem>>) src(%arg14 : memref<2500x16xf32, #tpu.memory_space<vmem>>) dst(%dma_wait3A_62 : memref<2500x16xf32, #tpu.memory_space<hbm>>)
      tpu.yield
    }) : () -> ()
    %scan3A_38 = arith.constant 1 : i32
    %mul3A_39 = arith.constant 3128 : i32
    %mul3A_40 = arith.muli %arg1, %mul3A_39 : i32
    %add3A_41 = arith.constant 2500 : i32
    %add3A_42 = arith.addi %mul3A_40, %add3A_41 : i32
    "tpu.region"() ({
      %run_scoped3A = tpu.sem_alloc : memref<!tpu.dma_semaphore, #tpu.memory_space<semaphore_mem>>
      %dma_start3A = arith.constant 0 : i32
      %dma_start3A_57 = arith.constant 0 : i32
      %dma_start3A_58 = tpu.memref_slice %arg14[%dma_start3A, %dma_start3A_57] : memref<2500x16xf32, #tpu.memory_space<vmem>> -> memref<628x16xf32, #tpu.memory_space<vmem>>
      %dma_start3A_59 = arith.constant 0 : i32
      %dma_start3A_60 = tpu.memref_slice %arg10[%add3A_42, %dma_start3A_59] : memref<50048x16xf32, #tpu.memory_space<vmem_shared>> -> memref<628x16xf32, #tpu.memory_space<vmem_shared>>
      %dma_start3A_61 = arith.constant 0 : i32
      %dma_start3A_62 = arith.constant 0 : i32
      %dma_start3A_63 = tpu.memref_slice %arg14[%dma_start3A_61, %dma_start3A_62] : memref<2500x16xf32, #tpu.memory_space<vmem>> -> memref<628x16xf32, #tpu.memory_space<vmem>>
      %dma_start3A_64 = arith.constant 0 : i32
      %dma_start3A_65 = tpu.memref_slice %arg10[%add3A_42, %dma_start3A_64] : memref<50048x16xf32, #tpu.memory_space<vmem_shared>> -> memref<628x16xf32, #tpu.memory_space<vmem_shared>>
      tpu.enqueue_dma source(%dma_start3A_65 : memref<628x16xf32, #tpu.memory_space<vmem_shared>>) target(%dma_start3A_63 : memref<628x16xf32, #tpu.memory_space<vmem>>) target_semaphore(%run_scoped3A : memref<!tpu.dma_semaphore, #tpu.memory_space<semaphore_mem>>)
      %dma_wait3A = arith.constant 0 : i32
      %dma_wait3A_66 = arith.constant 0 : i32
      %dma_wait3A_67 = tpu.memref_slice %arg14[%dma_wait3A, %dma_wait3A_66] : memref<2500x16xf32, #tpu.memory_space<vmem>> -> memref<628x16xf32, #tpu.memory_space<vmem>>
      %dma_wait3A_68 = arith.constant 0 : i32
      %dma_wait3A_69 = tpu.memref_slice %arg10[%add3A_42, %dma_wait3A_68] : memref<50048x16xf32, #tpu.memory_space<vmem_shared>> -> memref<628x16xf32, #tpu.memory_space<vmem_shared>>
      %dma_wait3A_70 = arith.constant 0 : i32
      %dma_wait3A_71 = arith.constant 0 : i32
      %dma_wait3A_72 = tpu.memref_slice %arg14[%dma_wait3A_70, %dma_wait3A_71] : memref<2500x16xf32, #tpu.memory_space<vmem>> -> memref<628x16xf32, #tpu.memory_space<vmem>>
      %dma_wait3A_73 = arith.constant 0 : i32
      %dma_wait3A_74 = tpu.memref_slice %arg10[%add3A_42, %dma_wait3A_73] : memref<50048x16xf32, #tpu.memory_space<vmem_shared>> -> memref<628x16xf32, #tpu.memory_space<vmem_shared>>
      tpu.wait_dma2 semaphore(%run_scoped3A : memref<!tpu.dma_semaphore, #tpu.memory_space<semaphore_mem>>) src(%dma_wait3A_74 : memref<628x16xf32, #tpu.memory_space<vmem_shared>>) dst(%dma_wait3A_72 : memref<628x16xf32, #tpu.memory_space<vmem>>)
      tpu.yield
    }) : () -> ()
    %mul3A_43 = arith.constant 50048 : i32
    %mul3A_44 = arith.muli %arg0, %mul3A_43 : i32
    %mul3A_45 = arith.constant 3128 : i32
    %mul3A_46 = arith.muli %arg1, %mul3A_45 : i32
    %add3A_47 = arith.addi %mul3A_44, %mul3A_46 : i32
    %add3A_48 = arith.constant 2500 : i32
    %add3A_49 = arith.addi %add3A_47, %add3A_48 : i32
    "tpu.region"() ({
      %run_scoped3A = tpu.sem_alloc : memref<!tpu.dma_semaphore, #tpu.memory_space<semaphore_mem>>
      %dma_start3A = arith.constant 0 : i32
      %dma_start3A_57 = arith.constant 0 : i32
      %dma_start3A_58 = tpu.memref_slice %arg14[%dma_start3A, %dma_start3A_57] : memref<2500x16xf32, #tpu.memory_space<vmem>> -> memref<628x16xf32, #tpu.memory_space<vmem>>
      %dma_start3A_59 = arith.constant 0 : i32
      %dma_start3A_60 = tpu.memref_slice %arg8[%add3A_49, %dma_start3A_59] : memref<100096x16xf32, #tpu.memory_space<hbm>> -> memref<628x16xf32, #tpu.memory_space<hbm>>
      %dma_start3A_61 = arith.constant 0 : i32
      %dma_start3A_62 = tpu.memref_slice %arg8[%add3A_49, %dma_start3A_61] : memref<100096x16xf32, #tpu.memory_space<hbm>> -> memref<628x16xf32, #tpu.memory_space<hbm>>
      %dma_start3A_63 = arith.constant 0 : i32
      %dma_start3A_64 = arith.constant 0 : i32
      %dma_start3A_65 = tpu.memref_slice %arg14[%dma_start3A_63, %dma_start3A_64] : memref<2500x16xf32, #tpu.memory_space<vmem>> -> memref<628x16xf32, #tpu.memory_space<vmem>>
      tpu.enqueue_dma source(%dma_start3A_65 : memref<628x16xf32, #tpu.memory_space<vmem>>) target(%dma_start3A_62 : memref<628x16xf32, #tpu.memory_space<hbm>>) target_semaphore(%run_scoped3A : memref<!tpu.dma_semaphore, #tpu.memory_space<semaphore_mem>>)
      %dma_wait3A = arith.constant 0 : i32
      %dma_wait3A_66 = arith.constant 0 : i32
      %dma_wait3A_67 = tpu.memref_slice %arg14[%dma_wait3A, %dma_wait3A_66] : memref<2500x16xf32, #tpu.memory_space<vmem>> -> memref<628x16xf32, #tpu.memory_space<vmem>>
      %dma_wait3A_68 = arith.constant 0 : i32
      %dma_wait3A_69 = tpu.memref_slice %arg8[%add3A_49, %dma_wait3A_68] : memref<100096x16xf32, #tpu.memory_space<hbm>> -> memref<628x16xf32, #tpu.memory_space<hbm>>
      %dma_wait3A_70 = arith.constant 0 : i32
      %dma_wait3A_71 = tpu.memref_slice %arg8[%add3A_49, %dma_wait3A_70] : memref<100096x16xf32, #tpu.memory_space<hbm>> -> memref<628x16xf32, #tpu.memory_space<hbm>>
      %dma_wait3A_72 = arith.constant 0 : i32
      %dma_wait3A_73 = arith.constant 0 : i32
      %dma_wait3A_74 = tpu.memref_slice %arg14[%dma_wait3A_72, %dma_wait3A_73] : memref<2500x16xf32, #tpu.memory_space<vmem>> -> memref<628x16xf32, #tpu.memory_space<vmem>>
      tpu.wait_dma2 semaphore(%run_scoped3A : memref<!tpu.dma_semaphore, #tpu.memory_space<semaphore_mem>>) src(%dma_wait3A_74 : memref<628x16xf32, #tpu.memory_space<vmem>>) dst(%dma_wait3A_71 : memref<628x16xf32, #tpu.memory_space<hbm>>)
      tpu.yield
    }) : () -> ()
    %mul3A_50 = arith.constant 3128 : i32
    %mul3A_51 = arith.muli %arg1, %mul3A_50 : i32
    "tpu.region"() ({
      %run_scoped3A = tpu.sem_alloc : memref<!tpu.dma_semaphore, #tpu.memory_space<semaphore_mem>>
      %dma_start3A = tpu.memref_slice %arg11[%mul3A_51] : memref<50048xf32, #tpu.memory_space<vmem_shared>> -> memref<3128xf32, #tpu.memory_space<vmem_shared>>
      %dma_start3A_57 = tpu.memref_slice %arg11[%mul3A_51] : memref<50048xf32, #tpu.memory_space<vmem_shared>> -> memref<3128xf32, #tpu.memory_space<vmem_shared>>
      tpu.enqueue_dma source(%dma_start3A_57 : memref<3128xf32, #tpu.memory_space<vmem_shared>>) target(%arg16 : memref<3128xf32, #tpu.memory_space<vmem>>) target_semaphore(%run_scoped3A : memref<!tpu.dma_semaphore, #tpu.memory_space<semaphore_mem>>)
      %dma_wait3A = tpu.memref_slice %arg11[%mul3A_51] : memref<50048xf32, #tpu.memory_space<vmem_shared>> -> memref<3128xf32, #tpu.memory_space<vmem_shared>>
      %dma_wait3A_58 = tpu.memref_slice %arg11[%mul3A_51] : memref<50048xf32, #tpu.memory_space<vmem_shared>> -> memref<3128xf32, #tpu.memory_space<vmem_shared>>
      tpu.wait_dma2 semaphore(%run_scoped3A : memref<!tpu.dma_semaphore, #tpu.memory_space<semaphore_mem>>) src(%dma_wait3A_58 : memref<3128xf32, #tpu.memory_space<vmem_shared>>) dst(%arg16 : memref<3128xf32, #tpu.memory_space<vmem>>)
      tpu.yield
    }) : () -> ()
    %mul3A_52 = arith.constant 50048 : i32
    %mul3A_53 = arith.muli %arg0, %mul3A_52 : i32
    %mul3A_54 = arith.constant 3128 : i32
    %mul3A_55 = arith.muli %arg1, %mul3A_54 : i32
    %add3A_56 = arith.addi %mul3A_53, %mul3A_55 : i32
    "tpu.region"() ({
      %run_scoped3A = tpu.sem_alloc : memref<!tpu.dma_semaphore, #tpu.memory_space<semaphore_mem>>
      %dma_start3A = tpu.memref_slice %arg9[%add3A_56] : memref<100096xf32, #tpu.memory_space<hbm>> -> memref<3128xf32, #tpu.memory_space<hbm>>
      %dma_start3A_57 = tpu.memref_slice %arg9[%add3A_56] : memref<100096xf32, #tpu.memory_space<hbm>> -> memref<3128xf32, #tpu.memory_space<hbm>>
      tpu.enqueue_dma source(%arg16 : memref<3128xf32, #tpu.memory_space<vmem>>) target(%dma_start3A_57 : memref<3128xf32, #tpu.memory_space<hbm>>) target_semaphore(%run_scoped3A : memref<!tpu.dma_semaphore, #tpu.memory_space<semaphore_mem>>)
      %dma_wait3A = tpu.memref_slice %arg9[%add3A_56] : memref<100096xf32, #tpu.memory_space<hbm>> -> memref<3128xf32, #tpu.memory_space<hbm>>
      %dma_wait3A_58 = tpu.memref_slice %arg9[%add3A_56] : memref<100096xf32, #tpu.memory_space<hbm>> -> memref<3128xf32, #tpu.memory_space<hbm>>
      tpu.wait_dma2 semaphore(%run_scoped3A : memref<!tpu.dma_semaphore, #tpu.memory_space<semaphore_mem>>) src(%arg16 : memref<3128xf32, #tpu.memory_space<vmem>>) dst(%dma_wait3A_58 : memref<3128xf32, #tpu.memory_space<hbm>>)
      tpu.yield
    }) : () -> ()
    return
  }
}

module attributes {stable_mosaic.version = 14 : i64} {
  func.func @_tc_embed_body(%arg0: i32, %arg1: memref<12500x72xf32, #tpu.memory_space<vmem>>, %arg2: memref<72x128xf32, #tpu.memory_space<vmem>>, %arg3: memref<1x128xf32, #tpu.memory_space<vmem>>, %arg4: memref<12500x128xf32, #tpu.memory_space<vmem>>) attributes {dimension_semantics = [#tpu.dimension_semantics<arbitrary>], iteration_bounds = array<i64: 1>, scalar_prefetch = 0 : i64, scratch_operands = 0 : i64, tpu.core_type = #tpu.core_type<tc>, window_params = [{pipeline_mode = #tpu.pipeline_mode<synchronous>, transform_indices = @transform_0, window_bounds = array<i64: 12500, 72>}, {pipeline_mode = #tpu.pipeline_mode<synchronous>, transform_indices = @transform_1, window_bounds = array<i64: 72, 128>}, {pipeline_mode = #tpu.pipeline_mode<synchronous>, transform_indices = @transform_2, window_bounds = array<i64: 1, 128>}, {pipeline_mode = #tpu.pipeline_mode<synchronous>, transform_indices = @transform_3, window_bounds = array<i64: 12500, 128>}]} {
    %get3A = arith.constant 0 : index
    %get3A_0 = arith.constant 0 : index
    %get3A_1 = vector.load %arg1[%get3A, %get3A_0] : memref<12500x72xf32, #tpu.memory_space<vmem>>, vector<12500x72xf32>
    %get3A_2 = arith.constant 0 : index
    %get3A_3 = arith.constant 0 : index
    %get3A_4 = vector.load %arg2[%get3A_2, %get3A_3] : memref<72x128xf32, #tpu.memory_space<vmem>>, vector<72x128xf32>
    %dot_general3A = arith.constant dense<0.000000e+00> : vector<12500x128xf32>
    %dot_general3A_5 = tpu.matmul %get3A_1, %get3A_4, %dot_general3A {dimension_numbers = #tpu.dot_dimension_numbers<[1], [0], [0], [1], [0, 0, 1, 1], [], []>, transpose_lhs_hint = false} : vector<12500x72xf32>, vector<72x128xf32>, vector<12500x128xf32> -> vector<12500x128xf32>
    %get3A_6 = arith.constant 0 : index
    %get3A_7 = arith.constant 0 : index
    %get3A_8 = vector.load %arg3[%get3A_6, %get3A_7] : memref<1x128xf32, #tpu.memory_space<vmem>>, vector<1x128xf32>
    %add3A = vector.broadcast %get3A_8 : vector<1x128xf32> to vector<12500x128xf32>
    %add3A_9 = arith.addf %dot_general3A_5, %add3A : vector<12500x128xf32>
    %max3A = arith.constant 0.000000e+00 : f32
    %max3A_10 = vector.broadcast %max3A : f32 to vector<12500x128xf32>
    %max3A_11 = arith.maximumf %add3A_9, %max3A_10 : vector<12500x128xf32>
    %swap3A = arith.constant 0 : index
    %swap3A_12 = arith.constant 0 : index
    %swap3A_13 = vector.load %arg4[%swap3A, %swap3A_12] : memref<12500x128xf32, #tpu.memory_space<vmem>>, vector<12500x128xf32>
    tpu.vector_store %arg4[%swap3A, %swap3A_12], %max3A_11 {strides = array<i32>} : memref<12500x128xf32, #tpu.memory_space<vmem>>, vector<12500x128xf32>,
    return
  }
  func.func @transform_0(%arg0: i32) -> (i32, i32) {
    %c0_i32 = arith.constant 0 : i32
    %c0_i32_0 = arith.constant 0 : i32
    %c0_i32_1 = arith.constant 0 : i32
    return %c0_i32, %c0_i32_0 : i32, i32
  }
  func.func @transform_1(%arg0: i32) -> (i32, i32) {
    %c0_i32 = arith.constant 0 : i32
    %c0_i32_0 = arith.constant 0 : i32
    %c0_i32_1 = arith.constant 0 : i32
    return %c0_i32, %c0_i32_0 : i32, i32
  }
  func.func @transform_2(%arg0: i32) -> (i32, i32) {
    %c0_i32 = arith.constant 0 : i32
    %c0_i32_0 = arith.constant 0 : i32
    %c0_i32_1 = arith.constant 0 : i32
    return %c0_i32, %c0_i32_0 : i32, i32
  }
  func.func @transform_3(%arg0: i32) -> (i32, i32) {
    %c0_i32 = arith.constant 0 : i32
    %c0_i32_0 = arith.constant 0 : i32
    %c0_i32_1 = arith.constant 0 : i32
    return %c0_i32, %c0_i32_0 : i32, i32
  }
}

module attributes {stable_mosaic.version = 14 : i64} {
  func.func @_tc_scale_body(%arg0: i32, %arg1: memref<12500x128xf32, #tpu.memory_space<vmem>>, %arg2: memref<12500x8xf32, #tpu.memory_space<vmem>>, %arg3: memref<12500x8xf32, #tpu.memory_space<vmem>>, %arg4: memref<8x128xf32, #tpu.memory_space<vmem>>, %arg5: memref<12500x128xf32, #tpu.memory_space<vmem>>) attributes {dimension_semantics = [#tpu.dimension_semantics<arbitrary>], iteration_bounds = array<i64: 1>, scalar_prefetch = 0 : i64, scratch_operands = 0 : i64, tpu.core_type = #tpu.core_type<tc>, window_params = [{pipeline_mode = #tpu.pipeline_mode<synchronous>, transform_indices = @transform_0, window_bounds = array<i64: 12500, 128>}, {pipeline_mode = #tpu.pipeline_mode<synchronous>, transform_indices = @transform_1, window_bounds = array<i64: 12500, 8>}, {pipeline_mode = #tpu.pipeline_mode<synchronous>, transform_indices = @transform_2, window_bounds = array<i64: 12500, 8>}, {pipeline_mode = #tpu.pipeline_mode<synchronous>, transform_indices = @transform_3, window_bounds = array<i64: 8, 128>}, {pipeline_mode = #tpu.pipeline_mode<synchronous>, transform_indices = @transform_4, window_bounds = array<i64: 12500, 128>}]} {
    %get3A = arith.constant 0 : index
    %get3A_0 = arith.constant 0 : index
    %get3A_1 = vector.load %arg1[%get3A, %get3A_0] : memref<12500x128xf32, #tpu.memory_space<vmem>>, vector<12500x128xf32>
    %get3A_2 = arith.constant 0 : index
    %get3A_3 = arith.constant 0 : index
    %get3A_4 = vector.load %arg2[%get3A_2, %get3A_3] : memref<12500x8xf32, #tpu.memory_space<vmem>>, vector<12500x8xf32>
    %get3A_5 = arith.constant 0 : index
    %get3A_6 = arith.constant 0 : index
    %get3A_7 = vector.load %arg3[%get3A_5, %get3A_6] : memref<12500x8xf32, #tpu.memory_space<vmem>>, vector<12500x8xf32>
    %get3A_8 = arith.constant 0 : index
    %get3A_9 = arith.constant 0 : index
    %get3A_10 = vector.load %arg4[%get3A_8, %get3A_9] : memref<8x128xf32, #tpu.memory_space<vmem>>, vector<8x128xf32>
    %add3A = arith.addf %get3A_4, %get3A_7 : vector<12500x8xf32>
    %max3A = arith.constant 1.000000e+00 : f32
    %max3A_11 = vector.broadcast %max3A : f32 to vector<12500x8xf32>
    %max3A_12 = arith.maximumf %add3A, %max3A_11 : vector<12500x8xf32>
    %rsqrt3A = math.rsqrt %max3A_12 : vector<12500x8xf32>
    %dot_general3A = arith.constant dense<0.000000e+00> : vector<12500x128xf32>
    %dot_general3A_13 = tpu.matmul %rsqrt3A, %get3A_10, %dot_general3A {dimension_numbers = #tpu.dot_dimension_numbers<[1], [0], [0], [1], [0, 0, 1, 1], [], []>, transpose_lhs_hint = false} : vector<12500x8xf32>, vector<8x128xf32>, vector<12500x128xf32> -> vector<12500x128xf32>
    %mul3A = arith.mulf %get3A_1, %dot_general3A_13 : vector<12500x128xf32>
    %swap3A = arith.constant 0 : index
    %swap3A_14 = arith.constant 0 : index
    %swap3A_15 = vector.load %arg5[%swap3A, %swap3A_14] : memref<12500x128xf32, #tpu.memory_space<vmem>>, vector<12500x128xf32>
    tpu.vector_store %arg5[%swap3A, %swap3A_14], %mul3A {strides = array<i32>} : memref<12500x128xf32, #tpu.memory_space<vmem>>, vector<12500x128xf32>,
    return
  }
  func.func @transform_0(%arg0: i32) -> (i32, i32) {
    %c0_i32 = arith.constant 0 : i32
    %c0_i32_0 = arith.constant 0 : i32
    %c0_i32_1 = arith.constant 0 : i32
    return %c0_i32, %c0_i32_0 : i32, i32
  }
  func.func @transform_1(%arg0: i32) -> (i32, i32) {
    %c0_i32 = arith.constant 0 : i32
    %c0_i32_0 = arith.constant 0 : i32
    %c0_i32_1 = arith.constant 0 : i32
    return %c0_i32, %c0_i32_0 : i32, i32
  }
  func.func @transform_2(%arg0: i32) -> (i32, i32) {
    %c0_i32 = arith.constant 0 : i32
    %c0_i32_0 = arith.constant 0 : i32
    %c0_i32_1 = arith.constant 0 : i32
    return %c0_i32, %c0_i32_0 : i32, i32
  }
  func.func @transform_3(%arg0: i32) -> (i32, i32) {
    %c0_i32 = arith.constant 0 : i32
    %c0_i32_0 = arith.constant 0 : i32
    %c0_i32_1 = arith.constant 0 : i32
    return %c0_i32, %c0_i32_0 : i32, i32
  }
  func.func @transform_4(%arg0: i32) -> (i32, i32) {
    %c0_i32 = arith.constant 0 : i32
    %c0_i32_0 = arith.constant 0 : i32
    %c0_i32_1 = arith.constant 0 : i32
    return %c0_i32, %c0_i32_0 : i32, i32
  }
}

module attributes {stable_mosaic.version = 14 : i64} {
  func.func @_tc_table_soc_body(%arg0: i32, %arg1: memref<1250x8xf32, #tpu.memory_space<vmem>>, %arg2: memref<1250x8xf32, #tpu.memory_space<vmem>>, %arg3: memref<1250x8xf32, #tpu.memory_space<vmem>>, %arg4: memref<8x128xf32, #tpu.memory_space<vmem>>, %arg5: memref<1x128xf32, #tpu.memory_space<vmem>>, %arg6: memref<8x128xf32, #tpu.memory_space<vmem>>, %arg7: memref<1250x128xf32, #tpu.memory_space<vmem>>) attributes {dimension_semantics = [#tpu.dimension_semantics<arbitrary>], iteration_bounds = array<i64: 1>, scalar_prefetch = 0 : i64, scratch_operands = 0 : i64, tpu.core_type = #tpu.core_type<tc>, window_params = [{pipeline_mode = #tpu.pipeline_mode<synchronous>, transform_indices = @transform_0, window_bounds = array<i64: 1250, 8>}, {pipeline_mode = #tpu.pipeline_mode<synchronous>, transform_indices = @transform_1, window_bounds = array<i64: 1250, 8>}, {pipeline_mode = #tpu.pipeline_mode<synchronous>, transform_indices = @transform_2, window_bounds = array<i64: 1250, 8>}, {pipeline_mode = #tpu.pipeline_mode<synchronous>, transform_indices = @transform_3, window_bounds = array<i64: 8, 128>}, {pipeline_mode = #tpu.pipeline_mode<synchronous>, transform_indices = @transform_4, window_bounds = array<i64: 1, 128>}, {pipeline_mode = #tpu.pipeline_mode<synchronous>, transform_indices = @transform_5, window_bounds = array<i64: 8, 128>}, {pipeline_mode = #tpu.pipeline_mode<synchronous>, transform_indices = @transform_6, window_bounds = array<i64: 1250, 128>}]} {
    %get3A = arith.constant 0 : index
    %get3A_0 = arith.constant 0 : index
    %get3A_1 = vector.load %arg2[%get3A, %get3A_0] : memref<1250x8xf32, #tpu.memory_space<vmem>>, vector<1250x8xf32>
    %get3A_2 = arith.constant 0 : index
    %get3A_3 = arith.constant 0 : index
    %get3A_4 = vector.load %arg3[%get3A_2, %get3A_3] : memref<1250x8xf32, #tpu.memory_space<vmem>>, vector<1250x8xf32>
    %get3A_5 = arith.constant 0 : index
    %get3A_6 = arith.constant 0 : index
    %get3A_7 = vector.load %arg6[%get3A_5, %get3A_6] : memref<8x128xf32, #tpu.memory_space<vmem>>, vector<8x128xf32>
    %add3A = arith.addf %get3A_1, %get3A_4 : vector<1250x8xf32>
    %max3A = arith.constant 1.000000e+00 : f32
    %max3A_8 = vector.broadcast %max3A : f32 to vector<1250x8xf32>
    %max3A_9 = arith.maximumf %add3A, %max3A_8 : vector<1250x8xf32>
    %rsqrt3A = math.rsqrt %max3A_9 : vector<1250x8xf32>
    %dot_general3A = arith.constant dense<0.000000e+00> : vector<1250x128xf32>
    %dot_general3A_10 = tpu.matmul %rsqrt3A, %get3A_7, %dot_general3A {dimension_numbers = #tpu.dot_dimension_numbers<[1], [0], [0], [1], [0, 0, 1, 1], [], []>, transpose_lhs_hint = false} : vector<1250x8xf32>, vector<8x128xf32>, vector<1250x128xf32> -> vector<1250x128xf32>
    %get3A_11 = arith.constant 0 : index
    %get3A_12 = arith.constant 0 : index
    %get3A_13 = vector.load %arg1[%get3A_11, %get3A_12] : memref<1250x8xf32, #tpu.memory_space<vmem>>, vector<1250x8xf32>
    %get3A_14 = arith.constant 0 : index
    %get3A_15 = arith.constant 0 : index
    %get3A_16 = vector.load %arg4[%get3A_14, %get3A_15] : memref<8x128xf32, #tpu.memory_space<vmem>>, vector<8x128xf32>
    %dot_general3A_17 = arith.constant dense<0.000000e+00> : vector<1250x128xf32>
    %dot_general3A_18 = tpu.matmul %get3A_13, %get3A_16, %dot_general3A_17 {dimension_numbers = #tpu.dot_dimension_numbers<[1], [0], [0], [1], [0, 0, 1, 1], [], []>, transpose_lhs_hint = false} : vector<1250x8xf32>, vector<8x128xf32>, vector<1250x128xf32> -> vector<1250x128xf32>
    %get3A_19 = arith.constant 0 : index
    %get3A_20 = arith.constant 0 : index
    %get3A_21 = vector.load %arg5[%get3A_19, %get3A_20] : memref<1x128xf32, #tpu.memory_space<vmem>>, vector<1x128xf32>
    %add3A_22 = vector.broadcast %get3A_21 : vector<1x128xf32> to vector<1250x128xf32>
    %add3A_23 = arith.addf %dot_general3A_18, %add3A_22 : vector<1250x128xf32>
    %max3A_24 = arith.constant 0.000000e+00 : f32
    %max3A_25 = vector.broadcast %max3A_24 : f32 to vector<1250x128xf32>
    %max3A_26 = arith.maximumf %add3A_23, %max3A_25 : vector<1250x128xf32>
    %mul3A = arith.mulf %max3A_26, %dot_general3A_10 : vector<1250x128xf32>
    %swap3A = arith.constant 0 : index
    %swap3A_27 = arith.constant 0 : index
    %swap3A_28 = vector.load %arg7[%swap3A, %swap3A_27] : memref<1250x128xf32, #tpu.memory_space<vmem>>, vector<1250x128xf32>
    tpu.vector_store %arg7[%swap3A, %swap3A_27], %mul3A {strides = array<i32>} : memref<1250x128xf32, #tpu.memory_space<vmem>>, vector<1250x128xf32>,
    return
  }
  func.func @transform_0(%arg0: i32) -> (i32, i32) {
    %c0_i32 = arith.constant 0 : i32
    %c0_i32_0 = arith.constant 0 : i32
    %c0_i32_1 = arith.constant 0 : i32
    return %c0_i32, %c0_i32_0 : i32, i32
  }
  func.func @transform_1(%arg0: i32) -> (i32, i32) {
    %c0_i32 = arith.constant 0 : i32
    %c0_i32_0 = arith.constant 0 : i32
    %c0_i32_1 = arith.constant 0 : i32
    return %c0_i32, %c0_i32_0 : i32, i32
  }
  func.func @transform_2(%arg0: i32) -> (i32, i32) {
    %c0_i32 = arith.constant 0 : i32
    %c0_i32_0 = arith.constant 0 : i32
    %c0_i32_1 = arith.constant 0 : i32
    return %c0_i32, %c0_i32_0 : i32, i32
  }
  func.func @transform_3(%arg0: i32) -> (i32, i32) {
    %c0_i32 = arith.constant 0 : i32
    %c0_i32_0 = arith.constant 0 : i32
    %c0_i32_1 = arith.constant 0 : i32
    return %c0_i32, %c0_i32_0 : i32, i32
  }
  func.func @transform_4(%arg0: i32) -> (i32, i32) {
    %c0_i32 = arith.constant 0 : i32
    %c0_i32_0 = arith.constant 0 : i32
    %c0_i32_1 = arith.constant 0 : i32
    return %c0_i32, %c0_i32_0 : i32, i32
  }
  func.func @transform_5(%arg0: i32) -> (i32, i32) {
    %c0_i32 = arith.constant 0 : i32
    %c0_i32_0 = arith.constant 0 : i32
    %c0_i32_1 = arith.constant 0 : i32
    return %c0_i32, %c0_i32_0 : i32, i32
  }
  func.func @transform_6(%arg0: i32) -> (i32, i32) {
    %c0_i32 = arith.constant 0 : i32
    %c0_i32_0 = arith.constant 0 : i32
    %c0_i32_1 = arith.constant 0 : i32
    return %c0_i32, %c0_i32_0 : i32, i32
  }
}

module attributes {stable_mosaic.version = 14 : i64} {
  func.func @_tc_con_body(%arg0: i32, %arg1: memref<6256x128xf32, #tpu.memory_space<vmem>>, %arg2: memref<6256x128xf32, #tpu.memory_space<vmem>>, %arg3: memref<6256x128xf32, #tpu.memory_space<vmem>>, %arg4: memref<6256x128xf32, #tpu.memory_space<vmem>>, %arg5: memref<6256x8xf32, #tpu.memory_space<vmem>>, %arg6: memref<6256x8xf32, #tpu.memory_space<vmem>>, %arg7: memref<6256x8xf32, #tpu.memory_space<vmem>>, %arg8: memref<6256x8xf32, #tpu.memory_space<vmem>>, %arg9: memref<128x128xf32, #tpu.memory_space<vmem>>, %arg10: memref<1x128xf32, #tpu.memory_space<vmem>>, %arg11: memref<8x128xf32, #tpu.memory_space<vmem>>, %arg12: memref<6256x128xf32, #tpu.memory_space<vmem>>) attributes {dimension_semantics = [#tpu.dimension_semantics<arbitrary>], iteration_bounds = array<i64: 1>, scalar_prefetch = 0 : i64, scratch_operands = 0 : i64, tpu.core_type = #tpu.core_type<tc>, window_params = [{transform_indices = @transform_0, window_bounds = array<i64: 6256, 128>}, {transform_indices = @transform_1, window_bounds = array<i64: 6256, 128>}, {transform_indices = @transform_2, window_bounds = array<i64: 6256, 128>}, {transform_indices = @transform_3, window_bounds = array<i64: 6256, 128>}, {transform_indices = @transform_4, window_bounds = array<i64: 6256, 8>}, {transform_indices = @transform_5, window_bounds = array<i64: 6256, 8>}, {transform_indices = @transform_6, window_bounds = array<i64: 6256, 8>}, {transform_indices = @transform_7, window_bounds = array<i64: 6256, 8>}, {pipeline_mode = #tpu.pipeline_mode<synchronous>, transform_indices = @transform_8, window_bounds = array<i64: 128, 128>}, {pipeline_mode = #tpu.pipeline_mode<synchronous>, transform_indices = @transform_9, window_bounds = array<i64: 1, 128>}, {pipeline_mode = #tpu.pipeline_mode<synchronous>, transform_indices = @transform_10, window_bounds = array<i64: 8, 128>}, {pipeline_mode = #tpu.pipeline_mode<synchronous>, transform_indices = @transform_11, window_bounds = array<i64: 6256, 128>}]} {
    %get3A = arith.constant 0 : index
    %get3A_0 = arith.constant 0 : index
    %get3A_1 = vector.load %arg11[%get3A, %get3A_0] : memref<8x128xf32, #tpu.memory_space<vmem>>, vector<8x128xf32>
    %get3A_2 = arith.constant 0 : index
    %get3A_3 = arith.constant 0 : index
    %get3A_4 = vector.load %arg5[%get3A_2, %get3A_3] : memref<6256x8xf32, #tpu.memory_space<vmem>>, vector<6256x8xf32>
    %get3A_5 = arith.constant 0 : index
    %get3A_6 = arith.constant 0 : index
    %get3A_7 = vector.load %arg6[%get3A_5, %get3A_6] : memref<6256x8xf32, #tpu.memory_space<vmem>>, vector<6256x8xf32>
    %add3A = arith.addf %get3A_4, %get3A_7 : vector<6256x8xf32>
    %max3A = arith.constant 1.000000e+00 : f32
    %max3A_8 = vector.broadcast %max3A : f32 to vector<6256x8xf32>
    %max3A_9 = arith.maximumf %add3A, %max3A_8 : vector<6256x8xf32>
    %rsqrt3A = math.rsqrt %max3A_9 : vector<6256x8xf32>
    %dot_general3A = arith.constant dense<0.000000e+00> : vector<6256x128xf32>
    %dot_general3A_10 = tpu.matmul %rsqrt3A, %get3A_1, %dot_general3A {dimension_numbers = #tpu.dot_dimension_numbers<[1], [0], [0], [1], [0, 0, 1, 1], [], []>, transpose_lhs_hint = false} : vector<6256x8xf32>, vector<8x128xf32>, vector<6256x128xf32> -> vector<6256x128xf32>
    %get3A_11 = arith.constant 0 : index
    %get3A_12 = arith.constant 0 : index
    %get3A_13 = vector.load %arg7[%get3A_11, %get3A_12] : memref<6256x8xf32, #tpu.memory_space<vmem>>, vector<6256x8xf32>
    %get3A_14 = arith.constant 0 : index
    %get3A_15 = arith.constant 0 : index
    %get3A_16 = vector.load %arg8[%get3A_14, %get3A_15] : memref<6256x8xf32, #tpu.memory_space<vmem>>, vector<6256x8xf32>
    %add3A_17 = arith.addf %get3A_13, %get3A_16 : vector<6256x8xf32>
    %max3A_18 = arith.constant 1.000000e+00 : f32
    %max3A_19 = vector.broadcast %max3A_18 : f32 to vector<6256x8xf32>
    %max3A_20 = arith.maximumf %add3A_17, %max3A_19 : vector<6256x8xf32>
    %rsqrt3A_21 = math.rsqrt %max3A_20 : vector<6256x8xf32>
    %dot_general3A_22 = arith.constant dense<0.000000e+00> : vector<6256x128xf32>
    %dot_general3A_23 = tpu.matmul %rsqrt3A_21, %get3A_1, %dot_general3A_22 {dimension_numbers = #tpu.dot_dimension_numbers<[1], [0], [0], [1], [0, 0, 1, 1], [], []>, transpose_lhs_hint = false} : vector<6256x8xf32>, vector<8x128xf32>, vector<6256x128xf32> -> vector<6256x128xf32>
    %get3A_24 = arith.constant 0 : index
    %get3A_25 = arith.constant 0 : index
    %get3A_26 = vector.load %arg1[%get3A_24, %get3A_25] : memref<6256x128xf32, #tpu.memory_space<vmem>>, vector<6256x128xf32>
    %get3A_27 = arith.constant 0 : index
    %get3A_28 = arith.constant 0 : index
    %get3A_29 = vector.load %arg2[%get3A_27, %get3A_28] : memref<6256x128xf32, #tpu.memory_space<vmem>>, vector<6256x128xf32>
    %add3A_30 = arith.addf %get3A_26, %get3A_29 : vector<6256x128xf32>
    %mul3A = arith.mulf %dot_general3A_10, %add3A_30 : vector<6256x128xf32>
    %get3A_31 = arith.constant 0 : index
    %get3A_32 = arith.constant 0 : index
    %get3A_33 = vector.load %arg3[%get3A_31, %get3A_32] : memref<6256x128xf32, #tpu.memory_space<vmem>>, vector<6256x128xf32>
    %get3A_34 = arith.constant 0 : index
    %get3A_35 = arith.constant 0 : index
    %get3A_36 = vector.load %arg4[%get3A_34, %get3A_35] : memref<6256x128xf32, #tpu.memory_space<vmem>>, vector<6256x128xf32>
    %add3A_37 = arith.addf %get3A_33, %get3A_36 : vector<6256x128xf32>
    %mul3A_38 = arith.mulf %dot_general3A_23, %add3A_37 : vector<6256x128xf32>
    %add3A_39 = arith.addf %mul3A, %mul3A_38 : vector<6256x128xf32>
    %get3A_40 = arith.constant 0 : index
    %get3A_41 = arith.constant 0 : index
    %get3A_42 = vector.load %arg9[%get3A_40, %get3A_41] : memref<128x128xf32, #tpu.memory_space<vmem>>, vector<128x128xf32>
    %dot_general3A_43 = arith.constant dense<0.000000e+00> : vector<6256x128xf32>
    %dot_general3A_44 = tpu.matmul %add3A_39, %get3A_42, %dot_general3A_43 {dimension_numbers = #tpu.dot_dimension_numbers<[1], [0], [0], [1], [0, 0, 1, 1], [], []>, transpose_lhs_hint = false} : vector<6256x128xf32>, vector<128x128xf32>, vector<6256x128xf32> -> vector<6256x128xf32>
    %get3A_45 = arith.constant 0 : index
    %get3A_46 = arith.constant 0 : index
    %get3A_47 = vector.load %arg10[%get3A_45, %get3A_46] : memref<1x128xf32, #tpu.memory_space<vmem>>, vector<1x128xf32>
    %mul3A_48 = arith.constant 2.000000e+00 : f32
    %mul3A_49 = vector.broadcast %mul3A_48 : f32 to vector<1x128xf32>
    %mul3A_50 = arith.mulf %mul3A_49, %get3A_47 : vector<1x128xf32>
    %add3A_51 = vector.broadcast %mul3A_50 : vector<1x128xf32> to vector<6256x128xf32>
    %add3A_52 = arith.addf %dot_general3A_44, %add3A_51 : vector<6256x128xf32>
    %max3A_53 = arith.constant 0.000000e+00 : f32
    %max3A_54 = vector.broadcast %max3A_53 : f32 to vector<6256x128xf32>
    %max3A_55 = arith.maximumf %add3A_52, %max3A_54 : vector<6256x128xf32>
    %mul3A_56 = arith.mulf %max3A_55, %dot_general3A_10 : vector<6256x128xf32>
    %swap3A = arith.constant 0 : index
    %swap3A_57 = arith.constant 0 : index
    %swap3A_58 = vector.load %arg12[%swap3A, %swap3A_57] : memref<6256x128xf32, #tpu.memory_space<vmem>>, vector<6256x128xf32>
    tpu.vector_store %arg12[%swap3A, %swap3A_57], %mul3A_56 {strides = array<i32>} : memref<6256x128xf32, #tpu.memory_space<vmem>>, vector<6256x128xf32>,
    return
  }
  func.func @transform_0(%arg0: i32) -> (i32, i32) {
    %c0_i32 = arith.constant 0 : i32
    %c0_i32_0 = arith.constant 0 : i32
    %c0_i32_1 = arith.constant 0 : i32
    return %c0_i32, %c0_i32_0 : i32, i32
  }
  func.func @transform_1(%arg0: i32) -> (i32, i32) {
    %c1_i32 = arith.constant 1 : i32
    %c0_i32 = arith.constant 0 : i32
    %c0_i32_0 = arith.constant 0 : i32
    return %c1_i32, %c0_i32 : i32, i32
  }
  func.func @transform_2(%arg0: i32) -> (i32, i32) {
    %c0_i32 = arith.constant 0 : i32
    %c0_i32_0 = arith.constant 0 : i32
    %c0_i32_1 = arith.constant 0 : i32
    return %c0_i32, %c0_i32_0 : i32, i32
  }
  func.func @transform_3(%arg0: i32) -> (i32, i32) {
    %c1_i32 = arith.constant 1 : i32
    %c0_i32 = arith.constant 0 : i32
    %c0_i32_0 = arith.constant 0 : i32
    return %c1_i32, %c0_i32 : i32, i32
  }
  func.func @transform_4(%arg0: i32) -> (i32, i32) {
    %c0_i32 = arith.constant 0 : i32
    %c0_i32_0 = arith.constant 0 : i32
    %c0_i32_1 = arith.constant 0 : i32
    return %c0_i32, %c0_i32_0 : i32, i32
  }
  func.func @transform_5(%arg0: i32) -> (i32, i32) {
    %c1_i32 = arith.constant 1 : i32
    %c0_i32 = arith.constant 0 : i32
    %c0_i32_0 = arith.constant 0 : i32
    return %c1_i32, %c0_i32 : i32, i32
  }
  func.func @transform_6(%arg0: i32) -> (i32, i32) {
    %c0_i32 = arith.constant 0 : i32
    %c0_i32_0 = arith.constant 0 : i32
    %c0_i32_1 = arith.constant 0 : i32
    return %c0_i32, %c0_i32_0 : i32, i32
  }
  func.func @transform_7(%arg0: i32) -> (i32, i32) {
    %c1_i32 = arith.constant 1 : i32
    %c0_i32 = arith.constant 0 : i32
    %c0_i32_0 = arith.constant 0 : i32
    return %c1_i32, %c0_i32 : i32, i32
  }
  func.func @transform_8(%arg0: i32) -> (i32, i32) {
    %c0_i32 = arith.constant 0 : i32
    %c0_i32_0 = arith.constant 0 : i32
    %c0_i32_1 = arith.constant 0 : i32
    return %c0_i32, %c0_i32_0 : i32, i32
  }
  func.func @transform_9(%arg0: i32) -> (i32, i32) {
    %c0_i32 = arith.constant 0 : i32
    %c0_i32_0 = arith.constant 0 : i32
    %c0_i32_1 = arith.constant 0 : i32
    return %c0_i32, %c0_i32_0 : i32, i32
  }
  func.func @transform_10(%arg0: i32) -> (i32, i32) {
    %c0_i32 = arith.constant 0 : i32
    %c0_i32_0 = arith.constant 0 : i32
    %c0_i32_1 = arith.constant 0 : i32
    return %c0_i32, %c0_i32_0 : i32, i32
  }
  func.func @transform_11(%arg0: i32) -> (i32, i32) {
    %c0_i32 = arith.constant 0 : i32
    %c0_i32_0 = arith.constant 0 : i32
    %c0_i32_1 = arith.constant 0 : i32
    return %c0_i32, %c0_i32_0 : i32, i32
  }
}

module attributes {stable_mosaic.version = 14 : i64} {
  func.func @_tc_readout_body(%arg0: i32, %arg1: memref<6256x128xf32, #tpu.memory_space<vmem>>, %arg2: memref<6256x128xf32, #tpu.memory_space<vmem>>, %arg3: memref<6256x8xf32, #tpu.memory_space<vmem>>, %arg4: memref<6256x8xf32, #tpu.memory_space<vmem>>, %arg5: memref<128x128xf32, #tpu.memory_space<vmem>>, %arg6: memref<1x128xf32, #tpu.memory_space<vmem>>, %arg7: memref<128x128xf32, #tpu.memory_space<vmem>>, %arg8: memref<1x128xf32, #tpu.memory_space<vmem>>, %arg9: memref<128x128xf32, #tpu.memory_space<vmem>>, %arg10: memref<1x128xf32, #tpu.memory_space<vmem>>, %arg11: memref<128x8xf32, #tpu.memory_space<vmem>>, %arg12: memref<1x8xf32, #tpu.memory_space<vmem>>, %arg13: memref<8x128xf32, #tpu.memory_space<vmem>>, %arg14: memref<1x1xf32, #tpu.memory_space<vmem>>) attributes {dimension_semantics = [#tpu.dimension_semantics<arbitrary>], iteration_bounds = array<i64: 2>, scalar_prefetch = 0 : i64, scratch_operands = 0 : i64, tpu.core_type = #tpu.core_type<tc>, window_params = [{transform_indices = @transform_0, window_bounds = array<i64: 6256, 128>}, {transform_indices = @transform_1, window_bounds = array<i64: 6256, 128>}, {transform_indices = @transform_2, window_bounds = array<i64: 6256, 8>}, {transform_indices = @transform_3, window_bounds = array<i64: 6256, 8>}, {pipeline_mode = #tpu.pipeline_mode<synchronous>, transform_indices = @transform_4, window_bounds = array<i64: 128, 128>}, {pipeline_mode = #tpu.pipeline_mode<synchronous>, transform_indices = @transform_5, window_bounds = array<i64: 1, 128>}, {pipeline_mode = #tpu.pipeline_mode<synchronous>, transform_indices = @transform_6, window_bounds = array<i64: 128, 128>}, {pipeline_mode = #tpu.pipeline_mode<synchronous>, transform_indices = @transform_7, window_bounds = array<i64: 1, 128>}, {pipeline_mode = #tpu.pipeline_mode<synchronous>, transform_indices = @transform_8, window_bounds = array<i64: 128, 128>}, {pipeline_mode = #tpu.pipeline_mode<synchronous>, transform_indices = @transform_9, window_bounds = array<i64: 1, 128>}, {pipeline_mode = #tpu.pipeline_mode<synchronous>, transform_indices = @transform_10, window_bounds = array<i64: 128, 8>}, {pipeline_mode = #tpu.pipeline_mode<synchronous>, transform_indices = @transform_11, window_bounds = array<i64: 1, 8>}, {pipeline_mode = #tpu.pipeline_mode<synchronous>, transform_indices = @transform_12, window_bounds = array<i64: 8, 128>}, {pipeline_mode = #tpu.pipeline_mode<synchronous>, transform_indices = @transform_13, window_bounds = array<i64: 1, 1>}]} {
    %eq3A = arith.constant 0 : i32
    %eq3A_0 = arith.cmpi eq, %arg0, %eq3A : i32
    %convert_element_type3A = arith.extui %eq3A_0 : i1 to i32
    %cond3A = arith.constant 0 : i32
    %cond3A_1 = arith.cmpi ne, %convert_element_type3A, %cond3A : i32
    scf.if %cond3A_1 {
      %broadcast_in_dim3A_93 = arith.constant 0.000000e+00 : f32
      %broadcast_in_dim3A_94 = vector.broadcast %broadcast_in_dim3A_93 : f32 to vector<1x1xf32>
      %swap3A_95 = arith.constant 0 : index
      %swap3A_96 = arith.constant 0 : index
      %swap3A_97 = vector.load %arg14[%swap3A_95, %swap3A_96] : memref<1x1xf32, #tpu.memory_space<vmem>>, vector<1x1xf32>
      tpu.vector_store %arg14[%swap3A_95, %swap3A_96], %broadcast_in_dim3A_94 {strides = array<i32>} : memref<1x1xf32, #tpu.memory_space<vmem>>, vector<1x1xf32>,
    } else {
    }
    %get3A = arith.constant 0 : index
    %get3A_2 = arith.constant 0 : index
    %get3A_3 = vector.load %arg3[%get3A, %get3A_2] : memref<6256x8xf32, #tpu.memory_space<vmem>>, vector<6256x8xf32>
    %get3A_4 = arith.constant 0 : index
    %get3A_5 = arith.constant 0 : index
    %get3A_6 = vector.load %arg4[%get3A_4, %get3A_5] : memref<6256x8xf32, #tpu.memory_space<vmem>>, vector<6256x8xf32>
    %get3A_7 = arith.constant 0 : index
    %get3A_8 = arith.constant 0 : index
    %get3A_9 = vector.load %arg13[%get3A_7, %get3A_8] : memref<8x128xf32, #tpu.memory_space<vmem>>, vector<8x128xf32>
    %add3A = arith.addf %get3A_3, %get3A_6 : vector<6256x8xf32>
    %max3A = arith.constant 1.000000e+00 : f32
    %max3A_10 = vector.broadcast %max3A : f32 to vector<6256x8xf32>
    %max3A_11 = arith.maximumf %add3A, %max3A_10 : vector<6256x8xf32>
    %rsqrt3A = math.rsqrt %max3A_11 : vector<6256x8xf32>
    %dot_general3A = arith.constant dense<0.000000e+00> : vector<6256x128xf32>
    %dot_general3A_12 = tpu.matmul %rsqrt3A, %get3A_9, %dot_general3A {dimension_numbers = #tpu.dot_dimension_numbers<[1], [0], [0], [1], [0, 0, 1, 1], [], []>, transpose_lhs_hint = false} : vector<6256x8xf32>, vector<8x128xf32>, vector<6256x128xf32> -> vector<6256x128xf32>
    %get3A_13 = arith.constant 0 : index
    %get3A_14 = arith.constant 0 : index
    %get3A_15 = vector.load %arg1[%get3A_13, %get3A_14] : memref<6256x128xf32, #tpu.memory_space<vmem>>, vector<6256x128xf32>
    %get3A_16 = arith.constant 0 : index
    %get3A_17 = arith.constant 0 : index
    %get3A_18 = vector.load %arg2[%get3A_16, %get3A_17] : memref<6256x128xf32, #tpu.memory_space<vmem>>, vector<6256x128xf32>
    %add3A_19 = arith.addf %get3A_15, %get3A_18 : vector<6256x128xf32>
    %mul3A = arith.mulf %add3A_19, %dot_general3A_12 : vector<6256x128xf32>
    %get3A_20 = arith.constant 0 : index
    %get3A_21 = arith.constant 0 : index
    %get3A_22 = vector.load %arg5[%get3A_20, %get3A_21] : memref<128x128xf32, #tpu.memory_space<vmem>>, vector<128x128xf32>
    %dot_general3A_23 = arith.constant dense<0.000000e+00> : vector<6256x128xf32>
    %dot_general3A_24 = tpu.matmul %mul3A, %get3A_22, %dot_general3A_23 {dimension_numbers = #tpu.dot_dimension_numbers<[1], [0], [0], [1], [0, 0, 1, 1], [], []>, transpose_lhs_hint = false} : vector<6256x128xf32>, vector<128x128xf32>, vector<6256x128xf32> -> vector<6256x128xf32>
    %get3A_25 = arith.constant 0 : index
    %get3A_26 = arith.constant 0 : index
    %get3A_27 = vector.load %arg6[%get3A_25, %get3A_26] : memref<1x128xf32, #tpu.memory_space<vmem>>, vector<1x128xf32>
    %add3A_28 = vector.broadcast %get3A_27 : vector<1x128xf32> to vector<6256x128xf32>
    %add3A_29 = arith.addf %dot_general3A_24, %add3A_28 : vector<6256x128xf32>
    %max3A_30 = arith.constant 0.000000e+00 : f32
    %max3A_31 = vector.broadcast %max3A_30 : f32 to vector<6256x128xf32>
    %max3A_32 = arith.maximumf %add3A_29, %max3A_31 : vector<6256x128xf32>
    %get3A_33 = arith.constant 0 : index
    %get3A_34 = arith.constant 0 : index
    %get3A_35 = vector.load %arg7[%get3A_33, %get3A_34] : memref<128x128xf32, #tpu.memory_space<vmem>>, vector<128x128xf32>
    %dot_general3A_36 = arith.constant dense<0.000000e+00> : vector<6256x128xf32>
    %dot_general3A_37 = tpu.matmul %max3A_32, %get3A_35, %dot_general3A_36 {dimension_numbers = #tpu.dot_dimension_numbers<[1], [0], [0], [1], [0, 0, 1, 1], [], []>, transpose_lhs_hint = false} : vector<6256x128xf32>, vector<128x128xf32>, vector<6256x128xf32> -> vector<6256x128xf32>
    %get3A_38 = arith.constant 0 : index
    %get3A_39 = arith.constant 0 : index
    %get3A_40 = vector.load %arg8[%get3A_38, %get3A_39] : memref<1x128xf32, #tpu.memory_space<vmem>>, vector<1x128xf32>
    %add3A_41 = vector.broadcast %get3A_40 : vector<1x128xf32> to vector<6256x128xf32>
    %add3A_42 = arith.addf %dot_general3A_37, %add3A_41 : vector<6256x128xf32>
    %max3A_43 = arith.constant 0.000000e+00 : f32
    %max3A_44 = vector.broadcast %max3A_43 : f32 to vector<6256x128xf32>
    %max3A_45 = arith.maximumf %add3A_42, %max3A_44 : vector<6256x128xf32>
    %get3A_46 = arith.constant 0 : index
    %get3A_47 = arith.constant 0 : index
    %get3A_48 = vector.load %arg9[%get3A_46, %get3A_47] : memref<128x128xf32, #tpu.memory_space<vmem>>, vector<128x128xf32>
    %dot_general3A_49 = arith.constant dense<0.000000e+00> : vector<6256x128xf32>
    %dot_general3A_50 = tpu.matmul %max3A_45, %get3A_48, %dot_general3A_49 {dimension_numbers = #tpu.dot_dimension_numbers<[1], [0], [0], [1], [0, 0, 1, 1], [], []>, transpose_lhs_hint = false} : vector<6256x128xf32>, vector<128x128xf32>, vector<6256x128xf32> -> vector<6256x128xf32>
    %get3A_51 = arith.constant 0 : index
    %get3A_52 = arith.constant 0 : index
    %get3A_53 = vector.load %arg10[%get3A_51, %get3A_52] : memref<1x128xf32, #tpu.memory_space<vmem>>, vector<1x128xf32>
    %add3A_54 = vector.broadcast %get3A_53 : vector<1x128xf32> to vector<6256x128xf32>
    %add3A_55 = arith.addf %dot_general3A_50, %add3A_54 : vector<6256x128xf32>
    %max3A_56 = arith.constant 0.000000e+00 : f32
    %max3A_57 = vector.broadcast %max3A_56 : f32 to vector<6256x128xf32>
    %max3A_58 = arith.maximumf %add3A_55, %max3A_57 : vector<6256x128xf32>
    %get3A_59 = arith.constant 0 : index
    %get3A_60 = arith.constant 0 : index
    %get3A_61 = vector.load %arg11[%get3A_59, %get3A_60] : memref<128x8xf32, #tpu.memory_space<vmem>>, vector<128x8xf32>
    %dot_general3A_62 = arith.constant dense<0.000000e+00> : vector<6256x8xf32>
    %dot_general3A_63 = tpu.matmul %max3A_58, %get3A_61, %dot_general3A_62 {dimension_numbers = #tpu.dot_dimension_numbers<[1], [0], [0], [1], [0, 0, 1, 1], [], []>, transpose_lhs_hint = false} : vector<6256x128xf32>, vector<128x8xf32>, vector<6256x8xf32> -> vector<6256x8xf32>
    %get3A_64 = arith.constant 0 : index
    %get3A_65 = arith.constant 0 : index
    %get3A_66 = vector.load %arg12[%get3A_64, %get3A_65] : memref<1x8xf32, #tpu.memory_space<vmem>>, vector<1x8xf32>
    %add3A_67 = vector.broadcast %get3A_66 : vector<1x8xf32> to vector<6256x8xf32>
    %add3A_68 = arith.addf %dot_general3A_63, %add3A_67 : vector<6256x8xf32>
    %mul3A_69 = arith.constant 6256 : i32
    %mul3A_70 = arith.muli %mul3A_69, %arg0 : i32
    %iota3A = tpu.iota {dimensions = array<i32: 0>} : vector<6256x8xi32>
    %add3A_71 = vector.broadcast %mul3A_70 : i32 to vector<6256x8xi32>
    %add3A_72 = arith.addi %add3A_71, %iota3A : vector<6256x8xi32>
    %mul3A_73 = arith.constant 8 : i32
    %mul3A_74 = vector.broadcast %mul3A_73 : i32 to vector<6256x8xi32>
    %mul3A_75 = arith.muli %mul3A_74, %add3A_72 : vector<6256x8xi32>
    %iota3A_76 = tpu.iota {dimensions = array<i32: 1>} : vector<6256x8xi32>
    %add3A_77 = arith.addi %mul3A_75, %iota3A_76 : vector<6256x8xi32>
    %lt3A = arith.constant 100000 : i32
    %lt3A_78 = vector.broadcast %lt3A : i32 to vector<6256x8xi32>
    %lt3A_79 = arith.cmpi slt, %add3A_77, %lt3A_78 : vector<6256x8xi32>
    %jit3A = arith.constant 0.000000e+00 : f32
    %broadcast_in_dim3A = vector.broadcast %jit3A : f32 to vector<6256x8xf32>
    %select_n3A = arith.select %lt3A_79, %add3A_68, %broadcast_in_dim3A : vector<6256x8xi1>, vector<6256x8xf32>
    %get3A_80 = arith.constant 0 : index
    %get3A_81 = arith.constant 0 : index
    %get3A_82 = vector.load %arg14[%get3A_80, %get3A_81] : memref<1x1xf32, #tpu.memory_space<vmem>>, vector<1x1xf32>
    %reduce_sum3A = vector.shape_cast %select_n3A : vector<6256x8xf32> to vector<1x6256x8xf32>
    %reduce_sum3A_83 = arith.constant dense<0.000000e+00> : vector<1xf32>
    %reduce_sum3A_84 = vector.multi_reduction <add>, %reduce_sum3A, %reduce_sum3A_83 [1, 2] : vector<1x6256x8xf32> to vector<1xf32>
    %reduce_sum3A_85 = vector.shape_cast %reduce_sum3A_84 : vector<1xf32> to vector<1x1x1xf32>
    %reduce_sum3A_86 = vector.extract %reduce_sum3A_85[0, 0, 0] : f32 from vector<1x1x1xf32>
    %mul3A_87 = arith.constant 9.99999974E-6 : f32
    %mul3A_88 = arith.mulf %reduce_sum3A_86, %mul3A_87 : f32
    %add3A_89 = vector.broadcast %mul3A_88 : f32 to vector<1x1xf32>
    %add3A_90 = arith.addf %get3A_82, %add3A_89 : vector<1x1xf32>
    %swap3A = arith.constant 0 : index
    %swap3A_91 = arith.constant 0 : index
    %swap3A_92 = vector.load %arg14[%swap3A, %swap3A_91] : memref<1x1xf32, #tpu.memory_space<vmem>>, vector<1x1xf32>
    tpu.vector_store %arg14[%swap3A, %swap3A_91], %add3A_90 {strides = array<i32>} : memref<1x1xf32, #tpu.memory_space<vmem>>, vector<1x1xf32>,
    return
  }
  func.func @transform_0(%arg0: i32) -> (i32, i32) {
    %c0_i32 = arith.constant 0 : i32
    %c0_i32_0 = arith.constant 0 : i32
    return %arg0, %c0_i32 : i32, i32
  }
  func.func @transform_1(%arg0: i32) -> (i32, i32) {
    %add3A = arith.constant 2 : i32
    %add3A_0 = arith.addi %add3A, %arg0 : i32
    %c0_i32 = arith.constant 0 : i32
    %c0_i32_1 = arith.constant 0 : i32
    return %add3A_0, %c0_i32 : i32, i32
  }
  func.func @transform_2(%arg0: i32) -> (i32, i32) {
    %c0_i32 = arith.constant 0 : i32
    %c0_i32_0 = arith.constant 0 : i32
    return %arg0, %c0_i32 : i32, i32
  }
  func.func @transform_3(%arg0: i32) -> (i32, i32) {
    %add3A = arith.constant 2 : i32
    %add3A_0 = arith.addi %add3A, %arg0 : i32
    %c0_i32 = arith.constant 0 : i32
    %c0_i32_1 = arith.constant 0 : i32
    return %add3A_0, %c0_i32 : i32, i32
  }
  func.func @transform_4(%arg0: i32) -> (i32, i32) {
    %c0_i32 = arith.constant 0 : i32
    %c0_i32_0 = arith.constant 0 : i32
    %c0_i32_1 = arith.constant 0 : i32
    return %c0_i32, %c0_i32_0 : i32, i32
  }
  func.func @transform_5(%arg0: i32) -> (i32, i32) {
    %c0_i32 = arith.constant 0 : i32
    %c0_i32_0 = arith.constant 0 : i32
    %c0_i32_1 = arith.constant 0 : i32
    return %c0_i32, %c0_i32_0 : i32, i32
  }
  func.func @transform_6(%arg0: i32) -> (i32, i32) {
    %c0_i32 = arith.constant 0 : i32
    %c0_i32_0 = arith.constant 0 : i32
    %c0_i32_1 = arith.constant 0 : i32
    return %c0_i32, %c0_i32_0 : i32, i32
  }
  func.func @transform_7(%arg0: i32) -> (i32, i32) {
    %c0_i32 = arith.constant 0 : i32
    %c0_i32_0 = arith.constant 0 : i32
    %c0_i32_1 = arith.constant 0 : i32
    return %c0_i32, %c0_i32_0 : i32, i32
  }
  func.func @transform_8(%arg0: i32) -> (i32, i32) {
    %c0_i32 = arith.constant 0 : i32
    %c0_i32_0 = arith.constant 0 : i32
    %c0_i32_1 = arith.constant 0 : i32
    return %c0_i32, %c0_i32_0 : i32, i32
  }
  func.func @transform_9(%arg0: i32) -> (i32, i32) {
    %c0_i32 = arith.constant 0 : i32
    %c0_i32_0 = arith.constant 0 : i32
    %c0_i32_1 = arith.constant 0 : i32
    return %c0_i32, %c0_i32_0 : i32, i32
  }
  func.func @transform_10(%arg0: i32) -> (i32, i32) {
    %c0_i32 = arith.constant 0 : i32
    %c0_i32_0 = arith.constant 0 : i32
    %c0_i32_1 = arith.constant 0 : i32
    return %c0_i32, %c0_i32_0 : i32, i32
  }
  func.func @transform_11(%arg0: i32) -> (i32, i32) {
    %c0_i32 = arith.constant 0 : i32
    %c0_i32_0 = arith.constant 0 : i32
    %c0_i32_1 = arith.constant 0 : i32
    return %c0_i32, %c0_i32_0 : i32, i32
  }
  func.func @transform_12(%arg0: i32) -> (i32, i32) {
    %c0_i32 = arith.constant 0 : i32
    %c0_i32_0 = arith.constant 0 : i32
    %c0_i32_1 = arith.constant 0 : i32
    return %c0_i32, %c0_i32_0 : i32, i32
  }
  func.func @transform_13(%arg0: i32) -> (i32, i32) {
    %c0_i32 = arith.constant 0 : i32
    %c0_i32_0 = arith.constant 0 : i32
    %c0_i32_1 = arith.constant 0 : i32
    return %c0_i32, %c0_i32_0 : i32, i32
  }
}

</mosaic_0001>

<sc_bundles>
// kernel: kernel.11.cloned.1.call-start
scs
__scs_entry_jumppad:
0x0: {  	(pc) =	sbr.rel $0x88, $3  }
0x1: {  	(tag) =	ssettag $0x0;
	lr =	simm.s32 $0x1  }
0x2: {  	[smem:$0x3F8D] =	sst lr;
	_ =	strace $0xD0000000  }
0x3: {  	_ = 	snop  }
0x4: {  	_ = 	snop  }
0x5: {  	_ = 	snop  }
0x6: {  	_ = 	snop  }
0x7: {  	_ = 	snop  }
__scs_overlays_trampoline_lowered:
0x8: {  	[smem:$0x3F9C] =	sst s0  }
0x9: {  	[smem:$0x3F9D] =	sst s1  }
0xa: {  	[smem:$0x3F9E] =	sst s2  }
0xb: {  	[smem:$0x3F9F] =	sst s3  }
0xc: {  	[smem:$0x3FA0] =	sst s4  }
0xd: {  	[smem:$0x3FA1] =	sst s5  }
0xe: {  	[smem:$0x3FA2] =	sst s6  }
0xf: {  	[smem:$0x3FA3] =	sst s7  }
0x10: {  	[smem:$0x3FA4] =	sst s8  }
0x11: {  	[smem:$0x3FA5] =	sst s9;
	s0 =	simm.s32 @!p0 $0x0  }
0x12: {  	s1 =	sld [smem:$0x3F8B];
	s0 =	simm.s32 @p0 $0x1  }
0x13: {  	[smem:$0x3FA6] =	sst s0;
	s0 =	simm.s32 @!p1 $0x0  }
0x14: {  	s2 =	sld [smem:$0x3F8A];
	s0 =	simm.s32 @p1 $0x1  }
0x15: {  	[smem:$0x3FA7] =	sst s0;
	s0 =	simm.s32 @!p2 $0x0  }
0x16: {  	s3 =	sld [smem:$0x3FDB];
	s0 =	simm.s32 @p2 $0x1  }
0x17: {  	s4 =	simm.s32 $0x1BF5;
	[smem:$0x3FA9] =	sst s0  }
0x18: {  	s0 =	sld [smem:$0x3F8C];
	_ =	swait.ge [sflag:s4], $0x0  }
0x19: {  	s7 =	sld [smem:$0x3F8D]  }
0x1a: {  	s8 =	sadd.s32 $0xFFFFE003, lr  }
0x1b: {  	s9 =	sadd.s32 $0xFFFFFEF7, lr;
	s5 =	simm.s32 $0xFFFFFFFF;
	p2 =	slt.u32 s8, $0xFFFFF086  }
0x1c: {  	p1 =	slt.u32 s9, $0xF7A;
	s5 =	simm.s32 @!p2 $0x0  }
0x1d: {  	s5 =	simm.s32 @p1 $0x1;
	p0 =	seq.s32 s7, s2  }
0x1e: {  	s7 =	smul.u32 @!p0 $0xF7A, s2;
	p2 =	seq.s32 @!p0 s5, $0x0  }
0x1f: {  	s9 =	smul.u32 $0xF7A, s1;
	s8 =	simm.s32 @!p0 $0x1BF5;
	p2 =	por !p2, p0  }
0x20: {  	[sflag:s8] =	ssyncset.s32 @!p0 $0xFFFFF086;
	s6 =	sadd.s32 @!p0 s3, s7;
	s7 =	simm.s32 @!p0 $0x108  }
0x21: {  	s3 =	sadd.s32 s3, s9;
	s6 =	sadd.s32 @!p0 $0x88, s6;
	s7 =	simm.s32 @p2 $0x1082  }
0x22: {  	[simem:s7], [sflag:s8] =	dma.local @!p0 [hbm:s6], $0xF7A  }
0x23: {  	s9 =	sor.u32 $0xD0000000, s2;
	s6 =	simm.s32 $0x108;
	_ =	swait.ge @!p0 [sflag:s8], $0x0  }
0x24: {  	s3 =	sadd.s32 $0x88, s3;
	s6 =	simm.s32 @!p1 $0x1082;
	[sflag:s4] =	ssyncset.s32 $0xFFFFF086  }
0x25: {  	[simem:s6], [sflag:s4] =	dma.local [hbm:s3], $0xF7A  }
0x26: {  	[smem:$0x3F8D] =	sst s1;
	(tag) =	ssettag s2;
	_ =	strace s9  }
0x27: {  	s1 =	sld [smem:$0x3F9D]  }
0x28: {  	s2 =	sld [smem:$0x3F9E]  }
0x29: {  	s4 =	sld [smem:$0x3FA0]  }
0x2a: {  	p0 =	seq.s32 s5, $0x0;
	s5 =	sld [smem:$0x3FA1]  }
0x2b: {  	s6 =	sld [smem:$0x3FA2]  }
0x2c: {  	s7 =	sld [smem:$0x3FA3]  }
0x2d: {  	s3 =	simm.s32 $0x108;
	s8 =	sld [smem:$0x3FA4]  }
0x2e: {  	s3 =	simm.s32 @!p0 $0x1082;
	s9 =	sld [smem:$0x3FA5]  }
0x2f: {  	lr =	sadd.s32 s0, s3;
	s0 =	sld [smem:$0x3F9C]  }
0x30: {  	s3 =	sld [smem:$0x3F9F]  }
0x31: {  	[smem:$0x3FA8] =	sst s10  }
0x32: {  	s10 =	sld [smem:$0x3FA6];
	_ =	sdelay $0x3  }
0x33: {  	p0 =	seq.s32 s10, $0x1;
	s10 =	sld [smem:$0x3FA8];
	_ =	sdelay $0x3  }
0x34: {  	[smem:$0x3FA8] =	sst s10  }
0x35: {  	s10 =	sld [smem:$0x3FA7];
	_ =	sdelay $0x3  }
0x36: {  	p1 =	seq.s32 s10, $0x1;
	s10 =	sld [smem:$0x3FA8];
	_ =	sdelay $0x3  }
0x37: {  	[smem:$0x3FA8] =	sst s10  }
0x38: {  	s10 =	sld [smem:$0x3FA9]  }
0x39: {  	_ = 	snop;
	(pc) =	sbr.ind lr, $3  }
0x3a: {  	_ = 	snop  }
0x3b: {  	_ = 	snop  }
0x3c: {  	p2 =	seq.s32 s10, $0x1;
	s10 =	sld [smem:$0x3FA8]  }
0x3d: {  	_ =	shalt  }
0x3e: {  	_ =	shalt  }
0x3f: {  	_ =	shalt  }
0x40: {  	_ =	shalt  }
0x41: {  	_ =	shalt  }
0x42: {  	_ =	shalt  }
0x43: {  	_ =	shalt  }
0x44: {  	_ =	shalt  }
0x45: {  	_ =	shalt  }
0x46: {  	_ =	shalt  }
0x47: {  	_ =	shalt  }
0x48: {  	_ =	shalt  }
0x49: {  	_ =	shalt  }
0x4a: {  	_ =	shalt  }
0x4b: {  	_ =	shalt  }
0x4c: {  	_ =	shalt  }
0x4d: {  	_ =	shalt  }
0x4e: {  	_ =	shalt  }
0x4f: {  	_ =	shalt  }
0x50: {  	_ =	shalt  }
0x51: {  	_ =	shalt  }
0x52: {  	_ =	shalt  }
0x53: {  	_ =	shalt  }
0x54: {  	_ =	shalt  }
0x55: {  	_ =	shalt  }
0x56: {  	_ =	shalt  }
0x57: {  	_ =	shalt  }
0x58: {  	_ =	shalt  }
0x59: {  	_ =	shalt  }
0x5a: {  	_ =	shalt  }
0x5b: {  	_ =	shalt  }
0x5c: {  	_ =	shalt  }
0x5d: {  	_ =	shalt  }
0x5e: {  	_ =	shalt  }
0x5f: {  	_ =	shalt  }
0x60: {  	_ =	shalt  }
0x61: {  	_ =	shalt  }
0x62: {  	_ =	shalt  }
0x63: {  	_ =	shalt  }
0x64: {  	_ =	shalt  }
0x65: {  	_ =	shalt  }
0x66: {  	_ =	shalt  }
0x67: {  	_ =	shalt  }
0x68: {  	_ =	shalt  }
0x69: {  	_ =	shalt  }
0x6a: {  	_ =	shalt  }
0x6b: {  	_ =	shalt  }
0x6c: {  	_ =	shalt  }
0x6d: {  	_ =	shalt  }
0x6e: {  	_ =	shalt  }
0x6f: {  	_ =	shalt  }
0x70: {  	_ =	shalt  }
0x71: {  	_ =	shalt  }
0x72: {  	_ =	shalt  }
0x73: {  	_ =	shalt  }
0x74: {  	_ =	shalt  }
0x75: {  	_ =	shalt  }
0x76: {  	_ =	shalt  }
0x77: {  	_ =	shalt  }
0x78: {  	_ =	shalt  }
0x79: {  	_ =	shalt  }
0x7a: {  	_ =	shalt  }
0x7b: {  	_ =	shalt  }
0x7c: {  	_ =	shalt  }
0x7d: {  	_ =	shalt  }
0x7e: {  	_ =	shalt  }
0x7f: {  	_ =	shalt  }
0x80: {  	_ =	shalt  }
0x81: {  	_ =	shalt  }
0x82: {  	_ =	shalt  }
0x83: {  	_ =	shalt  }
0x84: {  	_ =	shalt  }
0x85: {  	_ =	shalt  }
0x86: {  	_ =	shalt  }
0x87: {  	_ =	shalt  }
.Lfunc_end0:
.L_simem_size_0:
called_computation_lowered:
.L_overlay_start_0:
0x88: {  	s2 =	sld [smem:$0x3FD9]  }
0x89: {  	s3 =	sld [smem:$0x3FFE];
	_ =	sdelay $0x1  }
0x8a: {  	s1 =	srdreg.scid  }
0x8b: {  	s0 =	sand.u32 $0x1, s1  }
0x8c: {  	s17 =	sshll.u32 s0, $0xA;
	s2 =	sadd.s32 s3, s2  }
0x8d: {  	s2 =	sadd.s32 s2, s17  }
0x8e: {  	[smem:$0x3FB4] =	sst s2  }
0x8f: {  	_ = 	snop  }
0x90: {  	s2 =	sld [smem:$0x3FC7]  }
0x91: {  	s18 =	sld [smem:$0x3FC5];
	(tm) =	ssettm $0x1  }
0x92: {  	s4 =	sld [smem:$0x3FFB];
	_ =	sdelay $0x3  }
0x93: {  	_ =	strace s4  }
0x94: {  	s4 =	sld [smem:$0x3FFC];
	_ =	sdelay $0x3  }
0x95: {  	_ =	strace s4  }
0x96: {  	s4 =	sld [smem:$0x3FFD];
	_ =	sdelay $0x3  }
0x97: {  	_ =	strace s4  }
0x98: {  	_ =	strace $0x8FFFFFFF  }
0x99: {  	s19 =	sld [smem:$0x3FDB];
	_ =	sdelay $0x1  }
0x9a: {  	s5 =	simm.s32 $_scs_section_size  }
0x9b: {  	s6 =	simm.s32 $_size__tile_overlayer_lowered;
	s7 =	simm.s32 $_tile_overlayer_lowered  }
0x9c: {  	s22 =	simm.s32 $0x1BFF;
	s21 =	sshll.u32 s7, $0x1;
	s4 =	sadd.s32 s5, s19  }
0x9d: {  	s8 =	simm.s32 $0x0;
	s20 =	sshll.u32 s6, $0x1;
	s6 =	sadd.s32 s21, s4  }
0x9e: {  	[timem:s8], [sflag:s22] =	dma.local [hbm:s6], s20  }
0x9f: {  	_ =	swait.ge [sflag:s22], s20  }
0xa0: {  	s5 =	ssub.s32 $0x0, s20;
	[sflag:s22] =	ssyncset.done $0x0  }
0xa1: {  	[sflag:s22] =	ssyncadd.s32 s5;
	_ =	sdelay $0x1  }
0xa2: {  	s23 =	simm.s32 $0x1B8B  }
0xa3: {  	_ =	swait.ge [sflag:s23], $0x1  }
0xa4: {  	[sflag:s23] =	ssyncset.done $0x0  }
0xa5: {  	s25 =	simm.s32 $0x1B8E;
	s24 =	sld [smem:$0x3FFE];
	[sflag:s23] =	ssyncadd.s32 $0xFFFFFFFF  }
0xa6: {  	s26 =	simm.s32 $execute0_lowered;
	[smem:$0x3FD2] =	sst s25  }
0xa7: {  	s6 =	sshll.u32 s26, $0x1;
	_ =	strace $0x80000046;
	[dreg:$0x1] =	wrdreg $0xFFFFFFFF  }
0xa8: {  	s28 =	simm.s32 $_size_execute0_lowered;
	s4 =	sadd.s32 s4, s6;
	[dreg:$0x0] =	wrdreg $0x0  }
0xa9: {  	s6 =	sshll.u32 s28, $0x1;
	[dreg:$0x2] =	wrdreg s4  }
0xaa: {  	[dreg:$0x3] =	wrdreg s6  }
0xab: {  	[dreg:$0x4] =	wrdreg $0xC0  }
0xac: {  	_ =	task [dreg:s8], $0x5FFFF  }
0xad: {  	[dreg:$0x1] =	wrdreg $0xFFFFFFFF  }
0xae: {  	[dreg:$0x0] =	wrdreg $0x60  }
0xaf: {  	[dreg:$0x2] =	wrdreg s2  }
0xb0: {  	[dreg:$0x3] =	wrdreg s18  }
0xb1: {  	[dreg:$0x4] =	wrdreg s24  }
0xb2: {  	[dreg:$0x5] =	wrdreg $0x0  }
0xb3: {  	[dreg:$0x6] =	wrdreg $0x18700  }
0xb4: {  	[dreg:$0x7] =	wrdreg $0x9  }
0xb5: {  	_ =	task.clear_ibuf [dreg:s8], $0x8FFFF;
	_ =	strace $0x90000046  }
0xb6: {  	s29 =	simm.s32 $0x9;
	_ =	strace $0x80000048  }
0xb7: {  	_ =	swait.ge [sflag:s29], $0x1  }
0xb8: {  	[sflag:s29] =	ssyncadd.s32 $0xFFFFFFFF  }
0xb9: {  	_ =	strace $0x90000048  }
0xba: {  	_ =	sfence  }
0xbb: {  	s30 =	sld [smem:$0x0];
	_ =	sdelay $0x2  }
0xbc: {  	s31 =	sshll.u32 s1, $0xD;
	s1 =	sshrl.u32 s1, $0x2  }
0xbd: {  	s3 =	sand.u32 $0x4000, s31;
	s1 =	sadd.s32 s1, s30  }
0xbe: {  	s0 =	sor.u32 s3, s0;
	s1 =	sshll.u32 s1, $0x11  }
0xbf: {  	s0 =	sor.u32 s1, s0  }
0xc0: {  	s0 =	sadd.s32 $0x8F2B, s0  }
0xc1: {  	[sflag:s0] =	ssyncadd.remote.s32 $0x1  }
0xc2: {  	_ =	sfence.sel $0xFFFF  }
0xc3: {  	[dreg:$0x0] =	wrdreg $0xFFFFFFFF;
	(pc) =	sbr.abs _section_cstart, $3  }
0xc4: {  	[dreg:$0x1] =	wrdreg $0xFFFFFFFF  }
0xc5: {  	_ =	task.clear_ibuf [dreg:s8], $0x2FFFF;
	_ =	strace $0x9FFFFFFF  }
0xc6: {  	(tm) =	ssettm $0x7FFFFFFF  }
0xc7: {  	_ =	shalt  }
tec
execute0_lowered:
.L_overlay_start_1:
0x0: {  	(tag) =	ssettag $0x1  }
0x1: {  	s12 =	rddreg [dreg:$0x0]  }
0x2: {  	s28 =	rddreg [dreg:$0x1];
	s0 =	stileid.u32  }
0x3: {  	s1 =	srdreg.scid;
	s7 =	smul.u32 $0x1870, s0  }
0x4: {  	s9 =	rddreg [dreg:$0x2];
	s1 =	sand.u32 $0x1, s1;
	s8 =	smul.u32 $0x278, s0  }
0x5: {  	s2 =	rddreg [dreg:$0x3];
	s5 =	smul.u32 $0x18700, s1  }
0x6: {  	s3 =	rddreg [dreg:$0x4];
	s4 =	simm.s32 $0x0;
	s6 =	smul.u32 $0x2780, s1  }
0x7: {  	[smem:$0x7FF] =	sst s4;
	s10 =	sadd.s32 $0x5200, s9;
	s5 =	sadd.s32 s7, s5  }
0x8: {  	_ =	strace $0x80000047;
	s6 =	sadd.s32 s8, s6;
	s5 =	sshrl.u32 s5, $0x3  }
0x9: {  	[dreg:$0x6] =	wrdreg s10;
	s6 =	sshrl.u32 s6, $0x3;
	s5 =	sadd.s32 s5, s9  }
0xa: {  	s10 =	rddreg [dreg:$0x6];
	s6 =	sadd.s32 s6, s9;
	s5 =	sadd.s32 $0x9400, s5  }
0xb: {  	s26 =	sadd.s32 $0x8A00, s6;
	[dreg:$0x7] =	wrdreg s5  }
0xc: {  	s6 =	simm.s32 $0xA3A8;
	[dreg:$0x8] =	wrdreg s26;
	s5 =	simm.s32 $0x3  }
0xd: {  	[tilespmem:s6], [sflag:$0x3] =	stream.linear.gather [hbm4b:s10+s4], $0x1870, $0x38;
	[tilespmem:$0xBC18] =	vst v63  }
0xe: {  	_ =	swait.ge [sflag:s5], $0x1870  }
0xf: {  	[sflag:s5] =	ssyncset.done $0x0  }
0x10: {  	s7 =	sadd.s32 s7, s2;
	[sflag:s5] =	ssyncadd.s32 $0xFFFFE790  }
0x11: {  	[spmem:s7] =	stream.linear.scatter [tilespmem:s6], [sflag:$0x3], $0x1870, $0x38;
	[tilespmem:$0xBC18] =	vst v63  }
0x12: {  	_ =	swait.ge [sflag:s5], $0x1870  }
0x13: {  	[sflag:s5] =	ssyncset.done $0x0  }
0x14: {  	s8 =	sadd.s32 s8, s3;
	[sflag:s5] =	ssyncadd.s32 $0xFFFFE790  }
0x15: {  	[spmem:s8] =	stream.linear.scatter [tilespmem:s6], [sflag:$0x3], $0x278, $0x38;
	[tilespmem:$0xBC18] =	vst v63  }
0x16: {  	_ =	swait.ge [sflag:s5], $0x278  }
0x17: {  	[sflag:s5] =	ssyncset.done $0x0  }
0x18: {  	s9 =	sadd.s32 $0x8400, s9;
	s10 =	simm.s32 $0x72D0;
	[sflag:s5] =	ssyncadd.s32 $0xFFFFFD88  }
0x19: {  	[tilespmem:s10], [sflag:$0x3] =	stream.linear.gather [hbm4b:s9+s4], $0x2710, $0x38;
	[tilespmem:$0xBC18] =	vst v63  }
0x1a: {  	_ =	swait.ge [sflag:s5], $0x2710  }
0x1b: {  	s11 =	sshll.u32 s1, $0x4;
	[sflag:s5] =	ssyncset.done $0x0  }
0x1c: {  	s29 =	sor.u32 s0, s11;
	s11 =	simm.s32 $0x99E0;
	[sflag:s5] =	ssyncadd.s32 $0xFFFFD8F0  }
0x1d: {  	[tilespmem:s11], [sflag:$0x3] =	stream.linear.gather [hbm4b:s9+s4], $0x9C4, $0x38;
	[tilespmem:$0xBC18] =	vst v63  }
0x1e: {  	s13 =	smul.u32 $0x186A0, s29;
	_ =	swait.ge [sflag:s5], $0x9C4  }
0x1f: {  	[sflag:s5] =	ssyncset.done $0x0  }
0x20: {  	s14 =	simm.s32 $0x1;
	s13 =	sshrl.u32 s13, $0x3;
	[sflag:s5] =	ssyncadd.s32 $0xFFFFF63C  }
0x21: {  	s12 =	sadd.s32 s12, s13;
	s13 =	simm.s32 $0x1AE8;
	[bflag:$0x0] =	sbarrier.arrive $0xFFFF  }
0x22: {  	[tilespmem:s13], [sflag:$0x1] =	stream.linear.gather [hbm4b:s12+s4], $0x2710, $0x38;
	[tilespmem:$0xBC18] =	vst v63  }
0x23: {  	_ =	swait.ge [sflag:s14], $0x2710  }
0x24: {  	[sflag:s14] =	ssyncset.done $0x0  }
0x25: {  	s15 =	simm.s32 $0x2710;
	[sflag:s14] =	ssyncadd.s32 $0xFFFFD8F0  }
0x26: {  	[spmem:s2] =	stream.indirect.scatter.add.f32 [tilespmem:s10], [sflag:$0x2], $0x1, s13, s15, $0xb8;
	[tilespmem:$0xBC18] =	vst v63  }
0x27: {  	s17 =	simm.s32 $0x41F8;
	s16 =	sadd.s32 $0x4E2, s12  }
0x28: {  	[tilespmem:s17], [sflag:$0x1] =	stream.linear.gather [hbm4b:s16+s4], $0x2710, $0x38;
	[tilespmem:$0xBC18] =	vst v63  }
0x29: {  	_ =	swait.ge [sflag:s14], $0x2710  }
0x2a: {  	[sflag:s14] =	ssyncset.done $0x0  }
0x2b: {  	s18 =	simm.s32 $0x2;
	[sflag:s14] =	ssyncadd.s32 $0xFFFFD8F0  }
0x2c: {  	[spmem:s2] =	stream.indirect.scatter.add.f32 [tilespmem:s10], [sflag:$0x2], $0x1, s17, s15, $0xb8;
	[tilespmem:$0xBC18] =	vst v63  }
0x2d: {  	_ =	swait.ge [sflag:s18], $0x2710  }
0x2e: {  	[sflag:s18] =	ssyncset.done $0x0  }
0x2f: {  	s19 =	sadd.s32 $0x9C4, s12;
	[sflag:s18] =	ssyncadd.s32 $0xFFFFD8F0  }
0x30: {  	[tilespmem:s13], [sflag:$0x1] =	stream.linear.gather [hbm4b:s19+s4], $0x2710, $0x38;
	[tilespmem:$0xBC18] =	vst v63  }
0x31: {  	_ =	swait.ge [sflag:s14], $0x2710  }
0x32: {  	[sflag:s14] =	ssyncset.done $0x0  }
0x33: {  	[sflag:s14] =	ssyncadd.s32 $0xFFFFD8F0  }
0x34: {  	[spmem:s2] =	stream.indirect.scatter.add.f32 [tilespmem:s10], [sflag:$0x2], $0x1, s13, s15, $0xb8;
	[tilespmem:$0xBC18] =	vst v63  }
0x35: {  	_ =	swait.ge [sflag:s18], $0x2710  }
0x36: {  	[sflag:s18] =	ssyncset.done $0x0  }
0x37: {  	s20 =	sadd.s32 $0xEA6, s12;
	[sflag:s18] =	ssyncadd.s32 $0xFFFFD8F0  }
0x38: {  	[tilespmem:s17], [sflag:$0x1] =	stream.linear.gather [hbm4b:s20+s4], $0x2710, $0x38;
	[tilespmem:$0xBC18] =	vst v63  }
0x39: {  	_ =	swait.ge [sflag:s14], $0x2710  }
0x3a: {  	[sflag:s14] =	ssyncset.done $0x0  }
0x3b: {  	[sflag:s14] =	ssyncadd.s32 $0xFFFFD8F0  }
0x3c: {  	[spmem:s2] =	stream.indirect.scatter.add.f32 [tilespmem:s10], [sflag:$0x2], $0x1, s17, s15, $0xb8;
	[tilespmem:$0xBC18] =	vst v63  }
0x3d: {  	_ =	swait.ge [sflag:s18], $0x2710  }
0x3e: {  	[sflag:s18] =	ssyncset.done $0x0  }
0x3f: {  	s21 =	sadd.s32 $0x1388, s12;
	[sflag:s18] =	ssyncadd.s32 $0xFFFFD8F0  }
0x40: {  	[tilespmem:s13], [sflag:$0x1] =	stream.linear.gather [hbm4b:s21+s4], $0x2710, $0x38;
	[tilespmem:$0xBC18] =	vst v63  }
0x41: {  	_ =	swait.ge [sflag:s14], $0x2710  }
0x42: {  	[sflag:s14] =	ssyncset.done $0x0  }
0x43: {  	[sflag:s14] =	ssyncadd.s32 $0xFFFFD8F0  }
0x44: {  	[spmem:s2] =	stream.indirect.scatter.add.f32 [tilespmem:s10], [sflag:$0x2], $0x1, s13, s15, $0xb8;
	[tilespmem:$0xBC18] =	vst v63  }
0x45: {  	_ =	swait.ge [sflag:s18], $0x2710  }
0x46: {  	[sflag:s18] =	ssyncset.done $0x0  }
0x47: {  	s22 =	sadd.s32 $0x186A, s12;
	[sflag:s18] =	ssyncadd.s32 $0xFFFFD8F0  }
0x48: {  	[tilespmem:s17], [sflag:$0x1] =	stream.linear.gather [hbm4b:s22+s4], $0x2710, $0x38;
	[tilespmem:$0xBC18] =	vst v63  }
0x49: {  	_ =	swait.ge [sflag:s14], $0x2710  }
0x4a: {  	[sflag:s14] =	ssyncset.done $0x0  }
0x4b: {  	[sflag:s14] =	ssyncadd.s32 $0xFFFFD8F0  }
0x4c: {  	[spmem:s2] =	stream.indirect.scatter.add.f32 [tilespmem:s10], [sflag:$0x2], $0x1, s17, s15, $0xb8;
	[tilespmem:$0xBC18] =	vst v63  }
0x4d: {  	_ =	swait.ge [sflag:s18], $0x2710  }
0x4e: {  	[sflag:s18] =	ssyncset.done $0x0  }
0x4f: {  	s23 =	sadd.s32 $0x1D4C, s12;
	[sflag:s18] =	ssyncadd.s32 $0xFFFFD8F0  }
0x50: {  	[tilespmem:s13], [sflag:$0x1] =	stream.linear.gather [hbm4b:s23+s4], $0x2710, $0x38;
	[tilespmem:$0xBC18] =	vst v63  }
0x51: {  	_ =	swait.ge [sflag:s14], $0x2710  }
0x52: {  	[sflag:s14] =	ssyncset.done $0x0  }
0x53: {  	[sflag:s14] =	ssyncadd.s32 $0xFFFFD8F0  }
0x54: {  	[spmem:s2] =	stream.indirect.scatter.add.f32 [tilespmem:s10], [sflag:$0x2], $0x1, s13, s15, $0xb8;
	[tilespmem:$0xBC18] =	vst v63  }
0x55: {  	_ =	swait.ge [sflag:s18], $0x2710  }
0x56: {  	[sflag:s18] =	ssyncset.done $0x0  }
0x57: {  	s24 =	sadd.s32 $0x222E, s12;
	[sflag:s18] =	ssyncadd.s32 $0xFFFFD8F0  }
0x58: {  	[tilespmem:s17], [sflag:$0x1] =	stream.linear.gather [hbm4b:s24+s4], $0x2710, $0x38;
	[tilespmem:$0xBC18] =	vst v63  }
0x59: {  	_ =	swait.ge [sflag:s14], $0x2710  }
0x5a: {  	[sflag:s14] =	ssyncset.done $0x0  }
0x5b: {  	[sflag:s14] =	ssyncadd.s32 $0xFFFFD8F0  }
0x5c: {  	[spmem:s2] =	stream.indirect.scatter.add.f32 [tilespmem:s10], [sflag:$0x2], $0x1, s17, s15, $0xb8;
	[tilespmem:$0xBC18] =	vst v63  }
0x5d: {  	_ =	swait.ge [sflag:s18], $0x2710  }
0x5e: {  	[sflag:s18] =	ssyncset.done $0x0  }
0x5f: {  	s25 =	sadd.s32 $0x2710, s12;
	[sflag:s18] =	ssyncadd.s32 $0xFFFFD8F0  }
0x60: {  	[tilespmem:s13], [sflag:$0x1] =	stream.linear.gather [hbm4b:s25+s4], $0x2710, $0x38;
	[tilespmem:$0xBC18] =	vst v63  }
0x61: {  	_ =	swait.ge [sflag:s14], $0x2710  }
0x62: {  	[sflag:s14] =	ssyncset.done $0x0  }
0x63: {  	[sflag:s14] =	ssyncadd.s32 $0xFFFFD8F0  }
0x64: {  	[spmem:s2] =	stream.indirect.scatter.add.f32 [tilespmem:s10], [sflag:$0x2], $0x1, s13, s15, $0xb8;
	[tilespmem:$0xBC18] =	vst v63  }
0x65: {  	_ =	swait.ge [sflag:s18], $0x2710  }
0x66: {  	[sflag:s18] =	ssyncset.done $0x0  }
0x67: {  	s26 =	sadd.s32 $0x2BF2, s12;
	[sflag:s18] =	ssyncadd.s32 $0xFFFFD8F0  }
0x68: {  	[tilespmem:s17], [sflag:$0x1] =	stream.linear.gather [hbm4b:s26+s4], $0x2710, $0x38;
	[tilespmem:$0xBC18] =	vst v63  }
0x69: {  	_ =	swait.ge [sflag:s14], $0x2710  }
0x6a: {  	[sflag:s14] =	ssyncset.done $0x0  }
0x6b: {  	[sflag:s14] =	ssyncadd.s32 $0xFFFFD8F0  }
0x6c: {  	[spmem:s2] =	stream.indirect.scatter.add.f32 [tilespmem:s10], [sflag:$0x2], $0x1, s17, s15, $0xb8;
	[tilespmem:$0xBC18] =	vst v63  }
0x6d: {  	_ =	swait.ge [sflag:s18], $0x2710  }
0x6e: {  	[sflag:s18] =	ssyncset.done $0x0  }
0x6f: {  	s29 =	smul.u32 $0x1388, s29;
	[sflag:s18] =	ssyncadd.s32 $0xFFFFD8F0  }
0x70: {  	_ =	swait.ge [sflag:s18], $0x2710  }
0x71: {  	s29 =	sshrl.u32 s29, $0x3;
	[sflag:s18] =	ssyncset.done $0x0  }
0x72: {  	s28 =	sadd.s32 s28, s29;
	s29 =	simm.s32 $0x6908;
	[sflag:s18] =	ssyncadd.s32 $0xFFFFD8F0  }
0x73: {  	[tilespmem:s29], [sflag:$0x3] =	stream.linear.gather [hbm4b:s28+s4], $0x9C4, $0x38;
	[tilespmem:$0xBC18] =	vst v63  }
0x74: {  	_ =	swait.ge [sflag:s5], $0x9C4  }
0x75: {  	[sflag:s5] =	ssyncset.done $0x0  }
0x76: {  	s30 =	simm.s32 $0x9C4;
	[sflag:s5] =	ssyncadd.s32 $0xFFFFF63C  }
0x77: {  	[spmem:s3] =	stream.indirect.scatter.add.f32 [tilespmem:s11], [sflag:$0x3], $0x1, s29, s30, $0xb8;
	[tilespmem:$0xBC18] =	vst v63  }
0x78: {  	_ =	swait.ge [sflag:s5], $0x9C4  }
0x79: {  	[sflag:s5] =	ssyncset.done $0x0  }
0x7a: {  	s31 =	sadd.s32 $0x138, s28;
	[sflag:s5] =	ssyncadd.s32 $0xFFFFF63C  }
0x7b: {  	[tilespmem:s29], [sflag:$0x3] =	stream.linear.gather [hbm4b:s31+s4], $0x9C4, $0x38;
	[tilespmem:$0xBC18] =	vst v63  }
0x7c: {  	_ =	swait.ge [sflag:s5], $0x9C4  }
0x7d: {  	[sflag:s5] =	ssyncset.done $0x0  }
0x7e: {  	[sflag:s5] =	ssyncadd.s32 $0xFFFFF63C  }
0x7f: {  	[spmem:s3] =	stream.indirect.scatter.add.f32 [tilespmem:s11], [sflag:$0x3], $0x1, s29, s30, $0xb8;
	[tilespmem:$0xBC18] =	vst v63  }
0x80: {  	_ =	swait.ge [sflag:s5], $0x9C4  }
0x81: {  	[sflag:s5] =	ssyncset.done $0x0  }
0x82: {  	[sflag:s5] =	ssyncadd.s32 $0xFFFFF63C  }
0x83: {  	[bflag:$0x0] =	sbarrier.arrive $0xFFFF  }
0x84: {  	[tilespmem:s6], [sflag:$0x3] =	stream.linear.gather [spmem:s7], $0x1870, $0x38;
	[tilespmem:$0xBC18] =	vst v63  }
0x85: {  	_ =	swait.ge [sflag:s5], $0x1870  }
0x86: {  	[sflag:s5] =	ssyncset.done $0x0  }
0x87: {  	s0 =	rddreg [dreg:$0x7];
	[sflag:s5] =	ssyncadd.s32 $0xFFFFE790  }
0x88: {  	[hbm4b:s0+s4] =	stream.linear.scatter [tilespmem:s6], [sflag:$0x3], $0x1870, $0x38;
	[tilespmem:$0xBC18] =	vst v63  }
0x89: {  	_ =	swait.ge [sflag:s5], $0x1870  }
0x8a: {  	[sflag:s5] =	ssyncset.done $0x0  }
0x8b: {  	[sflag:s5] =	ssyncadd.s32 $0xFFFFE790  }
0x8c: {  	[tilespmem:s6], [sflag:$0x3] =	stream.linear.gather [spmem:s8], $0x278, $0x38;
	[tilespmem:$0xBC18] =	vst v63  }
0x8d: {  	_ =	swait.ge [sflag:s5], $0x278  }
0x8e: {  	s0 =	ssub.s32 $0x2, s1;
	s1 =	rddreg [dreg:$0x8]  }
0x8f: {  	[dreg:$0x9] =	wrdreg s1;
	s1 =	sshrl.u32 s0, $0x1  }
0x90: {  	s0 =	ssub.s32 s0, s1  }
0x91: {  	s0 =	smax.u32 s0, $0x1  }
0x92: {  	p0 =	sne.s32 s0, $0x1  }
.Ltmp0:
0x93: {  	_ = 	snop;
	(pc) =	sbr.rel @!p0 .LBB2_2-.Ltmp0, $4  }
0x94: {  	[sflag:s5] =	ssyncset.done $0x0  }
0x95: {  	[sflag:s5] =	ssyncadd.s32 $0xFFFFFD88;
	s1 =	rddreg [dreg:$0x9]  }
0x96: {  	[hbm4b:s1+s4] =	stream.linear.scatter [tilespmem:s6], [sflag:$0x3], $0x278, $0x38;
	[tilespmem:$0xBC18] =	vst v63  }
0x97: {  	s1 =	sadd.s32 $0xFFFFFFFF, s0;
	_ =	swait.ge [sflag:s5], $0x278  }
.LBB2_1:
0x98: {  	[sflag:s5] =	ssyncset.done $0x0  }
0x99: {  	s0 =	rddreg [dreg:$0x6];
	[sflag:s5] =	ssyncadd.s32 $0xFFFFFD88  }
0x9a: {  	[tilespmem:s6], [sflag:$0x3] =	stream.linear.gather [hbm4b:s0+s4], $0x1870, $0x38;
	[tilespmem:$0xBC18] =	vst v63  }
0x9b: {  	_ =	swait.ge [sflag:s5], $0x1870  }
0x9c: {  	[sflag:s5] =	ssyncset.done $0x0  }
0x9d: {  	[sflag:s5] =	ssyncadd.s32 $0xFFFFE790  }
0x9e: {  	[spmem:s7] =	stream.linear.scatter [tilespmem:s6], [sflag:$0x3], $0x1870, $0x38;
	[tilespmem:$0xBC18] =	vst v63  }
0x9f: {  	_ =	swait.ge [sflag:s5], $0x1870  }
0xa0: {  	[sflag:s5] =	ssyncset.done $0x0  }
0xa1: {  	[sflag:s5] =	ssyncadd.s32 $0xFFFFE790  }
0xa2: {  	[spmem:s8] =	stream.linear.scatter [tilespmem:s6], [sflag:$0x3], $0x278, $0x38;
	[tilespmem:$0xBC18] =	vst v63  }
0xa3: {  	_ =	swait.ge [sflag:s5], $0x278  }
0xa4: {  	[sflag:s5] =	ssyncset.done $0x0  }
0xa5: {  	[sflag:s5] =	ssyncadd.s32 $0xFFFFFD88  }
0xa6: {  	[tilespmem:s10], [sflag:$0x3] =	stream.linear.gather [hbm4b:s9+s4], $0x2710, $0x38;
	[tilespmem:$0xBC18] =	vst v63  }
0xa7: {  	_ =	swait.ge [sflag:s5], $0x2710  }
0xa8: {  	[sflag:s5] =	ssyncset.done $0x0  }
0xa9: {  	[sflag:s5] =	ssyncadd.s32 $0xFFFFD8F0  }
0xaa: {  	[tilespmem:s11], [sflag:$0x3] =	stream.linear.gather [hbm4b:s9+s4], $0x9C4, $0x38;
	[tilespmem:$0xBC18] =	vst v63  }
0xab: {  	_ =	swait.ge [sflag:s5], $0x9C4  }
0xac: {  	[sflag:s5] =	ssyncset.done $0x0  }
0xad: {  	[sflag:s5] =	ssyncadd.s32 $0xFFFFF63C  }
0xae: {  	[bflag:$0x0] =	sbarrier.arrive $0xFFFF  }
0xaf: {  	[tilespmem:s13], [sflag:$0x1] =	stream.linear.gather [hbm4b:s12+s4], $0x2710, $0x38;
	[tilespmem:$0xBC18] =	vst v63  }
0xb0: {  	_ =	swait.ge [sflag:s14], $0x2710  }
0xb1: {  	[sflag:s14] =	ssyncset.done $0x0  }
0xb2: {  	[sflag:s14] =	ssyncadd.s32 $0xFFFFD8F0  }
0xb3: {  	[spmem:s2] =	stream.indirect.scatter.add.f32 [tilespmem:s10], [sflag:$0x2], $0x1, s13, s15, $0xb8;
	[tilespmem:$0xBC18] =	vst v63  }
0xb4: {  	_ = 	snop  }
0xb5: {  	[tilespmem:s17], [sflag:$0x1] =	stream.linear.gather [hbm4b:s16+s4], $0x2710, $0x38;
	[tilespmem:$0xBC18] =	vst v63  }
0xb6: {  	_ =	swait.ge [sflag:s14], $0x2710  }
0xb7: {  	[sflag:s14] =	ssyncset.done $0x0  }
0xb8: {  	[sflag:s14] =	ssyncadd.s32 $0xFFFFD8F0  }
0xb9: {  	[spmem:s2] =	stream.indirect.scatter.add.f32 [tilespmem:s10], [sflag:$0x2], $0x1, s17, s15, $0xb8;
	[tilespmem:$0xBC18] =	vst v63  }
0xba: {  	_ =	swait.ge [sflag:s18], $0x2710  }
0xbb: {  	[sflag:s18] =	ssyncset.done $0x0  }
0xbc: {  	[sflag:s18] =	ssyncadd.s32 $0xFFFFD8F0  }
0xbd: {  	[tilespmem:s13], [sflag:$0x1] =	stream.linear.gather [hbm4b:s19+s4], $0x2710, $0x38;
	[tilespmem:$0xBC18] =	vst v63  }
0xbe: {  	_ =	swait.ge [sflag:s14], $0x2710  }
0xbf: {  	[sflag:s14] =	ssyncset.done $0x0  }
0xc0: {  	[sflag:s14] =	ssyncadd.s32 $0xFFFFD8F0  }
0xc1: {  	[spmem:s2] =	stream.indirect.scatter.add.f32 [tilespmem:s10], [sflag:$0x2], $0x1, s13, s15, $0xb8;
	[tilespmem:$0xBC18] =	vst v63  }
0xc2: {  	_ =	swait.ge [sflag:s18], $0x2710  }
0xc3: {  	[sflag:s18] =	ssyncset.done $0x0  }
0xc4: {  	[sflag:s18] =	ssyncadd.s32 $0xFFFFD8F0  }
0xc5: {  	[tilespmem:s17], [sflag:$0x1] =	stream.linear.gather [hbm4b:s20+s4], $0x2710, $0x38;
	[tilespmem:$0xBC18] =	vst v63  }
0xc6: {  	_ =	swait.ge [sflag:s14], $0x2710  }
0xc7: {  	[sflag:s14] =	ssyncset.done $0x0  }
0xc8: {  	[sflag:s14] =	ssyncadd.s32 $0xFFFFD8F0  }
0xc9: {  	[spmem:s2] =	stream.indirect.scatter.add.f32 [tilespmem:s10], [sflag:$0x2], $0x1, s17, s15, $0xb8;
	[tilespmem:$0xBC18] =	vst v63  }
0xca: {  	_ =	swait.ge [sflag:s18], $0x2710  }
0xcb: {  	[sflag:s18] =	ssyncset.done $0x0  }
0xcc: {  	[sflag:s18] =	ssyncadd.s32 $0xFFFFD8F0  }
0xcd: {  	[tilespmem:s13], [sflag:$0x1] =	stream.linear.gather [hbm4b:s21+s4], $0x2710, $0x38;
	[tilespmem:$0xBC18] =	vst v63  }
0xce: {  	_ =	swait.ge [sflag:s14], $0x2710  }
0xcf: {  	[sflag:s14] =	ssyncset.done $0x0  }
0xd0: {  	[sflag:s14] =	ssyncadd.s32 $0xFFFFD8F0  }
0xd1: {  	[spmem:s2] =	stream.indirect.scatter.add.f32 [tilespmem:s10], [sflag:$0x2], $0x1, s13, s15, $0xb8;
	[tilespmem:$0xBC18] =	vst v63  }
0xd2: {  	_ =	swait.ge [sflag:s18], $0x2710  }
0xd3: {  	[sflag:s18] =	ssyncset.done $0x0  }
0xd4: {  	[sflag:s18] =	ssyncadd.s32 $0xFFFFD8F0  }
0xd5: {  	[tilespmem:s17], [sflag:$0x1] =	stream.linear.gather [hbm4b:s22+s4], $0x2710, $0x38;
	[tilespmem:$0xBC18] =	vst v63  }
0xd6: {  	_ =	swait.ge [sflag:s14], $0x2710  }
0xd7: {  	[sflag:s14] =	ssyncset.done $0x0  }
0xd8: {  	[sflag:s14] =	ssyncadd.s32 $0xFFFFD8F0  }
0xd9: {  	[spmem:s2] =	stream.indirect.scatter.add.f32 [tilespmem:s10], [sflag:$0x2], $0x1, s17, s15, $0xb8;
	[tilespmem:$0xBC18] =	vst v63  }
0xda: {  	_ =	swait.ge [sflag:s18], $0x2710  }
0xdb: {  	[sflag:s18] =	ssyncset.done $0x0  }
0xdc: {  	[sflag:s18] =	ssyncadd.s32 $0xFFFFD8F0  }
0xdd: {  	[tilespmem:s13], [sflag:$0x1] =	stream.linear.gather [hbm4b:s23+s4], $0x2710, $0x38;
	[tilespmem:$0xBC18] =	vst v63  }
0xde: {  	_ =	swait.ge [sflag:s14], $0x2710  }
0xdf: {  	[sflag:s14] =	ssyncset.done $0x0  }
0xe0: {  	[sflag:s14] =	ssyncadd.s32 $0xFFFFD8F0  }
0xe1: {  	[spmem:s2] =	stream.indirect.scatter.add.f32 [tilespmem:s10], [sflag:$0x2], $0x1, s13, s15, $0xb8;
	[tilespmem:$0xBC18] =	vst v63  }
0xe2: {  	_ =	swait.ge [sflag:s18], $0x2710  }
0xe3: {  	[sflag:s18] =	ssyncset.done $0x0  }
0xe4: {  	[sflag:s18] =	ssyncadd.s32 $0xFFFFD8F0  }
0xe5: {  	[tilespmem:s17], [sflag:$0x1] =	stream.linear.gather [hbm4b:s24+s4], $0x2710, $0x38;
	[tilespmem:$0xBC18] =	vst v63  }
0xe6: {  	_ =	swait.ge [sflag:s14], $0x2710  }
0xe7: {  	[sflag:s14] =	ssyncset.done $0x0  }
0xe8: {  	[sflag:s14] =	ssyncadd.s32 $0xFFFFD8F0  }
0xe9: {  	[spmem:s2] =	stream.indirect.scatter.add.f32 [tilespmem:s10], [sflag:$0x2], $0x1, s17, s15, $0xb8;
	[tilespmem:$0xBC18] =	vst v63  }
0xea: {  	_ =	swait.ge [sflag:s18], $0x2710  }
0xeb: {  	[sflag:s18] =	ssyncset.done $0x0  }
0xec: {  	[sflag:s18] =	ssyncadd.s32 $0xFFFFD8F0  }
0xed: {  	[tilespmem:s13], [sflag:$0x1] =	stream.linear.gather [hbm4b:s25+s4], $0x2710, $0x38;
	[tilespmem:$0xBC18] =	vst v63  }
0xee: {  	_ =	swait.ge [sflag:s14], $0x2710  }
0xef: {  	[sflag:s14] =	ssyncset.done $0x0  }
0xf0: {  	[sflag:s14] =	ssyncadd.s32 $0xFFFFD8F0  }
0xf1: {  	[spmem:s2] =	stream.indirect.scatter.add.f32 [tilespmem:s10], [sflag:$0x2], $0x1, s13, s15, $0xb8;
	[tilespmem:$0xBC18] =	vst v63  }
0xf2: {  	_ =	swait.ge [sflag:s18], $0x2710  }
0xf3: {  	[sflag:s18] =	ssyncset.done $0x0  }
0xf4: {  	[sflag:s18] =	ssyncadd.s32 $0xFFFFD8F0  }
0xf5: {  	[tilespmem:s17], [sflag:$0x1] =	stream.linear.gather [hbm4b:s26+s4], $0x2710, $0x38;
	[tilespmem:$0xBC18] =	vst v63  }
0xf6: {  	_ =	swait.ge [sflag:s14], $0x2710  }
0xf7: {  	[sflag:s14] =	ssyncset.done $0x0  }
0xf8: {  	[sflag:s14] =	ssyncadd.s32 $0xFFFFD8F0  }
0xf9: {  	[spmem:s2] =	stream.indirect.scatter.add.f32 [tilespmem:s10], [sflag:$0x2], $0x1, s17, s15, $0xb8;
	[tilespmem:$0xBC18] =	vst v63  }
0xfa: {  	_ =	swait.ge [sflag:s18], $0x2710  }
0xfb: {  	[sflag:s18] =	ssyncset.done $0x0  }
0xfc: {  	[sflag:s18] =	ssyncadd.s32 $0xFFFFD8F0  }
0xfd: {  	_ =	swait.ge [sflag:s18], $0x2710  }
0xfe: {  	[sflag:s18] =	ssyncset.done $0x0  }
0xff: {  	[sflag:s18] =	ssyncadd.s32 $0xFFFFD8F0  }
0x100: {  	[tilespmem:s29], [sflag:$0x3] =	stream.linear.gather [hbm4b:s28+s4], $0x9C4, $0x38;
	[tilespmem:$0xBC18] =	vst v63  }
0x101: {  	_ =	swait.ge [sflag:s5], $0x9C4  }
0x102: {  	[sflag:s5] =	ssyncset.done $0x0  }
0x103: {  	[sflag:s5] =	ssyncadd.s32 $0xFFFFF63C  }
0x104: {  	[spmem:s3] =	stream.indirect.scatter.add.f32 [tilespmem:s11], [sflag:$0x3], $0x1, s29, s30, $0xb8;
	[tilespmem:$0xBC18] =	vst v63  }
0x105: {  	_ =	swait.ge [sflag:s5], $0x9C4  }
0x106: {  	[sflag:s5] =	ssyncset.done $0x0  }
0x107: {  	[sflag:s5] =	ssyncadd.s32 $0xFFFFF63C  }
0x108: {  	[tilespmem:s29], [sflag:$0x3] =	stream.linear.gather [hbm4b:s31+s4], $0x9C4, $0x38;
	[tilespmem:$0xBC18] =	vst v63  }
0x109: {  	_ =	swait.ge [sflag:s5], $0x9C4  }
0x10a: {  	[sflag:s5] =	ssyncset.done $0x0  }
0x10b: {  	[sflag:s5] =	ssyncadd.s32 $0xFFFFF63C  }
0x10c: {  	[spmem:s3] =	stream.indirect.scatter.add.f32 [tilespmem:s11], [sflag:$0x3], $0x1, s29, s30, $0xb8;
	[tilespmem:$0xBC18] =	vst v63  }
0x10d: {  	_ =	swait.ge [sflag:s5], $0x9C4  }
0x10e: {  	[sflag:s5] =	ssyncset.done $0x0  }
0x10f: {  	[sflag:s5] =	ssyncadd.s32 $0xFFFFF63C  }
0x110: {  	[bflag:$0x0] =	sbarrier.arrive $0xFFFF  }
0x111: {  	[tilespmem:s6], [sflag:$0x3] =	stream.linear.gather [spmem:s7], $0x1870, $0x38;
	[tilespmem:$0xBC18] =	vst v63  }
0x112: {  	_ =	swait.ge [sflag:s5], $0x1870  }
0x113: {  	[sflag:s5] =	ssyncset.done $0x0  }
0x114: {  	s0 =	rddreg [dreg:$0x7];
	[sflag:s5] =	ssyncadd.s32 $0xFFFFE790  }
0x115: {  	[hbm4b:s0+s4] =	stream.linear.scatter [tilespmem:s6], [sflag:$0x3], $0x1870, $0x38;
	[tilespmem:$0xBC18] =	vst v63  }
0x116: {  	_ =	swait.ge [sflag:s5], $0x1870  }
0x117: {  	[sflag:s5] =	ssyncset.done $0x0  }
0x118: {  	p0 =	sne.s32 s1, $0x1;
	[sflag:s5] =	ssyncadd.s32 $0xFFFFE790  }
0x119: {  	[tilespmem:s6], [sflag:$0x3] =	stream.linear.gather [spmem:s8], $0x278, $0x38;
	[tilespmem:$0xBC18] =	vst v63  }
.Ltmp1:
0x11a: {  	_ =	swait.ge [sflag:s5], $0x278;
	(pc) =	sbr.rel @p0 .LBB2_1-.Ltmp1, $4  }
0x11b: {  	[sflag:s5] =	ssyncset.done $0x0  }
0x11c: {  	s0 =	rddreg [dreg:$0x8];
	[sflag:s5] =	ssyncadd.s32 $0xFFFFFD88  }
0x11d: {  	[hbm4b:s0+s4] =	stream.linear.scatter [tilespmem:s6], [sflag:$0x3], $0x278, $0x38;
	[tilespmem:$0xBC18] =	vst v63  }
0x11e: {  	s1 =	sadd.s32 $0xFFFFFFFF, s1;
	_ =	swait.ge [sflag:s5], $0x278  }
.LBB2_2:
0x11f: {  	[sflag:s5] =	ssyncset.done $0x0  }
0x120: {  	[sflag:s5] =	ssyncadd.s32 $0xFFFFFD88  }
0x121: {  	_ =	sfence.sel $0x180000  }
0x122: {  	[bflag:$0x0] =	sbarrier.arrive $0xFFFF  }
0x123: {  	_ =	strace $0x90000047  }
0x124: {  	s0 =	stileid.u32;
	[bflag:$0x2] =	sbarrier.arrive $0xFFFF  }
0x125: {  	p0 =	sne.s32 s0, $0x0;
	s0 =	rddreg [dreg:$0x5]  }
0x126: {  	s0 =	sadd.s32 @!p0 $0x100000, s0  }
0x127: {  	[sflag:s0] =	ssyncadd.tile.s32 @!p0 $0x1;
	_ =	shalt  }
.Lfunc_end2:
_tile_overlayer_lowered:
.L_overlay_start_2:
0x128: {  	(tag) =	ssettag $0x2  }
0x129: {  	s0 =	rddreg [dreg:$0x0];
	s2 =	stileid.u32  }
0x12a: {  	s1 =	rddreg [dreg:$0x1];
	p0 =	sne.s32 s2, $0x0  }
0x12b: {  	s3 =	rddreg [dreg:$0x2];
	[bflag:$0x3] =	sbarrier.arrive $0xFFFF;
	s2 =	simm.s32 @!p0 $0x1C03  }
0x12c: {  	[timem:s3], [sflag:s2] =	dma.local @!p0 [hbm:s0], s1  }
0x12d: {  	s0 =	simm.s32 @!p0 $0x3  }
0x12e: {  	_ =	swait.ge @!p0 [sflag:s0], s1  }
0x12f: {  	s1 =	ssub.s32 @!p0 $0x0, s1;
	[sflag:s0] =	ssyncset.done @!p0 $0x0  }
0x130: {  	[sflag:s0] =	ssyncadd.s32 @!p0 s1  }
0x131: {  	[bflag:$0x3] =	sbarrier.arrive $0xFFFF  }
0x132: {  	_ =	shalt  }

// kernel: kernel.14.cloned.1.call-start
scs
__scs_entry_jumppad:
0x0: {  	(pc) =	sbr.rel $0x88, $3  }
0x1: {  	(tag) =	ssettag $0x0;
	lr =	simm.s32 $0x1  }
0x2: {  	[smem:$0x3F8D] =	sst lr;
	_ =	strace $0xD0000000  }
0x3: {  	_ = 	snop  }
0x4: {  	_ = 	snop  }
0x5: {  	_ = 	snop  }
0x6: {  	_ = 	snop  }
0x7: {  	_ = 	snop  }
__scs_overlays_trampoline_lowered:
0x8: {  	[smem:$0x3F9C] =	sst s0  }
0x9: {  	[smem:$0x3F9D] =	sst s1  }
0xa: {  	[smem:$0x3F9E] =	sst s2  }
0xb: {  	[smem:$0x3F9F] =	sst s3  }
0xc: {  	[smem:$0x3FA0] =	sst s4  }
0xd: {  	[smem:$0x3FA1] =	sst s5  }
0xe: {  	[smem:$0x3FA2] =	sst s6  }
0xf: {  	[smem:$0x3FA3] =	sst s7  }
0x10: {  	[smem:$0x3FA4] =	sst s8  }
0x11: {  	[smem:$0x3FA5] =	sst s9;
	s0 =	simm.s32 @!p0 $0x0  }
0x12: {  	s1 =	sld [smem:$0x3F8B];
	s0 =	simm.s32 @p0 $0x1  }
0x13: {  	[smem:$0x3FA6] =	sst s0;
	s0 =	simm.s32 @!p1 $0x0  }
0x14: {  	s2 =	sld [smem:$0x3F8A];
	s0 =	simm.s32 @p1 $0x1  }
0x15: {  	[smem:$0x3FA7] =	sst s0;
	s0 =	simm.s32 @!p2 $0x0  }
0x16: {  	s3 =	sld [smem:$0x3FDB];
	s0 =	simm.s32 @p2 $0x1  }
0x17: {  	s4 =	simm.s32 $0x1BF5;
	[smem:$0x3FA9] =	sst s0  }
0x18: {  	s0 =	sld [smem:$0x3F8C];
	_ =	swait.ge [sflag:s4], $0x0  }
0x19: {  	s7 =	sld [smem:$0x3F8D]  }
0x1a: {  	s8 =	sadd.s32 $0xFFFFE003, lr  }
0x1b: {  	s9 =	sadd.s32 $0xFFFFFEF7, lr;
	s5 =	simm.s32 $0xFFFFFFFF;
	p2 =	slt.u32 s8, $0xFFFFF086  }
0x1c: {  	p1 =	slt.u32 s9, $0xF7A;
	s5 =	simm.s32 @!p2 $0x0  }
0x1d: {  	s5 =	simm.s32 @p1 $0x1;
	p0 =	seq.s32 s7, s2  }
0x1e: {  	s7 =	smul.u32 @!p0 $0xF7A, s2;
	p2 =	seq.s32 @!p0 s5, $0x0  }
0x1f: {  	s9 =	smul.u32 $0xF7A, s1;
	s8 =	simm.s32 @!p0 $0x1BF5;
	p2 =	por !p2, p0  }
0x20: {  	[sflag:s8] =	ssyncset.s32 @!p0 $0xFFFFF086;
	s6 =	sadd.s32 @!p0 s3, s7;
	s7 =	simm.s32 @!p0 $0x108  }
0x21: {  	s3 =	sadd.s32 s3, s9;
	s6 =	sadd.s32 @!p0 $0x88, s6;
	s7 =	simm.s32 @p2 $0x1082  }
0x22: {  	[simem:s7], [sflag:s8] =	dma.local @!p0 [hbm:s6], $0xF7A  }
0x23: {  	s9 =	sor.u32 $0xD0000000, s2;
	s6 =	simm.s32 $0x108;
	_ =	swait.ge @!p0 [sflag:s8], $0x0  }
0x24: {  	s3 =	sadd.s32 $0x88, s3;
	s6 =	simm.s32 @!p1 $0x1082;
	[sflag:s4] =	ssyncset.s32 $0xFFFFF086  }
0x25: {  	[simem:s6], [sflag:s4] =	dma.local [hbm:s3], $0xF7A  }
0x26: {  	[smem:$0x3F8D] =	sst s1;
	(tag) =	ssettag s2;
	_ =	strace s9  }
0x27: {  	s1 =	sld [smem:$0x3F9D]  }
0x28: {  	s2 =	sld [smem:$0x3F9E]  }
0x29: {  	s4 =	sld [smem:$0x3FA0]  }
0x2a: {  	p0 =	seq.s32 s5, $0x0;
	s5 =	sld [smem:$0x3FA1]  }
0x2b: {  	s6 =	sld [smem:$0x3FA2]  }
0x2c: {  	s7 =	sld [smem:$0x3FA3]  }
0x2d: {  	s3 =	simm.s32 $0x108;
	s8 =	sld [smem:$0x3FA4]  }
0x2e: {  	s3 =	simm.s32 @!p0 $0x1082;
	s9 =	sld [smem:$0x3FA5]  }
0x2f: {  	lr =	sadd.s32 s0, s3;
	s0 =	sld [smem:$0x3F9C]  }
0x30: {  	s3 =	sld [smem:$0x3F9F]  }
0x31: {  	[smem:$0x3FA8] =	sst s10  }
0x32: {  	s10 =	sld [smem:$0x3FA6];
	_ =	sdelay $0x3  }
0x33: {  	p0 =	seq.s32 s10, $0x1;
	s10 =	sld [smem:$0x3FA8];
	_ =	sdelay $0x3  }
0x34: {  	[smem:$0x3FA8] =	sst s10  }
0x35: {  	s10 =	sld [smem:$0x3FA7];
	_ =	sdelay $0x3  }
0x36: {  	p1 =	seq.s32 s10, $0x1;
	s10 =	sld [smem:$0x3FA8];
	_ =	sdelay $0x3  }
0x37: {  	[smem:$0x3FA8] =	sst s10  }
0x38: {  	s10 =	sld [smem:$0x3FA9]  }
0x39: {  	_ = 	snop;
	(pc) =	sbr.ind lr, $3  }
0x3a: {  	_ = 	snop  }
0x3b: {  	_ = 	snop  }
0x3c: {  	p2 =	seq.s32 s10, $0x1;
	s10 =	sld [smem:$0x3FA8]  }
0x3d: {  	_ =	shalt  }
0x3e: {  	_ =	shalt  }
0x3f: {  	_ =	shalt  }
0x40: {  	_ =	shalt  }
0x41: {  	_ =	shalt  }
0x42: {  	_ =	shalt  }
0x43: {  	_ =	shalt  }
0x44: {  	_ =	shalt  }
0x45: {  	_ =	shalt  }
0x46: {  	_ =	shalt  }
0x47: {  	_ =	shalt  }
0x48: {  	_ =	shalt  }
0x49: {  	_ =	shalt  }
0x4a: {  	_ =	shalt  }
0x4b: {  	_ =	shalt  }
0x4c: {  	_ =	shalt  }
0x4d: {  	_ =	shalt  }
0x4e: {  	_ =	shalt  }
0x4f: {  	_ =	shalt  }
0x50: {  	_ =	shalt  }
0x51: {  	_ =	shalt  }
0x52: {  	_ =	shalt  }
0x53: {  	_ =	shalt  }
0x54: {  	_ =	shalt  }
0x55: {  	_ =	shalt  }
0x56: {  	_ =	shalt  }
0x57: {  	_ =	shalt  }
0x58: {  	_ =	shalt  }
0x59: {  	_ =	shalt  }
0x5a: {  	_ =	shalt  }
0x5b: {  	_ =	shalt  }
0x5c: {  	_ =	shalt  }
0x5d: {  	_ =	shalt  }
0x5e: {  	_ =	shalt  }
0x5f: {  	_ =	shalt  }
0x60: {  	_ =	shalt  }
0x61: {  	_ =	shalt  }
0x62: {  	_ =	shalt  }
0x63: {  	_ =	shalt  }
0x64: {  	_ =	shalt  }
0x65: {  	_ =	shalt  }
0x66: {  	_ =	shalt  }
0x67: {  	_ =	shalt  }
0x68: {  	_ =	shalt  }
0x69: {  	_ =	shalt  }
0x6a: {  	_ =	shalt  }
0x6b: {  	_ =	shalt  }
0x6c: {  	_ =	shalt  }
0x6d: {  	_ =	shalt  }
0x6e: {  	_ =	shalt  }
0x6f: {  	_ =	shalt  }
0x70: {  	_ =	shalt  }
0x71: {  	_ =	shalt  }
0x72: {  	_ =	shalt  }
0x73: {  	_ =	shalt  }
0x74: {  	_ =	shalt  }
0x75: {  	_ =	shalt  }
0x76: {  	_ =	shalt  }
0x77: {  	_ =	shalt  }
0x78: {  	_ =	shalt  }
0x79: {  	_ =	shalt  }
0x7a: {  	_ =	shalt  }
0x7b: {  	_ =	shalt  }
0x7c: {  	_ =	shalt  }
0x7d: {  	_ =	shalt  }
0x7e: {  	_ =	shalt  }
0x7f: {  	_ =	shalt  }
0x80: {  	_ =	shalt  }
0x81: {  	_ =	shalt  }
0x82: {  	_ =	shalt  }
0x83: {  	_ =	shalt  }
0x84: {  	_ =	shalt  }
0x85: {  	_ =	shalt  }
0x86: {  	_ =	shalt  }
0x87: {  	_ =	shalt  }
.Lfunc_end0:
.L_simem_size_0:
called_computation.1_lowered:
.L_overlay_start_0:
0x88: {  	s2 =	sld [smem:$0x3FD9]  }
0x89: {  	s3 =	sld [smem:$0x3FFE];
	_ =	sdelay $0x1  }
0x8a: {  	s1 =	srdreg.scid  }
0x8b: {  	s0 =	sand.u32 $0x1, s1  }
0x8c: {  	s17 =	sshll.u32 s0, $0xA;
	s2 =	sadd.s32 s3, s2  }
0x8d: {  	s2 =	sadd.s32 s2, s17  }
0x8e: {  	[smem:$0x3FB4] =	sst s2  }
0x8f: {  	_ = 	snop  }
0x90: {  	s2 =	sld [smem:$0x3FC7]  }
0x91: {  	s18 =	sld [smem:$0x3FC6];
	(tm) =	ssettm $0x1  }
0x92: {  	s4 =	sld [smem:$0x3FFB];
	_ =	sdelay $0x3  }
0x93: {  	_ =	strace s4  }
0x94: {  	s4 =	sld [smem:$0x3FFC];
	_ =	sdelay $0x3  }
0x95: {  	_ =	strace s4  }
0x96: {  	s4 =	sld [smem:$0x3FFD];
	_ =	sdelay $0x3  }
0x97: {  	_ =	strace s4  }
0x98: {  	_ =	strace $0x8FFFFFFF  }
0x99: {  	s19 =	sld [smem:$0x3FDB];
	_ =	sdelay $0x1  }
0x9a: {  	s5 =	simm.s32 $_scs_section_size  }
0x9b: {  	s6 =	simm.s32 $_size__tile_overlayer_lowered;
	s7 =	simm.s32 $_tile_overlayer_lowered  }
0x9c: {  	s22 =	simm.s32 $0x1BFF;
	s21 =	sshll.u32 s7, $0x1;
	s4 =	sadd.s32 s5, s19  }
0x9d: {  	s8 =	simm.s32 $0x0;
	s20 =	sshll.u32 s6, $0x1;
	s6 =	sadd.s32 s21, s4  }
0x9e: {  	[timem:s8], [sflag:s22] =	dma.local [hbm:s6], s20  }
0x9f: {  	_ =	swait.ge [sflag:s22], s20  }
0xa0: {  	s5 =	ssub.s32 $0x0, s20;
	[sflag:s22] =	ssyncset.done $0x0  }
0xa1: {  	[sflag:s22] =	ssyncadd.s32 s5;
	_ =	sdelay $0x1  }
0xa2: {  	s23 =	simm.s32 $0x1B8B  }
0xa3: {  	_ =	swait.ge [sflag:s23], $0x1  }
0xa4: {  	[sflag:s23] =	ssyncset.done $0x0  }
0xa5: {  	s25 =	simm.s32 $0x1B8E;
	s24 =	sld [smem:$0x3FFE];
	[sflag:s23] =	ssyncadd.s32 $0xFFFFFFFF  }
0xa6: {  	s26 =	simm.s32 $execute0_lowered;
	[smem:$0x3FD2] =	sst s25  }
0xa7: {  	s6 =	sshll.u32 s26, $0x1;
	_ =	strace $0x80000049;
	[dreg:$0x1] =	wrdreg $0xFFFFFFFF  }
0xa8: {  	s28 =	simm.s32 $_size_execute0_lowered;
	s4 =	sadd.s32 s4, s6;
	[dreg:$0x0] =	wrdreg $0x0  }
0xa9: {  	s6 =	sshll.u32 s28, $0x1;
	[dreg:$0x2] =	wrdreg s4  }
0xaa: {  	[dreg:$0x3] =	wrdreg s6  }
0xab: {  	[dreg:$0x4] =	wrdreg $0xC0  }
0xac: {  	_ =	task [dreg:s8], $0x5FFFF  }
0xad: {  	[dreg:$0x1] =	wrdreg $0xFFFFFFFF  }
0xae: {  	[dreg:$0x0] =	wrdreg $0x60  }
0xaf: {  	[dreg:$0x2] =	wrdreg s2  }
0xb0: {  	[dreg:$0x3] =	wrdreg s18  }
0xb1: {  	[dreg:$0x4] =	wrdreg s24  }
0xb2: {  	[dreg:$0x5] =	wrdreg $0x0  }
0xb3: {  	[dreg:$0x6] =	wrdreg $0xC3800  }
0xb4: {  	[dreg:$0x7] =	wrdreg $0x9  }
0xb5: {  	_ =	task.clear_ibuf [dreg:s8], $0x8FFFF;
	_ =	strace $0x90000049  }
0xb6: {  	s29 =	simm.s32 $0x9;
	_ =	strace $0x8000004B  }
0xb7: {  	_ =	swait.ge [sflag:s29], $0x1  }
0xb8: {  	[sflag:s29] =	ssyncadd.s32 $0xFFFFFFFF  }
0xb9: {  	_ =	strace $0x9000004B  }
0xba: {  	_ =	sfence  }
0xbb: {  	s30 =	sld [smem:$0x0];
	_ =	sdelay $0x2  }
0xbc: {  	s31 =	sshll.u32 s1, $0xD;
	s1 =	sshrl.u32 s1, $0x2  }
0xbd: {  	s3 =	sand.u32 $0x4000, s31;
	s1 =	sadd.s32 s1, s30  }
0xbe: {  	s0 =	sor.u32 s3, s0;
	s1 =	sshll.u32 s1, $0x11  }
0xbf: {  	s0 =	sor.u32 s1, s0  }
0xc0: {  	s0 =	sadd.s32 $0x8F2B, s0  }
0xc1: {  	[sflag:s0] =	ssyncadd.remote.s32 $0x1  }
0xc2: {  	_ =	sfence.sel $0xFFFF  }
0xc3: {  	[dreg:$0x0] =	wrdreg $0xFFFFFFFF;
	(pc) =	sbr.abs _section_cstart, $3  }
0xc4: {  	[dreg:$0x1] =	wrdreg $0xFFFFFFFF  }
0xc5: {  	_ =	task.clear_ibuf [dreg:s8], $0x2FFFF;
	_ =	strace $0x9FFFFFFF  }
0xc6: {  	(tm) =	ssettm $0x7FFFFFFF  }
0xc7: {  	_ =	shalt  }
tec
execute0_lowered:
.L_overlay_start_1:
0x0: {  	(tag) =	ssettag $0x1  }
0x1: {  	s0 =	rddreg [dreg:$0x0]  }
0x2: {  	s2 =	rddreg [dreg:$0x1]  }
0x3: {  	s6 =	rddreg [dreg:$0x2]  }
0x4: {  	s1 =	rddreg [dreg:$0x3]  }
0x5: {  	s3 =	rddreg [dreg:$0x4]  }
0x6: {  	s4 =	simm.s32 $0x0;
	s5 =	srdreg.scid;
	s15 =	stileid.u32  }
0x7: {  	s29 =	simm.s32 $0xEEF8;
	s30 =	simm.s32 $0x4;
	s31 =	simm.s32 $0x1F0C8  }
0x8: {  	[smem:$0x7FF] =	sst s4;
	s7 =	sand.u32 $0x1, s5;
	s8 =	smul.u32 $0xC38, s15  }
0x9: {  	s5 =	sadd.s32 $0xF600, s6;
	s11 =	sadd.s32 $0x40400, s6;
	s14 =	smul.u32 $0x30E00, s15  }
0xa: {  	s22 =	sadd.s32 $0x5200, s6;
	_ =	strace $0x8000004A;
	s9 =	smul.u32 $0xC380, s7  }
0xb: {  	s10 =	sshll.u32 s7, $0x4;
	[dreg:$0x6] =	wrdreg s11;
	s23 =	ssub.s32 $0x2, s7  }
0xc: {  	s7 =	smul.u32 $0x186A00, s7;
	[dreg:$0xf] =	wrdreg s22;
	s10 =	sor.u32 s15, s10  }
0xd: {  	s13 =	sshrl.u32 s23, $0x1;
	s15 =	smul.u32 $0x186A0, s15;
	s22 =	sadd.s32 s8, s3  }
0xe: {  	s9 =	sadd.s32 s8, s9;
	s10 =	smul.u32 $0x186A0, s10;
	s11 =	ssub.s32 s23, s13  }
0xf: {  	s8 =	simm.s32 $0x7D0;
	s12 =	sshll.u32 s9, $0x1;
	s7 =	sadd.s32 s15, s7  }
0x10: {  	s10 =	sshrl.u32 s10, $0x3;
	s20 =	sadd.s32 $0x1F40, s7;
	s7 =	sadd.s32 $0x1770, s7  }
0x11: {  	s23 =	sadd.s32 s12, s6;
	s12 =	simm.s32 $0x16BF8;
	s24 =	sadd.s32 s0, s10  }
0x12: {  	s25 =	sadd.s32 $0xFA, s10;
	s16 =	sadd.s32 s2, s10;
	s17 =	sadd.s32 $0x1F4, s10  }
0x13: {  	s10 =	sadd.s32 $0x2FDA, s10;
	s7 =	sshrl.u32 s7, $0x3;
	[dreg:$0x7] =	wrdreg s24  }
0x14: {  	[dreg:$0x8] =	wrdreg s16;
	s26 =	sadd.s32 s0, s25;
	s13 =	sadd.s32 s2, s25  }
0x15: {  	s18 =	sadd.s32 s0, s17;
	s19 =	sadd.s32 s2, s17;
	[dreg:$0x9] =	wrdreg s26  }
0x16: {  	s21 =	sadd.s32 s0, s10;
	s10 =	sadd.s32 s2, s10;
	[dreg:$0xa] =	wrdreg s13  }
0x17: {  	s17 =	sadd.s32 s7, s2;
	s24 =	sshrl.u32 s9, $0x3;
	[dreg:$0xb] =	wrdreg s18  }
0x18: {  	s25 =	sshrl.u32 s14, $0x2;
	s9 =	simm.s32 $0xDF58;
	[dreg:$0xc] =	wrdreg s19  }
0x19: {  	s14 =	simm.s32 $0x0;
	[dreg:$0xd] =	wrdreg s21;
	s13 =	sshrl.u32 s20, $0x3  }
0x1a: {  	[dreg:$0xe] =	wrdreg s10;
	s18 =	sadd.s32 s7, s0;
	s21 =	sadd.s32 s25, s1  }
0x1b: {  	s26 =	sadd.s32 $0x44A00, s23;
	s7 =	simm.s32 $0x1;
	s10 =	simm.s32 $0xE728  }
0x1c: {  	s15 =	sadd.s32 s13, s2;
	s16 =	sadd.s32 s13, s0;
	s2 =	sadd.s32 s24, s6  }
0x1d: {  	s6 =	sadd.s32 $0x8400, s6;
	[dreg:$0x11] =	wrdreg s26;
	s24 =	sadd.s32 $0x459A0, s23  }
0x1e: {  	s26 =	smax.u32 s11, $0x1;
	s28 =	sadd.s32 $0x7D00, s21;
	s0 =	simm.s32 $0x1E8F8  }
0x1f: {  	s11 =	simm.s32 $0x2;
	s13 =	simm.s32 $0x3;
	[dreg:$0x10] =	wrdreg s6  }
0x20: {  	s25 =	sadd.s32 $0x41800, s2;
	s2 =	simm.s32 $0xCFB8;
	s6 =	simm.s32 $0xD788  }
.LBB2_1:
0x21: {  	s19 =	rddreg [dreg:$0x6]  }
0x22: {  	[tilespmem:s29], [sflag:$0x4] =	stream.linear.gather [hbm4b:s19+s4], $0x7D00, $0x38;
	[tilespmem:$0x1FD00] =	vst v63  }
0x23: {  	_ =	swait.ge [sflag:s30], $0x7D00  }
0x24: {  	[sflag:s30] =	ssyncset.done $0x0  }
0x25: {  	[sflag:s30] =	ssyncadd.s32 $0xFFFF8300  }
0x26: {  	[spmem:s21] =	stream.linear.scatter [tilespmem:s29], [sflag:$0x4], $0x7D00, $0x38;
	[tilespmem:$0x1FD00] =	vst v63  }
0x27: {  	_ =	swait.ge [sflag:s30], $0x7D00  }
0x28: {  	[sflag:s30] =	ssyncset.done $0x0  }
0x29: {  	[sflag:s30] =	ssyncadd.s32 $0xFFFF8300  }
0x2a: {  	[spmem:s28] =	stream.linear.scatter [tilespmem:s29], [sflag:$0x4], $0x4680, $0x38;
	[tilespmem:$0x1FD00] =	vst v63  }
0x2b: {  	_ =	swait.ge [sflag:s30], $0x4680  }
0x2c: {  	[sflag:s30] =	ssyncset.done $0x0  }
0x2d: {  	s20 =	rddreg [dreg:$0xf];
	[sflag:s30] =	ssyncadd.s32 $0xFFFFB980  }
0x2e: {  	[tilespmem:s31], [sflag:$0x4] =	stream.linear.gather [hbm4b:s20+s4], $0xC38, $0x38;
	[tilespmem:$0x1FD00] =	vst v63  }
0x2f: {  	_ =	swait.ge [sflag:s30], $0xC38  }
0x30: {  	[sflag:s30] =	ssyncset.done $0x0  }
0x31: {  	[sflag:s30] =	ssyncadd.s32 $0xFFFFF3C8  }
0x32: {  	[spmem:s22] =	stream.linear.scatter [tilespmem:s31], [sflag:$0x4], $0xC38, $0x38;
	[tilespmem:$0x1FD00] =	vst v63  }
0x33: {  	_ =	swait.ge [sflag:s30], $0xC38  }
0x34: {  	[sflag:s30] =	ssyncset.done $0x0  }
0x35: {  	s23 =	rddreg [dreg:$0x10];
	[sflag:s30] =	ssyncadd.s32 $0xFFFFF3C8  }
0x36: {  	[tilespmem:s0], [sflag:$0x4] =	stream.linear.gather [hbm4b:s23+s4], $0x7D0, $0x38;
	[tilespmem:$0x1FD00] =	vst v63  }
0x37: {  	_ =	swait.ge [sflag:s30], $0x7D0  }
0x38: {  	[sflag:s30] =	ssyncset.done $0x0  }
0x39: {  	[sflag:s30] =	ssyncadd.s32 $0xFFFFF830  }
0x3a: {  	[bflag:$0x0] =	sbarrier.arrive $0xFFFF  }
0x3b: {  	s20 =	rddreg [dreg:$0x7]  }
0x3c: {  	[tilespmem:s2], [sflag:$0x1] =	stream.linear.gather [hbm4b:s20+s4], $0x7D0, $0x38;
	[tilespmem:$0x1FD00] =	vst v63  }
0x3d: {  	s23 =	rddreg [dreg:$0x8]  }
0x3e: {  	[tilespmem:s6], [sflag:$0x1] =	stream.linear.gather [hbm4b:s23+s4], $0x7D0, $0x38;
	[tilespmem:$0x1FD00] =	vst v63  }
0x3f: {  	_ =	swait.ge [sflag:s7], $0x7D0  }
0x40: {  	[sflag:s7] =	ssyncset.done $0x0  }
0x41: {  	[sflag:s7] =	ssyncadd.s32 $0xFFFFF830  }
0x42: {  	_ =	swait.ge [sflag:s7], $0x7D0  }
0x43: {  	[sflag:s7] =	ssyncset.done $0x0  }
0x44: {  	[sflag:s7] =	ssyncadd.s32 $0xFFFFF830  }
0x45: {  	[tilespmem:s29], [sflag:$0x2] =	stream.indirect.gather [hbm4b:s5+s8], $0x10, s2, s8, $0xb8;
	[tilespmem:$0x1FD00] =	vst v63  }
0x46: {  	s20 =	rddreg [dreg:$0x9]  }
0x47: {  	[tilespmem:s9], [sflag:$0x1] =	stream.linear.gather [hbm4b:s20+s4], $0x7D0, $0x38;
	[tilespmem:$0x1FD00] =	vst v63  }
0x48: {  	s23 =	rddreg [dreg:$0xa]  }
0x49: {  	[tilespmem:s10], [sflag:$0x1] =	stream.linear.gather [hbm4b:s23+s4], $0x7D0, $0x38;
	[tilespmem:$0x1FD00] =	vst v63  }
0x4a: {  	_ =	swait.ge [sflag:s11], $0x7D00  }
0x4b: {  	[sflag:s11] =	ssyncset.done $0x0  }
0x4c: {  	[sflag:s11] =	ssyncadd.s32 $0xFFFF8300  }
0x4d: {  	[spmem:s1] =	stream.indirect.scatter.add.f32 [tilespmem:s29], [sflag:$0x3], $0x10, s6, s8, $0xb8;
	[tilespmem:$0x1FD00] =	vst v63  }
0x4e: {  	_ = 	snop  }
0x4f: {  	[spmem:s3] =	stream.indirect.scatter.add.f32 [tilespmem:s0], [sflag:$0x3], $0x1, s6, s8, $0xb8;
	[tilespmem:$0x1FD00] =	vst v63  }
0x50: {  	_ =	swait.ge [sflag:s7], $0x7D0  }
0x51: {  	[sflag:s7] =	ssyncset.done $0x0  }
0x52: {  	[sflag:s7] =	ssyncadd.s32 $0xFFFFF830  }
0x53: {  	_ =	swait.ge [sflag:s7], $0x7D0  }
0x54: {  	[sflag:s7] =	ssyncset.done $0x0  }
0x55: {  	[sflag:s7] =	ssyncadd.s32 $0xFFFFF830  }
0x56: {  	[tilespmem:s12], [sflag:$0x2] =	stream.indirect.gather [hbm4b:s5+s8], $0x10, s9, s8, $0xb8;
	[tilespmem:$0x1FD00] =	vst v63  }
0x57: {  	_ =	swait.ge [sflag:s13], $0x7D00  }
0x58: {  	[sflag:s13] =	ssyncset.done $0x0  }
0x59: {  	[sflag:s13] =	ssyncadd.s32 $0xFFFF8300  }
0x5a: {  	_ =	swait.ge [sflag:s13], $0x7D0  }
0x5b: {  	[sflag:s13] =	ssyncset.done $0x0  }
0x5c: {  	s20 =	rddreg [dreg:$0xb];
	[sflag:s13] =	ssyncadd.s32 $0xFFFFF830  }
0x5d: {  	[tilespmem:s2], [sflag:$0x1] =	stream.linear.gather [hbm4b:s20+s4], $0x7D0, $0x38;
	[tilespmem:$0x1FD00] =	vst v63  }
0x5e: {  	s23 =	rddreg [dreg:$0xc]  }
0x5f: {  	[tilespmem:s6], [sflag:$0x1] =	stream.linear.gather [hbm4b:s23+s4], $0x7D0, $0x38;
	[tilespmem:$0x1FD00] =	vst v63  }
0x60: {  	_ =	swait.ge [sflag:s11], $0x7D00  }
0x61: {  	[sflag:s11] =	ssyncset.done $0x0  }
0x62: {  	[sflag:s11] =	ssyncadd.s32 $0xFFFF8300  }
0x63: {  	[spmem:s1] =	stream.indirect.scatter.add.f32 [tilespmem:s12], [sflag:$0x3], $0x10, s10, s8, $0xb8;
	[tilespmem:$0x1FD00] =	vst v63  }
0x64: {  	_ = 	snop  }
0x65: {  	[spmem:s3] =	stream.indirect.scatter.add.f32 [tilespmem:s0], [sflag:$0x3], $0x1, s10, s8, $0xb8;
	[tilespmem:$0x1FD00] =	vst v63  }
0x66: {  	_ =	swait.ge [sflag:s7], $0x7D0  }
0x67: {  	[sflag:s7] =	ssyncset.done $0x0  }
0x68: {  	[sflag:s7] =	ssyncadd.s32 $0xFFFFF830  }
0x69: {  	_ =	swait.ge [sflag:s7], $0x7D0  }
0x6a: {  	[sflag:s7] =	ssyncset.done $0x0  }
0x6b: {  	[sflag:s7] =	ssyncadd.s32 $0xFFFFF830  }
0x6c: {  	[tilespmem:s29], [sflag:$0x2] =	stream.indirect.gather [hbm4b:s5+s8], $0x10, s2, s8, $0xb8;
	[tilespmem:$0x1FD00] =	vst v63  }
0x6d: {  	_ =	swait.ge [sflag:s13], $0x7D00  }
0x6e: {  	[sflag:s13] =	ssyncset.done $0x0  }
0x6f: {  	[sflag:s13] =	ssyncadd.s32 $0xFFFF8300  }
0x70: {  	_ =	swait.ge [sflag:s13], $0x7D0  }
0x71: {  	[sflag:s13] =	ssyncset.done $0x0  }
0x72: {  	s20 =	sadd.s32 $0x0, s18;
	[sflag:s13] =	ssyncadd.s32 $0xFFFFF830  }
0x73: {  	[tilespmem:s9], [sflag:$0x1] =	stream.linear.gather [hbm4b:s20+s4], $0x7D0, $0x38;
	[tilespmem:$0x1FD00] =	vst v63  }
0x74: {  	s23 =	sadd.s32 $0x0, s17  }
0x75: {  	[tilespmem:s10], [sflag:$0x1] =	stream.linear.gather [hbm4b:s23+s4], $0x7D0, $0x38;
	[tilespmem:$0x1FD00] =	vst v63  }
0x76: {  	_ =	swait.ge [sflag:s11], $0x7D00  }
0x77: {  	[sflag:s11] =	ssyncset.done $0x0  }
0x78: {  	[sflag:s11] =	ssyncadd.s32 $0xFFFF8300  }
0x79: {  	[spmem:s1] =	stream.indirect.scatter.add.f32 [tilespmem:s29], [sflag:$0x3], $0x10, s6, s8, $0xb8;
	[tilespmem:$0x1FD00] =	vst v63  }
0x7a: {  	_ = 	snop  }
0x7b: {  	[spmem:s3] =	stream.indirect.scatter.add.f32 [tilespmem:s0], [sflag:$0x3], $0x1, s6, s8, $0xb8;
	[tilespmem:$0x1FD00] =	vst v63  }
0x7c: {  	_ =	swait.ge [sflag:s7], $0x7D0  }
0x7d: {  	[sflag:s7] =	ssyncset.done $0x0  }
0x7e: {  	[sflag:s7] =	ssyncadd.s32 $0xFFFFF830  }
0x7f: {  	_ =	swait.ge [sflag:s7], $0x7D0  }
0x80: {  	[sflag:s7] =	ssyncset.done $0x0  }
0x81: {  	[sflag:s7] =	ssyncadd.s32 $0xFFFFF830  }
0x82: {  	[tilespmem:s12], [sflag:$0x2] =	stream.indirect.gather [hbm4b:s5+s8], $0x10, s9, s8, $0xb8;
	[tilespmem:$0x1FD00] =	vst v63  }
0x83: {  	_ =	swait.ge [sflag:s13], $0x7D00  }
0x84: {  	[sflag:s13] =	ssyncset.done $0x0  }
0x85: {  	[sflag:s13] =	ssyncadd.s32 $0xFFFF8300  }
0x86: {  	_ =	swait.ge [sflag:s13], $0x7D0  }
0x87: {  	[sflag:s13] =	ssyncset.done $0x0  }
0x88: {  	s20 =	sadd.s32 $0x0, s16;
	[sflag:s13] =	ssyncadd.s32 $0xFFFFF830  }
0x89: {  	[tilespmem:s2], [sflag:$0x1] =	stream.linear.gather [hbm4b:s20+s4], $0x7D0, $0x38;
	[tilespmem:$0x1FD00] =	vst v63  }
0x8a: {  	s23 =	sadd.s32 $0x0, s15  }
0x8b: {  	[tilespmem:s6], [sflag:$0x1] =	stream.linear.gather [hbm4b:s23+s4], $0x7D0, $0x38;
	[tilespmem:$0x1FD00] =	vst v63  }
0x8c: {  	_ =	swait.ge [sflag:s11], $0x7D00  }
0x8d: {  	[sflag:s11] =	ssyncset.done $0x0  }
0x8e: {  	s19 =	simm.s32 $0x1F4;
	[sflag:s11] =	ssyncadd.s32 $0xFFFF8300  }
0x8f: {  	[spmem:s1] =	stream.indirect.scatter.add.f32 [tilespmem:s12], [sflag:$0x3], $0x10, s10, s8, $0xb8;
	[tilespmem:$0x1FD00] =	vst v63  }
.LBB2_2:
0x90: {  	[spmem:s3] =	stream.indirect.scatter.add.f32 [tilespmem:s0], [sflag:$0x3], $0x1, s10, s8, $0xb8;
	[tilespmem:$0x1FD00] =	vst v63  }
0x91: {  	s20 =	smov.u32 s19  }
0x92: {  	p0 =	sne.s32 s19, $0x2AF8;
	s19 =	sadd.s32 $0x1F4, s19;
	_ =	swait.ge [sflag:s7], $0x7D0  }
0x93: {  	[sflag:s7] =	ssyncset.done $0x0  }
0x94: {  	[sflag:s7] =	ssyncadd.s32 $0xFFFFF830  }
0x95: {  	_ =	swait.ge [sflag:s7], $0x7D0  }
0x96: {  	[sflag:s7] =	ssyncset.done $0x0  }
0x97: {  	[sflag:s7] =	ssyncadd.s32 $0xFFFFF830  }
0x98: {  	[tilespmem:s29], [sflag:$0x2] =	stream.indirect.gather [hbm4b:s5+s8], $0x10, s2, s8, $0xb8;
	[tilespmem:$0x1FD00] =	vst v63  }
0x99: {  	_ =	swait.ge [sflag:s13], $0x7D00  }
0x9a: {  	[sflag:s13] =	ssyncset.done $0x0  }
0x9b: {  	[sflag:s13] =	ssyncadd.s32 $0xFFFF8300  }
0x9c: {  	_ =	swait.ge [sflag:s13], $0x7D0  }
0x9d: {  	[sflag:s13] =	ssyncset.done $0x0  }
0x9e: {  	s23 =	sadd.s32 s20, s18;
	[sflag:s13] =	ssyncadd.s32 $0xFFFFF830  }
0x9f: {  	[tilespmem:s9], [sflag:$0x1] =	stream.linear.gather [hbm4b:s23+s4], $0x7D0, $0x38;
	[tilespmem:$0x1FD00] =	vst v63  }
0xa0: {  	s23 =	sadd.s32 s20, s17  }
0xa1: {  	[tilespmem:s10], [sflag:$0x1] =	stream.linear.gather [hbm4b:s23+s4], $0x7D0, $0x38;
	[tilespmem:$0x1FD00] =	vst v63  }
0xa2: {  	_ =	swait.ge [sflag:s11], $0x7D00  }
0xa3: {  	[sflag:s11] =	ssyncset.done $0x0  }
0xa4: {  	[sflag:s11] =	ssyncadd.s32 $0xFFFF8300  }
0xa5: {  	[spmem:s1] =	stream.indirect.scatter.add.f32 [tilespmem:s29], [sflag:$0x3], $0x10, s6, s8, $0xb8;
	[tilespmem:$0x1FD00] =	vst v63  }
0xa6: {  	_ = 	snop  }
0xa7: {  	[spmem:s3] =	stream.indirect.scatter.add.f32 [tilespmem:s0], [sflag:$0x3], $0x1, s6, s8, $0xb8;
	[tilespmem:$0x1FD00] =	vst v63  }
0xa8: {  	_ =	swait.ge [sflag:s7], $0x7D0  }
0xa9: {  	[sflag:s7] =	ssyncset.done $0x0  }
0xaa: {  	[sflag:s7] =	ssyncadd.s32 $0xFFFFF830  }
0xab: {  	_ =	swait.ge [sflag:s7], $0x7D0  }
0xac: {  	[sflag:s7] =	ssyncset.done $0x0  }
0xad: {  	[sflag:s7] =	ssyncadd.s32 $0xFFFFF830  }
0xae: {  	[tilespmem:s12], [sflag:$0x2] =	stream.indirect.gather [hbm4b:s5+s8], $0x10, s9, s8, $0xb8;
	[tilespmem:$0x1FD00] =	vst v63  }
0xaf: {  	_ =	swait.ge [sflag:s13], $0x7D00  }
0xb0: {  	[sflag:s13] =	ssyncset.done $0x0  }
0xb1: {  	[sflag:s13] =	ssyncadd.s32 $0xFFFF8300  }
0xb2: {  	_ =	swait.ge [sflag:s13], $0x7D0  }
0xb3: {  	[sflag:s13] =	ssyncset.done $0x0  }
0xb4: {  	s23 =	sadd.s32 s20, s16;
	[sflag:s13] =	ssyncadd.s32 $0xFFFFF830  }
0xb5: {  	[tilespmem:s2], [sflag:$0x1] =	stream.linear.gather [hbm4b:s23+s4], $0x7D0, $0x38;
	[tilespmem:$0x1FD00] =	vst v63  }
0xb6: {  	s20 =	sadd.s32 s20, s15  }
0xb7: {  	[tilespmem:s6], [sflag:$0x1] =	stream.linear.gather [hbm4b:s20+s4], $0x7D0, $0x38;
	[tilespmem:$0x1FD00] =	vst v63  }
.Ltmp0:
0xb8: {  	_ = 	snop;
	(pc) =	sbr.rel @p0 .LBB2_2-.Ltmp0, $4  }
0xb9: {  	_ =	swait.ge [sflag:s11], $0x7D00  }
0xba: {  	[sflag:s11] =	ssyncset.done $0x0  }
0xbb: {  	[sflag:s11] =	ssyncadd.s32 $0xFFFF8300  }
0xbc: {  	[spmem:s1] =	stream.indirect.scatter.add.f32 [tilespmem:s12], [sflag:$0x3], $0x10, s10, s8, $0xb8;
	[tilespmem:$0x1FD00] =	vst v63  }
0xbd: {  	[spmem:s3] =	stream.indirect.scatter.add.f32 [tilespmem:s0], [sflag:$0x3], $0x1, s10, s8, $0xb8;
	[tilespmem:$0x1FD00] =	vst v63  }
0xbe: {  	_ =	swait.ge [sflag:s7], $0x7D0  }
0xbf: {  	[sflag:s7] =	ssyncset.done $0x0  }
0xc0: {  	[sflag:s7] =	ssyncadd.s32 $0xFFFFF830  }
0xc1: {  	_ =	swait.ge [sflag:s7], $0x7D0  }
0xc2: {  	[sflag:s7] =	ssyncset.done $0x0  }
0xc3: {  	[sflag:s7] =	ssyncadd.s32 $0xFFFFF830  }
0xc4: {  	[tilespmem:s29], [sflag:$0x2] =	stream.indirect.gather [hbm4b:s5+s8], $0x10, s2, s8, $0xb8;
	[tilespmem:$0x1FD00] =	vst v63  }
0xc5: {  	_ =	swait.ge [sflag:s13], $0x7D00  }
0xc6: {  	[sflag:s13] =	ssyncset.done $0x0  }
0xc7: {  	[sflag:s13] =	ssyncadd.s32 $0xFFFF8300  }
0xc8: {  	_ =	swait.ge [sflag:s13], $0x7D0  }
0xc9: {  	[sflag:s13] =	ssyncset.done $0x0  }
0xca: {  	s19 =	rddreg [dreg:$0xd];
	[sflag:s13] =	ssyncadd.s32 $0xFFFFF830  }
0xcb: {  	[tilespmem:s9], [sflag:$0x1] =	stream.linear.gather [hbm4b:s19+s4], $0x7D0, $0x38;
	[tilespmem:$0x1FD00] =	vst v63  }
0xcc: {  	s20 =	rddreg [dreg:$0xe]  }
0xcd: {  	[tilespmem:s10], [sflag:$0x1] =	stream.linear.gather [hbm4b:s20+s4], $0x7D0, $0x38;
	[tilespmem:$0x1FD00] =	vst v63  }
0xce: {  	_ =	swait.ge [sflag:s11], $0x7D00  }
0xcf: {  	[sflag:s11] =	ssyncset.done $0x0  }
0xd0: {  	[sflag:s11] =	ssyncadd.s32 $0xFFFF8300  }
0xd1: {  	[spmem:s1] =	stream.indirect.scatter.add.f32 [tilespmem:s29], [sflag:$0x3], $0x10, s6, s8, $0xb8;
	[tilespmem:$0x1FD00] =	vst v63  }
0xd2: {  	_ = 	snop  }
0xd3: {  	[spmem:s3] =	stream.indirect.scatter.add.f32 [tilespmem:s0], [sflag:$0x3], $0x1, s6, s8, $0xb8;
	[tilespmem:$0x1FD00] =	vst v63  }
0xd4: {  	_ =	swait.ge [sflag:s7], $0x7D0  }
0xd5: {  	[sflag:s7] =	ssyncset.done $0x0  }
0xd6: {  	[sflag:s7] =	ssyncadd.s32 $0xFFFFF830  }
0xd7: {  	_ =	swait.ge [sflag:s7], $0x7D0  }
0xd8: {  	[sflag:s7] =	ssyncset.done $0x0  }
0xd9: {  	[sflag:s7] =	ssyncadd.s32 $0xFFFFF830  }
0xda: {  	[tilespmem:s12], [sflag:$0x2] =	stream.indirect.gather [hbm4b:s5+s8], $0x10, s9, s8, $0xb8;
	[tilespmem:$0x1FD00] =	vst v63  }
0xdb: {  	_ =	swait.ge [sflag:s13], $0x7D00  }
0xdc: {  	[sflag:s13] =	ssyncset.done $0x0  }
0xdd: {  	[sflag:s13] =	ssyncadd.s32 $0xFFFF8300  }
0xde: {  	_ =	swait.ge [sflag:s13], $0x7D0  }
0xdf: {  	[sflag:s13] =	ssyncset.done $0x0  }
0xe0: {  	[sflag:s13] =	ssyncadd.s32 $0xFFFFF830  }
0xe1: {  	_ =	swait.ge [sflag:s11], $0x7D00  }
0xe2: {  	[sflag:s11] =	ssyncset.done $0x0  }
0xe3: {  	[sflag:s11] =	ssyncadd.s32 $0xFFFF8300  }
0xe4: {  	[spmem:s1] =	stream.indirect.scatter.add.f32 [tilespmem:s12], [sflag:$0x3], $0x10, s10, s8, $0xb8;
	[tilespmem:$0x1FD00] =	vst v63  }
0xe5: {  	_ = 	snop  }
0xe6: {  	[spmem:s3] =	stream.indirect.scatter.add.f32 [tilespmem:s0], [sflag:$0x3], $0x1, s10, s8, $0xb8;
	[tilespmem:$0x1FD00] =	vst v63  }
0xe7: {  	_ =	swait.ge [sflag:s13], $0x7D00  }
0xe8: {  	[sflag:s13] =	ssyncset.done $0x0  }
0xe9: {  	[sflag:s13] =	ssyncadd.s32 $0xFFFF8300  }
0xea: {  	_ =	swait.ge [sflag:s13], $0x7D0  }
0xeb: {  	[sflag:s13] =	ssyncset.done $0x0  }
0xec: {  	[sflag:s13] =	ssyncadd.s32 $0xFFFFF830  }
0xed: {  	[bflag:$0x0] =	sbarrier.arrive $0xFFFF  }
0xee: {  	[tilespmem:s29], [sflag:$0x4] =	stream.linear.gather [spmem:s21], $0x7D00, $0x38;
	[tilespmem:$0x1FD00] =	vst v63  }
0xef: {  	_ =	swait.ge [sflag:s30], $0x7D00  }
0xf0: {  	[sflag:s30] =	ssyncset.done $0x0  }
0xf1: {  	s23 =	rddreg [dreg:$0x11];
	[sflag:s30] =	ssyncadd.s32 $0xFFFF8300  }
0xf2: {  	[hbm4b:s23+s4] =	stream.linear.scatter [tilespmem:s29], [sflag:$0x4], $0x7D00, $0x38;
	[tilespmem:$0x1FD00] =	vst v63  }
0xf3: {  	_ =	swait.ge [sflag:s30], $0x7D00  }
0xf4: {  	[sflag:s30] =	ssyncset.done $0x0  }
0xf5: {  	[sflag:s30] =	ssyncadd.s32 $0xFFFF8300  }
0xf6: {  	[tilespmem:s29], [sflag:$0x4] =	stream.linear.gather [spmem:s28], $0x4680, $0x38;
	[tilespmem:$0x1FD00] =	vst v63  }
0xf7: {  	_ =	swait.ge [sflag:s30], $0x4680  }
0xf8: {  	[sflag:s30] =	ssyncset.done $0x0  }
0xf9: {  	[sflag:s30] =	ssyncadd.s32 $0xFFFFB980  }
0xfa: {  	[hbm4b:s24+s4] =	stream.linear.scatter [tilespmem:s29], [sflag:$0x4], $0x4680, $0x38;
	[tilespmem:$0x1FD00] =	vst v63  }
0xfb: {  	_ =	swait.ge [sflag:s30], $0x4680  }
0xfc: {  	[sflag:s30] =	ssyncset.done $0x0  }
0xfd: {  	[sflag:s30] =	ssyncadd.s32 $0xFFFFB980  }
0xfe: {  	[tilespmem:s31], [sflag:$0x4] =	stream.linear.gather [spmem:s22], $0xC38, $0x38;
	[tilespmem:$0x1FD00] =	vst v63  }
0xff: {  	s14 =	sadd.s32 $0x1, s14;
	_ =	swait.ge [sflag:s30], $0xC38  }
0x100: {  	p0 =	sne.s32 s14, s26;
	[sflag:s30] =	ssyncset.done $0x0  }
.Ltmp1:
0x101: {  	[sflag:s30] =	ssyncadd.s32 $0xFFFFF3C8;
	(pc) =	sbr.rel @p0 .LBB2_1-.Ltmp1, $4  }
0x102: {  	[hbm4b:s25+s4] =	stream.linear.scatter [tilespmem:s31], [sflag:$0x4], $0xC38, $0x38;
	[tilespmem:$0x1FD00] =	vst v63  }
0x103: {  	_ =	swait.ge [sflag:s30], $0xC38  }
0x104: {  	[sflag:s30] =	ssyncset.done $0x0  }
0x105: {  	[sflag:s30] =	ssyncadd.s32 $0xFFFFF3C8  }
0x106: {  	_ =	sfence.sel $0x180000  }
0x107: {  	[bflag:$0x0] =	sbarrier.arrive $0xFFFF  }
0x108: {  	_ =	strace $0x9000004A  }
0x109: {  	s0 =	stileid.u32;
	[bflag:$0x2] =	sbarrier.arrive $0xFFFF  }
0x10a: {  	p0 =	sne.s32 s0, $0x0;
	s0 =	rddreg [dreg:$0x5]  }
0x10b: {  	s0 =	sadd.s32 @!p0 $0x100000, s0  }
0x10c: {  	[sflag:s0] =	ssyncadd.tile.s32 @!p0 $0x1;
	_ =	shalt  }
.Lfunc_end2:
_tile_overlayer_lowered:
.L_overlay_start_2:
0x10d: {  	(tag) =	ssettag $0x2  }
0x10e: {  	s0 =	rddreg [dreg:$0x0];
	s2 =	stileid.u32  }
0x10f: {  	s1 =	rddreg [dreg:$0x1];
	p0 =	sne.s32 s2, $0x0  }
0x110: {  	s3 =	rddreg [dreg:$0x2];
	[bflag:$0x3] =	sbarrier.arrive $0xFFFF;
	s2 =	simm.s32 @!p0 $0x1C04  }
0x111: {  	[timem:s3], [sflag:s2] =	dma.local @!p0 [hbm:s0], s1  }
0x112: {  	s0 =	simm.s32 @!p0 $0x4  }
0x113: {  	_ =	swait.ge @!p0 [sflag:s0], s1  }
0x114: {  	s1 =	ssub.s32 @!p0 $0x0, s1;
	[sflag:s0] =	ssyncset.done @!p0 $0x0  }
0x115: {  	[sflag:s0] =	ssyncadd.s32 @!p0 s1  }
0x116: {  	[bflag:$0x3] =	sbarrier.arrive $0xFFFF  }
0x117: {  	_ =	shalt  }

// kernel: kernel.17.cloned.1.call-start
scs
__scs_entry_jumppad:
0x0: {  	(pc) =	sbr.rel $0x88, $3  }
0x1: {  	(tag) =	ssettag $0x0;
	lr =	simm.s32 $0x1  }
0x2: {  	[smem:$0x3F8D] =	sst lr;
	_ =	strace $0xD0000000  }
0x3: {  	_ = 	snop  }
0x4: {  	_ = 	snop  }
0x5: {  	_ = 	snop  }
0x6: {  	_ = 	snop  }
0x7: {  	_ = 	snop  }
__scs_overlays_trampoline_lowered:
0x8: {  	[smem:$0x3F9C] =	sst s0  }
0x9: {  	[smem:$0x3F9D] =	sst s1  }
0xa: {  	[smem:$0x3F9E] =	sst s2  }
0xb: {  	[smem:$0x3F9F] =	sst s3  }
0xc: {  	[smem:$0x3FA0] =	sst s4  }
0xd: {  	[smem:$0x3FA1] =	sst s5  }
0xe: {  	[smem:$0x3FA2] =	sst s6  }
0xf: {  	[smem:$0x3FA3] =	sst s7  }
0x10: {  	[smem:$0x3FA4] =	sst s8  }
0x11: {  	[smem:$0x3FA5] =	sst s9;
	s0 =	simm.s32 @!p0 $0x0  }
0x12: {  	s1 =	sld [smem:$0x3F8B];
	s0 =	simm.s32 @p0 $0x1  }
0x13: {  	[smem:$0x3FA6] =	sst s0;
	s0 =	simm.s32 @!p1 $0x0  }
0x14: {  	s2 =	sld [smem:$0x3F8A];
	s0 =	simm.s32 @p1 $0x1  }
0x15: {  	[smem:$0x3FA7] =	sst s0;
	s0 =	simm.s32 @!p2 $0x0  }
0x16: {  	s3 =	sld [smem:$0x3FDB];
	s0 =	simm.s32 @p2 $0x1  }
0x17: {  	s4 =	simm.s32 $0x1BF5;
	[smem:$0x3FA9] =	sst s0  }
0x18: {  	s0 =	sld [smem:$0x3F8C];
	_ =	swait.ge [sflag:s4], $0x0  }
0x19: {  	s7 =	sld [smem:$0x3F8D]  }
0x1a: {  	s8 =	sadd.s32 $0xFFFFE003, lr  }
0x1b: {  	s9 =	sadd.s32 $0xFFFFFEF7, lr;
	s5 =	simm.s32 $0xFFFFFFFF;
	p2 =	slt.u32 s8, $0xFFFFF086  }
0x1c: {  	p1 =	slt.u32 s9, $0xF7A;
	s5 =	simm.s32 @!p2 $0x0  }
0x1d: {  	s5 =	simm.s32 @p1 $0x1;
	p0 =	seq.s32 s7, s2  }
0x1e: {  	s7 =	smul.u32 @!p0 $0xF7A, s2;
	p2 =	seq.s32 @!p0 s5, $0x0  }
0x1f: {  	s9 =	smul.u32 $0xF7A, s1;
	s8 =	simm.s32 @!p0 $0x1BF5;
	p2 =	por !p2, p0  }
0x20: {  	[sflag:s8] =	ssyncset.s32 @!p0 $0xFFFFF086;
	s6 =	sadd.s32 @!p0 s3, s7;
	s7 =	simm.s32 @!p0 $0x108  }
0x21: {  	s3 =	sadd.s32 s3, s9;
	s6 =	sadd.s32 @!p0 $0x88, s6;
	s7 =	simm.s32 @p2 $0x1082  }
0x22: {  	[simem:s7], [sflag:s8] =	dma.local @!p0 [hbm:s6], $0xF7A  }
0x23: {  	s9 =	sor.u32 $0xD0000000, s2;
	s6 =	simm.s32 $0x108;
	_ =	swait.ge @!p0 [sflag:s8], $0x0  }
0x24: {  	s3 =	sadd.s32 $0x88, s3;
	s6 =	simm.s32 @!p1 $0x1082;
	[sflag:s4] =	ssyncset.s32 $0xFFFFF086  }
0x25: {  	[simem:s6], [sflag:s4] =	dma.local [hbm:s3], $0xF7A  }
0x26: {  	[smem:$0x3F8D] =	sst s1;
	(tag) =	ssettag s2;
	_ =	strace s9  }
0x27: {  	s1 =	sld [smem:$0x3F9D]  }
0x28: {  	s2 =	sld [smem:$0x3F9E]  }
0x29: {  	s4 =	sld [smem:$0x3FA0]  }
0x2a: {  	p0 =	seq.s32 s5, $0x0;
	s5 =	sld [smem:$0x3FA1]  }
0x2b: {  	s6 =	sld [smem:$0x3FA2]  }
0x2c: {  	s7 =	sld [smem:$0x3FA3]  }
0x2d: {  	s3 =	simm.s32 $0x108;
	s8 =	sld [smem:$0x3FA4]  }
0x2e: {  	s3 =	simm.s32 @!p0 $0x1082;
	s9 =	sld [smem:$0x3FA5]  }
0x2f: {  	lr =	sadd.s32 s0, s3;
	s0 =	sld [smem:$0x3F9C]  }
0x30: {  	s3 =	sld [smem:$0x3F9F]  }
0x31: {  	[smem:$0x3FA8] =	sst s10  }
0x32: {  	s10 =	sld [smem:$0x3FA6];
	_ =	sdelay $0x3  }
0x33: {  	p0 =	seq.s32 s10, $0x1;
	s10 =	sld [smem:$0x3FA8];
	_ =	sdelay $0x3  }
0x34: {  	[smem:$0x3FA8] =	sst s10  }
0x35: {  	s10 =	sld [smem:$0x3FA7];
	_ =	sdelay $0x3  }
0x36: {  	p1 =	seq.s32 s10, $0x1;
	s10 =	sld [smem:$0x3FA8];
	_ =	sdelay $0x3  }
0x37: {  	[smem:$0x3FA8] =	sst s10  }
0x38: {  	s10 =	sld [smem:$0x3FA9]  }
0x39: {  	_ = 	snop;
	(pc) =	sbr.ind lr, $3  }
0x3a: {  	_ = 	snop  }
0x3b: {  	_ = 	snop  }
0x3c: {  	p2 =	seq.s32 s10, $0x1;
	s10 =	sld [smem:$0x3FA8]  }
0x3d: {  	_ =	shalt  }
0x3e: {  	_ =	shalt  }
0x3f: {  	_ =	shalt  }
0x40: {  	_ =	shalt  }
0x41: {  	_ =	shalt  }
0x42: {  	_ =	shalt  }
0x43: {  	_ =	shalt  }
0x44: {  	_ =	shalt  }
0x45: {  	_ =	shalt  }
0x46: {  	_ =	shalt  }
0x47: {  	_ =	shalt  }
0x48: {  	_ =	shalt  }
0x49: {  	_ =	shalt  }
0x4a: {  	_ =	shalt  }
0x4b: {  	_ =	shalt  }
0x4c: {  	_ =	shalt  }
0x4d: {  	_ =	shalt  }
0x4e: {  	_ =	shalt  }
0x4f: {  	_ =	shalt  }
0x50: {  	_ =	shalt  }
0x51: {  	_ =	shalt  }
0x52: {  	_ =	shalt  }
0x53: {  	_ =	shalt  }
0x54: {  	_ =	shalt  }
0x55: {  	_ =	shalt  }
0x56: {  	_ =	shalt  }
0x57: {  	_ =	shalt  }
0x58: {  	_ =	shalt  }
0x59: {  	_ =	shalt  }
0x5a: {  	_ =	shalt  }
0x5b: {  	_ =	shalt  }
0x5c: {  	_ =	shalt  }
0x5d: {  	_ =	shalt  }
0x5e: {  	_ =	shalt  }
0x5f: {  	_ =	shalt  }
0x60: {  	_ =	shalt  }
0x61: {  	_ =	shalt  }
0x62: {  	_ =	shalt  }
0x63: {  	_ =	shalt  }
0x64: {  	_ =	shalt  }
0x65: {  	_ =	shalt  }
0x66: {  	_ =	shalt  }
0x67: {  	_ =	shalt  }
0x68: {  	_ =	shalt  }
0x69: {  	_ =	shalt  }
0x6a: {  	_ =	shalt  }
0x6b: {  	_ =	shalt  }
0x6c: {  	_ =	shalt  }
0x6d: {  	_ =	shalt  }
0x6e: {  	_ =	shalt  }
0x6f: {  	_ =	shalt  }
0x70: {  	_ =	shalt  }
0x71: {  	_ =	shalt  }
0x72: {  	_ =	shalt  }
0x73: {  	_ =	shalt  }
0x74: {  	_ =	shalt  }
0x75: {  	_ =	shalt  }
0x76: {  	_ =	shalt  }
0x77: {  	_ =	shalt  }
0x78: {  	_ =	shalt  }
0x79: {  	_ =	shalt  }
0x7a: {  	_ =	shalt  }
0x7b: {  	_ =	shalt  }
0x7c: {  	_ =	shalt  }
0x7d: {  	_ =	shalt  }
0x7e: {  	_ =	shalt  }
0x7f: {  	_ =	shalt  }
0x80: {  	_ =	shalt  }
0x81: {  	_ =	shalt  }
0x82: {  	_ =	shalt  }
0x83: {  	_ =	shalt  }
0x84: {  	_ =	shalt  }
0x85: {  	_ =	shalt  }
0x86: {  	_ =	shalt  }
0x87: {  	_ =	shalt  }
.Lfunc_end0:
.L_simem_size_0:
called_computation.2_lowered:
.L_overlay_start_0:
0x88: {  	s2 =	sld [smem:$0x3FD9]  }
0x89: {  	s3 =	sld [smem:$0x3FFE];
	_ =	sdelay $0x1  }
0x8a: {  	s1 =	srdreg.scid  }
0x8b: {  	s0 =	sand.u32 $0x1, s1  }
0x8c: {  	s17 =	sshll.u32 s0, $0xA;
	s2 =	sadd.s32 s3, s2  }
0x8d: {  	s2 =	sadd.s32 s2, s17  }
0x8e: {  	[smem:$0x3FB4] =	sst s2  }
0x8f: {  	_ = 	snop  }
0x90: {  	s18 =	sld [smem:$0x3FC5]  }
0x91: {  	s4 =	sld [smem:$0x3FC4];
	(tm) =	ssettm $0x1  }
0x92: {  	s19 =	sld [smem:$0x3FFB];
	_ =	sdelay $0x3  }
0x93: {  	_ =	strace s19  }
0x94: {  	s2 =	sld [smem:$0x3FFC];
	_ =	sdelay $0x3  }
0x95: {  	_ =	strace s2  }
0x96: {  	s2 =	sld [smem:$0x3FFD];
	_ =	sdelay $0x3  }
0x97: {  	_ =	strace s2  }
0x98: {  	_ =	strace $0x8FFFFFFF  }
0x99: {  	s20 =	sld [smem:$0x3FDB];
	_ =	sdelay $0x1  }
0x9a: {  	s5 =	simm.s32 $_scs_section_size  }
0x9b: {  	s6 =	simm.s32 $_size__tile_overlayer_lowered;
	s7 =	simm.s32 $_tile_overlayer_lowered  }
0x9c: {  	s8 =	simm.s32 $0x1BFF;
	s21 =	sshll.u32 s7, $0x1;
	s5 =	sadd.s32 s5, s20  }
0x9d: {  	s22 =	simm.s32 $0x0;
	s6 =	sshll.u32 s6, $0x1;
	s7 =	sadd.s32 s21, s5  }
0x9e: {  	[timem:s22], [sflag:s8] =	dma.local [hbm:s7], s6  }
0x9f: {  	_ =	swait.ge [sflag:s8], s6  }
0xa0: {  	s6 =	ssub.s32 $0x0, s6;
	[sflag:s8] =	ssyncset.done $0x0  }
0xa1: {  	[sflag:s8] =	ssyncadd.s32 s6;
	_ =	sdelay $0x1  }
0xa2: {  	s23 =	simm.s32 $0x1B8B  }
0xa3: {  	_ =	swait.ge [sflag:s23], $0x1  }
0xa4: {  	[sflag:s23] =	ssyncset.done $0x0  }
0xa5: {  	[sflag:s23] =	ssyncadd.s32 $0xFFFFFFFF  }
0xa6: {  	s6 =	sld [smem:$0x0]  }
0xa7: {  	s7 =	sand.u32 $0xFFFFFFFE, s1  }
0xa8: {  	p0 =	sne.s32 s1, s7  }
0xa9: {  	s7 =	sshll.u32 @p0 s7, $0xE  }
0xaa: {  	s7 =	sadd.s32 @p0 $0x11B8D, s7;
	s8 =	sshll.u32 @p0 s6, $0x11  }
0xab: {  	s7 =	sor.u32 @p0 s8, s7  }
0xac: {  	[sflag:s7] =	ssyncadd.remote.s32 @p0 $0x1;
	_ =	sdelay $0x1  }
0xad: {  	s7 =	simm.s32 @p0 $0x1B8D  }
0xae: {  	_ =	swait.eq @p0 [sflag:s7], $0x1  }
0xaf: {  	[sflag:s7] =	ssyncadd.s32 @p0 $0xFFFFFFFF  }
0xb0: {  	s8 =	sshll.u32 @!p0 s1, $0xE  }
0xb1: {  	s8 =	sor.u32 @!p0 $0x4000, s8;
	s7 =	simm.s32 @!p0 $0x1B8D  }
0xb2: {  	s6 =	sshll.u32 @!p0 s6, $0x11;
	s8 =	sadd.s32 @!p0 $0x11B8D, s8;
	_ =	swait.eq @!p0 [sflag:s7], $0x1  }
0xb3: {  	s6 =	sor.u32 @!p0 s6, s8;
	[sflag:s7] =	ssyncadd.s32 @!p0 $0xFFFFFFFF  }
0xb4: {  	s25 =	simm.s32 $0x1B8E;
	s24 =	sld [smem:$0x3FFE];
	[sflag:s6] =	ssyncadd.remote.s32 @!p0 $0x1  }
0xb5: {  	s26 =	simm.s32 $execute0_lowered;
	[smem:$0x3FD2] =	sst s25  }
0xb6: {  	s7 =	sshll.u32 s26, $0x1;
	_ =	strace $0x8000004C;
	[dreg:$0x1] =	wrdreg $0xFFFFFFFF  }
0xb7: {  	s28 =	simm.s32 $_size_execute0_lowered;
	s5 =	sadd.s32 s5, s7;
	[dreg:$0x0] =	wrdreg $0x0  }
0xb8: {  	s7 =	sshll.u32 s28, $0x1;
	[dreg:$0x2] =	wrdreg s5  }
0xb9: {  	[dreg:$0x3] =	wrdreg s7  }
0xba: {  	[dreg:$0x4] =	wrdreg $0xC0  }
0xbb: {  	_ =	task [dreg:s22], $0x5FFFF  }
0xbc: {  	[dreg:$0x1] =	wrdreg $0xFFFFFFFF  }
0xbd: {  	[dreg:$0x0] =	wrdreg $0x60  }
0xbe: {  	[dreg:$0x2] =	wrdreg s18  }
0xbf: {  	[dreg:$0x3] =	wrdreg s4  }
0xc0: {  	[dreg:$0x4] =	wrdreg s24  }
0xc1: {  	[dreg:$0x5] =	wrdreg $0x0  }
0xc2: {  	[dreg:$0x6] =	wrdreg $0xC3800  }
0xc3: {  	[dreg:$0x7] =	wrdreg $0xA  }
0xc4: {  	_ =	task.clear_ibuf [dreg:s22], $0x8FFFF;
	_ =	strace $0x9000004C  }
0xc5: {  	s29 =	simm.s32 $0xA;
	_ =	strace $0x8000004E  }
0xc6: {  	_ =	swait.ge [sflag:s29], $0x1  }
0xc7: {  	[sflag:s29] =	ssyncadd.s32 $0xFFFFFFFF  }
0xc8: {  	_ =	strace $0x9000004E  }
0xc9: {  	_ =	sfence  }
0xca: {  	s30 =	sld [smem:$0x0];
	_ =	sdelay $0x2  }
0xcb: {  	s31 =	sshll.u32 s1, $0xD;
	s1 =	sshrl.u32 s1, $0x2  }
0xcc: {  	s4 =	sand.u32 $0x4000, s31;
	s1 =	sadd.s32 s1, s30  }
0xcd: {  	s0 =	sor.u32 s4, s0;
	s1 =	sshll.u32 s1, $0x11  }
0xce: {  	s0 =	sor.u32 s1, s0  }
0xcf: {  	s0 =	sadd.s32 $0x8F2B, s0  }
0xd0: {  	[sflag:s0] =	ssyncadd.remote.s32 $0x1  }
0xd1: {  	_ =	sfence.sel $0xFFFF  }
0xd2: {  	[dreg:$0x0] =	wrdreg $0xFFFFFFFF;
	(pc) =	sbr.abs _section_cstart, $3  }
0xd3: {  	[dreg:$0x1] =	wrdreg $0xFFFFFFFF  }
0xd4: {  	_ =	task.clear_ibuf [dreg:s22], $0x2FFFF;
	_ =	strace $0x9FFFFFFF  }
0xd5: {  	(tm) =	ssettm $0x7FFFFFFF  }
tec
execute0_lowered:
.L_overlay_start_1:
0x0: {  	(tag) =	ssettag $0x1  }
0x1: {  	s22 =	rddreg [dreg:$0x0]  }
0x2: {  	s23 =	rddreg [dreg:$0x1]  }
0x3: {  	s26 =	rddreg [dreg:$0x2]  }
0x4: {  	s1 =	rddreg [dreg:$0x3]  }
0x5: {  	s2 =	rddreg [dreg:$0x4]  }
0x6: {  	s0 =	rddreg [dreg:$0x5];
	s4 =	simm.s32 $0x0;
	s3 =	stileid.u32  }
0x7: {  	s7 =	simm.s32 $0xE348;
	s6 =	simm.s32 $0x2;
	[smem:$0x7FF] =	sst s4  }
0x8: {  	s5 =	sadd.s32 $0x40400, s26;
	s8 =	smul.u32 $0x30E00, s3;
	_ =	strace $0x8000004D  }
0x9: {  	[tilespmem:s7], [sflag:$0x2] =	stream.linear.gather [hbm4b:s5+s4], $0x9C40, $0x38;
	[tilespmem:$0x19588] =	vst v63  }
0xa: {  	_ =	swait.ge [sflag:s6], $0x9C40  }
0xb: {  	s8 =	sshrl.u32 s8, $0x2;
	[sflag:s6] =	ssyncset.done $0x0  }
0xc: {  	s8 =	sadd.s32 s8, s1;
	[sflag:s6] =	ssyncadd.s32 $0xFFFF63C0  }
0xd: {  	[spmem:s8] =	stream.linear.scatter [tilespmem:s7], [sflag:$0x2], $0x9C40, $0x38;
	[tilespmem:$0x19588] =	vst v63  }
0xe: {  	_ =	swait.ge [sflag:s6], $0x9C40  }
0xf: {  	[sflag:s6] =	ssyncset.done $0x0  }
0x10: {  	s9 =	sadd.s32 $0x9C40, s8;
	[sflag:s6] =	ssyncadd.s32 $0xFFFF63C0  }
0x11: {  	[spmem:s9] =	stream.linear.scatter [tilespmem:s7], [sflag:$0x2], $0x2740, $0x38;
	[tilespmem:$0x19588] =	vst v63  }
0x12: {  	_ =	swait.ge [sflag:s6], $0x2740  }
0x13: {  	[sflag:s6] =	ssyncset.done $0x0  }
0x14: {  	s11 =	simm.s32 $0x18950;
	s10 =	sadd.s32 $0x5200, s26;
	[sflag:s6] =	ssyncadd.s32 $0xFFFFD8C0  }
0x15: {  	[tilespmem:s11], [sflag:$0x2] =	stream.linear.gather [hbm4b:s10+s4], $0xC38, $0x38;
	[tilespmem:$0x19588] =	vst v63  }
0x16: {  	s24 =	smul.u32 $0xC38, s3;
	_ =	swait.ge [sflag:s6], $0xC38  }
0x17: {  	[sflag:s6] =	ssyncset.done $0x0  }
0x18: {  	s13 =	srdreg.scid;
	s12 =	sadd.s32 s24, s2;
	[sflag:s6] =	ssyncadd.s32 $0xFFFFF3C8  }
0x19: {  	[spmem:s12] =	stream.linear.scatter [tilespmem:s11], [sflag:$0x2], $0xC38, $0x38;
	[tilespmem:$0x19588] =	vst v63  }
0x1a: {  	s28 =	sand.u32 $0x1, s13;
	_ =	swait.ge [sflag:s6], $0xC38  }
0x1b: {  	s13 =	sadd.s32 $0x8400, s26;
	s14 =	sshll.u32 s28, $0x4;
	[sflag:s6] =	ssyncset.done $0x0  }
0x1c: {  	s15 =	sor.u32 s3, s14;
	s14 =	simm.s32 $0x17F88;
	[sflag:s6] =	ssyncadd.s32 $0xFFFFF3C8  }
0x1d: {  	[tilespmem:s14], [sflag:$0x2] =	stream.linear.gather [hbm4b:s13+s4], $0x9C4, $0x38;
	[tilespmem:$0x19588] =	vst v63  }
0x1e: {  	s15 =	smul.u32 $0x1388, s15;
	_ =	swait.ge [sflag:s6], $0x9C4  }
0x1f: {  	[sflag:s6] =	ssyncset.done $0x0  }
0x20: {  	s25 =	sshrl.u32 s15, $0x3;
	[sflag:s6] =	ssyncadd.s32 $0xFFFFF63C  }
0x21: {  	s16 =	simm.s32 $0xCFB8;
	s15 =	sadd.s32 s22, s25;
	[bflag:$0x0] =	sbarrier.arrive $0xFFFF  }
0x22: {  	[tilespmem:s16], [sflag:$0x2] =	stream.linear.gather [hbm4b:s15+s4], $0x9C4, $0x38;
	[tilespmem:$0x19588] =	vst v63  }
0x23: {  	_ =	swait.ge [sflag:s6], $0x9C4  }
0x24: {  	[sflag:s6] =	ssyncset.done $0x0  }
0x25: {  	s18 =	simm.s32 $0xD980;
	s17 =	sadd.s32 s23, s25;
	[sflag:s6] =	ssyncadd.s32 $0xFFFFF63C  }
0x26: {  	[tilespmem:s18], [sflag:$0x2] =	stream.linear.gather [hbm4b:s17+s4], $0x9C4, $0x38;
	[tilespmem:$0x19588] =	vst v63  }
0x27: {  	_ =	swait.ge [sflag:s6], $0x9C4  }
0x28: {  	s20 =	simm.s32 $0x9C4;
	[sflag:s6] =	ssyncset.done $0x0  }
0x29: {  	s21 =	simm.s32 $0x1;
	s19 =	sadd.s32 $0x75800, s26;
	[sflag:s6] =	ssyncadd.s32 $0xFFFFF63C  }
0x2a: {  	[tilespmem:s7], [sflag:$0x1] =	stream.indirect.gather [hbm4b:s19+s20], $0x10, s16, s20, $0xb8;
	[tilespmem:$0x19588] =	vst v63  }
0x2b: {  	_ =	swait.ge [sflag:s21], $0x9C40  }
0x2c: {  	[sflag:s21] =	ssyncset.done $0x0  }
0x2d: {  	[sflag:s21] =	ssyncadd.s32 $0xFFFF63C0  }
0x2e: {  	[spmem:s1] =	stream.indirect.scatter.add.f32 [tilespmem:s7], [sflag:$0x2], $0x10, s18, s20, $0xb8;
	[tilespmem:$0x19588] =	vst v63  }
0x2f: {  	_ =	swait.ge [sflag:s6], $0x9C40  }
0x30: {  	[sflag:s6] =	ssyncset.done $0x0  }
0x31: {  	[sflag:s6] =	ssyncadd.s32 $0xFFFF63C0  }
0x32: {  	[spmem:s2] =	stream.indirect.scatter.add.f32 [tilespmem:s14], [sflag:$0x2], $0x1, s18, s20, $0xb8;
	[tilespmem:$0x19588] =	vst v63  }
0x33: {  	_ =	swait.ge [sflag:s6], $0x9C4  }
0x34: {  	s25 =	sadd.s32 $0x138, s25;
	[sflag:s6] =	ssyncset.done $0x0  }
0x35: {  	s22 =	sadd.s32 s22, s25;
	[sflag:s6] =	ssyncadd.s32 $0xFFFFF63C  }
0x36: {  	[tilespmem:s16], [sflag:$0x2] =	stream.linear.gather [hbm4b:s22+s4], $0x9C4, $0x38;
	[tilespmem:$0x19588] =	vst v63  }
0x37: {  	_ =	swait.ge [sflag:s6], $0x9C4  }
0x38: {  	[sflag:s6] =	ssyncset.done $0x0  }
0x39: {  	s23 =	sadd.s32 s23, s25;
	[sflag:s6] =	ssyncadd.s32 $0xFFFFF63C  }
0x3a: {  	[tilespmem:s18], [sflag:$0x2] =	stream.linear.gather [hbm4b:s23+s4], $0x9C4, $0x38;
	[tilespmem:$0x19588] =	vst v63  }
0x3b: {  	_ =	swait.ge [sflag:s6], $0x9C4  }
0x3c: {  	[sflag:s6] =	ssyncset.done $0x0  }
0x3d: {  	[sflag:s6] =	ssyncadd.s32 $0xFFFFF63C  }
0x3e: {  	[tilespmem:s7], [sflag:$0x1] =	stream.indirect.gather [hbm4b:s19+s20], $0x10, s16, s20, $0xb8;
	[tilespmem:$0x19588] =	vst v63  }
0x3f: {  	_ =	swait.ge [sflag:s21], $0x9C40  }
0x40: {  	[sflag:s21] =	ssyncset.done $0x0  }
0x41: {  	[sflag:s21] =	ssyncadd.s32 $0xFFFF63C0  }
0x42: {  	[spmem:s1] =	stream.indirect.scatter.add.f32 [tilespmem:s7], [sflag:$0x2], $0x10, s18, s20, $0xb8;
	[tilespmem:$0x19588] =	vst v63  }
0x43: {  	_ =	swait.ge [sflag:s6], $0x9C40  }
0x44: {  	[sflag:s6] =	ssyncset.done $0x0  }
0x45: {  	[sflag:s6] =	ssyncadd.s32 $0xFFFF63C0  }
0x46: {  	[spmem:s2] =	stream.indirect.scatter.add.f32 [tilespmem:s14], [sflag:$0x2], $0x1, s18, s20, $0xb8;
	[tilespmem:$0x19588] =	vst v63  }
0x47: {  	_ =	swait.ge [sflag:s6], $0x9C4  }
0x48: {  	s30 =	smul.u32 $0xC380, s28;
	[sflag:s6] =	ssyncset.done $0x0  }
0x49: {  	[sflag:s6] =	ssyncadd.s32 $0xFFFFF63C  }
0x4a: {  	s29 =	sadd.s32 s24, s30;
	[bflag:$0x0] =	sbarrier.arrive $0xFFFF  }
0x4b: {  	[tilespmem:s7], [sflag:$0x2] =	stream.linear.gather [spmem:s8], $0x9C40, $0x38;
	[tilespmem:$0x19588] =	vst v63  }
0x4c: {  	s24 =	sshll.u32 s29, $0x1;
	_ =	swait.ge [sflag:s6], $0x9C40  }
0x4d: {  	s31 =	sadd.s32 s24, s26;
	[sflag:s6] =	ssyncset.done $0x0  }
0x4e: {  	s24 =	sadd.s32 $0x7DA00, s31;
	[sflag:s6] =	ssyncadd.s32 $0xFFFF63C0  }
0x4f: {  	[hbm4b:s24+s4] =	stream.linear.scatter [tilespmem:s7], [sflag:$0x2], $0x9C40, $0x38;
	[tilespmem:$0x19588] =	vst v63  }
0x50: {  	_ =	swait.ge [sflag:s6], $0x9C40  }
0x51: {  	[sflag:s6] =	ssyncset.done $0x0  }
0x52: {  	[sflag:s6] =	ssyncadd.s32 $0xFFFF63C0  }
0x53: {  	[tilespmem:s7], [sflag:$0x2] =	stream.linear.gather [spmem:s9], $0x2740, $0x38;
	[tilespmem:$0x19588] =	vst v63  }
0x54: {  	_ =	swait.ge [sflag:s6], $0x2740  }
0x55: {  	[sflag:s6] =	ssyncset.done $0x0  }
0x56: {  	s28 =	ssub.s32 $0x2, s28;
	s25 =	sadd.s32 $0x7ED88, s31;
	[sflag:s6] =	ssyncadd.s32 $0xFFFFD8C0  }
0x57: {  	[hbm4b:s25+s4] =	stream.linear.scatter [tilespmem:s7], [sflag:$0x2], $0x2740, $0x38;
	[tilespmem:$0x19588] =	vst v63  }
0x58: {  	s30 =	sshrl.u32 s28, $0x1;
	_ =	swait.ge [sflag:s6], $0x2740  }
0x59: {  	s28 =	ssub.s32 s28, s30;
	[sflag:s6] =	ssyncset.done $0x0  }
0x5a: {  	s28 =	smax.u32 s28, $0x1;
	[sflag:s6] =	ssyncadd.s32 $0xFFFFD8C0  }
0x5b: {  	[tilespmem:s11], [sflag:$0x2] =	stream.linear.gather [spmem:s12], $0xC38, $0x38;
	[tilespmem:$0x19588] =	vst v63  }
0x5c: {  	s29 =	sshrl.u32 s29, $0x3;
	p0 =	sne.s32 s28, $0x1;
	_ =	swait.ge [sflag:s6], $0xC38  }
.Ltmp0:
0x5d: {  	s26 =	sadd.s32 s29, s26;
	[sflag:s6] =	ssyncset.done $0x0;
	(pc) =	sbr.rel @!p0 .LBB2_2-.Ltmp0, $4  }
0x5e: {  	s26 =	sadd.s32 $0x7A800, s26;
	[sflag:s6] =	ssyncadd.s32 $0xFFFFF3C8  }
0x5f: {  	[hbm4b:s26+s4] =	stream.linear.scatter [tilespmem:s11], [sflag:$0x2], $0xC38, $0x38;
	[tilespmem:$0x19588] =	vst v63  }
0x60: {  	_ =	swait.ge [sflag:s6], $0xC38  }
0x61: {  	s28 =	sadd.s32 $0xFFFFFFFF, s28;
	[sflag:s6] =	ssyncset.done $0x0  }
.LBB2_1:
0x62: {  	p0 =	sne.s32 s28, $0x1;
	s28 =	sadd.s32 $0xFFFFFFFF, s28;
	[sflag:s6] =	ssyncadd.s32 $0xFFFFF3C8  }
0x63: {  	[tilespmem:s7], [sflag:$0x2] =	stream.linear.gather [hbm4b:s5+s4], $0x9C40, $0x38;
	[tilespmem:$0x19588] =	vst v63  }
0x64: {  	_ =	swait.ge [sflag:s6], $0x9C40  }
0x65: {  	[sflag:s6] =	ssyncset.done $0x0  }
0x66: {  	[sflag:s6] =	ssyncadd.s32 $0xFFFF63C0  }
0x67: {  	[spmem:s8] =	stream.linear.scatter [tilespmem:s7], [sflag:$0x2], $0x9C40, $0x38;
	[tilespmem:$0x19588] =	vst v63  }
0x68: {  	_ =	swait.ge [sflag:s6], $0x9C40  }
0x69: {  	[sflag:s6] =	ssyncset.done $0x0  }
0x6a: {  	[sflag:s6] =	ssyncadd.s32 $0xFFFF63C0  }
0x6b: {  	[spmem:s9] =	stream.linear.scatter [tilespmem:s7], [sflag:$0x2], $0x2740, $0x38;
	[tilespmem:$0x19588] =	vst v63  }
0x6c: {  	_ =	swait.ge [sflag:s6], $0x2740  }
0x6d: {  	[sflag:s6] =	ssyncset.done $0x0  }
0x6e: {  	[sflag:s6] =	ssyncadd.s32 $0xFFFFD8C0  }
0x6f: {  	[tilespmem:s11], [sflag:$0x2] =	stream.linear.gather [hbm4b:s10+s4], $0xC38, $0x38;
	[tilespmem:$0x19588] =	vst v63  }
0x70: {  	_ =	swait.ge [sflag:s6], $0xC38  }
0x71: {  	[sflag:s6] =	ssyncset.done $0x0  }
0x72: {  	[sflag:s6] =	ssyncadd.s32 $0xFFFFF3C8  }
0x73: {  	[spmem:s12] =	stream.linear.scatter [tilespmem:s11], [sflag:$0x2], $0xC38, $0x38;
	[tilespmem:$0x19588] =	vst v63  }
0x74: {  	_ =	swait.ge [sflag:s6], $0xC38  }
0x75: {  	[sflag:s6] =	ssyncset.done $0x0  }
0x76: {  	[sflag:s6] =	ssyncadd.s32 $0xFFFFF3C8  }
0x77: {  	[tilespmem:s14], [sflag:$0x2] =	stream.linear.gather [hbm4b:s13+s4], $0x9C4, $0x38;
	[tilespmem:$0x19588] =	vst v63  }
0x78: {  	_ =	swait.ge [sflag:s6], $0x9C4  }
0x79: {  	[sflag:s6] =	ssyncset.done $0x0  }
0x7a: {  	[sflag:s6] =	ssyncadd.s32 $0xFFFFF63C  }
0x7b: {  	[bflag:$0x0] =	sbarrier.arrive $0xFFFF  }
0x7c: {  	[tilespmem:s16], [sflag:$0x2] =	stream.linear.gather [hbm4b:s15+s4], $0x9C4, $0x38;
	[tilespmem:$0x19588] =	vst v63  }
0x7d: {  	_ =	swait.ge [sflag:s6], $0x9C4  }
0x7e: {  	[sflag:s6] =	ssyncset.done $0x0  }
0x7f: {  	[sflag:s6] =	ssyncadd.s32 $0xFFFFF63C  }
0x80: {  	[tilespmem:s18], [sflag:$0x2] =	stream.linear.gather [hbm4b:s17+s4], $0x9C4, $0x38;
	[tilespmem:$0x19588] =	vst v63  }
0x81: {  	_ =	swait.ge [sflag:s6], $0x9C4  }
0x82: {  	[sflag:s6] =	ssyncset.done $0x0  }
0x83: {  	[sflag:s6] =	ssyncadd.s32 $0xFFFFF63C  }
0x84: {  	[tilespmem:s7], [sflag:$0x1] =	stream.indirect.gather [hbm4b:s19+s20], $0x10, s16, s20, $0xb8;
	[tilespmem:$0x19588] =	vst v63  }
0x85: {  	_ =	swait.ge [sflag:s21], $0x9C40  }
0x86: {  	[sflag:s21] =	ssyncset.done $0x0  }
0x87: {  	[sflag:s21] =	ssyncadd.s32 $0xFFFF63C0  }
0x88: {  	[spmem:s1] =	stream.indirect.scatter.add.f32 [tilespmem:s7], [sflag:$0x2], $0x10, s18, s20, $0xb8;
	[tilespmem:$0x19588] =	vst v63  }
0x89: {  	_ =	swait.ge [sflag:s6], $0x9C40  }
0x8a: {  	[sflag:s6] =	ssyncset.done $0x0  }
0x8b: {  	[sflag:s6] =	ssyncadd.s32 $0xFFFF63C0  }
0x8c: {  	[spmem:s2] =	stream.indirect.scatter.add.f32 [tilespmem:s14], [sflag:$0x2], $0x1, s18, s20, $0xb8;
	[tilespmem:$0x19588] =	vst v63  }
0x8d: {  	_ =	swait.ge [sflag:s6], $0x9C4  }
0x8e: {  	[sflag:s6] =	ssyncset.done $0x0  }
0x8f: {  	[sflag:s6] =	ssyncadd.s32 $0xFFFFF63C  }
0x90: {  	[tilespmem:s16], [sflag:$0x2] =	stream.linear.gather [hbm4b:s22+s4], $0x9C4, $0x38;
	[tilespmem:$0x19588] =	vst v63  }
0x91: {  	_ =	swait.ge [sflag:s6], $0x9C4  }
0x92: {  	[sflag:s6] =	ssyncset.done $0x0  }
0x93: {  	[sflag:s6] =	ssyncadd.s32 $0xFFFFF63C  }
0x94: {  	[tilespmem:s18], [sflag:$0x2] =	stream.linear.gather [hbm4b:s23+s4], $0x9C4, $0x38;
	[tilespmem:$0x19588] =	vst v63  }
0x95: {  	_ =	swait.ge [sflag:s6], $0x9C4  }
0x96: {  	[sflag:s6] =	ssyncset.done $0x0  }
0x97: {  	[sflag:s6] =	ssyncadd.s32 $0xFFFFF63C  }
0x98: {  	[tilespmem:s7], [sflag:$0x1] =	stream.indirect.gather [hbm4b:s19+s20], $0x10, s16, s20, $0xb8;
	[tilespmem:$0x19588] =	vst v63  }
0x99: {  	_ =	swait.ge [sflag:s21], $0x9C40  }
0x9a: {  	[sflag:s21] =	ssyncset.done $0x0  }
0x9b: {  	[sflag:s21] =	ssyncadd.s32 $0xFFFF63C0  }
0x9c: {  	[spmem:s1] =	stream.indirect.scatter.add.f32 [tilespmem:s7], [sflag:$0x2], $0x10, s18, s20, $0xb8;
	[tilespmem:$0x19588] =	vst v63  }
0x9d: {  	_ =	swait.ge [sflag:s6], $0x9C40  }
0x9e: {  	[sflag:s6] =	ssyncset.done $0x0  }
0x9f: {  	[sflag:s6] =	ssyncadd.s32 $0xFFFF63C0  }
0xa0: {  	[spmem:s2] =	stream.indirect.scatter.add.f32 [tilespmem:s14], [sflag:$0x2], $0x1, s18, s20, $0xb8;
	[tilespmem:$0x19588] =	vst v63  }
0xa1: {  	_ =	swait.ge [sflag:s6], $0x9C4  }
0xa2: {  	[sflag:s6] =	ssyncset.done $0x0  }
0xa3: {  	[sflag:s6] =	ssyncadd.s32 $0xFFFFF63C  }
0xa4: {  	[bflag:$0x0] =	sbarrier.arrive $0xFFFF  }
0xa5: {  	[tilespmem:s7], [sflag:$0x2] =	stream.linear.gather [spmem:s8], $0x9C40, $0x38;
	[tilespmem:$0x19588] =	vst v63  }
0xa6: {  	_ =	swait.ge [sflag:s6], $0x9C40  }
0xa7: {  	[sflag:s6] =	ssyncset.done $0x0  }
0xa8: {  	[sflag:s6] =	ssyncadd.s32 $0xFFFF63C0  }
0xa9: {  	[hbm4b:s24+s4] =	stream.linear.scatter [tilespmem:s7], [sflag:$0x2], $0x9C40, $0x38;
	[tilespmem:$0x19588] =	vst v63  }
0xaa: {  	_ =	swait.ge [sflag:s6], $0x9C40  }
0xab: {  	[sflag:s6] =	ssyncset.done $0x0  }
0xac: {  	[sflag:s6] =	ssyncadd.s32 $0xFFFF63C0  }
0xad: {  	[tilespmem:s7], [sflag:$0x2] =	stream.linear.gather [spmem:s9], $0x2740, $0x38;
	[tilespmem:$0x19588] =	vst v63  }
0xae: {  	_ =	swait.ge [sflag:s6], $0x2740  }
0xaf: {  	[sflag:s6] =	ssyncset.done $0x0  }
0xb0: {  	[sflag:s6] =	ssyncadd.s32 $0xFFFFD8C0  }
0xb1: {  	[hbm4b:s25+s4] =	stream.linear.scatter [tilespmem:s7], [sflag:$0x2], $0x2740, $0x38;
	[tilespmem:$0x19588] =	vst v63  }
0xb2: {  	_ =	swait.ge [sflag:s6], $0x2740  }
0xb3: {  	[sflag:s6] =	ssyncset.done $0x0  }
0xb4: {  	[sflag:s6] =	ssyncadd.s32 $0xFFFFD8C0  }
0xb5: {  	[tilespmem:s11], [sflag:$0x2] =	stream.linear.gather [spmem:s12], $0xC38, $0x38;
	[tilespmem:$0x19588] =	vst v63  }
0xb6: {  	_ =	swait.ge [sflag:s6], $0xC38  }
.Ltmp1:
0xb7: {  	[sflag:s6] =	ssyncset.done $0x0;
	(pc) =	sbr.rel @p0 .LBB2_1-.Ltmp1, $4  }
0xb8: {  	[sflag:s6] =	ssyncadd.s32 $0xFFFFF3C8  }
0xb9: {  	[hbm4b:s26+s4] =	stream.linear.scatter [tilespmem:s11], [sflag:$0x2], $0xC38, $0x38;
	[tilespmem:$0x19588] =	vst v63  }
0xba: {  	_ =	swait.ge [sflag:s6], $0xC38  }
0xbb: {  	[sflag:s6] =	ssyncset.done $0x0  }
.LBB2_2:
0xbc: {  	[sflag:s6] =	ssyncadd.s32 $0xFFFFF3C8  }
0xbd: {  	_ =	sfence.sel $0x180000  }
0xbe: {  	[bflag:$0x0] =	sbarrier.arrive $0xFFFF  }
0xbf: {  	p0 =	sne.s32 s3, $0x0;
	_ =	strace $0x9000004D  }
0xc0: {  	s0 =	sadd.s32 @!p0 $0x100000, s0;
	[bflag:$0x2] =	sbarrier.arrive $0xFFFF  }
0xc1: {  	[sflag:s0] =	ssyncadd.tile.s32 @!p0 $0x1;
	_ =	shalt  }
.Lfunc_end2:
_tile_overlayer_lowered:
.L_overlay_start_2:
0xc2: {  	(tag) =	ssettag $0x2  }
0xc3: {  	s0 =	rddreg [dreg:$0x0];
	s2 =	stileid.u32  }
0xc4: {  	s1 =	rddreg [dreg:$0x1];
	p0 =	sne.s32 s2, $0x0  }
0xc5: {  	s3 =	rddreg [dreg:$0x2];
	[bflag:$0x3] =	sbarrier.arrive $0xFFFF;
	s2 =	simm.s32 @!p0 $0x1C02  }
0xc6: {  	[timem:s3], [sflag:s2] =	dma.local @!p0 [hbm:s0], s1  }
0xc7: {  	s0 =	simm.s32 @!p0 $0x2  }
0xc8: {  	_ =	swait.ge @!p0 [sflag:s0], s1  }
0xc9: {  	s1 =	ssub.s32 @!p0 $0x0, s1;
	[sflag:s0] =	ssyncset.done @!p0 $0x0  }
0xca: {  	[sflag:s0] =	ssyncadd.s32 @!p0 s1  }
0xcb: {  	[bflag:$0x3] =	sbarrier.arrive $0xFFFF  }
0xcc: {  	_ =	shalt  }

// kernel: kernel.20.cloned.1.call-start
scs
__scs_entry_jumppad:
0x0: {  	(pc) =	sbr.rel $0x88, $3  }
0x1: {  	(tag) =	ssettag $0x0;
	lr =	simm.s32 $0x1  }
0x2: {  	[smem:$0x3F8D] =	sst lr;
	_ =	strace $0xD0000000  }
0x3: {  	_ = 	snop  }
0x4: {  	_ = 	snop  }
0x5: {  	_ = 	snop  }
0x6: {  	_ = 	snop  }
0x7: {  	_ = 	snop  }
__scs_overlays_trampoline_lowered:
0x8: {  	[smem:$0x3F9C] =	sst s0  }
0x9: {  	[smem:$0x3F9D] =	sst s1  }
0xa: {  	[smem:$0x3F9E] =	sst s2  }
0xb: {  	[smem:$0x3F9F] =	sst s3  }
0xc: {  	[smem:$0x3FA0] =	sst s4  }
0xd: {  	[smem:$0x3FA1] =	sst s5  }
0xe: {  	[smem:$0x3FA2] =	sst s6  }
0xf: {  	[smem:$0x3FA3] =	sst s7  }
0x10: {  	[smem:$0x3FA4] =	sst s8  }
0x11: {  	[smem:$0x3FA5] =	sst s9;
	s0 =	simm.s32 @!p0 $0x0  }
0x12: {  	s1 =	sld [smem:$0x3F8B];
	s0 =	simm.s32 @p0 $0x1  }
0x13: {  	[smem:$0x3FA6] =	sst s0;
	s0 =	simm.s32 @!p1 $0x0  }
0x14: {  	s2 =	sld [smem:$0x3F8A];
	s0 =	simm.s32 @p1 $0x1  }
0x15: {  	[smem:$0x3FA7] =	sst s0;
	s0 =	simm.s32 @!p2 $0x0  }
0x16: {  	s3 =	sld [smem:$0x3FDB];
	s0 =	simm.s32 @p2 $0x1  }
0x17: {  	s4 =	simm.s32 $0x1BF5;
	[smem:$0x3FA9] =	sst s0  }
0x18: {  	s0 =	sld [smem:$0x3F8C];
	_ =	swait.ge [sflag:s4], $0x0  }
0x19: {  	s7 =	sld [smem:$0x3F8D]  }
0x1a: {  	s8 =	sadd.s32 $0xFFFFE003, lr  }
0x1b: {  	s9 =	sadd.s32 $0xFFFFFEF7, lr;
	s5 =	simm.s32 $0xFFFFFFFF;
	p2 =	slt.u32 s8, $0xFFFFF086  }
0x1c: {  	p1 =	slt.u32 s9, $0xF7A;
	s5 =	simm.s32 @!p2 $0x0  }
0x1d: {  	s5 =	simm.s32 @p1 $0x1;
	p0 =	seq.s32 s7, s2  }
0x1e: {  	s7 =	smul.u32 @!p0 $0xF7A, s2;
	p2 =	seq.s32 @!p0 s5, $0x0  }
0x1f: {  	s9 =	smul.u32 $0xF7A, s1;
	s8 =	simm.s32 @!p0 $0x1BF5;
	p2 =	por !p2, p0  }
0x20: {  	[sflag:s8] =	ssyncset.s32 @!p0 $0xFFFFF086;
	s6 =	sadd.s32 @!p0 s3, s7;
	s7 =	simm.s32 @!p0 $0x108  }
0x21: {  	s3 =	sadd.s32 s3, s9;
	s6 =	sadd.s32 @!p0 $0x88, s6;
	s7 =	simm.s32 @p2 $0x1082  }
0x22: {  	[simem:s7], [sflag:s8] =	dma.local @!p0 [hbm:s6], $0xF7A  }
0x23: {  	s9 =	sor.u32 $0xD0000000, s2;
	s6 =	simm.s32 $0x108;
	_ =	swait.ge @!p0 [sflag:s8], $0x0  }
0x24: {  	s3 =	sadd.s32 $0x88, s3;
	s6 =	simm.s32 @!p1 $0x1082;
	[sflag:s4] =	ssyncset.s32 $0xFFFFF086  }
0x25: {  	[simem:s6], [sflag:s4] =	dma.local [hbm:s3], $0xF7A  }
0x26: {  	[smem:$0x3F8D] =	sst s1;
	(tag) =	ssettag s2;
	_ =	strace s9  }
0x27: {  	s1 =	sld [smem:$0x3F9D]  }
0x28: {  	s2 =	sld [smem:$0x3F9E]  }
0x29: {  	s4 =	sld [smem:$0x3FA0]  }
0x2a: {  	p0 =	seq.s32 s5, $0x0;
	s5 =	sld [smem:$0x3FA1]  }
0x2b: {  	s6 =	sld [smem:$0x3FA2]  }
0x2c: {  	s7 =	sld [smem:$0x3FA3]  }
0x2d: {  	s3 =	simm.s32 $0x108;
	s8 =	sld [smem:$0x3FA4]  }
0x2e: {  	s3 =	simm.s32 @!p0 $0x1082;
	s9 =	sld [smem:$0x3FA5]  }
0x2f: {  	lr =	sadd.s32 s0, s3;
	s0 =	sld [smem:$0x3F9C]  }
0x30: {  	s3 =	sld [smem:$0x3F9F]  }
0x31: {  	[smem:$0x3FA8] =	sst s10  }
0x32: {  	s10 =	sld [smem:$0x3FA6];
	_ =	sdelay $0x3  }
0x33: {  	p0 =	seq.s32 s10, $0x1;
	s10 =	sld [smem:$0x3FA8];
	_ =	sdelay $0x3  }
0x34: {  	[smem:$0x3FA8] =	sst s10  }
0x35: {  	s10 =	sld [smem:$0x3FA7];
	_ =	sdelay $0x3  }
0x36: {  	p1 =	seq.s32 s10, $0x1;
	s10 =	sld [smem:$0x3FA8];
	_ =	sdelay $0x3  }
0x37: {  	[smem:$0x3FA8] =	sst s10  }
0x38: {  	s10 =	sld [smem:$0x3FA9]  }
0x39: {  	_ = 	snop;
	(pc) =	sbr.ind lr, $3  }
0x3a: {  	_ = 	snop  }
0x3b: {  	_ = 	snop  }
0x3c: {  	p2 =	seq.s32 s10, $0x1;
	s10 =	sld [smem:$0x3FA8]  }
0x3d: {  	_ =	shalt  }
0x3e: {  	_ =	shalt  }
0x3f: {  	_ =	shalt  }
0x40: {  	_ =	shalt  }
0x41: {  	_ =	shalt  }
0x42: {  	_ =	shalt  }
0x43: {  	_ =	shalt  }
0x44: {  	_ =	shalt  }
0x45: {  	_ =	shalt  }
0x46: {  	_ =	shalt  }
0x47: {  	_ =	shalt  }
0x48: {  	_ =	shalt  }
0x49: {  	_ =	shalt  }
0x4a: {  	_ =	shalt  }
0x4b: {  	_ =	shalt  }
0x4c: {  	_ =	shalt  }
0x4d: {  	_ =	shalt  }
0x4e: {  	_ =	shalt  }
0x4f: {  	_ =	shalt  }
0x50: {  	_ =	shalt  }
0x51: {  	_ =	shalt  }
0x52: {  	_ =	shalt  }
0x53: {  	_ =	shalt  }
0x54: {  	_ =	shalt  }
0x55: {  	_ =	shalt  }
0x56: {  	_ =	shalt  }
0x57: {  	_ =	shalt  }
0x58: {  	_ =	shalt  }
0x59: {  	_ =	shalt  }
0x5a: {  	_ =	shalt  }
0x5b: {  	_ =	shalt  }
0x5c: {  	_ =	shalt  }
0x5d: {  	_ =	shalt  }
0x5e: {  	_ =	shalt  }
0x5f: {  	_ =	shalt  }
0x60: {  	_ =	shalt  }
0x61: {  	_ =	shalt  }
0x62: {  	_ =	shalt  }
0x63: {  	_ =	shalt  }
0x64: {  	_ =	shalt  }
0x65: {  	_ =	shalt  }
0x66: {  	_ =	shalt  }
0x67: {  	_ =	shalt  }
0x68: {  	_ =	shalt  }
0x69: {  	_ =	shalt  }
0x6a: {  	_ =	shalt  }
0x6b: {  	_ =	shalt  }
0x6c: {  	_ =	shalt  }
0x6d: {  	_ =	shalt  }
0x6e: {  	_ =	shalt  }
0x6f: {  	_ =	shalt  }
0x70: {  	_ =	shalt  }
0x71: {  	_ =	shalt  }
0x72: {  	_ =	shalt  }
0x73: {  	_ =	shalt  }
0x74: {  	_ =	shalt  }
0x75: {  	_ =	shalt  }
0x76: {  	_ =	shalt  }
0x77: {  	_ =	shalt  }
0x78: {  	_ =	shalt  }
0x79: {  	_ =	shalt  }
0x7a: {  	_ =	shalt  }
0x7b: {  	_ =	shalt  }
0x7c: {  	_ =	shalt  }
0x7d: {  	_ =	shalt  }
0x7e: {  	_ =	shalt  }
0x7f: {  	_ =	shalt  }
0x80: {  	_ =	shalt  }
0x81: {  	_ =	shalt  }
0x82: {  	_ =	shalt  }
0x83: {  	_ =	shalt  }
0x84: {  	_ =	shalt  }
0x85: {  	_ =	shalt  }
0x86: {  	_ =	shalt  }
0x87: {  	_ =	shalt  }
.Lfunc_end0:
.L_simem_size_0:
called_computation.3_lowered:
.L_overlay_start_0:
0x88: {  	s2 =	sld [smem:$0x3FD9]  }
0x89: {  	s3 =	sld [smem:$0x3FFE];
	_ =	sdelay $0x1  }
0x8a: {  	s1 =	srdreg.scid  }
0x8b: {  	s0 =	sand.u32 $0x1, s1  }
0x8c: {  	s17 =	sshll.u32 s0, $0xA;
	s2 =	sadd.s32 s3, s2  }
0x8d: {  	s2 =	sadd.s32 s2, s17  }
0x8e: {  	[smem:$0x3FB4] =	sst s2  }
0x8f: {  	_ = 	snop  }
0x90: {  	s2 =	sld [smem:$0x3FC7]  }
0x91: {  	s18 =	sld [smem:$0x3FC6];
	(tm) =	ssettm $0x1  }
0x92: {  	s4 =	sld [smem:$0x3FFB];
	_ =	sdelay $0x3  }
0x93: {  	_ =	strace s4  }
0x94: {  	s4 =	sld [smem:$0x3FFC];
	_ =	sdelay $0x3  }
0x95: {  	_ =	strace s4  }
0x96: {  	s4 =	sld [smem:$0x3FFD];
	_ =	sdelay $0x3  }
0x97: {  	_ =	strace s4  }
0x98: {  	_ =	strace $0x8FFFFFFF  }
0x99: {  	s19 =	sld [smem:$0x3FDB];
	_ =	sdelay $0x1  }
0x9a: {  	s5 =	simm.s32 $_scs_section_size  }
0x9b: {  	s6 =	simm.s32 $_size__tile_overlayer_lowered;
	s7 =	simm.s32 $_tile_overlayer_lowered  }
0x9c: {  	s22 =	simm.s32 $0x1BFF;
	s21 =	sshll.u32 s7, $0x1;
	s4 =	sadd.s32 s5, s19  }
0x9d: {  	s8 =	simm.s32 $0x0;
	s20 =	sshll.u32 s6, $0x1;
	s6 =	sadd.s32 s21, s4  }
0x9e: {  	[timem:s8], [sflag:s22] =	dma.local [hbm:s6], s20  }
0x9f: {  	_ =	swait.ge [sflag:s22], s20  }
0xa0: {  	s5 =	ssub.s32 $0x0, s20;
	[sflag:s22] =	ssyncset.done $0x0  }
0xa1: {  	[sflag:s22] =	ssyncadd.s32 s5;
	_ =	sdelay $0x1  }
0xa2: {  	s23 =	simm.s32 $0x1B8B  }
0xa3: {  	_ =	swait.ge [sflag:s23], $0x1  }
0xa4: {  	[sflag:s23] =	ssyncset.done $0x0  }
0xa5: {  	s25 =	simm.s32 $0x1B8E;
	s24 =	sld [smem:$0x3FFE];
	[sflag:s23] =	ssyncadd.s32 $0xFFFFFFFF  }
0xa6: {  	s26 =	simm.s32 $execute0_lowered;
	[smem:$0x3FD2] =	sst s25  }
0xa7: {  	s6 =	sshll.u32 s26, $0x1;
	_ =	strace $0x8000004F;
	[dreg:$0x1] =	wrdreg $0xFFFFFFFF  }
0xa8: {  	s28 =	simm.s32 $_size_execute0_lowered;
	s4 =	sadd.s32 s4, s6;
	[dreg:$0x0] =	wrdreg $0x0  }
0xa9: {  	s6 =	sshll.u32 s28, $0x1;
	[dreg:$0x2] =	wrdreg s4  }
0xaa: {  	[dreg:$0x3] =	wrdreg s6  }
0xab: {  	[dreg:$0x4] =	wrdreg $0xC0  }
0xac: {  	_ =	task [dreg:s8], $0x5FFFF  }
0xad: {  	[dreg:$0x1] =	wrdreg $0xFFFFFFFF  }
0xae: {  	[dreg:$0x0] =	wrdreg $0x60  }
0xaf: {  	[dreg:$0x2] =	wrdreg s18  }
0xb0: {  	[dreg:$0x3] =	wrdreg s2  }
0xb1: {  	[dreg:$0x4] =	wrdreg s24  }
0xb2: {  	[dreg:$0x5] =	wrdreg $0x0  }
0xb3: {  	[dreg:$0x6] =	wrdreg $0x9  }
0xb4: {  	_ =	task.clear_ibuf [dreg:s8], $0x7FFFF;
	_ =	strace $0x9000004F  }
0xb5: {  	s29 =	simm.s32 $0x9;
	_ =	strace $0x80000051  }
0xb6: {  	_ =	swait.ge [sflag:s29], $0x1  }
0xb7: {  	[sflag:s29] =	ssyncadd.s32 $0xFFFFFFFF  }
0xb8: {  	_ =	strace $0x90000051  }
0xb9: {  	_ =	sfence  }
0xba: {  	s30 =	sld [smem:$0x0];
	_ =	sdelay $0x2  }
0xbb: {  	s31 =	sshll.u32 s1, $0xD;
	s1 =	sshrl.u32 s1, $0x2  }
0xbc: {  	s3 =	sand.u32 $0x4000, s31;
	s1 =	sadd.s32 s1, s30  }
0xbd: {  	s0 =	sor.u32 s3, s0;
	s1 =	sshll.u32 s1, $0x11  }
0xbe: {  	s0 =	sor.u32 s1, s0  }
0xbf: {  	s0 =	sadd.s32 $0x8F2B, s0  }
0xc0: {  	[sflag:s0] =	ssyncadd.remote.s32 $0x1  }
0xc1: {  	_ =	sfence.sel $0xFFFF  }
0xc2: {  	[dreg:$0x0] =	wrdreg $0xFFFFFFFF;
	(pc) =	sbr.abs _section_cstart, $3  }
0xc3: {  	[dreg:$0x1] =	wrdreg $0xFFFFFFFF  }
0xc4: {  	_ =	task.clear_ibuf [dreg:s8], $0x2FFFF;
	_ =	strace $0x9FFFFFFF  }
0xc5: {  	(tm) =	ssettm $0x7FFFFFFF  }
tec
execute0_lowered:
.L_overlay_start_1:
0x0: {  	(tag) =	ssettag $0x1  }
0x1: {  	s0 =	rddreg [dreg:$0x0]  }
0x2: {  	s1 =	rddreg [dreg:$0x1]  }
0x3: {  	s5 =	rddreg [dreg:$0x2]  }
0x4: {  	s2 =	rddreg [dreg:$0x3];
	s11 =	stileid.u32  }
0x5: {  	s4 =	srdreg.scid;
	s3 =	simm.s32 $0x0;
	s6 =	smul.u32 $0x1870, s11  }
0x6: {  	s7 =	sand.u32 $0x1, s4;
	[smem:$0x7FF] =	sst s3;
	s25 =	smul.u32 $0x61C00, s11  }
0x7: {  	s4 =	sadd.s32 $0xF600, s5;
	s12 =	sadd.s32 $0x40400, s5;
	s17 =	smul.u32 $0x186A0, s11  }
0x8: {  	s8 =	smul.u32 $0x18700, s7;
	_ =	strace $0x80000050;
	s9 =	sshll.u32 s7, $0x4  }
0x9: {  	s10 =	ssub.s32 $0x2, s7;
	[dreg:$0x5] =	wrdreg s12;
	s7 =	smul.u32 $0x186A00, s7  }
0xa: {  	s24 =	sor.u32 s11, s9;
	s26 =	sshrl.u32 s10, $0x1;
	s9 =	sshrl.u32 s25, $0x2  }
0xb: {  	s11 =	simm.s32 $0x320;
	s6 =	sadd.s32 s8, s6;
	s8 =	smul.u32 $0x186A0, s24  }
0xc: {  	s10 =	ssub.s32 s10, s26;
	s7 =	sadd.s32 s17, s7;
	s17 =	simm.s32 $0x0  }
0xd: {  	s6 =	sshll.u32 s6, $0x1;
	s15 =	smax.u32 s10, $0x1;
	s23 =	sadd.s32 $0xC80, s7  }
0xe: {  	s7 =	sadd.s32 $0x960, s7;
	s10 =	simm.s32 $0x1;
	s5 =	sadd.s32 s6, s5  }
0xf: {  	s8 =	sshrl.u32 s8, $0x3;
	s6 =	sadd.s32 s9, s2;
	[dreg:$0x9] =	wrdreg s15  }
0x10: {  	s7 =	sshrl.u32 s7, $0x3;
	s15 =	simm.s32 $0x1C580;
	s12 =	sadd.s32 s0, s8  }
0x11: {  	s13 =	sadd.s32 s1, s8;
	s14 =	sadd.s32 $0x443C0, s5;
	[dreg:$0x6] =	wrdreg s12  }
0x12: {  	s16 =	sadd.s32 $0x64, s8;
	s8 =	sadd.s32 $0xC8, s8;
	[dreg:$0x7] =	wrdreg s13  }
0x13: {  	s20 =	sadd.s32 $0x41800, s5;
	s21 =	sadd.s32 $0x41E40, s5;
	[dreg:$0x8] =	wrdreg s14  }
0x14: {  	s22 =	sadd.s32 $0x42480, s5;
	s24 =	sadd.s32 $0x42AC0, s5;
	[dreg:$0xe] =	wrdreg s20  }
0x15: {  	s25 =	sadd.s32 $0x43100, s5;
	s26 =	sadd.s32 $0x43740, s5;
	[dreg:$0xf] =	wrdreg s21  }
0x16: {  	s28 =	sadd.s32 $0x3200, s6;
	s29 =	sadd.s32 $0x6400, s6;
	[dreg:$0x10] =	wrdreg s22  }
0x17: {  	s30 =	sadd.s32 $0x9600, s6;
	s31 =	sadd.s32 $0xC800, s6;
	[dreg:$0x11] =	wrdreg s24  }
0x18: {  	s18 =	sadd.s32 s0, s16;
	s9 =	sadd.s32 s1, s16;
	[dreg:$0x12] =	wrdreg s25  }
0x19: {  	s19 =	sadd.s32 s0, s8;
	s8 =	sadd.s32 s1, s8;
	[dreg:$0x13] =	wrdreg s26  }
0x1a: {  	s22 =	sadd.s32 s7, s1;
	s25 =	sadd.s32 $0x43D80, s5;
	[dreg:$0xa] =	wrdreg s18  }
0x1b: {  	s26 =	sadd.s32 $0x15E00, s6;
	s5 =	simm.s32 $0x19380;
	[dreg:$0xb] =	wrdreg s9  }
0x1c: {  	s12 =	simm.s32 $0x18D40;
	s13 =	simm.s32 $0x19060;
	[dreg:$0xc] =	wrdreg s19  }
0x1d: {  	s14 =	simm.s32 $0x2;
	s16 =	simm.s32 $0x3;
	[dreg:$0xd] =	wrdreg s8  }
0x1e: {  	s8 =	sshrl.u32 s23, $0x3;
	s23 =	sadd.s32 s7, s0;
	s7 =	simm.s32 $0x4  }
0x1f: {  	s9 =	simm.s32 $0x18A20;
	s20 =	sadd.s32 s8, s1;
	s21 =	sadd.s32 s8, s0  }
0x20: {  	s0 =	sadd.s32 $0xFA00, s6;
	s1 =	sadd.s32 $0x12C00, s6;
	s8 =	simm.s32 $0x18700  }
.LBB2_1:
0x21: {  	s18 =	rddreg [dreg:$0x5]  }
0x22: {  	[tilespmem:s5], [sflag:$0x4] =	stream.linear.gather [hbm4b:s18+s3], $0x3200, $0x38;
	[tilespmem:$0x1F780] =	vst v63  }
0x23: {  	_ =	swait.ge [sflag:s7], $0x3200  }
0x24: {  	[sflag:s7] =	ssyncset.done $0x0  }
0x25: {  	[sflag:s7] =	ssyncadd.s32 $0xFFFFCE00  }
0x26: {  	[spmem:s6] =	stream.linear.scatter [tilespmem:s5], [sflag:$0x4], $0x3200, $0x38;
	[tilespmem:$0x1F780] =	vst v63  }
0x27: {  	_ =	swait.ge [sflag:s7], $0x3200  }
0x28: {  	[sflag:s7] =	ssyncset.done $0x0  }
0x29: {  	[sflag:s7] =	ssyncadd.s32 $0xFFFFCE00  }
0x2a: {  	[spmem:s28] =	stream.linear.scatter [tilespmem:s5], [sflag:$0x4], $0x3200, $0x38;
	[tilespmem:$0x1F780] =	vst v63  }
0x2b: {  	_ =	swait.ge [sflag:s7], $0x3200  }
0x2c: {  	[sflag:s7] =	ssyncset.done $0x0  }
0x2d: {  	[sflag:s7] =	ssyncadd.s32 $0xFFFFCE00  }
0x2e: {  	[spmem:s29] =	stream.linear.scatter [tilespmem:s5], [sflag:$0x4], $0x3200, $0x38;
	[tilespmem:$0x1F780] =	vst v63  }
0x2f: {  	_ =	swait.ge [sflag:s7], $0x3200  }
0x30: {  	[sflag:s7] =	ssyncset.done $0x0  }
0x31: {  	[sflag:s7] =	ssyncadd.s32 $0xFFFFCE00  }
0x32: {  	[spmem:s30] =	stream.linear.scatter [tilespmem:s5], [sflag:$0x4], $0x3200, $0x38;
	[tilespmem:$0x1F780] =	vst v63  }
0x33: {  	_ =	swait.ge [sflag:s7], $0x3200  }
0x34: {  	[sflag:s7] =	ssyncset.done $0x0  }
0x35: {  	[sflag:s7] =	ssyncadd.s32 $0xFFFFCE00  }
0x36: {  	[spmem:s31] =	stream.linear.scatter [tilespmem:s5], [sflag:$0x4], $0x3200, $0x38;
	[tilespmem:$0x1F780] =	vst v63  }
0x37: {  	_ =	swait.ge [sflag:s7], $0x3200  }
0x38: {  	[sflag:s7] =	ssyncset.done $0x0  }
0x39: {  	[sflag:s7] =	ssyncadd.s32 $0xFFFFCE00  }
0x3a: {  	[spmem:s0] =	stream.linear.scatter [tilespmem:s5], [sflag:$0x4], $0x3200, $0x38;
	[tilespmem:$0x1F780] =	vst v63  }
0x3b: {  	_ =	swait.ge [sflag:s7], $0x3200  }
0x3c: {  	[sflag:s7] =	ssyncset.done $0x0  }
0x3d: {  	[sflag:s7] =	ssyncadd.s32 $0xFFFFCE00  }
0x3e: {  	[spmem:s1] =	stream.linear.scatter [tilespmem:s5], [sflag:$0x4], $0x3200, $0x38;
	[tilespmem:$0x1F780] =	vst v63  }
0x3f: {  	_ =	swait.ge [sflag:s7], $0x3200  }
0x40: {  	[sflag:s7] =	ssyncset.done $0x0  }
0x41: {  	[sflag:s7] =	ssyncadd.s32 $0xFFFFCE00  }
0x42: {  	[spmem:s26] =	stream.linear.scatter [tilespmem:s5], [sflag:$0x4], $0x2900, $0x38;
	[tilespmem:$0x1F780] =	vst v63  }
0x43: {  	_ =	swait.ge [sflag:s7], $0x2900  }
0x44: {  	[sflag:s7] =	ssyncset.done $0x0  }
0x45: {  	[sflag:s7] =	ssyncadd.s32 $0xFFFFD700  }
0x46: {  	[bflag:$0x0] =	sbarrier.arrive $0xFFFF  }
0x47: {  	s19 =	rddreg [dreg:$0x6]  }
0x48: {  	[tilespmem:s8], [sflag:$0x1] =	stream.linear.gather [hbm4b:s19+s3], $0x320, $0x38;
	[tilespmem:$0x1F780] =	vst v63  }
0x49: {  	s24 =	rddreg [dreg:$0x7]  }
0x4a: {  	[tilespmem:s9], [sflag:$0x1] =	stream.linear.gather [hbm4b:s24+s3], $0x320, $0x38;
	[tilespmem:$0x1F780] =	vst v63  }
0x4b: {  	_ =	swait.ge [sflag:s10], $0x320  }
0x4c: {  	[sflag:s10] =	ssyncset.done $0x0  }
0x4d: {  	[sflag:s10] =	ssyncadd.s32 $0xFFFFFCE0  }
0x4e: {  	_ =	swait.ge [sflag:s10], $0x320  }
0x4f: {  	[sflag:s10] =	ssyncset.done $0x0  }
0x50: {  	[sflag:s10] =	ssyncadd.s32 $0xFFFFFCE0  }
0x51: {  	[tilespmem:s5], [sflag:$0x2] =	stream.indirect.gather [hbm4b:s4+s11], $0x10, s8, s11, $0xb8;
	[tilespmem:$0x1F780] =	vst v63  }
0x52: {  	s19 =	rddreg [dreg:$0xa]  }
0x53: {  	[tilespmem:s12], [sflag:$0x1] =	stream.linear.gather [hbm4b:s19+s3], $0x320, $0x38;
	[tilespmem:$0x1F780] =	vst v63  }
0x54: {  	s24 =	rddreg [dreg:$0xb]  }
0x55: {  	[tilespmem:s13], [sflag:$0x1] =	stream.linear.gather [hbm4b:s24+s3], $0x320, $0x38;
	[tilespmem:$0x1F780] =	vst v63  }
0x56: {  	_ =	swait.ge [sflag:s14], $0x3200  }
0x57: {  	[sflag:s14] =	ssyncset.done $0x0  }
0x58: {  	[sflag:s14] =	ssyncadd.s32 $0xFFFFCE00  }
0x59: {  	[spmem:s2] =	stream.indirect.scatter.add.f32 [tilespmem:s5], [sflag:$0x3], $0x10, s9, s11, $0xb8;
	[tilespmem:$0x1F780] =	vst v63  }
0x5a: {  	_ =	swait.ge [sflag:s10], $0x320  }
0x5b: {  	[sflag:s10] =	ssyncset.done $0x0  }
0x5c: {  	[sflag:s10] =	ssyncadd.s32 $0xFFFFFCE0  }
0x5d: {  	_ =	swait.ge [sflag:s10], $0x320  }
0x5e: {  	[sflag:s10] =	ssyncset.done $0x0  }
0x5f: {  	[sflag:s10] =	ssyncadd.s32 $0xFFFFFCE0  }
0x60: {  	[tilespmem:s15], [sflag:$0x2] =	stream.indirect.gather [hbm4b:s4+s11], $0x10, s12, s11, $0xb8;
	[tilespmem:$0x1F780] =	vst v63  }
0x61: {  	_ =	swait.ge [sflag:s16], $0x3200  }
0x62: {  	[sflag:s16] =	ssyncset.done $0x0  }
0x63: {  	s19 =	rddreg [dreg:$0xc];
	[sflag:s16] =	ssyncadd.s32 $0xFFFFCE00  }
0x64: {  	[tilespmem:s8], [sflag:$0x1] =	stream.linear.gather [hbm4b:s19+s3], $0x320, $0x38;
	[tilespmem:$0x1F780] =	vst v63  }
0x65: {  	s24 =	rddreg [dreg:$0xd]  }
0x66: {  	[tilespmem:s9], [sflag:$0x1] =	stream.linear.gather [hbm4b:s24+s3], $0x320, $0x38;
	[tilespmem:$0x1F780] =	vst v63  }
0x67: {  	_ =	swait.ge [sflag:s14], $0x3200  }
0x68: {  	[sflag:s14] =	ssyncset.done $0x0  }
0x69: {  	[sflag:s14] =	ssyncadd.s32 $0xFFFFCE00  }
0x6a: {  	[spmem:s2] =	stream.indirect.scatter.add.f32 [tilespmem:s15], [sflag:$0x3], $0x10, s13, s11, $0xb8;
	[tilespmem:$0x1F780] =	vst v63  }
0x6b: {  	_ =	swait.ge [sflag:s10], $0x320  }
0x6c: {  	[sflag:s10] =	ssyncset.done $0x0  }
0x6d: {  	[sflag:s10] =	ssyncadd.s32 $0xFFFFFCE0  }
0x6e: {  	_ =	swait.ge [sflag:s10], $0x320  }
0x6f: {  	[sflag:s10] =	ssyncset.done $0x0  }
0x70: {  	[sflag:s10] =	ssyncadd.s32 $0xFFFFFCE0  }
0x71: {  	[tilespmem:s5], [sflag:$0x2] =	stream.indirect.gather [hbm4b:s4+s11], $0x10, s8, s11, $0xb8;
	[tilespmem:$0x1F780] =	vst v63  }
0x72: {  	_ =	swait.ge [sflag:s16], $0x3200  }
0x73: {  	[sflag:s16] =	ssyncset.done $0x0  }
0x74: {  	s19 =	sadd.s32 $0x0, s23;
	[sflag:s16] =	ssyncadd.s32 $0xFFFFCE00  }
0x75: {  	[tilespmem:s12], [sflag:$0x1] =	stream.linear.gather [hbm4b:s19+s3], $0x320, $0x38;
	[tilespmem:$0x1F780] =	vst v63  }
0x76: {  	s24 =	sadd.s32 $0x0, s22  }
0x77: {  	[tilespmem:s13], [sflag:$0x1] =	stream.linear.gather [hbm4b:s24+s3], $0x320, $0x38;
	[tilespmem:$0x1F780] =	vst v63  }
0x78: {  	_ =	swait.ge [sflag:s14], $0x3200  }
0x79: {  	[sflag:s14] =	ssyncset.done $0x0  }
0x7a: {  	[sflag:s14] =	ssyncadd.s32 $0xFFFFCE00  }
0x7b: {  	[spmem:s2] =	stream.indirect.scatter.add.f32 [tilespmem:s5], [sflag:$0x3], $0x10, s9, s11, $0xb8;
	[tilespmem:$0x1F780] =	vst v63  }
0x7c: {  	_ =	swait.ge [sflag:s10], $0x320  }
0x7d: {  	[sflag:s10] =	ssyncset.done $0x0  }
0x7e: {  	[sflag:s10] =	ssyncadd.s32 $0xFFFFFCE0  }
0x7f: {  	_ =	swait.ge [sflag:s10], $0x320  }
0x80: {  	[sflag:s10] =	ssyncset.done $0x0  }
0x81: {  	[sflag:s10] =	ssyncadd.s32 $0xFFFFFCE0  }
0x82: {  	[tilespmem:s15], [sflag:$0x2] =	stream.indirect.gather [hbm4b:s4+s11], $0x10, s12, s11, $0xb8;
	[tilespmem:$0x1F780] =	vst v63  }
0x83: {  	_ =	swait.ge [sflag:s16], $0x3200  }
0x84: {  	[sflag:s16] =	ssyncset.done $0x0  }
0x85: {  	s19 =	sadd.s32 $0x0, s21;
	[sflag:s16] =	ssyncadd.s32 $0xFFFFCE00  }
0x86: {  	[tilespmem:s8], [sflag:$0x1] =	stream.linear.gather [hbm4b:s19+s3], $0x320, $0x38;
	[tilespmem:$0x1F780] =	vst v63  }
0x87: {  	s24 =	sadd.s32 $0x0, s20  }
0x88: {  	[tilespmem:s9], [sflag:$0x1] =	stream.linear.gather [hbm4b:s24+s3], $0x320, $0x38;
	[tilespmem:$0x1F780] =	vst v63  }
0x89: {  	_ =	swait.ge [sflag:s14], $0x3200  }
0x8a: {  	[sflag:s14] =	ssyncset.done $0x0  }
0x8b: {  	s18 =	simm.s32 $0xC8;
	[sflag:s14] =	ssyncadd.s32 $0xFFFFCE00  }
.LBB2_2:
0x8c: {  	[spmem:s2] =	stream.indirect.scatter.add.f32 [tilespmem:s15], [sflag:$0x3], $0x10, s13, s11, $0xb8;
	[tilespmem:$0x1F780] =	vst v63  }
0x8d: {  	s19 =	smov.u32 s18  }
0x8e: {  	p0 =	sne.s32 s18, $0x2EE0;
	s18 =	sadd.s32 $0xC8, s18;
	_ =	swait.ge [sflag:s10], $0x320  }
0x8f: {  	[sflag:s10] =	ssyncset.done $0x0  }
0x90: {  	[sflag:s10] =	ssyncadd.s32 $0xFFFFFCE0  }
0x91: {  	_ =	swait.ge [sflag:s10], $0x320  }
0x92: {  	[sflag:s10] =	ssyncset.done $0x0  }
0x93: {  	[sflag:s10] =	ssyncadd.s32 $0xFFFFFCE0  }
0x94: {  	[tilespmem:s5], [sflag:$0x2] =	stream.indirect.gather [hbm4b:s4+s11], $0x10, s8, s11, $0xb8;
	[tilespmem:$0x1F780] =	vst v63  }
0x95: {  	_ =	swait.ge [sflag:s16], $0x3200  }
0x96: {  	[sflag:s16] =	ssyncset.done $0x0  }
0x97: {  	s24 =	sadd.s32 s19, s23;
	[sflag:s16] =	ssyncadd.s32 $0xFFFFCE00  }
0x98: {  	[tilespmem:s12], [sflag:$0x1] =	stream.linear.gather [hbm4b:s24+s3], $0x320, $0x38;
	[tilespmem:$0x1F780] =	vst v63  }
0x99: {  	s24 =	sadd.s32 s19, s22  }
0x9a: {  	[tilespmem:s13], [sflag:$0x1] =	stream.linear.gather [hbm4b:s24+s3], $0x320, $0x38;
	[tilespmem:$0x1F780] =	vst v63  }
0x9b: {  	_ =	swait.ge [sflag:s14], $0x3200  }
0x9c: {  	[sflag:s14] =	ssyncset.done $0x0  }
0x9d: {  	[sflag:s14] =	ssyncadd.s32 $0xFFFFCE00  }
0x9e: {  	[spmem:s2] =	stream.indirect.scatter.add.f32 [tilespmem:s5], [sflag:$0x3], $0x10, s9, s11, $0xb8;
	[tilespmem:$0x1F780] =	vst v63  }
0x9f: {  	_ =	swait.ge [sflag:s10], $0x320  }
0xa0: {  	[sflag:s10] =	ssyncset.done $0x0  }
0xa1: {  	[sflag:s10] =	ssyncadd.s32 $0xFFFFFCE0  }
0xa2: {  	_ =	swait.ge [sflag:s10], $0x320  }
0xa3: {  	[sflag:s10] =	ssyncset.done $0x0  }
0xa4: {  	[sflag:s10] =	ssyncadd.s32 $0xFFFFFCE0  }
0xa5: {  	[tilespmem:s15], [sflag:$0x2] =	stream.indirect.gather [hbm4b:s4+s11], $0x10, s12, s11, $0xb8;
	[tilespmem:$0x1F780] =	vst v63  }
0xa6: {  	_ =	swait.ge [sflag:s16], $0x3200  }
0xa7: {  	[sflag:s16] =	ssyncset.done $0x0  }
0xa8: {  	s24 =	sadd.s32 s19, s21;
	[sflag:s16] =	ssyncadd.s32 $0xFFFFCE00  }
0xa9: {  	[tilespmem:s8], [sflag:$0x1] =	stream.linear.gather [hbm4b:s24+s3], $0x320, $0x38;
	[tilespmem:$0x1F780] =	vst v63  }
.Ltmp0:
0xaa: {  	s19 =	sadd.s32 s19, s20;
	(pc) =	sbr.rel @p0 .LBB2_2-.Ltmp0, $4  }
0xab: {  	[tilespmem:s9], [sflag:$0x1] =	stream.linear.gather [hbm4b:s19+s3], $0x320, $0x38;
	[tilespmem:$0x1F780] =	vst v63  }
0xac: {  	_ =	swait.ge [sflag:s14], $0x3200  }
0xad: {  	[sflag:s14] =	ssyncset.done $0x0  }
0xae: {  	[sflag:s14] =	ssyncadd.s32 $0xFFFFCE00  }
0xaf: {  	[spmem:s2] =	stream.indirect.scatter.add.f32 [tilespmem:s15], [sflag:$0x3], $0x10, s13, s11, $0xb8;
	[tilespmem:$0x1F780] =	vst v63  }
0xb0: {  	_ =	swait.ge [sflag:s10], $0x320  }
0xb1: {  	[sflag:s10] =	ssyncset.done $0x0  }
0xb2: {  	[sflag:s10] =	ssyncadd.s32 $0xFFFFFCE0  }
0xb3: {  	_ =	swait.ge [sflag:s10], $0x320  }
0xb4: {  	[sflag:s10] =	ssyncset.done $0x0  }
0xb5: {  	[sflag:s10] =	ssyncadd.s32 $0xFFFFFCE0  }
0xb6: {  	[tilespmem:s5], [sflag:$0x2] =	stream.indirect.gather [hbm4b:s4+s11], $0x10, s8, s11, $0xb8;
	[tilespmem:$0x1F780] =	vst v63  }
0xb7: {  	_ =	swait.ge [sflag:s16], $0x3200  }
0xb8: {  	[sflag:s16] =	ssyncset.done $0x0  }
0xb9: {  	[sflag:s16] =	ssyncadd.s32 $0xFFFFCE00  }
0xba: {  	_ =	swait.ge [sflag:s14], $0x3200  }
0xbb: {  	[sflag:s14] =	ssyncset.done $0x0  }
0xbc: {  	[sflag:s14] =	ssyncadd.s32 $0xFFFFCE00  }
0xbd: {  	[spmem:s2] =	stream.indirect.scatter.add.f32 [tilespmem:s5], [sflag:$0x3], $0x10, s9, s11, $0xb8;
	[tilespmem:$0x1F780] =	vst v63  }
0xbe: {  	_ =	swait.ge [sflag:s16], $0x3200  }
0xbf: {  	[sflag:s16] =	ssyncset.done $0x0  }
0xc0: {  	[sflag:s16] =	ssyncadd.s32 $0xFFFFCE00  }
0xc1: {  	[bflag:$0x0] =	sbarrier.arrive $0xFFFF  }
0xc2: {  	[tilespmem:s5], [sflag:$0x4] =	stream.linear.gather [spmem:s6], $0x3200, $0x38;
	[tilespmem:$0x1F780] =	vst v63  }
0xc3: {  	_ =	swait.ge [sflag:s7], $0x3200  }
0xc4: {  	[sflag:s7] =	ssyncset.done $0x0  }
0xc5: {  	s18 =	rddreg [dreg:$0xe];
	[sflag:s7] =	ssyncadd.s32 $0xFFFFCE00  }
0xc6: {  	[hbm4b:s18+s3] =	stream.linear.scatter [tilespmem:s5], [sflag:$0x4], $0x3200, $0x38;
	[tilespmem:$0x1F780] =	vst v63  }
0xc7: {  	_ =	swait.ge [sflag:s7], $0x3200  }
0xc8: {  	[sflag:s7] =	ssyncset.done $0x0  }
0xc9: {  	[sflag:s7] =	ssyncadd.s32 $0xFFFFCE00  }
0xca: {  	[tilespmem:s5], [sflag:$0x4] =	stream.linear.gather [spmem:s28], $0x3200, $0x38;
	[tilespmem:$0x1F780] =	vst v63  }
0xcb: {  	_ =	swait.ge [sflag:s7], $0x3200  }
0xcc: {  	[sflag:s7] =	ssyncset.done $0x0  }
0xcd: {  	s24 =	rddreg [dreg:$0xf];
	[sflag:s7] =	ssyncadd.s32 $0xFFFFCE00  }
0xce: {  	[hbm4b:s24+s3] =	stream.linear.scatter [tilespmem:s5], [sflag:$0x4], $0x3200, $0x38;
	[tilespmem:$0x1F780] =	vst v63  }
0xcf: {  	_ =	swait.ge [sflag:s7], $0x3200  }
0xd0: {  	[sflag:s7] =	ssyncset.done $0x0  }
0xd1: {  	[sflag:s7] =	ssyncadd.s32 $0xFFFFCE00  }
0xd2: {  	[tilespmem:s5], [sflag:$0x4] =	stream.linear.gather [spmem:s29], $0x3200, $0x38;
	[tilespmem:$0x1F780] =	vst v63  }
0xd3: {  	_ =	swait.ge [sflag:s7], $0x3200  }
0xd4: {  	[sflag:s7] =	ssyncset.done $0x0  }
0xd5: {  	s19 =	rddreg [dreg:$0x10];
	[sflag:s7] =	ssyncadd.s32 $0xFFFFCE00  }
0xd6: {  	[hbm4b:s19+s3] =	stream.linear.scatter [tilespmem:s5], [sflag:$0x4], $0x3200, $0x38;
	[tilespmem:$0x1F780] =	vst v63  }
0xd7: {  	_ =	swait.ge [sflag:s7], $0x3200  }
0xd8: {  	[sflag:s7] =	ssyncset.done $0x0  }
0xd9: {  	[sflag:s7] =	ssyncadd.s32 $0xFFFFCE00  }
0xda: {  	[tilespmem:s5], [sflag:$0x4] =	stream.linear.gather [spmem:s30], $0x3200, $0x38;
	[tilespmem:$0x1F780] =	vst v63  }
0xdb: {  	_ =	swait.ge [sflag:s7], $0x3200  }
0xdc: {  	[sflag:s7] =	ssyncset.done $0x0  }
0xdd: {  	s24 =	rddreg [dreg:$0x11];
	[sflag:s7] =	ssyncadd.s32 $0xFFFFCE00  }
0xde: {  	[hbm4b:s24+s3] =	stream.linear.scatter [tilespmem:s5], [sflag:$0x4], $0x3200, $0x38;
	[tilespmem:$0x1F780] =	vst v63  }
0xdf: {  	_ =	swait.ge [sflag:s7], $0x3200  }
0xe0: {  	[sflag:s7] =	ssyncset.done $0x0  }
0xe1: {  	[sflag:s7] =	ssyncadd.s32 $0xFFFFCE00  }
0xe2: {  	[tilespmem:s5], [sflag:$0x4] =	stream.linear.gather [spmem:s31], $0x3200, $0x38;
	[tilespmem:$0x1F780] =	vst v63  }
0xe3: {  	_ =	swait.ge [sflag:s7], $0x3200  }
0xe4: {  	[sflag:s7] =	ssyncset.done $0x0  }
0xe5: {  	s19 =	rddreg [dreg:$0x12];
	[sflag:s7] =	ssyncadd.s32 $0xFFFFCE00  }
0xe6: {  	[hbm4b:s19+s3] =	stream.linear.scatter [tilespmem:s5], [sflag:$0x4], $0x3200, $0x38;
	[tilespmem:$0x1F780] =	vst v63  }
0xe7: {  	_ =	swait.ge [sflag:s7], $0x3200  }
0xe8: {  	[sflag:s7] =	ssyncset.done $0x0  }
0xe9: {  	[sflag:s7] =	ssyncadd.s32 $0xFFFFCE00  }
0xea: {  	[tilespmem:s5], [sflag:$0x4] =	stream.linear.gather [spmem:s0], $0x3200, $0x38;
	[tilespmem:$0x1F780] =	vst v63  }
0xeb: {  	_ =	swait.ge [sflag:s7], $0x3200  }
0xec: {  	[sflag:s7] =	ssyncset.done $0x0  }
0xed: {  	s24 =	rddreg [dreg:$0x13];
	[sflag:s7] =	ssyncadd.s32 $0xFFFFCE00  }
0xee: {  	[hbm4b:s24+s3] =	stream.linear.scatter [tilespmem:s5], [sflag:$0x4], $0x3200, $0x38;
	[tilespmem:$0x1F780] =	vst v63  }
0xef: {  	_ =	swait.ge [sflag:s7], $0x3200  }
0xf0: {  	[sflag:s7] =	ssyncset.done $0x0  }
0xf1: {  	[sflag:s7] =	ssyncadd.s32 $0xFFFFCE00  }
0xf2: {  	[tilespmem:s5], [sflag:$0x4] =	stream.linear.gather [spmem:s1], $0x3200, $0x38;
	[tilespmem:$0x1F780] =	vst v63  }
0xf3: {  	_ =	swait.ge [sflag:s7], $0x3200  }
0xf4: {  	[sflag:s7] =	ssyncset.done $0x0  }
0xf5: {  	[sflag:s7] =	ssyncadd.s32 $0xFFFFCE00  }
0xf6: {  	[hbm4b:s25+s3] =	stream.linear.scatter [tilespmem:s5], [sflag:$0x4], $0x3200, $0x38;
	[tilespmem:$0x1F780] =	vst v63  }
0xf7: {  	_ =	swait.ge [sflag:s7], $0x3200  }
0xf8: {  	[sflag:s7] =	ssyncset.done $0x0  }
0xf9: {  	[sflag:s7] =	ssyncadd.s32 $0xFFFFCE00  }
0xfa: {  	[tilespmem:s5], [sflag:$0x4] =	stream.linear.gather [spmem:s26], $0x2900, $0x38;
	[tilespmem:$0x1F780] =	vst v63  }
0xfb: {  	_ =	swait.ge [sflag:s7], $0x2900  }
0xfc: {  	[sflag:s7] =	ssyncset.done $0x0  }
0xfd: {  	s19 =	rddreg [dreg:$0x8];
	[sflag:s7] =	ssyncadd.s32 $0xFFFFD700  }
0xfe: {  	[hbm4b:s19+s3] =	stream.linear.scatter [tilespmem:s5], [sflag:$0x4], $0x2900, $0x38;
	[tilespmem:$0x1F780] =	vst v63  }
0xff: {  	_ =	swait.ge [sflag:s7], $0x2900  }
0x100: {  	s17 =	sadd.s32 $0x1, s17;
	s24 =	rddreg [dreg:$0x9]  }
0x101: {  	p0 =	sne.s32 s17, s24  }
.Ltmp1:
0x102: {  	_ = 	snop;
	(pc) =	sbr.rel @p0 .LBB2_1-.Ltmp1, $3  }
0x103: {  	_ =	sdelay $0x1  }
0x104: {  	[sflag:s7] =	ssyncset.done $0x0  }
0x105: {  	[sflag:s7] =	ssyncadd.s32 $0xFFFFD700  }
0x106: {  	_ =	sfence.sel $0x180000  }
0x107: {  	[bflag:$0x0] =	sbarrier.arrive $0xFFFF  }
0x108: {  	_ =	strace $0x90000050  }
0x109: {  	s0 =	stileid.u32;
	[bflag:$0x2] =	sbarrier.arrive $0xFFFF  }
0x10a: {  	p0 =	sne.s32 s0, $0x0;
	s0 =	rddreg [dreg:$0x4]  }
0x10b: {  	s0 =	sadd.s32 @!p0 $0x100000, s0  }
0x10c: {  	[sflag:s0] =	ssyncadd.tile.s32 @!p0 $0x1;
	_ =	shalt  }
.Lfunc_end2:
_tile_overlayer_lowered:
.L_overlay_start_2:
0x10d: {  	(tag) =	ssettag $0x2  }
0x10e: {  	s0 =	rddreg [dreg:$0x0];
	s2 =	stileid.u32  }
0x10f: {  	s1 =	rddreg [dreg:$0x1];
	p0 =	sne.s32 s2, $0x0  }
0x110: {  	s3 =	rddreg [dreg:$0x2];
	[bflag:$0x3] =	sbarrier.arrive $0xFFFF;
	s2 =	simm.s32 @!p0 $0x1C04  }
0x111: {  	[timem:s3], [sflag:s2] =	dma.local @!p0 [hbm:s0], s1  }
0x112: {  	s0 =	simm.s32 @!p0 $0x4  }
0x113: {  	_ =	swait.ge @!p0 [sflag:s0], s1  }
0x114: {  	s1 =	ssub.s32 @!p0 $0x0, s1;
	[sflag:s0] =	ssyncset.done @!p0 $0x0  }
0x115: {  	[sflag:s0] =	ssyncadd.s32 @!p0 s1  }
0x116: {  	[bflag:$0x3] =	sbarrier.arrive $0xFFFF  }
0x117: {  	_ =	shalt  }

</sc_bundles>
